<compile_context>
chip_gen: v7x
topology: tpu7x:2x2x1
jax: 0.10.2.dev20260603
libtpu: 0.0.44.dev20260713+nightly
codegen_flags: <defaults>
</compile_context>

<pallas_src>
import functools

import jax
import jax.numpy as jnp
from jax import lax
from jax.experimental import pallas as pl
from jax.experimental.pallas import tpu as pltpu
from jax.experimental.pallas import tpu_sc as plsc

LANES = 16
RING = 8


def _make_scorer(batch, dim):
    info = plsc.get_sparse_core_info()
    nc, ns = info.num_cores, info.num_subcores
    nw = nc * ns
    b_per_w = batch // nw
    n_groups = b_per_w // LANES

    mesh = plsc.VectorSubcoreMesh(core_axis_name="c", subcore_axis_name="s")

    @functools.partial(
        pl.kernel,
        mesh=mesh,
        out_type=jax.ShapeDtypeStruct((batch,), jnp.float32),
        compiler_params=pltpu.CompilerParams(needs_layout_passes=False),
        scratch_types=(
            [
                pltpu.VMEM((b_per_w,), jnp.int32),
                pltpu.VMEM((b_per_w,), jnp.int32),
                pltpu.VMEM((RING, dim, 128), jnp.float32),
                pltpu.VMEM((RING, dim, 128), jnp.float32),
                pltpu.VMEM((b_per_w,), jnp.float32),
                pltpu.VMEM((LANES * LANES,), jnp.float32),
            ]
            + [pltpu.SemaphoreType.DMA] * (2 * RING)
        ),
    )
    def scorer(u_idx_hbm, i_idx_hbm, ut_hbm, it_hbm, out_hbm,
               u_idx_v, i_idx_v, u_ring, i_ring, out_v, tr_v, *sems):
        u_sems, i_sems = sems[:RING], sems[RING:]
        wid = lax.axis_index("s") * nc + lax.axis_index("c")
        base = wid * b_per_w

        pltpu.sync_copy(u_idx_hbm.at[pl.ds(base, b_per_w)], u_idx_v)
        pltpu.sync_copy(i_idx_hbm.at[pl.ds(base, b_per_w)], i_idx_v)

        lanes = lax.iota(jnp.int32, LANES)
        d_lo = lanes
        d_hi = lanes + LANES
        tr_base = lanes * LANES
        zeros = jnp.zeros((LANES,), jnp.int32)

        def extract(vec, lane):
            return jnp.sum(jnp.where(lanes == lane, vec, zeros))

        def fire(xu, xi, b):
            qu = pl.multiple_of((xu >> 7) * 128, 128)
            pltpu.async_copy(ut_hbm.at[:, pl.ds(qu, 128)], u_ring.at[b],
                             u_sems[b])
            qi = pl.multiple_of((xi >> 7) * 128, 128)
            pltpu.async_copy(it_hbm.at[:, pl.ds(qi, 128)], i_ring.at[b],
                             i_sems[b])

        uvec0 = u_idx_v[pl.ds(0, LANES)]
        ivec0 = i_idx_v[pl.ds(0, LANES)]
        for b in range(RING):
            fire(extract(uvec0, b), extract(ivec0, b), b)

        def outer(g, _):
            uvec = u_idx_v[pl.ds(g * LANES, LANES)]
            ivec = i_idx_v[pl.ds(g * LANES, LANES)]
            for t in range(LANES):
                b = t % RING
                pltpu.make_async_copy(
                    ut_hbm.at[:, pl.ds(0, 128)], u_ring.at[b],
                    u_sems[b]).wait()
                pltpu.make_async_copy(
                    it_hbm.at[:, pl.ds(0, 128)], i_ring.at[b],
                    i_sems[b]).wait()
                xu = extract(uvec, t)
                xi = extract(ivec, t)
                b_vec = jnp.full((LANES,), b, jnp.int32)
                xu_vec = jnp.full((LANES,), xu & 127, jnp.int32)
                xi_vec = jnp.full((LANES,), xi & 127, jnp.int32)
                u0 = plsc.load_gather(u_ring, [b_vec, d_lo, xu_vec])
                u1 = plsc.load_gather(u_ring, [b_vec, d_hi, xu_vec])
                i0 = plsc.load_gather(i_ring, [b_vec, d_lo, xi_vec])
                i1 = plsc.load_gather(i_ring, [b_vec, d_hi, xi_vec])
                plsc.store_scatter(tr_v, [tr_base + t], u0 * i0 + u1 * i1)

                if t < LANES - RING:
                    fire(extract(uvec, t + RING), extract(ivec, t + RING), b)
                else:
                    @pl.when(g < n_groups - 1)
                    def _refire():
                        uvec2 = u_idx_v[pl.ds((g + 1) * LANES, LANES)]
                        ivec2 = i_idx_v[pl.ds((g + 1) * LANES, LANES)]
                        fire(extract(uvec2, t + RING - LANES),
                             extract(ivec2, t + RING - LANES), b)
            acc = tr_v[pl.ds(0, LANES)]
            for k in range(1, LANES):
                acc = acc + tr_v[pl.ds(k * LANES, LANES)]
            out_v[pl.ds(g * LANES, LANES)] = acc
            return _

        lax.fori_loop(0, n_groups, outer, None)

        pltpu.sync_copy(out_v, out_hbm.at[pl.ds(base, b_per_w)])

    return scorer


def kernel(u_idx, i_idx, user_emb, item_emb):
    batch = u_idx.shape[0]
    scorer = _make_scorer(batch, user_emb.shape[1])
    return scorer(u_idx.astype(jnp.int32), i_idx.astype(jnp.int32),
                  user_emb.T, item_emb.T)

# --- scband reference (transcript-rebuilt; emitter-appended) ---
"""Pipeline reference for scband-mfnet-69415261438324 (READ-ONLY COPY).

The authoritative reference and input builder live on the scoring server;
editing this copy changes nothing except your own understanding.
"""

import jax, jax.numpy as jnp
import numpy as np

N_USERS = 1000000
N_ITEMS = 1000000
DIM = 32
BATCH = 16384

def setup_inputs(seed: int = 0) -> dict:
    key = jax.random.key(seed)
    k1, k2, k3, k4 = jax.random.split(key, 4)
    u_idx = jax.random.randint(k1, (BATCH,), 0, N_USERS, dtype=jnp.int64 if jax.config.jax_enable_x64 else jnp.int32)
    i_idx = jax.random.randint(k2, (BATCH,), 0, N_ITEMS, dtype=jnp.int64 if jax.config.jax_enable_x64 else jnp.int32)
    user_emb = jax.random.normal(k3, (N_USERS, DIM), dtype=jnp.float32) * 0.01
    item_emb = jax.random.normal(k4, (N_ITEMS, DIM), dtype=jnp.float32) * 0.01
    return {"u_idx": u_idx, "i_idx": i_idx, "user_emb": user_emb, "item_emb": item_emb}

def reference(u_idx, i_idx, user_emb, item_emb):
    # u = self.user_emb(u_idx)
    u = jnp.take(user_emb, u_idx, axis=0)
    if i_idx.ndim == 2:
        i = jnp.take(item_emb, i_idx, axis=0)  # [B, L, D]
        return (i * u[:, None, :]).sum(axis=-1)
    i = jnp.take(item_emb, i_idx, axis=0)  # [B, D]
    return (i * u).sum(axis=-1)

if __name__ == "__main__":
    import jax
    _d = setup_inputs()
    print(jax.jit(kernel)(*tuple(_d.values())))

</pallas_src>

<mosaic_0001>
#map = affine_map<(d0, d1) -> (0)>
#map1 = affine_map<(d0, d1) -> (0, 0)>
module attributes {stable_mosaic.version = 14 : i64} {
  func.func @scorer(%arg0: i32, %arg1: i32, %arg2: memref<16384xi32, #tpu.memory_space<hbm>>, %arg3: memref<16384xi32, #tpu.memory_space<hbm>>, %arg4: memref<32x1000000xf32, #tpu.memory_space<hbm>>, %arg5: memref<32x1000000xf32, #tpu.memory_space<hbm>>, %arg6: memref<16384xf32, #tpu.memory_space<hbm>>, %arg7: memref<512xi32, #tpu.memory_space<vmem>>, %arg8: memref<512xi32, #tpu.memory_space<vmem>>, %arg9: memref<8x32x128xf32, #tpu.memory_space<vmem>>, %arg10: memref<8x32x128xf32, #tpu.memory_space<vmem>>, %arg11: memref<512xf32, #tpu.memory_space<vmem>>, %arg12: memref<256xf32, #tpu.memory_space<vmem>>, %arg13: memref<!tpu.dma_semaphore, #tpu.memory_space<semaphore_mem>>, %arg14: memref<!tpu.dma_semaphore, #tpu.memory_space<semaphore_mem>>, %arg15: memref<!tpu.dma_semaphore, #tpu.memory_space<semaphore_mem>>, %arg16: memref<!tpu.dma_semaphore, #tpu.memory_space<semaphore_mem>>, %arg17: memref<!tpu.dma_semaphore, #tpu.memory_space<semaphore_mem>>, %arg18: memref<!tpu.dma_semaphore, #tpu.memory_space<semaphore_mem>>, %arg19: memref<!tpu.dma_semaphore, #tpu.memory_space<semaphore_mem>>, %arg20: memref<!tpu.dma_semaphore, #tpu.memory_space<semaphore_mem>>, %arg21: memref<!tpu.dma_semaphore, #tpu.memory_space<semaphore_mem>>, %arg22: memref<!tpu.dma_semaphore, #tpu.memory_space<semaphore_mem>>, %arg23: memref<!tpu.dma_semaphore, #tpu.memory_space<semaphore_mem>>, %arg24: memref<!tpu.dma_semaphore, #tpu.memory_space<semaphore_mem>>, %arg25: memref<!tpu.dma_semaphore, #tpu.memory_space<semaphore_mem>>, %arg26: memref<!tpu.dma_semaphore, #tpu.memory_space<semaphore_mem>>, %arg27: memref<!tpu.dma_semaphore, #tpu.memory_space<semaphore_mem>>, %arg28: memref<!tpu.dma_semaphore, #tpu.memory_space<semaphore_mem>>) attributes {dimension_semantics = [#tpu.dimension_semantics<core_parallel>, #tpu.dimension_semantics<subcore_parallel>], iteration_bounds = array<i64: 2, 16>, scalar_prefetch = 0 : i64, scratch_operands = 22 : i64, tpu.core_type = #tpu.core_type<sc_vector_subcore>, window_params = [{transform_indices = #map}, {transform_indices = #map}, {transform_indices = #map1}, {transform_indices = #map1}, {transform_indices = #map}]} {
    %mul3A = arith.constant 2 : i32
    %mul3A_0 = arith.muli %arg1, %mul3A : i32
    %add3A = arith.addi %mul3A_0, %arg0 : i32
    %mul3A_1 = arith.constant 512 : i32
    %mul3A_2 = arith.muli %add3A, %mul3A_1 : i32
    "tpu.region"() ({
      %run_scoped3A = tpu.sem_alloc : memref<!tpu.dma_semaphore, #tpu.memory_space<semaphore_mem>>
      %dma_start3A_427 = tpu.memref_slice %arg2[%mul3A_2] : memref<16384xi32, #tpu.memory_space<hbm>> -> memref<512xi32, #tpu.memory_space<hbm>>
      %dma_start3A_428 = tpu.memref_slice %arg2[%mul3A_2] : memref<16384xi32, #tpu.memory_space<hbm>> -> memref<512xi32, #tpu.memory_space<hbm>>
      tpu.enqueue_dma source(%dma_start3A_428 : memref<512xi32, #tpu.memory_space<hbm>>) target(%arg7 : memref<512xi32, #tpu.memory_space<vmem>>) target_semaphore(%run_scoped3A : memref<!tpu.dma_semaphore, #tpu.memory_space<semaphore_mem>>)
      %dma_wait3A = tpu.memref_slice %arg2[%mul3A_2] : memref<16384xi32, #tpu.memory_space<hbm>> -> memref<512xi32, #tpu.memory_space<hbm>>
      %dma_wait3A_429 = tpu.memref_slice %arg2[%mul3A_2] : memref<16384xi32, #tpu.memory_space<hbm>> -> memref<512xi32, #tpu.memory_space<hbm>>
      tpu.wait_dma2 semaphore(%run_scoped3A : memref<!tpu.dma_semaphore, #tpu.memory_space<semaphore_mem>>) src(%dma_wait3A_429 : memref<512xi32, #tpu.memory_space<hbm>>) dst(%arg7 : memref<512xi32, #tpu.memory_space<vmem>>)
      tpu.yield
    }) : () -> ()
    "tpu.region"() ({
      %run_scoped3A = tpu.sem_alloc : memref<!tpu.dma_semaphore, #tpu.memory_space<semaphore_mem>>
      %dma_start3A_427 = tpu.memref_slice %arg3[%mul3A_2] : memref<16384xi32, #tpu.memory_space<hbm>> -> memref<512xi32, #tpu.memory_space<hbm>>
      %dma_start3A_428 = tpu.memref_slice %arg3[%mul3A_2] : memref<16384xi32, #tpu.memory_space<hbm>> -> memref<512xi32, #tpu.memory_space<hbm>>
      tpu.enqueue_dma source(%dma_start3A_428 : memref<512xi32, #tpu.memory_space<hbm>>) target(%arg8 : memref<512xi32, #tpu.memory_space<vmem>>) target_semaphore(%run_scoped3A : memref<!tpu.dma_semaphore, #tpu.memory_space<semaphore_mem>>)
      %dma_wait3A = tpu.memref_slice %arg3[%mul3A_2] : memref<16384xi32, #tpu.memory_space<hbm>> -> memref<512xi32, #tpu.memory_space<hbm>>
      %dma_wait3A_429 = tpu.memref_slice %arg3[%mul3A_2] : memref<16384xi32, #tpu.memory_space<hbm>> -> memref<512xi32, #tpu.memory_space<hbm>>
      tpu.wait_dma2 semaphore(%run_scoped3A : memref<!tpu.dma_semaphore, #tpu.memory_space<semaphore_mem>>) src(%dma_wait3A_429 : memref<512xi32, #tpu.memory_space<hbm>>) dst(%arg8 : memref<512xi32, #tpu.memory_space<vmem>>)
      tpu.yield
    }) : () -> ()
    %iota3A = tpu.iota {dimensions = array<i32: 0>} : vector<16xi32>
    %add3A_3 = arith.constant 16 : i32
    %add3A_4 = vector.broadcast %add3A_3 : i32 to vector<16xi32>
    %add3A_5 = arith.addi %iota3A, %add3A_4 : vector<16xi32>
    %mul3A_6 = arith.constant 16 : i32
    %mul3A_7 = vector.broadcast %mul3A_6 : i32 to vector<16xi32>
    %mul3A_8 = arith.muli %iota3A, %mul3A_7 : vector<16xi32>
    %broadcast_in_dim3A = arith.constant 0 : i32
    %broadcast_in_dim3A_9 = vector.broadcast %broadcast_in_dim3A : i32 to vector<16xi32>
    %get3A = arith.constant 0 : index
    %get3A_10 = tpu.vector_load %arg7[%get3A] {strides = array<i32>} : memref<512xi32, #tpu.memory_space<vmem>>, vector<16xi32>,
    %get3A_11 = arith.constant 0 : index
    %get3A_12 = tpu.vector_load %arg8[%get3A_11] {strides = array<i32>} : memref<512xi32, #tpu.memory_space<vmem>>, vector<16xi32>,
    %eq3A = arith.constant 0 : i32
    %eq3A_13 = vector.broadcast %eq3A : i32 to vector<16xi32>
    %eq3A_14 = arith.cmpi eq, %iota3A, %eq3A_13 : vector<16xi32>
    %select_n3A = arith.select %eq3A_14, %get3A_10, %broadcast_in_dim3A_9 : vector<16xi1>, vector<16xi32>
    %reduce_sum3A = arith.constant true
    %reduce_sum3A_15 = vector.broadcast %reduce_sum3A : i1 to vector<16xi1>
    %reduce_sum3A_16 = tpu.scan <sum>, %select_n3A masked %reduce_sum3A_15 : vector<16xi32>, vector<16xi1> -> vector<16xi32>
    %reduce_sum3A_17 = vector.extract %reduce_sum3A_16[15] : i32 from vector<16xi32>
    %eq3A_18 = arith.constant 0 : i32
    %eq3A_19 = vector.broadcast %eq3A_18 : i32 to vector<16xi32>
    %eq3A_20 = arith.cmpi eq, %iota3A, %eq3A_19 : vector<16xi32>
    %select_n3A_21 = arith.select %eq3A_20, %get3A_12, %broadcast_in_dim3A_9 : vector<16xi1>, vector<16xi32>
    %reduce_sum3A_22 = arith.constant true
    %reduce_sum3A_23 = vector.broadcast %reduce_sum3A_22 : i1 to vector<16xi1>
    %reduce_sum3A_24 = tpu.scan <sum>, %select_n3A_21 masked %reduce_sum3A_23 : vector<16xi32>, vector<16xi1> -> vector<16xi32>
    %reduce_sum3A_25 = vector.extract %reduce_sum3A_24[15] : i32 from vector<16xi32>
    %shift_right_arithmetic3A = arith.constant 7 : i32
    %shift_right_arithmetic3A_26 = arith.shrsi %reduce_sum3A_17, %shift_right_arithmetic3A : i32
    %mul3A_27 = arith.constant 128 : i32
    %mul3A_28 = arith.muli %shift_right_arithmetic3A_26, %mul3A_27 : i32
    %multiple_of3A = tpu.assume_multiple %mul3A_28, 128 : i32
    %dma_start3A = arith.constant 0 : i32
    %dma_start3A_29 = arith.constant 0 : i32
    %dma_start3A_30 = arith.constant 0 : i32
    %dma_start3A_31 = tpu.memref_slice %arg9[%dma_start3A, %dma_start3A_29, %dma_start3A_30] : memref<8x32x128xf32, #tpu.memory_space<vmem>> -> memref<1x32x128xf32, #tpu.memory_space<vmem>>
    %dma_start3A_32 = tpu.memref_squeeze %dma_start3A_31 : memref<1x32x128xf32, #tpu.memory_space<vmem>> -> memref<32x128xf32, #tpu.memory_space<vmem>>
    %dma_start3A_33 = arith.constant 0 : i32
    %dma_start3A_34 = tpu.memref_slice %arg4[%dma_start3A_33, %multiple_of3A] : memref<32x1000000xf32, #tpu.memory_space<hbm>> -> memref<32x128xf32, #tpu.memory_space<hbm>>
    %dma_start3A_35 = arith.constant 0 : i32
    %dma_start3A_36 = arith.constant 0 : i32
    %dma_start3A_37 = tpu.memref_slice %arg9[%dma_start3A, %dma_start3A_35, %dma_start3A_36] : memref<8x32x128xf32, #tpu.memory_space<vmem>> -> memref<1x32x128xf32, #tpu.memory_space<vmem>>
    %dma_start3A_38 = tpu.memref_squeeze %dma_start3A_37 : memref<1x32x128xf32, #tpu.memory_space<vmem>> -> memref<32x128xf32, #tpu.memory_space<vmem>>
    %dma_start3A_39 = arith.constant 0 : i32
    %dma_start3A_40 = tpu.memref_slice %arg4[%dma_start3A_39, %multiple_of3A] : memref<32x1000000xf32, #tpu.memory_space<hbm>> -> memref<32x128xf32, #tpu.memory_space<hbm>>
    tpu.enqueue_dma source(%dma_start3A_40 : memref<32x128xf32, #tpu.memory_space<hbm>>) target(%dma_start3A_38 : memref<32x128xf32, #tpu.memory_space<vmem>>) target_semaphore(%arg13 : memref<!tpu.dma_semaphore, #tpu.memory_space<semaphore_mem>>)
    %shift_right_arithmetic3A_41 = arith.constant 7 : i32
    %shift_right_arithmetic3A_42 = arith.shrsi %reduce_sum3A_25, %shift_right_arithmetic3A_41 : i32
    %mul3A_43 = arith.constant 128 : i32
    %mul3A_44 = arith.muli %shift_right_arithmetic3A_42, %mul3A_43 : i32
    %multiple_of3A_45 = tpu.assume_multiple %mul3A_44, 128 : i32
    %dma_start3A_46 = arith.constant 0 : i32
    %dma_start3A_47 = arith.constant 0 : i32
    %dma_start3A_48 = arith.constant 0 : i32
    %dma_start3A_49 = tpu.memref_slice %arg10[%dma_start3A_46, %dma_start3A_47, %dma_start3A_48] : memref<8x32x128xf32, #tpu.memory_space<vmem>> -> memref<1x32x128xf32, #tpu.memory_space<vmem>>
    %dma_start3A_50 = tpu.memref_squeeze %dma_start3A_49 : memref<1x32x128xf32, #tpu.memory_space<vmem>> -> memref<32x128xf32, #tpu.memory_space<vmem>>
    %dma_start3A_51 = arith.constant 0 : i32
    %dma_start3A_52 = tpu.memref_slice %arg5[%dma_start3A_51, %multiple_of3A_45] : memref<32x1000000xf32, #tpu.memory_space<hbm>> -> memref<32x128xf32, #tpu.memory_space<hbm>>
    %dma_start3A_53 = arith.constant 0 : i32
    %dma_start3A_54 = arith.constant 0 : i32
    %dma_start3A_55 = tpu.memref_slice %arg10[%dma_start3A_46, %dma_start3A_53, %dma_start3A_54] : memref<8x32x128xf32, #tpu.memory_space<vmem>> -> memref<1x32x128xf32, #tpu.memory_space<vmem>>
    %dma_start3A_56 = tpu.memref_squeeze %dma_start3A_55 : memref<1x32x128xf32, #tpu.memory_space<vmem>> -> memref<32x128xf32, #tpu.memory_space<vmem>>
    %dma_start3A_57 = arith.constant 0 : i32
    %dma_start3A_58 = tpu.memref_slice %arg5[%dma_start3A_57, %multiple_of3A_45] : memref<32x1000000xf32, #tpu.memory_space<hbm>> -> memref<32x128xf32, #tpu.memory_space<hbm>>
    tpu.enqueue_dma source(%dma_start3A_58 : memref<32x128xf32, #tpu.memory_space<hbm>>) target(%dma_start3A_56 : memref<32x128xf32, #tpu.memory_space<vmem>>) target_semaphore(%arg21 : memref<!tpu.dma_semaphore, #tpu.memory_space<semaphore_mem>>)
    %eq3A_59 = arith.constant 1 : i32
    %eq3A_60 = vector.broadcast %eq3A_59 : i32 to vector<16xi32>
    %eq3A_61 = arith.cmpi eq, %iota3A, %eq3A_60 : vector<16xi32>
    %select_n3A_62 = arith.select %eq3A_61, %get3A_10, %broadcast_in_dim3A_9 : vector<16xi1>, vector<16xi32>
    %reduce_sum3A_63 = arith.constant true
    %reduce_sum3A_64 = vector.broadcast %reduce_sum3A_63 : i1 to vector<16xi1>
    %reduce_sum3A_65 = tpu.scan <sum>, %select_n3A_62 masked %reduce_sum3A_64 : vector<16xi32>, vector<16xi1> -> vector<16xi32>
    %reduce_sum3A_66 = vector.extract %reduce_sum3A_65[15] : i32 from vector<16xi32>
    %eq3A_67 = arith.constant 1 : i32
    %eq3A_68 = vector.broadcast %eq3A_67 : i32 to vector<16xi32>
    %eq3A_69 = arith.cmpi eq, %iota3A, %eq3A_68 : vector<16xi32>
    %select_n3A_70 = arith.select %eq3A_69, %get3A_12, %broadcast_in_dim3A_9 : vector<16xi1>, vector<16xi32>
    %reduce_sum3A_71 = arith.constant true
    %reduce_sum3A_72 = vector.broadcast %reduce_sum3A_71 : i1 to vector<16xi1>
    %reduce_sum3A_73 = tpu.scan <sum>, %select_n3A_70 masked %reduce_sum3A_72 : vector<16xi32>, vector<16xi1> -> vector<16xi32>
    %reduce_sum3A_74 = vector.extract %reduce_sum3A_73[15] : i32 from vector<16xi32>
    %shift_right_arithmetic3A_75 = arith.constant 7 : i32
    %shift_right_arithmetic3A_76 = arith.shrsi %reduce_sum3A_66, %shift_right_arithmetic3A_75 : i32
    %mul3A_77 = arith.constant 128 : i32
    %mul3A_78 = arith.muli %shift_right_arithmetic3A_76, %mul3A_77 : i32
    %multiple_of3A_79 = tpu.assume_multiple %mul3A_78, 128 : i32
    %dma_start3A_80 = arith.constant 1 : i32
    %dma_start3A_81 = arith.constant 0 : i32
    %dma_start3A_82 = arith.constant 0 : i32
    %dma_start3A_83 = tpu.memref_slice %arg9[%dma_start3A_80, %dma_start3A_81, %dma_start3A_82] : memref<8x32x128xf32, #tpu.memory_space<vmem>> -> memref<1x32x128xf32, #tpu.memory_space<vmem>>
    %dma_start3A_84 = tpu.memref_squeeze %dma_start3A_83 : memref<1x32x128xf32, #tpu.memory_space<vmem>> -> memref<32x128xf32, #tpu.memory_space<vmem>>
    %dma_start3A_85 = arith.constant 0 : i32
    %dma_start3A_86 = tpu.memref_slice %arg4[%dma_start3A_85, %multiple_of3A_79] : memref<32x1000000xf32, #tpu.memory_space<hbm>> -> memref<32x128xf32, #tpu.memory_space<hbm>>
    %dma_start3A_87 = arith.constant 0 : i32
    %dma_start3A_88 = arith.constant 0 : i32
    %dma_start3A_89 = tpu.memref_slice %arg9[%dma_start3A_80, %dma_start3A_87, %dma_start3A_88] : memref<8x32x128xf32, #tpu.memory_space<vmem>> -> memref<1x32x128xf32, #tpu.memory_space<vmem>>
    %dma_start3A_90 = tpu.memref_squeeze %dma_start3A_89 : memref<1x32x128xf32, #tpu.memory_space<vmem>> -> memref<32x128xf32, #tpu.memory_space<vmem>>
    %dma_start3A_91 = arith.constant 0 : i32
    %dma_start3A_92 = tpu.memref_slice %arg4[%dma_start3A_91, %multiple_of3A_79] : memref<32x1000000xf32, #tpu.memory_space<hbm>> -> memref<32x128xf32, #tpu.memory_space<hbm>>
    tpu.enqueue_dma source(%dma_start3A_92 : memref<32x128xf32, #tpu.memory_space<hbm>>) target(%dma_start3A_90 : memref<32x128xf32, #tpu.memory_space<vmem>>) target_semaphore(%arg14 : memref<!tpu.dma_semaphore, #tpu.memory_space<semaphore_mem>>)
    %shift_right_arithmetic3A_93 = arith.constant 7 : i32
    %shift_right_arithmetic3A_94 = arith.shrsi %reduce_sum3A_74, %shift_right_arithmetic3A_93 : i32
    %mul3A_95 = arith.constant 128 : i32
    %mul3A_96 = arith.muli %shift_right_arithmetic3A_94, %mul3A_95 : i32
    %multiple_of3A_97 = tpu.assume_multiple %mul3A_96, 128 : i32
    %dma_start3A_98 = arith.constant 1 : i32
    %dma_start3A_99 = arith.constant 0 : i32
    %dma_start3A_100 = arith.constant 0 : i32
    %dma_start3A_101 = tpu.memref_slice %arg10[%dma_start3A_98, %dma_start3A_99, %dma_start3A_100] : memref<8x32x128xf32, #tpu.memory_space<vmem>> -> memref<1x32x128xf32, #tpu.memory_space<vmem>>
    %dma_start3A_102 = tpu.memref_squeeze %dma_start3A_101 : memref<1x32x128xf32, #tpu.memory_space<vmem>> -> memref<32x128xf32, #tpu.memory_space<vmem>>
    %dma_start3A_103 = arith.constant 0 : i32
    %dma_start3A_104 = tpu.memref_slice %arg5[%dma_start3A_103, %multiple_of3A_97] : memref<32x1000000xf32, #tpu.memory_space<hbm>> -> memref<32x128xf32, #tpu.memory_space<hbm>>
    %dma_start3A_105 = arith.constant 0 : i32
    %dma_start3A_106 = arith.constant 0 : i32
    %dma_start3A_107 = tpu.memref_slice %arg10[%dma_start3A_98, %dma_start3A_105, %dma_start3A_106] : memref<8x32x128xf32, #tpu.memory_space<vmem>> -> memref<1x32x128xf32, #tpu.memory_space<vmem>>
    %dma_start3A_108 = tpu.memref_squeeze %dma_start3A_107 : memref<1x32x128xf32, #tpu.memory_space<vmem>> -> memref<32x128xf32, #tpu.memory_space<vmem>>
    %dma_start3A_109 = arith.constant 0 : i32
    %dma_start3A_110 = tpu.memref_slice %arg5[%dma_start3A_109, %multiple_of3A_97] : memref<32x1000000xf32, #tpu.memory_space<hbm>> -> memref<32x128xf32, #tpu.memory_space<hbm>>
    tpu.enqueue_dma source(%dma_start3A_110 : memref<32x128xf32, #tpu.memory_space<hbm>>) target(%dma_start3A_108 : memref<32x128xf32, #tpu.memory_space<vmem>>) target_semaphore(%arg22 : memref<!tpu.dma_semaphore, #tpu.memory_space<semaphore_mem>>)
    %eq3A_111 = arith.constant 2 : i32
    %eq3A_112 = vector.broadcast %eq3A_111 : i32 to vector<16xi32>
    %eq3A_113 = arith.cmpi eq, %iota3A, %eq3A_112 : vector<16xi32>
    %select_n3A_114 = arith.select %eq3A_113, %get3A_10, %broadcast_in_dim3A_9 : vector<16xi1>, vector<16xi32>
    %reduce_sum3A_115 = arith.constant true
    %reduce_sum3A_116 = vector.broadcast %reduce_sum3A_115 : i1 to vector<16xi1>
    %reduce_sum3A_117 = tpu.scan <sum>, %select_n3A_114 masked %reduce_sum3A_116 : vector<16xi32>, vector<16xi1> -> vector<16xi32>
    %reduce_sum3A_118 = vector.extract %reduce_sum3A_117[15] : i32 from vector<16xi32>
    %eq3A_119 = arith.constant 2 : i32
    %eq3A_120 = vector.broadcast %eq3A_119 : i32 to vector<16xi32>
    %eq3A_121 = arith.cmpi eq, %iota3A, %eq3A_120 : vector<16xi32>
    %select_n3A_122 = arith.select %eq3A_121, %get3A_12, %broadcast_in_dim3A_9 : vector<16xi1>, vector<16xi32>
    %reduce_sum3A_123 = arith.constant true
    %reduce_sum3A_124 = vector.broadcast %reduce_sum3A_123 : i1 to vector<16xi1>
    %reduce_sum3A_125 = tpu.scan <sum>, %select_n3A_122 masked %reduce_sum3A_124 : vector<16xi32>, vector<16xi1> -> vector<16xi32>
    %reduce_sum3A_126 = vector.extract %reduce_sum3A_125[15] : i32 from vector<16xi32>
    %shift_right_arithmetic3A_127 = arith.constant 7 : i32
    %shift_right_arithmetic3A_128 = arith.shrsi %reduce_sum3A_118, %shift_right_arithmetic3A_127 : i32
    %mul3A_129 = arith.constant 128 : i32
    %mul3A_130 = arith.muli %shift_right_arithmetic3A_128, %mul3A_129 : i32
    %multiple_of3A_131 = tpu.assume_multiple %mul3A_130, 128 : i32
    %dma_start3A_132 = arith.constant 2 : i32
    %dma_start3A_133 = arith.constant 0 : i32
    %dma_start3A_134 = arith.constant 0 : i32
    %dma_start3A_135 = tpu.memref_slice %arg9[%dma_start3A_132, %dma_start3A_133, %dma_start3A_134] : memref<8x32x128xf32, #tpu.memory_space<vmem>> -> memref<1x32x128xf32, #tpu.memory_space<vmem>>
    %dma_start3A_136 = tpu.memref_squeeze %dma_start3A_135 : memref<1x32x128xf32, #tpu.memory_space<vmem>> -> memref<32x128xf32, #tpu.memory_space<vmem>>
    %dma_start3A_137 = arith.constant 0 : i32
    %dma_start3A_138 = tpu.memref_slice %arg4[%dma_start3A_137, %multiple_of3A_131] : memref<32x1000000xf32, #tpu.memory_space<hbm>> -> memref<32x128xf32, #tpu.memory_space<hbm>>
    %dma_start3A_139 = arith.constant 0 : i32
    %dma_start3A_140 = arith.constant 0 : i32
    %dma_start3A_141 = tpu.memref_slice %arg9[%dma_start3A_132, %dma_start3A_139, %dma_start3A_140] : memref<8x32x128xf32, #tpu.memory_space<vmem>> -> memref<1x32x128xf32, #tpu.memory_space<vmem>>
    %dma_start3A_142 = tpu.memref_squeeze %dma_start3A_141 : memref<1x32x128xf32, #tpu.memory_space<vmem>> -> memref<32x128xf32, #tpu.memory_space<vmem>>
    %dma_start3A_143 = arith.constant 0 : i32
    %dma_start3A_144 = tpu.memref_slice %arg4[%dma_start3A_143, %multiple_of3A_131] : memref<32x1000000xf32, #tpu.memory_space<hbm>> -> memref<32x128xf32, #tpu.memory_space<hbm>>
    tpu.enqueue_dma source(%dma_start3A_144 : memref<32x128xf32, #tpu.memory_space<hbm>>) target(%dma_start3A_142 : memref<32x128xf32, #tpu.memory_space<vmem>>) target_semaphore(%arg15 : memref<!tpu.dma_semaphore, #tpu.memory_space<semaphore_mem>>)
    %shift_right_arithmetic3A_145 = arith.constant 7 : i32
    %shift_right_arithmetic3A_146 = arith.shrsi %reduce_sum3A_126, %shift_right_arithmetic3A_145 : i32
    %mul3A_147 = arith.constant 128 : i32
    %mul3A_148 = arith.muli %shift_right_arithmetic3A_146, %mul3A_147 : i32
    %multiple_of3A_149 = tpu.assume_multiple %mul3A_148, 128 : i32
    %dma_start3A_150 = arith.constant 2 : i32
    %dma_start3A_151 = arith.constant 0 : i32
    %dma_start3A_152 = arith.constant 0 : i32
    %dma_start3A_153 = tpu.memref_slice %arg10[%dma_start3A_150, %dma_start3A_151, %dma_start3A_152] : memref<8x32x128xf32, #tpu.memory_space<vmem>> -> memref<1x32x128xf32, #tpu.memory_space<vmem>>
    %dma_start3A_154 = tpu.memref_squeeze %dma_start3A_153 : memref<1x32x128xf32, #tpu.memory_space<vmem>> -> memref<32x128xf32, #tpu.memory_space<vmem>>
    %dma_start3A_155 = arith.constant 0 : i32
    %dma_start3A_156 = tpu.memref_slice %arg5[%dma_start3A_155, %multiple_of3A_149] : memref<32x1000000xf32, #tpu.memory_space<hbm>> -> memref<32x128xf32, #tpu.memory_space<hbm>>
    %dma_start3A_157 = arith.constant 0 : i32
    %dma_start3A_158 = arith.constant 0 : i32
    %dma_start3A_159 = tpu.memref_slice %arg10[%dma_start3A_150, %dma_start3A_157, %dma_start3A_158] : memref<8x32x128xf32, #tpu.memory_space<vmem>> -> memref<1x32x128xf32, #tpu.memory_space<vmem>>
    %dma_start3A_160 = tpu.memref_squeeze %dma_start3A_159 : memref<1x32x128xf32, #tpu.memory_space<vmem>> -> memref<32x128xf32, #tpu.memory_space<vmem>>
    %dma_start3A_161 = arith.constant 0 : i32
    %dma_start3A_162 = tpu.memref_slice %arg5[%dma_start3A_161, %multiple_of3A_149] : memref<32x1000000xf32, #tpu.memory_space<hbm>> -> memref<32x128xf32, #tpu.memory_space<hbm>>
    tpu.enqueue_dma source(%dma_start3A_162 : memref<32x128xf32, #tpu.memory_space<hbm>>) target(%dma_start3A_160 : memref<32x128xf32, #tpu.memory_space<vmem>>) target_semaphore(%arg23 : memref<!tpu.dma_semaphore, #tpu.memory_space<semaphore_mem>>)
    %eq3A_163 = arith.constant 3 : i32
    %eq3A_164 = vector.broadcast %eq3A_163 : i32 to vector<16xi32>
    %eq3A_165 = arith.cmpi eq, %iota3A, %eq3A_164 : vector<16xi32>
    %select_n3A_166 = arith.select %eq3A_165, %get3A_10, %broadcast_in_dim3A_9 : vector<16xi1>, vector<16xi32>
    %reduce_sum3A_167 = arith.constant true
    %reduce_sum3A_168 = vector.broadcast %reduce_sum3A_167 : i1 to vector<16xi1>
    %reduce_sum3A_169 = tpu.scan <sum>, %select_n3A_166 masked %reduce_sum3A_168 : vector<16xi32>, vector<16xi1> -> vector<16xi32>
    %reduce_sum3A_170 = vector.extract %reduce_sum3A_169[15] : i32 from vector<16xi32>
    %eq3A_171 = arith.constant 3 : i32
    %eq3A_172 = vector.broadcast %eq3A_171 : i32 to vector<16xi32>
    %eq3A_173 = arith.cmpi eq, %iota3A, %eq3A_172 : vector<16xi32>
    %select_n3A_174 = arith.select %eq3A_173, %get3A_12, %broadcast_in_dim3A_9 : vector<16xi1>, vector<16xi32>
    %reduce_sum3A_175 = arith.constant true
    %reduce_sum3A_176 = vector.broadcast %reduce_sum3A_175 : i1 to vector<16xi1>
    %reduce_sum3A_177 = tpu.scan <sum>, %select_n3A_174 masked %reduce_sum3A_176 : vector<16xi32>, vector<16xi1> -> vector<16xi32>
    %reduce_sum3A_178 = vector.extract %reduce_sum3A_177[15] : i32 from vector<16xi32>
    %shift_right_arithmetic3A_179 = arith.constant 7 : i32
    %shift_right_arithmetic3A_180 = arith.shrsi %reduce_sum3A_170, %shift_right_arithmetic3A_179 : i32
    %mul3A_181 = arith.constant 128 : i32
    %mul3A_182 = arith.muli %shift_right_arithmetic3A_180, %mul3A_181 : i32
    %multiple_of3A_183 = tpu.assume_multiple %mul3A_182, 128 : i32
    %dma_start3A_184 = arith.constant 3 : i32
    %dma_start3A_185 = arith.constant 0 : i32
    %dma_start3A_186 = arith.constant 0 : i32
    %dma_start3A_187 = tpu.memref_slice %arg9[%dma_start3A_184, %dma_start3A_185, %dma_start3A_186] : memref<8x32x128xf32, #tpu.memory_space<vmem>> -> memref<1x32x128xf32, #tpu.memory_space<vmem>>
    %dma_start3A_188 = tpu.memref_squeeze %dma_start3A_187 : memref<1x32x128xf32, #tpu.memory_space<vmem>> -> memref<32x128xf32, #tpu.memory_space<vmem>>
    %dma_start3A_189 = arith.constant 0 : i32
    %dma_start3A_190 = tpu.memref_slice %arg4[%dma_start3A_189, %multiple_of3A_183] : memref<32x1000000xf32, #tpu.memory_space<hbm>> -> memref<32x128xf32, #tpu.memory_space<hbm>>
    %dma_start3A_191 = arith.constant 0 : i32
    %dma_start3A_192 = arith.constant 0 : i32
    %dma_start3A_193 = tpu.memref_slice %arg9[%dma_start3A_184, %dma_start3A_191, %dma_start3A_192] : memref<8x32x128xf32, #tpu.memory_space<vmem>> -> memref<1x32x128xf32, #tpu.memory_space<vmem>>
    %dma_start3A_194 = tpu.memref_squeeze %dma_start3A_193 : memref<1x32x128xf32, #tpu.memory_space<vmem>> -> memref<32x128xf32, #tpu.memory_space<vmem>>
    %dma_start3A_195 = arith.constant 0 : i32
    %dma_start3A_196 = tpu.memref_slice %arg4[%dma_start3A_195, %multiple_of3A_183] : memref<32x1000000xf32, #tpu.memory_space<hbm>> -> memref<32x128xf32, #tpu.memory_space<hbm>>
    tpu.enqueue_dma source(%dma_start3A_196 : memref<32x128xf32, #tpu.memory_space<hbm>>) target(%dma_start3A_194 : memref<32x128xf32, #tpu.memory_space<vmem>>) target_semaphore(%arg16 : memref<!tpu.dma_semaphore, #tpu.memory_space<semaphore_mem>>)
    %shift_right_arithmetic3A_197 = arith.constant 7 : i32
    %shift_right_arithmetic3A_198 = arith.shrsi %reduce_sum3A_178, %shift_right_arithmetic3A_197 : i32
    %mul3A_199 = arith.constant 128 : i32
    %mul3A_200 = arith.muli %shift_right_arithmetic3A_198, %mul3A_199 : i32
    %multiple_of3A_201 = tpu.assume_multiple %mul3A_200, 128 : i32
    %dma_start3A_202 = arith.constant 3 : i32
    %dma_start3A_203 = arith.constant 0 : i32
    %dma_start3A_204 = arith.constant 0 : i32
    %dma_start3A_205 = tpu.memref_slice %arg10[%dma_start3A_202, %dma_start3A_203, %dma_start3A_204] : memref<8x32x128xf32, #tpu.memory_space<vmem>> -> memref<1x32x128xf32, #tpu.memory_space<vmem>>
    %dma_start3A_206 = tpu.memref_squeeze %dma_start3A_205 : memref<1x32x128xf32, #tpu.memory_space<vmem>> -> memref<32x128xf32, #tpu.memory_space<vmem>>
    %dma_start3A_207 = arith.constant 0 : i32
    %dma_start3A_208 = tpu.memref_slice %arg5[%dma_start3A_207, %multiple_of3A_201] : memref<32x1000000xf32, #tpu.memory_space<hbm>> -> memref<32x128xf32, #tpu.memory_space<hbm>>
    %dma_start3A_209 = arith.constant 0 : i32
    %dma_start3A_210 = arith.constant 0 : i32
    %dma_start3A_211 = tpu.memref_slice %arg10[%dma_start3A_202, %dma_start3A_209, %dma_start3A_210] : memref<8x32x128xf32, #tpu.memory_space<vmem>> -> memref<1x32x128xf32, #tpu.memory_space<vmem>>
    %dma_start3A_212 = tpu.memref_squeeze %dma_start3A_211 : memref<1x32x128xf32, #tpu.memory_space<vmem>> -> memref<32x128xf32, #tpu.memory_space<vmem>>
    %dma_start3A_213 = arith.constant 0 : i32
    %dma_start3A_214 = tpu.memref_slice %arg5[%dma_start3A_213, %multiple_of3A_201] : memref<32x1000000xf32, #tpu.memory_space<hbm>> -> memref<32x128xf32, #tpu.memory_space<hbm>>
    tpu.enqueue_dma source(%dma_start3A_214 : memref<32x128xf32, #tpu.memory_space<hbm>>) target(%dma_start3A_212 : memref<32x128xf32, #tpu.memory_space<vmem>>) target_semaphore(%arg24 : memref<!tpu.dma_semaphore, #tpu.memory_space<semaphore_mem>>)
    %eq3A_215 = arith.constant 4 : i32
    %eq3A_216 = vector.broadcast %eq3A_215 : i32 to vector<16xi32>
    %eq3A_217 = arith.cmpi eq, %iota3A, %eq3A_216 : vector<16xi32>
    %select_n3A_218 = arith.select %eq3A_217, %get3A_10, %broadcast_in_dim3A_9 : vector<16xi1>, vector<16xi32>
    %reduce_sum3A_219 = arith.constant true
    %reduce_sum3A_220 = vector.broadcast %reduce_sum3A_219 : i1 to vector<16xi1>
    %reduce_sum3A_221 = tpu.scan <sum>, %select_n3A_218 masked %reduce_sum3A_220 : vector<16xi32>, vector<16xi1> -> vector<16xi32>
    %reduce_sum3A_222 = vector.extract %reduce_sum3A_221[15] : i32 from vector<16xi32>
    %eq3A_223 = arith.constant 4 : i32
    %eq3A_224 = vector.broadcast %eq3A_223 : i32 to vector<16xi32>
    %eq3A_225 = arith.cmpi eq, %iota3A, %eq3A_224 : vector<16xi32>
    %select_n3A_226 = arith.select %eq3A_225, %get3A_12, %broadcast_in_dim3A_9 : vector<16xi1>, vector<16xi32>
    %reduce_sum3A_227 = arith.constant true
    %reduce_sum3A_228 = vector.broadcast %reduce_sum3A_227 : i1 to vector<16xi1>
    %reduce_sum3A_229 = tpu.scan <sum>, %select_n3A_226 masked %reduce_sum3A_228 : vector<16xi32>, vector<16xi1> -> vector<16xi32>
    %reduce_sum3A_230 = vector.extract %reduce_sum3A_229[15] : i32 from vector<16xi32>
    %shift_right_arithmetic3A_231 = arith.constant 7 : i32
    %shift_right_arithmetic3A_232 = arith.shrsi %reduce_sum3A_222, %shift_right_arithmetic3A_231 : i32
    %mul3A_233 = arith.constant 128 : i32
    %mul3A_234 = arith.muli %shift_right_arithmetic3A_232, %mul3A_233 : i32
    %multiple_of3A_235 = tpu.assume_multiple %mul3A_234, 128 : i32
    %dma_start3A_236 = arith.constant 4 : i32
    %dma_start3A_237 = arith.constant 0 : i32
    %dma_start3A_238 = arith.constant 0 : i32
    %dma_start3A_239 = tpu.memref_slice %arg9[%dma_start3A_236, %dma_start3A_237, %dma_start3A_238] : memref<8x32x128xf32, #tpu.memory_space<vmem>> -> memref<1x32x128xf32, #tpu.memory_space<vmem>>
    %dma_start3A_240 = tpu.memref_squeeze %dma_start3A_239 : memref<1x32x128xf32, #tpu.memory_space<vmem>> -> memref<32x128xf32, #tpu.memory_space<vmem>>
    %dma_start3A_241 = arith.constant 0 : i32
    %dma_start3A_242 = tpu.memref_slice %arg4[%dma_start3A_241, %multiple_of3A_235] : memref<32x1000000xf32, #tpu.memory_space<hbm>> -> memref<32x128xf32, #tpu.memory_space<hbm>>
    %dma_start3A_243 = arith.constant 0 : i32
    %dma_start3A_244 = arith.constant 0 : i32
    %dma_start3A_245 = tpu.memref_slice %arg9[%dma_start3A_236, %dma_start3A_243, %dma_start3A_244] : memref<8x32x128xf32, #tpu.memory_space<vmem>> -> memref<1x32x128xf32, #tpu.memory_space<vmem>>
    %dma_start3A_246 = tpu.memref_squeeze %dma_start3A_245 : memref<1x32x128xf32, #tpu.memory_space<vmem>> -> memref<32x128xf32, #tpu.memory_space<vmem>>
    %dma_start3A_247 = arith.constant 0 : i32
    %dma_start3A_248 = tpu.memref_slice %arg4[%dma_start3A_247, %multiple_of3A_235] : memref<32x1000000xf32, #tpu.memory_space<hbm>> -> memref<32x128xf32, #tpu.memory_space<hbm>>
    tpu.enqueue_dma source(%dma_start3A_248 : memref<32x128xf32, #tpu.memory_space<hbm>>) target(%dma_start3A_246 : memref<32x128xf32, #tpu.memory_space<vmem>>) target_semaphore(%arg17 : memref<!tpu.dma_semaphore, #tpu.memory_space<semaphore_mem>>)
    %shift_right_arithmetic3A_249 = arith.constant 7 : i32
    %shift_right_arithmetic3A_250 = arith.shrsi %reduce_sum3A_230, %shift_right_arithmetic3A_249 : i32
    %mul3A_251 = arith.constant 128 : i32
    %mul3A_252 = arith.muli %shift_right_arithmetic3A_250, %mul3A_251 : i32
    %multiple_of3A_253 = tpu.assume_multiple %mul3A_252, 128 : i32
    %dma_start3A_254 = arith.constant 4 : i32
    %dma_start3A_255 = arith.constant 0 : i32
    %dma_start3A_256 = arith.constant 0 : i32
    %dma_start3A_257 = tpu.memref_slice %arg10[%dma_start3A_254, %dma_start3A_255, %dma_start3A_256] : memref<8x32x128xf32, #tpu.memory_space<vmem>> -> memref<1x32x128xf32, #tpu.memory_space<vmem>>
    %dma_start3A_258 = tpu.memref_squeeze %dma_start3A_257 : memref<1x32x128xf32, #tpu.memory_space<vmem>> -> memref<32x128xf32, #tpu.memory_space<vmem>>
    %dma_start3A_259 = arith.constant 0 : i32
    %dma_start3A_260 = tpu.memref_slice %arg5[%dma_start3A_259, %multiple_of3A_253] : memref<32x1000000xf32, #tpu.memory_space<hbm>> -> memref<32x128xf32, #tpu.memory_space<hbm>>
    %dma_start3A_261 = arith.constant 0 : i32
    %dma_start3A_262 = arith.constant 0 : i32
    %dma_start3A_263 = tpu.memref_slice %arg10[%dma_start3A_254, %dma_start3A_261, %dma_start3A_262] : memref<8x32x128xf32, #tpu.memory_space<vmem>> -> memref<1x32x128xf32, #tpu.memory_space<vmem>>
    %dma_start3A_264 = tpu.memref_squeeze %dma_start3A_263 : memref<1x32x128xf32, #tpu.memory_space<vmem>> -> memref<32x128xf32, #tpu.memory_space<vmem>>
    %dma_start3A_265 = arith.constant 0 : i32
    %dma_start3A_266 = tpu.memref_slice %arg5[%dma_start3A_265, %multiple_of3A_253] : memref<32x1000000xf32, #tpu.memory_space<hbm>> -> memref<32x128xf32, #tpu.memory_space<hbm>>
    tpu.enqueue_dma source(%dma_start3A_266 : memref<32x128xf32, #tpu.memory_space<hbm>>) target(%dma_start3A_264 : memref<32x128xf32, #tpu.memory_space<vmem>>) target_semaphore(%arg25 : memref<!tpu.dma_semaphore, #tpu.memory_space<semaphore_mem>>)
    %eq3A_267 = arith.constant 5 : i32
    %eq3A_268 = vector.broadcast %eq3A_267 : i32 to vector<16xi32>
    %eq3A_269 = arith.cmpi eq, %iota3A, %eq3A_268 : vector<16xi32>
    %select_n3A_270 = arith.select %eq3A_269, %get3A_10, %broadcast_in_dim3A_9 : vector<16xi1>, vector<16xi32>
    %reduce_sum3A_271 = arith.constant true
    %reduce_sum3A_272 = vector.broadcast %reduce_sum3A_271 : i1 to vector<16xi1>
    %reduce_sum3A_273 = tpu.scan <sum>, %select_n3A_270 masked %reduce_sum3A_272 : vector<16xi32>, vector<16xi1> -> vector<16xi32>
    %reduce_sum3A_274 = vector.extract %reduce_sum3A_273[15] : i32 from vector<16xi32>
    %eq3A_275 = arith.constant 5 : i32
    %eq3A_276 = vector.broadcast %eq3A_275 : i32 to vector<16xi32>
    %eq3A_277 = arith.cmpi eq, %iota3A, %eq3A_276 : vector<16xi32>
    %select_n3A_278 = arith.select %eq3A_277, %get3A_12, %broadcast_in_dim3A_9 : vector<16xi1>, vector<16xi32>
    %reduce_sum3A_279 = arith.constant true
    %reduce_sum3A_280 = vector.broadcast %reduce_sum3A_279 : i1 to vector<16xi1>
    %reduce_sum3A_281 = tpu.scan <sum>, %select_n3A_278 masked %reduce_sum3A_280 : vector<16xi32>, vector<16xi1> -> vector<16xi32>
    %reduce_sum3A_282 = vector.extract %reduce_sum3A_281[15] : i32 from vector<16xi32>
    %shift_right_arithmetic3A_283 = arith.constant 7 : i32
    %shift_right_arithmetic3A_284 = arith.shrsi %reduce_sum3A_274, %shift_right_arithmetic3A_283 : i32
    %mul3A_285 = arith.constant 128 : i32
    %mul3A_286 = arith.muli %shift_right_arithmetic3A_284, %mul3A_285 : i32
    %multiple_of3A_287 = tpu.assume_multiple %mul3A_286, 128 : i32
    %dma_start3A_288 = arith.constant 5 : i32
    %dma_start3A_289 = arith.constant 0 : i32
    %dma_start3A_290 = arith.constant 0 : i32
    %dma_start3A_291 = tpu.memref_slice %arg9[%dma_start3A_288, %dma_start3A_289, %dma_start3A_290] : memref<8x32x128xf32, #tpu.memory_space<vmem>> -> memref<1x32x128xf32, #tpu.memory_space<vmem>>
    %dma_start3A_292 = tpu.memref_squeeze %dma_start3A_291 : memref<1x32x128xf32, #tpu.memory_space<vmem>> -> memref<32x128xf32, #tpu.memory_space<vmem>>
    %dma_start3A_293 = arith.constant 0 : i32
    %dma_start3A_294 = tpu.memref_slice %arg4[%dma_start3A_293, %multiple_of3A_287] : memref<32x1000000xf32, #tpu.memory_space<hbm>> -> memref<32x128xf32, #tpu.memory_space<hbm>>
    %dma_start3A_295 = arith.constant 0 : i32
    %dma_start3A_296 = arith.constant 0 : i32
    %dma_start3A_297 = tpu.memref_slice %arg9[%dma_start3A_288, %dma_start3A_295, %dma_start3A_296] : memref<8x32x128xf32, #tpu.memory_space<vmem>> -> memref<1x32x128xf32, #tpu.memory_space<vmem>>
    %dma_start3A_298 = tpu.memref_squeeze %dma_start3A_297 : memref<1x32x128xf32, #tpu.memory_space<vmem>> -> memref<32x128xf32, #tpu.memory_space<vmem>>
    %dma_start3A_299 = arith.constant 0 : i32
    %dma_start3A_300 = tpu.memref_slice %arg4[%dma_start3A_299, %multiple_of3A_287] : memref<32x1000000xf32, #tpu.memory_space<hbm>> -> memref<32x128xf32, #tpu.memory_space<hbm>>
    tpu.enqueue_dma source(%dma_start3A_300 : memref<32x128xf32, #tpu.memory_space<hbm>>) target(%dma_start3A_298 : memref<32x128xf32, #tpu.memory_space<vmem>>) target_semaphore(%arg18 : memref<!tpu.dma_semaphore, #tpu.memory_space<semaphore_mem>>)
    %shift_right_arithmetic3A_301 = arith.constant 7 : i32
    %shift_right_arithmetic3A_302 = arith.shrsi %reduce_sum3A_282, %shift_right_arithmetic3A_301 : i32
    %mul3A_303 = arith.constant 128 : i32
    %mul3A_304 = arith.muli %shift_right_arithmetic3A_302, %mul3A_303 : i32
    %multiple_of3A_305 = tpu.assume_multiple %mul3A_304, 128 : i32
    %dma_start3A_306 = arith.constant 5 : i32
    %dma_start3A_307 = arith.constant 0 : i32
    %dma_start3A_308 = arith.constant 0 : i32
    %dma_start3A_309 = tpu.memref_slice %arg10[%dma_start3A_306, %dma_start3A_307, %dma_start3A_308] : memref<8x32x128xf32, #tpu.memory_space<vmem>> -> memref<1x32x128xf32, #tpu.memory_space<vmem>>
    %dma_start3A_310 = tpu.memref_squeeze %dma_start3A_309 : memref<1x32x128xf32, #tpu.memory_space<vmem>> -> memref<32x128xf32, #tpu.memory_space<vmem>>
    %dma_start3A_311 = arith.constant 0 : i32
    %dma_start3A_312 = tpu.memref_slice %arg5[%dma_start3A_311, %multiple_of3A_305] : memref<32x1000000xf32, #tpu.memory_space<hbm>> -> memref<32x128xf32, #tpu.memory_space<hbm>>
    %dma_start3A_313 = arith.constant 0 : i32
    %dma_start3A_314 = arith.constant 0 : i32
    %dma_start3A_315 = tpu.memref_slice %arg10[%dma_start3A_306, %dma_start3A_313, %dma_start3A_314] : memref<8x32x128xf32, #tpu.memory_space<vmem>> -> memref<1x32x128xf32, #tpu.memory_space<vmem>>
    %dma_start3A_316 = tpu.memref_squeeze %dma_start3A_315 : memref<1x32x128xf32, #tpu.memory_space<vmem>> -> memref<32x128xf32, #tpu.memory_space<vmem>>
    %dma_start3A_317 = arith.constant 0 : i32
    %dma_start3A_318 = tpu.memref_slice %arg5[%dma_start3A_317, %multiple_of3A_305] : memref<32x1000000xf32, #tpu.memory_space<hbm>> -> memref<32x128xf32, #tpu.memory_space<hbm>>
    tpu.enqueue_dma source(%dma_start3A_318 : memref<32x128xf32, #tpu.memory_space<hbm>>) target(%dma_start3A_316 : memref<32x128xf32, #tpu.memory_space<vmem>>) target_semaphore(%arg26 : memref<!tpu.dma_semaphore, #tpu.memory_space<semaphore_mem>>)
    %eq3A_319 = arith.constant 6 : i32
    %eq3A_320 = vector.broadcast %eq3A_319 : i32 to vector<16xi32>
    %eq3A_321 = arith.cmpi eq, %iota3A, %eq3A_320 : vector<16xi32>
    %select_n3A_322 = arith.select %eq3A_321, %get3A_10, %broadcast_in_dim3A_9 : vector<16xi1>, vector<16xi32>
    %reduce_sum3A_323 = arith.constant true
    %reduce_sum3A_324 = vector.broadcast %reduce_sum3A_323 : i1 to vector<16xi1>
    %reduce_sum3A_325 = tpu.scan <sum>, %select_n3A_322 masked %reduce_sum3A_324 : vector<16xi32>, vector<16xi1> -> vector<16xi32>
    %reduce_sum3A_326 = vector.extract %reduce_sum3A_325[15] : i32 from vector<16xi32>
    %eq3A_327 = arith.constant 6 : i32
    %eq3A_328 = vector.broadcast %eq3A_327 : i32 to vector<16xi32>
    %eq3A_329 = arith.cmpi eq, %iota3A, %eq3A_328 : vector<16xi32>
    %select_n3A_330 = arith.select %eq3A_329, %get3A_12, %broadcast_in_dim3A_9 : vector<16xi1>, vector<16xi32>
    %reduce_sum3A_331 = arith.constant true
    %reduce_sum3A_332 = vector.broadcast %reduce_sum3A_331 : i1 to vector<16xi1>
    %reduce_sum3A_333 = tpu.scan <sum>, %select_n3A_330 masked %reduce_sum3A_332 : vector<16xi32>, vector<16xi1> -> vector<16xi32>
    %reduce_sum3A_334 = vector.extract %reduce_sum3A_333[15] : i32 from vector<16xi32>
    %shift_right_arithmetic3A_335 = arith.constant 7 : i32
    %shift_right_arithmetic3A_336 = arith.shrsi %reduce_sum3A_326, %shift_right_arithmetic3A_335 : i32
    %mul3A_337 = arith.constant 128 : i32
    %mul3A_338 = arith.muli %shift_right_arithmetic3A_336, %mul3A_337 : i32
    %multiple_of3A_339 = tpu.assume_multiple %mul3A_338, 128 : i32
    %dma_start3A_340 = arith.constant 6 : i32
    %dma_start3A_341 = arith.constant 0 : i32
    %dma_start3A_342 = arith.constant 0 : i32
    %dma_start3A_343 = tpu.memref_slice %arg9[%dma_start3A_340, %dma_start3A_341, %dma_start3A_342] : memref<8x32x128xf32, #tpu.memory_space<vmem>> -> memref<1x32x128xf32, #tpu.memory_space<vmem>>
    %dma_start3A_344 = tpu.memref_squeeze %dma_start3A_343 : memref<1x32x128xf32, #tpu.memory_space<vmem>> -> memref<32x128xf32, #tpu.memory_space<vmem>>
    %dma_start3A_345 = arith.constant 0 : i32
    %dma_start3A_346 = tpu.memref_slice %arg4[%dma_start3A_345, %multiple_of3A_339] : memref<32x1000000xf32, #tpu.memory_space<hbm>> -> memref<32x128xf32, #tpu.memory_space<hbm>>
    %dma_start3A_347 = arith.constant 0 : i32
    %dma_start3A_348 = arith.constant 0 : i32
    %dma_start3A_349 = tpu.memref_slice %arg9[%dma_start3A_340, %dma_start3A_347, %dma_start3A_348] : memref<8x32x128xf32, #tpu.memory_space<vmem>> -> memref<1x32x128xf32, #tpu.memory_space<vmem>>
    %dma_start3A_350 = tpu.memref_squeeze %dma_start3A_349 : memref<1x32x128xf32, #tpu.memory_space<vmem>> -> memref<32x128xf32, #tpu.memory_space<vmem>>
    %dma_start3A_351 = arith.constant 0 : i32
    %dma_start3A_352 = tpu.memref_slice %arg4[%dma_start3A_351, %multiple_of3A_339] : memref<32x1000000xf32, #tpu.memory_space<hbm>> -> memref<32x128xf32, #tpu.memory_space<hbm>>
    tpu.enqueue_dma source(%dma_start3A_352 : memref<32x128xf32, #tpu.memory_space<hbm>>) target(%dma_start3A_350 : memref<32x128xf32, #tpu.memory_space<vmem>>) target_semaphore(%arg19 : memref<!tpu.dma_semaphore, #tpu.memory_space<semaphore_mem>>)
    %shift_right_arithmetic3A_353 = arith.constant 7 : i32
    %shift_right_arithmetic3A_354 = arith.shrsi %reduce_sum3A_334, %shift_right_arithmetic3A_353 : i32
    %mul3A_355 = arith.constant 128 : i32
    %mul3A_356 = arith.muli %shift_right_arithmetic3A_354, %mul3A_355 : i32
    %multiple_of3A_357 = tpu.assume_multiple %mul3A_356, 128 : i32
    %dma_start3A_358 = arith.constant 6 : i32
    %dma_start3A_359 = arith.constant 0 : i32
    %dma_start3A_360 = arith.constant 0 : i32
    %dma_start3A_361 = tpu.memref_slice %arg10[%dma_start3A_358, %dma_start3A_359, %dma_start3A_360] : memref<8x32x128xf32, #tpu.memory_space<vmem>> -> memref<1x32x128xf32, #tpu.memory_space<vmem>>
    %dma_start3A_362 = tpu.memref_squeeze %dma_start3A_361 : memref<1x32x128xf32, #tpu.memory_space<vmem>> -> memref<32x128xf32, #tpu.memory_space<vmem>>
    %dma_start3A_363 = arith.constant 0 : i32
    %dma_start3A_364 = tpu.memref_slice %arg5[%dma_start3A_363, %multiple_of3A_357] : memref<32x1000000xf32, #tpu.memory_space<hbm>> -> memref<32x128xf32, #tpu.memory_space<hbm>>
    %dma_start3A_365 = arith.constant 0 : i32
    %dma_start3A_366 = arith.constant 0 : i32
    %dma_start3A_367 = tpu.memref_slice %arg10[%dma_start3A_358, %dma_start3A_365, %dma_start3A_366] : memref<8x32x128xf32, #tpu.memory_space<vmem>> -> memref<1x32x128xf32, #tpu.memory_space<vmem>>
    %dma_start3A_368 = tpu.memref_squeeze %dma_start3A_367 : memref<1x32x128xf32, #tpu.memory_space<vmem>> -> memref<32x128xf32, #tpu.memory_space<vmem>>
    %dma_start3A_369 = arith.constant 0 : i32
    %dma_start3A_370 = tpu.memref_slice %arg5[%dma_start3A_369, %multiple_of3A_357] : memref<32x1000000xf32, #tpu.memory_space<hbm>> -> memref<32x128xf32, #tpu.memory_space<hbm>>
    tpu.enqueue_dma source(%dma_start3A_370 : memref<32x128xf32, #tpu.memory_space<hbm>>) target(%dma_start3A_368 : memref<32x128xf32, #tpu.memory_space<vmem>>) target_semaphore(%arg27 : memref<!tpu.dma_semaphore, #tpu.memory_space<semaphore_mem>>)
    %eq3A_371 = arith.constant 7 : i32
    %eq3A_372 = vector.broadcast %eq3A_371 : i32 to vector<16xi32>
    %eq3A_373 = arith.cmpi eq, %iota3A, %eq3A_372 : vector<16xi32>
    %select_n3A_374 = arith.select %eq3A_373, %get3A_10, %broadcast_in_dim3A_9 : vector<16xi1>, vector<16xi32>
    %reduce_sum3A_375 = arith.constant true
    %reduce_sum3A_376 = vector.broadcast %reduce_sum3A_375 : i1 to vector<16xi1>
    %reduce_sum3A_377 = tpu.scan <sum>, %select_n3A_374 masked %reduce_sum3A_376 : vector<16xi32>, vector<16xi1> -> vector<16xi32>
    %reduce_sum3A_378 = vector.extract %reduce_sum3A_377[15] : i32 from vector<16xi32>
    %eq3A_379 = arith.constant 7 : i32
    %eq3A_380 = vector.broadcast %eq3A_379 : i32 to vector<16xi32>
    %eq3A_381 = arith.cmpi eq, %iota3A, %eq3A_380 : vector<16xi32>
    %select_n3A_382 = arith.select %eq3A_381, %get3A_12, %broadcast_in_dim3A_9 : vector<16xi1>, vector<16xi32>
    %reduce_sum3A_383 = arith.constant true
    %reduce_sum3A_384 = vector.broadcast %reduce_sum3A_383 : i1 to vector<16xi1>
    %reduce_sum3A_385 = tpu.scan <sum>, %select_n3A_382 masked %reduce_sum3A_384 : vector<16xi32>, vector<16xi1> -> vector<16xi32>
    %reduce_sum3A_386 = vector.extract %reduce_sum3A_385[15] : i32 from vector<16xi32>
    %shift_right_arithmetic3A_387 = arith.constant 7 : i32
    %shift_right_arithmetic3A_388 = arith.shrsi %reduce_sum3A_378, %shift_right_arithmetic3A_387 : i32
    %mul3A_389 = arith.constant 128 : i32
    %mul3A_390 = arith.muli %shift_right_arithmetic3A_388, %mul3A_389 : i32
    %multiple_of3A_391 = tpu.assume_multiple %mul3A_390, 128 : i32
    %dma_start3A_392 = arith.constant 7 : i32
    %dma_start3A_393 = arith.constant 0 : i32
    %dma_start3A_394 = arith.constant 0 : i32
    %dma_start3A_395 = tpu.memref_slice %arg9[%dma_start3A_392, %dma_start3A_393, %dma_start3A_394] : memref<8x32x128xf32, #tpu.memory_space<vmem>> -> memref<1x32x128xf32, #tpu.memory_space<vmem>>
    %dma_start3A_396 = tpu.memref_squeeze %dma_start3A_395 : memref<1x32x128xf32, #tpu.memory_space<vmem>> -> memref<32x128xf32, #tpu.memory_space<vmem>>
    %dma_start3A_397 = arith.constant 0 : i32
    %dma_start3A_398 = tpu.memref_slice %arg4[%dma_start3A_397, %multiple_of3A_391] : memref<32x1000000xf32, #tpu.memory_space<hbm>> -> memref<32x128xf32, #tpu.memory_space<hbm>>
    %dma_start3A_399 = arith.constant 0 : i32
    %dma_start3A_400 = arith.constant 0 : i32
    %dma_start3A_401 = tpu.memref_slice %arg9[%dma_start3A_392, %dma_start3A_399, %dma_start3A_400] : memref<8x32x128xf32, #tpu.memory_space<vmem>> -> memref<1x32x128xf32, #tpu.memory_space<vmem>>
    %dma_start3A_402 = tpu.memref_squeeze %dma_start3A_401 : memref<1x32x128xf32, #tpu.memory_space<vmem>> -> memref<32x128xf32, #tpu.memory_space<vmem>>
    %dma_start3A_403 = arith.constant 0 : i32
    %dma_start3A_404 = tpu.memref_slice %arg4[%dma_start3A_403, %multiple_of3A_391] : memref<32x1000000xf32, #tpu.memory_space<hbm>> -> memref<32x128xf32, #tpu.memory_space<hbm>>
    tpu.enqueue_dma source(%dma_start3A_404 : memref<32x128xf32, #tpu.memory_space<hbm>>) target(%dma_start3A_402 : memref<32x128xf32, #tpu.memory_space<vmem>>) target_semaphore(%arg20 : memref<!tpu.dma_semaphore, #tpu.memory_space<semaphore_mem>>)
    %shift_right_arithmetic3A_405 = arith.constant 7 : i32
    %shift_right_arithmetic3A_406 = arith.shrsi %reduce_sum3A_386, %shift_right_arithmetic3A_405 : i32
    %mul3A_407 = arith.constant 128 : i32
    %mul3A_408 = arith.muli %shift_right_arithmetic3A_406, %mul3A_407 : i32
    %multiple_of3A_409 = tpu.assume_multiple %mul3A_408, 128 : i32
    %dma_start3A_410 = arith.constant 7 : i32
    %dma_start3A_411 = arith.constant 0 : i32
    %dma_start3A_412 = arith.constant 0 : i32
    %dma_start3A_413 = tpu.memref_slice %arg10[%dma_start3A_410, %dma_start3A_411, %dma_start3A_412] : memref<8x32x128xf32, #tpu.memory_space<vmem>> -> memref<1x32x128xf32, #tpu.memory_space<vmem>>
    %dma_start3A_414 = tpu.memref_squeeze %dma_start3A_413 : memref<1x32x128xf32, #tpu.memory_space<vmem>> -> memref<32x128xf32, #tpu.memory_space<vmem>>
    %dma_start3A_415 = arith.constant 0 : i32
    %dma_start3A_416 = tpu.memref_slice %arg5[%dma_start3A_415, %multiple_of3A_409] : memref<32x1000000xf32, #tpu.memory_space<hbm>> -> memref<32x128xf32, #tpu.memory_space<hbm>>
    %dma_start3A_417 = arith.constant 0 : i32
    %dma_start3A_418 = arith.constant 0 : i32
    %dma_start3A_419 = tpu.memref_slice %arg10[%dma_start3A_410, %dma_start3A_417, %dma_start3A_418] : memref<8x32x128xf32, #tpu.memory_space<vmem>> -> memref<1x32x128xf32, #tpu.memory_space<vmem>>
    %dma_start3A_420 = tpu.memref_squeeze %dma_start3A_419 : memref<1x32x128xf32, #tpu.memory_space<vmem>> -> memref<32x128xf32, #tpu.memory_space<vmem>>
    %dma_start3A_421 = arith.constant 0 : i32
    %dma_start3A_422 = tpu.memref_slice %arg5[%dma_start3A_421, %multiple_of3A_409] : memref<32x1000000xf32, #tpu.memory_space<hbm>> -> memref<32x128xf32, #tpu.memory_space<hbm>>
    tpu.enqueue_dma source(%dma_start3A_422 : memref<32x128xf32, #tpu.memory_space<hbm>>) target(%dma_start3A_420 : memref<32x128xf32, #tpu.memory_space<vmem>>) target_semaphore(%arg28 : memref<!tpu.dma_semaphore, #tpu.memory_space<semaphore_mem>>)
    %scan3A = arith.constant 0 : i32
    %scan3A_423 = arith.constant 32 : i32
    %scan3A_424 = arith.addi %scan3A, %scan3A_423 : i32
    %scan3A_425 = arith.constant 1 : i32
    scf.for %scan3A_427 = %scan3A to %scan3A_424 step %scan3A_425  : i32 {
      %mul3A_428 = arith.constant 16 : i32
      %mul3A_429 = arith.muli %scan3A_427, %mul3A_428 : i32
      %get3A_430 = arith.index_cast %mul3A_429 : i32 to index
      %get3A_431 = tpu.vector_load %arg7[%get3A_430] {strides = array<i32>} : memref<512xi32, #tpu.memory_space<vmem>>, vector<16xi32>,
      %mul3A_432 = arith.constant 16 : i32
      %mul3A_433 = arith.muli %scan3A_427, %mul3A_432 : i32
      %get3A_434 = arith.index_cast %mul3A_433 : i32 to index
      %get3A_435 = tpu.vector_load %arg8[%get3A_434] {strides = array<i32>} : memref<512xi32, #tpu.memory_space<vmem>>, vector<16xi32>,
      %dma_wait3A = arith.constant 0 : i32
      %dma_wait3A_436 = arith.constant 0 : i32
      %dma_wait3A_437 = arith.constant 0 : i32
      %dma_wait3A_438 = tpu.memref_slice %arg9[%dma_wait3A, %dma_wait3A_436, %dma_wait3A_437] : memref<8x32x128xf32, #tpu.memory_space<vmem>> -> memref<1x32x128xf32, #tpu.memory_space<vmem>>
      %dma_wait3A_439 = tpu.memref_squeeze %dma_wait3A_438 : memref<1x32x128xf32, #tpu.memory_space<vmem>> -> memref<32x128xf32, #tpu.memory_space<vmem>>
      %dma_wait3A_440 = arith.constant 0 : i32
      %dma_wait3A_441 = arith.constant 0 : i32
      %dma_wait3A_442 = tpu.memref_slice %arg4[%dma_wait3A_440, %dma_wait3A_441] : memref<32x1000000xf32, #tpu.memory_space<hbm>> -> memref<32x128xf32, #tpu.memory_space<hbm>>
      %dma_wait3A_443 = arith.constant 0 : i32
      %dma_wait3A_444 = arith.constant 0 : i32
      %dma_wait3A_445 = tpu.memref_slice %arg9[%dma_wait3A, %dma_wait3A_443, %dma_wait3A_444] : memref<8x32x128xf32, #tpu.memory_space<vmem>> -> memref<1x32x128xf32, #tpu.memory_space<vmem>>
      %dma_wait3A_446 = tpu.memref_squeeze %dma_wait3A_445 : memref<1x32x128xf32, #tpu.memory_space<vmem>> -> memref<32x128xf32, #tpu.memory_space<vmem>>
      %dma_wait3A_447 = arith.constant 0 : i32
      %dma_wait3A_448 = arith.constant 0 : i32
      %dma_wait3A_449 = tpu.memref_slice %arg4[%dma_wait3A_447, %dma_wait3A_448] : memref<32x1000000xf32, #tpu.memory_space<hbm>> -> memref<32x128xf32, #tpu.memory_space<hbm>>
      tpu.wait_dma2 semaphore(%arg13 : memref<!tpu.dma_semaphore, #tpu.memory_space<semaphore_mem>>) src(%dma_wait3A_449 : memref<32x128xf32, #tpu.memory_space<hbm>>) dst(%dma_wait3A_446 : memref<32x128xf32, #tpu.memory_space<vmem>>)
      %dma_wait3A_450 = arith.constant 0 : i32
      %dma_wait3A_451 = arith.constant 0 : i32
      %dma_wait3A_452 = arith.constant 0 : i32
      %dma_wait3A_453 = tpu.memref_slice %arg10[%dma_wait3A_450, %dma_wait3A_451, %dma_wait3A_452] : memref<8x32x128xf32, #tpu.memory_space<vmem>> -> memref<1x32x128xf32, #tpu.memory_space<vmem>>
      %dma_wait3A_454 = tpu.memref_squeeze %dma_wait3A_453 : memref<1x32x128xf32, #tpu.memory_space<vmem>> -> memref<32x128xf32, #tpu.memory_space<vmem>>
      %dma_wait3A_455 = arith.constant 0 : i32
      %dma_wait3A_456 = arith.constant 0 : i32
      %dma_wait3A_457 = tpu.memref_slice %arg5[%dma_wait3A_455, %dma_wait3A_456] : memref<32x1000000xf32, #tpu.memory_space<hbm>> -> memref<32x128xf32, #tpu.memory_space<hbm>>
      %dma_wait3A_458 = arith.constant 0 : i32
      %dma_wait3A_459 = arith.constant 0 : i32
      %dma_wait3A_460 = tpu.memref_slice %arg10[%dma_wait3A_450, %dma_wait3A_458, %dma_wait3A_459] : memref<8x32x128xf32, #tpu.memory_space<vmem>> -> memref<1x32x128xf32, #tpu.memory_space<vmem>>
      %dma_wait3A_461 = tpu.memref_squeeze %dma_wait3A_460 : memref<1x32x128xf32, #tpu.memory_space<vmem>> -> memref<32x128xf32, #tpu.memory_space<vmem>>
      %dma_wait3A_462 = arith.constant 0 : i32
      %dma_wait3A_463 = arith.constant 0 : i32
      %dma_wait3A_464 = tpu.memref_slice %arg5[%dma_wait3A_462, %dma_wait3A_463] : memref<32x1000000xf32, #tpu.memory_space<hbm>> -> memref<32x128xf32, #tpu.memory_space<hbm>>
      tpu.wait_dma2 semaphore(%arg21 : memref<!tpu.dma_semaphore, #tpu.memory_space<semaphore_mem>>) src(%dma_wait3A_464 : memref<32x128xf32, #tpu.memory_space<hbm>>) dst(%dma_wait3A_461 : memref<32x128xf32, #tpu.memory_space<vmem>>)
      %eq3A_465 = arith.constant 0 : i32
      %eq3A_466 = vector.broadcast %eq3A_465 : i32 to vector<16xi32>
      %eq3A_467 = arith.cmpi eq, %iota3A, %eq3A_466 : vector<16xi32>
      %select_n3A_468 = arith.select %eq3A_467, %get3A_431, %broadcast_in_dim3A_9 : vector<16xi1>, vector<16xi32>
      %reduce_sum3A_469 = arith.constant true
      %reduce_sum3A_470 = vector.broadcast %reduce_sum3A_469 : i1 to vector<16xi1>
      %reduce_sum3A_471 = tpu.scan <sum>, %select_n3A_468 masked %reduce_sum3A_470 : vector<16xi32>, vector<16xi1> -> vector<16xi32>
      %reduce_sum3A_472 = vector.extract %reduce_sum3A_471[15] : i32 from vector<16xi32>
      %eq3A_473 = arith.constant 0 : i32
      %eq3A_474 = vector.broadcast %eq3A_473 : i32 to vector<16xi32>
      %eq3A_475 = arith.cmpi eq, %iota3A, %eq3A_474 : vector<16xi32>
      %select_n3A_476 = arith.select %eq3A_475, %get3A_435, %broadcast_in_dim3A_9 : vector<16xi1>, vector<16xi32>
      %reduce_sum3A_477 = arith.constant true
      %reduce_sum3A_478 = vector.broadcast %reduce_sum3A_477 : i1 to vector<16xi1>
      %reduce_sum3A_479 = tpu.scan <sum>, %select_n3A_476 masked %reduce_sum3A_478 : vector<16xi32>, vector<16xi1> -> vector<16xi32>
      %reduce_sum3A_480 = vector.extract %reduce_sum3A_479[15] : i32 from vector<16xi32>
      %broadcast_in_dim3A_481 = arith.constant 0 : i32
      %broadcast_in_dim3A_482 = vector.broadcast %broadcast_in_dim3A_481 : i32 to vector<16xi32>
      %and3A = arith.constant 127 : i32
      %and3A_483 = arith.andi %reduce_sum3A_472, %and3A : i32
      %broadcast_in_dim3A_484 = vector.broadcast %and3A_483 : i32 to vector<16xi32>
      %and3A_485 = arith.constant 127 : i32
      %and3A_486 = arith.andi %reduce_sum3A_480, %and3A_485 : i32
      %broadcast_in_dim3A_487 = vector.broadcast %and3A_486 : i32 to vector<16xi32>
      %gather3A = tpu.vector_load_idx %arg9[%broadcast_in_dim3A_482, %iota3A, %broadcast_in_dim3A_484] : memref<8x32x128xf32, #tpu.memory_space<vmem>>[vector<16xi32>, vector<16xi32>, vector<16xi32>], vector<16xf32>,
      %gather3A_488 = tpu.vector_load_idx %arg9[%broadcast_in_dim3A_482, %add3A_5, %broadcast_in_dim3A_484] : memref<8x32x128xf32, #tpu.memory_space<vmem>>[vector<16xi32>, vector<16xi32>, vector<16xi32>], vector<16xf32>,
      %gather3A_489 = tpu.vector_load_idx %arg10[%broadcast_in_dim3A_482, %iota3A, %broadcast_in_dim3A_487] : memref<8x32x128xf32, #tpu.memory_space<vmem>>[vector<16xi32>, vector<16xi32>, vector<16xi32>], vector<16xf32>,
      %gather3A_490 = tpu.vector_load_idx %arg10[%broadcast_in_dim3A_482, %add3A_5, %broadcast_in_dim3A_487] : memref<8x32x128xf32, #tpu.memory_space<vmem>>[vector<16xi32>, vector<16xi32>, vector<16xi32>], vector<16xf32>,
      %add3A_491 = arith.constant 0 : i32
      %add3A_492 = vector.broadcast %add3A_491 : i32 to vector<16xi32>
      %add3A_493 = arith.addi %mul3A_8, %add3A_492 : vector<16xi32>
      %mul3A_494 = arith.mulf %gather3A, %gather3A_489 : vector<16xf32>
      %mul3A_495 = arith.mulf %gather3A_488, %gather3A_490 : vector<16xf32>
      %add3A_496 = arith.addf %mul3A_494, %mul3A_495 : vector<16xf32>
      tpu.vector_store_idx %arg12[%add3A_493], %add3A_496 : memref<256xf32, #tpu.memory_space<vmem>>[vector<16xi32>], vector<16xf32>,
      %eq3A_497 = arith.constant 8 : i32
      %eq3A_498 = vector.broadcast %eq3A_497 : i32 to vector<16xi32>
      %eq3A_499 = arith.cmpi eq, %iota3A, %eq3A_498 : vector<16xi32>
      %select_n3A_500 = arith.select %eq3A_499, %get3A_431, %broadcast_in_dim3A_9 : vector<16xi1>, vector<16xi32>
      %reduce_sum3A_501 = arith.constant true
      %reduce_sum3A_502 = vector.broadcast %reduce_sum3A_501 : i1 to vector<16xi1>
      %reduce_sum3A_503 = tpu.scan <sum>, %select_n3A_500 masked %reduce_sum3A_502 : vector<16xi32>, vector<16xi1> -> vector<16xi32>
      %reduce_sum3A_504 = vector.extract %reduce_sum3A_503[15] : i32 from vector<16xi32>
      %eq3A_505 = arith.constant 8 : i32
      %eq3A_506 = vector.broadcast %eq3A_505 : i32 to vector<16xi32>
      %eq3A_507 = arith.cmpi eq, %iota3A, %eq3A_506 : vector<16xi32>
      %select_n3A_508 = arith.select %eq3A_507, %get3A_435, %broadcast_in_dim3A_9 : vector<16xi1>, vector<16xi32>
      %reduce_sum3A_509 = arith.constant true
      %reduce_sum3A_510 = vector.broadcast %reduce_sum3A_509 : i1 to vector<16xi1>
      %reduce_sum3A_511 = tpu.scan <sum>, %select_n3A_508 masked %reduce_sum3A_510 : vector<16xi32>, vector<16xi1> -> vector<16xi32>
      %reduce_sum3A_512 = vector.extract %reduce_sum3A_511[15] : i32 from vector<16xi32>
      %shift_right_arithmetic3A_513 = arith.constant 7 : i32
      %shift_right_arithmetic3A_514 = arith.shrsi %reduce_sum3A_504, %shift_right_arithmetic3A_513 : i32
      %mul3A_515 = arith.constant 128 : i32
      %mul3A_516 = arith.muli %shift_right_arithmetic3A_514, %mul3A_515 : i32
      %multiple_of3A_517 = tpu.assume_multiple %mul3A_516, 128 : i32
      %dma_start3A_518 = arith.constant 0 : i32
      %dma_start3A_519 = arith.constant 0 : i32
      %dma_start3A_520 = arith.constant 0 : i32
      %dma_start3A_521 = tpu.memref_slice %arg9[%dma_start3A_518, %dma_start3A_519, %dma_start3A_520] : memref<8x32x128xf32, #tpu.memory_space<vmem>> -> memref<1x32x128xf32, #tpu.memory_space<vmem>>
      %dma_start3A_522 = tpu.memref_squeeze %dma_start3A_521 : memref<1x32x128xf32, #tpu.memory_space<vmem>> -> memref<32x128xf32, #tpu.memory_space<vmem>>
      %dma_start3A_523 = arith.constant 0 : i32
      %dma_start3A_524 = tpu.memref_slice %arg4[%dma_start3A_523, %multiple_of3A_517] : memref<32x1000000xf32, #tpu.memory_space<hbm>> -> memref<32x128xf32, #tpu.memory_space<hbm>>
      %dma_start3A_525 = arith.constant 0 : i32
      %dma_start3A_526 = arith.constant 0 : i32
      %dma_start3A_527 = tpu.memref_slice %arg9[%dma_start3A_518, %dma_start3A_525, %dma_start3A_526] : memref<8x32x128xf32, #tpu.memory_space<vmem>> -> memref<1x32x128xf32, #tpu.memory_space<vmem>>
      %dma_start3A_528 = tpu.memref_squeeze %dma_start3A_527 : memref<1x32x128xf32, #tpu.memory_space<vmem>> -> memref<32x128xf32, #tpu.memory_space<vmem>>
      %dma_start3A_529 = arith.constant 0 : i32
      %dma_start3A_530 = tpu.memref_slice %arg4[%dma_start3A_529, %multiple_of3A_517] : memref<32x1000000xf32, #tpu.memory_space<hbm>> -> memref<32x128xf32, #tpu.memory_space<hbm>>
      tpu.enqueue_dma source(%dma_start3A_530 : memref<32x128xf32, #tpu.memory_space<hbm>>) target(%dma_start3A_528 : memref<32x128xf32, #tpu.memory_space<vmem>>) target_semaphore(%arg13 : memref<!tpu.dma_semaphore, #tpu.memory_space<semaphore_mem>>)
      %shift_right_arithmetic3A_531 = arith.constant 7 : i32
      %shift_right_arithmetic3A_532 = arith.shrsi %reduce_sum3A_512, %shift_right_arithmetic3A_531 : i32
      %mul3A_533 = arith.constant 128 : i32
      %mul3A_534 = arith.muli %shift_right_arithmetic3A_532, %mul3A_533 : i32
      %multiple_of3A_535 = tpu.assume_multiple %mul3A_534, 128 : i32
      %dma_start3A_536 = arith.constant 0 : i32
      %dma_start3A_537 = arith.constant 0 : i32
      %dma_start3A_538 = arith.constant 0 : i32
      %dma_start3A_539 = tpu.memref_slice %arg10[%dma_start3A_536, %dma_start3A_537, %dma_start3A_538] : memref<8x32x128xf32, #tpu.memory_space<vmem>> -> memref<1x32x128xf32, #tpu.memory_space<vmem>>
      %dma_start3A_540 = tpu.memref_squeeze %dma_start3A_539 : memref<1x32x128xf32, #tpu.memory_space<vmem>> -> memref<32x128xf32, #tpu.memory_space<vmem>>
      %dma_start3A_541 = arith.constant 0 : i32
      %dma_start3A_542 = tpu.memref_slice %arg5[%dma_start3A_541, %multiple_of3A_535] : memref<32x1000000xf32, #tpu.memory_space<hbm>> -> memref<32x128xf32, #tpu.memory_space<hbm>>
      %dma_start3A_543 = arith.constant 0 : i32
      %dma_start3A_544 = arith.constant 0 : i32
      %dma_start3A_545 = tpu.memref_slice %arg10[%dma_start3A_536, %dma_start3A_543, %dma_start3A_544] : memref<8x32x128xf32, #tpu.memory_space<vmem>> -> memref<1x32x128xf32, #tpu.memory_space<vmem>>
      %dma_start3A_546 = tpu.memref_squeeze %dma_start3A_545 : memref<1x32x128xf32, #tpu.memory_space<vmem>> -> memref<32x128xf32, #tpu.memory_space<vmem>>
      %dma_start3A_547 = arith.constant 0 : i32
      %dma_start3A_548 = tpu.memref_slice %arg5[%dma_start3A_547, %multiple_of3A_535] : memref<32x1000000xf32, #tpu.memory_space<hbm>> -> memref<32x128xf32, #tpu.memory_space<hbm>>
      tpu.enqueue_dma source(%dma_start3A_548 : memref<32x128xf32, #tpu.memory_space<hbm>>) target(%dma_start3A_546 : memref<32x128xf32, #tpu.memory_space<vmem>>) target_semaphore(%arg21 : memref<!tpu.dma_semaphore, #tpu.memory_space<semaphore_mem>>)
      %dma_wait3A_549 = arith.constant 1 : i32
      %dma_wait3A_550 = arith.constant 0 : i32
      %dma_wait3A_551 = arith.constant 0 : i32
      %dma_wait3A_552 = tpu.memref_slice %arg9[%dma_wait3A_549, %dma_wait3A_550, %dma_wait3A_551] : memref<8x32x128xf32, #tpu.memory_space<vmem>> -> memref<1x32x128xf32, #tpu.memory_space<vmem>>
      %dma_wait3A_553 = tpu.memref_squeeze %dma_wait3A_552 : memref<1x32x128xf32, #tpu.memory_space<vmem>> -> memref<32x128xf32, #tpu.memory_space<vmem>>
      %dma_wait3A_554 = arith.constant 0 : i32
      %dma_wait3A_555 = arith.constant 0 : i32
      %dma_wait3A_556 = tpu.memref_slice %arg4[%dma_wait3A_554, %dma_wait3A_555] : memref<32x1000000xf32, #tpu.memory_space<hbm>> -> memref<32x128xf32, #tpu.memory_space<hbm>>
      %dma_wait3A_557 = arith.constant 0 : i32
      %dma_wait3A_558 = arith.constant 0 : i32
      %dma_wait3A_559 = tpu.memref_slice %arg9[%dma_wait3A_549, %dma_wait3A_557, %dma_wait3A_558] : memref<8x32x128xf32, #tpu.memory_space<vmem>> -> memref<1x32x128xf32, #tpu.memory_space<vmem>>
      %dma_wait3A_560 = tpu.memref_squeeze %dma_wait3A_559 : memref<1x32x128xf32, #tpu.memory_space<vmem>> -> memref<32x128xf32, #tpu.memory_space<vmem>>
      %dma_wait3A_561 = arith.constant 0 : i32
      %dma_wait3A_562 = arith.constant 0 : i32
      %dma_wait3A_563 = tpu.memref_slice %arg4[%dma_wait3A_561, %dma_wait3A_562] : memref<32x1000000xf32, #tpu.memory_space<hbm>> -> memref<32x128xf32, #tpu.memory_space<hbm>>
      tpu.wait_dma2 semaphore(%arg14 : memref<!tpu.dma_semaphore, #tpu.memory_space<semaphore_mem>>) src(%dma_wait3A_563 : memref<32x128xf32, #tpu.memory_space<hbm>>) dst(%dma_wait3A_560 : memref<32x128xf32, #tpu.memory_space<vmem>>)
      %dma_wait3A_564 = arith.constant 1 : i32
      %dma_wait3A_565 = arith.constant 0 : i32
      %dma_wait3A_566 = arith.constant 0 : i32
      %dma_wait3A_567 = tpu.memref_slice %arg10[%dma_wait3A_564, %dma_wait3A_565, %dma_wait3A_566] : memref<8x32x128xf32, #tpu.memory_space<vmem>> -> memref<1x32x128xf32, #tpu.memory_space<vmem>>
      %dma_wait3A_568 = tpu.memref_squeeze %dma_wait3A_567 : memref<1x32x128xf32, #tpu.memory_space<vmem>> -> memref<32x128xf32, #tpu.memory_space<vmem>>
      %dma_wait3A_569 = arith.constant 0 : i32
      %dma_wait3A_570 = arith.constant 0 : i32
      %dma_wait3A_571 = tpu.memref_slice %arg5[%dma_wait3A_569, %dma_wait3A_570] : memref<32x1000000xf32, #tpu.memory_space<hbm>> -> memref<32x128xf32, #tpu.memory_space<hbm>>
      %dma_wait3A_572 = arith.constant 0 : i32
      %dma_wait3A_573 = arith.constant 0 : i32
      %dma_wait3A_574 = tpu.memref_slice %arg10[%dma_wait3A_564, %dma_wait3A_572, %dma_wait3A_573] : memref<8x32x128xf32, #tpu.memory_space<vmem>> -> memref<1x32x128xf32, #tpu.memory_space<vmem>>
      %dma_wait3A_575 = tpu.memref_squeeze %dma_wait3A_574 : memref<1x32x128xf32, #tpu.memory_space<vmem>> -> memref<32x128xf32, #tpu.memory_space<vmem>>
      %dma_wait3A_576 = arith.constant 0 : i32
      %dma_wait3A_577 = arith.constant 0 : i32
      %dma_wait3A_578 = tpu.memref_slice %arg5[%dma_wait3A_576, %dma_wait3A_577] : memref<32x1000000xf32, #tpu.memory_space<hbm>> -> memref<32x128xf32, #tpu.memory_space<hbm>>
      tpu.wait_dma2 semaphore(%arg22 : memref<!tpu.dma_semaphore, #tpu.memory_space<semaphore_mem>>) src(%dma_wait3A_578 : memref<32x128xf32, #tpu.memory_space<hbm>>) dst(%dma_wait3A_575 : memref<32x128xf32, #tpu.memory_space<vmem>>)
      %eq3A_579 = arith.constant 1 : i32
      %eq3A_580 = vector.broadcast %eq3A_579 : i32 to vector<16xi32>
      %eq3A_581 = arith.cmpi eq, %iota3A, %eq3A_580 : vector<16xi32>
      %select_n3A_582 = arith.select %eq3A_581, %get3A_431, %broadcast_in_dim3A_9 : vector<16xi1>, vector<16xi32>
      %reduce_sum3A_583 = arith.constant true
      %reduce_sum3A_584 = vector.broadcast %reduce_sum3A_583 : i1 to vector<16xi1>
      %reduce_sum3A_585 = tpu.scan <sum>, %select_n3A_582 masked %reduce_sum3A_584 : vector<16xi32>, vector<16xi1> -> vector<16xi32>
      %reduce_sum3A_586 = vector.extract %reduce_sum3A_585[15] : i32 from vector<16xi32>
      %eq3A_587 = arith.constant 1 : i32
      %eq3A_588 = vector.broadcast %eq3A_587 : i32 to vector<16xi32>
      %eq3A_589 = arith.cmpi eq, %iota3A, %eq3A_588 : vector<16xi32>
      %select_n3A_590 = arith.select %eq3A_589, %get3A_435, %broadcast_in_dim3A_9 : vector<16xi1>, vector<16xi32>
      %reduce_sum3A_591 = arith.constant true
      %reduce_sum3A_592 = vector.broadcast %reduce_sum3A_591 : i1 to vector<16xi1>
      %reduce_sum3A_593 = tpu.scan <sum>, %select_n3A_590 masked %reduce_sum3A_592 : vector<16xi32>, vector<16xi1> -> vector<16xi32>
      %reduce_sum3A_594 = vector.extract %reduce_sum3A_593[15] : i32 from vector<16xi32>
      %broadcast_in_dim3A_595 = arith.constant 1 : i32
      %broadcast_in_dim3A_596 = vector.broadcast %broadcast_in_dim3A_595 : i32 to vector<16xi32>
      %and3A_597 = arith.constant 127 : i32
      %and3A_598 = arith.andi %reduce_sum3A_586, %and3A_597 : i32
      %broadcast_in_dim3A_599 = vector.broadcast %and3A_598 : i32 to vector<16xi32>
      %and3A_600 = arith.constant 127 : i32
      %and3A_601 = arith.andi %reduce_sum3A_594, %and3A_600 : i32
      %broadcast_in_dim3A_602 = vector.broadcast %and3A_601 : i32 to vector<16xi32>
      %gather3A_603 = tpu.vector_load_idx %arg9[%broadcast_in_dim3A_596, %iota3A, %broadcast_in_dim3A_599] : memref<8x32x128xf32, #tpu.memory_space<vmem>>[vector<16xi32>, vector<16xi32>, vector<16xi32>], vector<16xf32>,
      %gather3A_604 = tpu.vector_load_idx %arg9[%broadcast_in_dim3A_596, %add3A_5, %broadcast_in_dim3A_599] : memref<8x32x128xf32, #tpu.memory_space<vmem>>[vector<16xi32>, vector<16xi32>, vector<16xi32>], vector<16xf32>,
      %gather3A_605 = tpu.vector_load_idx %arg10[%broadcast_in_dim3A_596, %iota3A, %broadcast_in_dim3A_602] : memref<8x32x128xf32, #tpu.memory_space<vmem>>[vector<16xi32>, vector<16xi32>, vector<16xi32>], vector<16xf32>,
      %gather3A_606 = tpu.vector_load_idx %arg10[%broadcast_in_dim3A_596, %add3A_5, %broadcast_in_dim3A_602] : memref<8x32x128xf32, #tpu.memory_space<vmem>>[vector<16xi32>, vector<16xi32>, vector<16xi32>], vector<16xf32>,
      %add3A_607 = arith.constant 1 : i32
      %add3A_608 = vector.broadcast %add3A_607 : i32 to vector<16xi32>
      %add3A_609 = arith.addi %mul3A_8, %add3A_608 : vector<16xi32>
      %mul3A_610 = arith.mulf %gather3A_603, %gather3A_605 : vector<16xf32>
      %mul3A_611 = arith.mulf %gather3A_604, %gather3A_606 : vector<16xf32>
      %add3A_612 = arith.addf %mul3A_610, %mul3A_611 : vector<16xf32>
      tpu.vector_store_idx %arg12[%add3A_609], %add3A_612 : memref<256xf32, #tpu.memory_space<vmem>>[vector<16xi32>], vector<16xf32>,
      %eq3A_613 = arith.constant 9 : i32
      %eq3A_614 = vector.broadcast %eq3A_613 : i32 to vector<16xi32>
      %eq3A_615 = arith.cmpi eq, %iota3A, %eq3A_614 : vector<16xi32>
      %select_n3A_616 = arith.select %eq3A_615, %get3A_431, %broadcast_in_dim3A_9 : vector<16xi1>, vector<16xi32>
      %reduce_sum3A_617 = arith.constant true
      %reduce_sum3A_618 = vector.broadcast %reduce_sum3A_617 : i1 to vector<16xi1>
      %reduce_sum3A_619 = tpu.scan <sum>, %select_n3A_616 masked %reduce_sum3A_618 : vector<16xi32>, vector<16xi1> -> vector<16xi32>
      %reduce_sum3A_620 = vector.extract %reduce_sum3A_619[15] : i32 from vector<16xi32>
      %eq3A_621 = arith.constant 9 : i32
      %eq3A_622 = vector.broadcast %eq3A_621 : i32 to vector<16xi32>
      %eq3A_623 = arith.cmpi eq, %iota3A, %eq3A_622 : vector<16xi32>
      %select_n3A_624 = arith.select %eq3A_623, %get3A_435, %broadcast_in_dim3A_9 : vector<16xi1>, vector<16xi32>
      %reduce_sum3A_625 = arith.constant true
      %reduce_sum3A_626 = vector.broadcast %reduce_sum3A_625 : i1 to vector<16xi1>
      %reduce_sum3A_627 = tpu.scan <sum>, %select_n3A_624 masked %reduce_sum3A_626 : vector<16xi32>, vector<16xi1> -> vector<16xi32>
      %reduce_sum3A_628 = vector.extract %reduce_sum3A_627[15] : i32 from vector<16xi32>
      %shift_right_arithmetic3A_629 = arith.constant 7 : i32
      %shift_right_arithmetic3A_630 = arith.shrsi %reduce_sum3A_620, %shift_right_arithmetic3A_629 : i32
      %mul3A_631 = arith.constant 128 : i32
      %mul3A_632 = arith.muli %shift_right_arithmetic3A_630, %mul3A_631 : i32
      %multiple_of3A_633 = tpu.assume_multiple %mul3A_632, 128 : i32
      %dma_start3A_634 = arith.constant 1 : i32
      %dma_start3A_635 = arith.constant 0 : i32
      %dma_start3A_636 = arith.constant 0 : i32
      %dma_start3A_637 = tpu.memref_slice %arg9[%dma_start3A_634, %dma_start3A_635, %dma_start3A_636] : memref<8x32x128xf32, #tpu.memory_space<vmem>> -> memref<1x32x128xf32, #tpu.memory_space<vmem>>
      %dma_start3A_638 = tpu.memref_squeeze %dma_start3A_637 : memref<1x32x128xf32, #tpu.memory_space<vmem>> -> memref<32x128xf32, #tpu.memory_space<vmem>>
      %dma_start3A_639 = arith.constant 0 : i32
      %dma_start3A_640 = tpu.memref_slice %arg4[%dma_start3A_639, %multiple_of3A_633] : memref<32x1000000xf32, #tpu.memory_space<hbm>> -> memref<32x128xf32, #tpu.memory_space<hbm>>
      %dma_start3A_641 = arith.constant 0 : i32
      %dma_start3A_642 = arith.constant 0 : i32
      %dma_start3A_643 = tpu.memref_slice %arg9[%dma_start3A_634, %dma_start3A_641, %dma_start3A_642] : memref<8x32x128xf32, #tpu.memory_space<vmem>> -> memref<1x32x128xf32, #tpu.memory_space<vmem>>
      %dma_start3A_644 = tpu.memref_squeeze %dma_start3A_643 : memref<1x32x128xf32, #tpu.memory_space<vmem>> -> memref<32x128xf32, #tpu.memory_space<vmem>>
      %dma_start3A_645 = arith.constant 0 : i32
      %dma_start3A_646 = tpu.memref_slice %arg4[%dma_start3A_645, %multiple_of3A_633] : memref<32x1000000xf32, #tpu.memory_space<hbm>> -> memref<32x128xf32, #tpu.memory_space<hbm>>
      tpu.enqueue_dma source(%dma_start3A_646 : memref<32x128xf32, #tpu.memory_space<hbm>>) target(%dma_start3A_644 : memref<32x128xf32, #tpu.memory_space<vmem>>) target_semaphore(%arg14 : memref<!tpu.dma_semaphore, #tpu.memory_space<semaphore_mem>>)
      %shift_right_arithmetic3A_647 = arith.constant 7 : i32
      %shift_right_arithmetic3A_648 = arith.shrsi %reduce_sum3A_628, %shift_right_arithmetic3A_647 : i32
      %mul3A_649 = arith.constant 128 : i32
      %mul3A_650 = arith.muli %shift_right_arithmetic3A_648, %mul3A_649 : i32
      %multiple_of3A_651 = tpu.assume_multiple %mul3A_650, 128 : i32
      %dma_start3A_652 = arith.constant 1 : i32
      %dma_start3A_653 = arith.constant 0 : i32
      %dma_start3A_654 = arith.constant 0 : i32
      %dma_start3A_655 = tpu.memref_slice %arg10[%dma_start3A_652, %dma_start3A_653, %dma_start3A_654] : memref<8x32x128xf32, #tpu.memory_space<vmem>> -> memref<1x32x128xf32, #tpu.memory_space<vmem>>
      %dma_start3A_656 = tpu.memref_squeeze %dma_start3A_655 : memref<1x32x128xf32, #tpu.memory_space<vmem>> -> memref<32x128xf32, #tpu.memory_space<vmem>>
      %dma_start3A_657 = arith.constant 0 : i32
      %dma_start3A_658 = tpu.memref_slice %arg5[%dma_start3A_657, %multiple_of3A_651] : memref<32x1000000xf32, #tpu.memory_space<hbm>> -> memref<32x128xf32, #tpu.memory_space<hbm>>
      %dma_start3A_659 = arith.constant 0 : i32
      %dma_start3A_660 = arith.constant 0 : i32
      %dma_start3A_661 = tpu.memref_slice %arg10[%dma_start3A_652, %dma_start3A_659, %dma_start3A_660] : memref<8x32x128xf32, #tpu.memory_space<vmem>> -> memref<1x32x128xf32, #tpu.memory_space<vmem>>
      %dma_start3A_662 = tpu.memref_squeeze %dma_start3A_661 : memref<1x32x128xf32, #tpu.memory_space<vmem>> -> memref<32x128xf32, #tpu.memory_space<vmem>>
      %dma_start3A_663 = arith.constant 0 : i32
      %dma_start3A_664 = tpu.memref_slice %arg5[%dma_start3A_663, %multiple_of3A_651] : memref<32x1000000xf32, #tpu.memory_space<hbm>> -> memref<32x128xf32, #tpu.memory_space<hbm>>
      tpu.enqueue_dma source(%dma_start3A_664 : memref<32x128xf32, #tpu.memory_space<hbm>>) target(%dma_start3A_662 : memref<32x128xf32, #tpu.memory_space<vmem>>) target_semaphore(%arg22 : memref<!tpu.dma_semaphore, #tpu.memory_space<semaphore_mem>>)
      %dma_wait3A_665 = arith.constant 2 : i32
      %dma_wait3A_666 = arith.constant 0 : i32
      %dma_wait3A_667 = arith.constant 0 : i32
      %dma_wait3A_668 = tpu.memref_slice %arg9[%dma_wait3A_665, %dma_wait3A_666, %dma_wait3A_667] : memref<8x32x128xf32, #tpu.memory_space<vmem>> -> memref<1x32x128xf32, #tpu.memory_space<vmem>>
      %dma_wait3A_669 = tpu.memref_squeeze %dma_wait3A_668 : memref<1x32x128xf32, #tpu.memory_space<vmem>> -> memref<32x128xf32, #tpu.memory_space<vmem>>
      %dma_wait3A_670 = arith.constant 0 : i32
      %dma_wait3A_671 = arith.constant 0 : i32
      %dma_wait3A_672 = tpu.memref_slice %arg4[%dma_wait3A_670, %dma_wait3A_671] : memref<32x1000000xf32, #tpu.memory_space<hbm>> -> memref<32x128xf32, #tpu.memory_space<hbm>>
      %dma_wait3A_673 = arith.constant 0 : i32
      %dma_wait3A_674 = arith.constant 0 : i32
      %dma_wait3A_675 = tpu.memref_slice %arg9[%dma_wait3A_665, %dma_wait3A_673, %dma_wait3A_674] : memref<8x32x128xf32, #tpu.memory_space<vmem>> -> memref<1x32x128xf32, #tpu.memory_space<vmem>>
      %dma_wait3A_676 = tpu.memref_squeeze %dma_wait3A_675 : memref<1x32x128xf32, #tpu.memory_space<vmem>> -> memref<32x128xf32, #tpu.memory_space<vmem>>
      %dma_wait3A_677 = arith.constant 0 : i32
      %dma_wait3A_678 = arith.constant 0 : i32
      %dma_wait3A_679 = tpu.memref_slice %arg4[%dma_wait3A_677, %dma_wait3A_678] : memref<32x1000000xf32, #tpu.memory_space<hbm>> -> memref<32x128xf32, #tpu.memory_space<hbm>>
      tpu.wait_dma2 semaphore(%arg15 : memref<!tpu.dma_semaphore, #tpu.memory_space<semaphore_mem>>) src(%dma_wait3A_679 : memref<32x128xf32, #tpu.memory_space<hbm>>) dst(%dma_wait3A_676 : memref<32x128xf32, #tpu.memory_space<vmem>>)
      %dma_wait3A_680 = arith.constant 2 : i32
      %dma_wait3A_681 = arith.constant 0 : i32
      %dma_wait3A_682 = arith.constant 0 : i32
      %dma_wait3A_683 = tpu.memref_slice %arg10[%dma_wait3A_680, %dma_wait3A_681, %dma_wait3A_682] : memref<8x32x128xf32, #tpu.memory_space<vmem>> -> memref<1x32x128xf32, #tpu.memory_space<vmem>>
      %dma_wait3A_684 = tpu.memref_squeeze %dma_wait3A_683 : memref<1x32x128xf32, #tpu.memory_space<vmem>> -> memref<32x128xf32, #tpu.memory_space<vmem>>
      %dma_wait3A_685 = arith.constant 0 : i32
      %dma_wait3A_686 = arith.constant 0 : i32
      %dma_wait3A_687 = tpu.memref_slice %arg5[%dma_wait3A_685, %dma_wait3A_686] : memref<32x1000000xf32, #tpu.memory_space<hbm>> -> memref<32x128xf32, #tpu.memory_space<hbm>>
      %dma_wait3A_688 = arith.constant 0 : i32
      %dma_wait3A_689 = arith.constant 0 : i32
      %dma_wait3A_690 = tpu.memref_slice %arg10[%dma_wait3A_680, %dma_wait3A_688, %dma_wait3A_689] : memref<8x32x128xf32, #tpu.memory_space<vmem>> -> memref<1x32x128xf32, #tpu.memory_space<vmem>>
      %dma_wait3A_691 = tpu.memref_squeeze %dma_wait3A_690 : memref<1x32x128xf32, #tpu.memory_space<vmem>> -> memref<32x128xf32, #tpu.memory_space<vmem>>
      %dma_wait3A_692 = arith.constant 0 : i32
      %dma_wait3A_693 = arith.constant 0 : i32
      %dma_wait3A_694 = tpu.memref_slice %arg5[%dma_wait3A_692, %dma_wait3A_693] : memref<32x1000000xf32, #tpu.memory_space<hbm>> -> memref<32x128xf32, #tpu.memory_space<hbm>>
      tpu.wait_dma2 semaphore(%arg23 : memref<!tpu.dma_semaphore, #tpu.memory_space<semaphore_mem>>) src(%dma_wait3A_694 : memref<32x128xf32, #tpu.memory_space<hbm>>) dst(%dma_wait3A_691 : memref<32x128xf32, #tpu.memory_space<vmem>>)
      %eq3A_695 = arith.constant 2 : i32
      %eq3A_696 = vector.broadcast %eq3A_695 : i32 to vector<16xi32>
      %eq3A_697 = arith.cmpi eq, %iota3A, %eq3A_696 : vector<16xi32>
      %select_n3A_698 = arith.select %eq3A_697, %get3A_431, %broadcast_in_dim3A_9 : vector<16xi1>, vector<16xi32>
      %reduce_sum3A_699 = arith.constant true
      %reduce_sum3A_700 = vector.broadcast %reduce_sum3A_699 : i1 to vector<16xi1>
      %reduce_sum3A_701 = tpu.scan <sum>, %select_n3A_698 masked %reduce_sum3A_700 : vector<16xi32>, vector<16xi1> -> vector<16xi32>
      %reduce_sum3A_702 = vector.extract %reduce_sum3A_701[15] : i32 from vector<16xi32>
      %eq3A_703 = arith.constant 2 : i32
      %eq3A_704 = vector.broadcast %eq3A_703 : i32 to vector<16xi32>
      %eq3A_705 = arith.cmpi eq, %iota3A, %eq3A_704 : vector<16xi32>
      %select_n3A_706 = arith.select %eq3A_705, %get3A_435, %broadcast_in_dim3A_9 : vector<16xi1>, vector<16xi32>
      %reduce_sum3A_707 = arith.constant true
      %reduce_sum3A_708 = vector.broadcast %reduce_sum3A_707 : i1 to vector<16xi1>
      %reduce_sum3A_709 = tpu.scan <sum>, %select_n3A_706 masked %reduce_sum3A_708 : vector<16xi32>, vector<16xi1> -> vector<16xi32>
      %reduce_sum3A_710 = vector.extract %reduce_sum3A_709[15] : i32 from vector<16xi32>
      %broadcast_in_dim3A_711 = arith.constant 2 : i32
      %broadcast_in_dim3A_712 = vector.broadcast %broadcast_in_dim3A_711 : i32 to vector<16xi32>
      %and3A_713 = arith.constant 127 : i32
      %and3A_714 = arith.andi %reduce_sum3A_702, %and3A_713 : i32
      %broadcast_in_dim3A_715 = vector.broadcast %and3A_714 : i32 to vector<16xi32>
      %and3A_716 = arith.constant 127 : i32
      %and3A_717 = arith.andi %reduce_sum3A_710, %and3A_716 : i32
      %broadcast_in_dim3A_718 = vector.broadcast %and3A_717 : i32 to vector<16xi32>
      %gather3A_719 = tpu.vector_load_idx %arg9[%broadcast_in_dim3A_712, %iota3A, %broadcast_in_dim3A_715] : memref<8x32x128xf32, #tpu.memory_space<vmem>>[vector<16xi32>, vector<16xi32>, vector<16xi32>], vector<16xf32>,
      %gather3A_720 = tpu.vector_load_idx %arg9[%broadcast_in_dim3A_712, %add3A_5, %broadcast_in_dim3A_715] : memref<8x32x128xf32, #tpu.memory_space<vmem>>[vector<16xi32>, vector<16xi32>, vector<16xi32>], vector<16xf32>,
      %gather3A_721 = tpu.vector_load_idx %arg10[%broadcast_in_dim3A_712, %iota3A, %broadcast_in_dim3A_718] : memref<8x32x128xf32, #tpu.memory_space<vmem>>[vector<16xi32>, vector<16xi32>, vector<16xi32>], vector<16xf32>,
      %gather3A_722 = tpu.vector_load_idx %arg10[%broadcast_in_dim3A_712, %add3A_5, %broadcast_in_dim3A_718] : memref<8x32x128xf32, #tpu.memory_space<vmem>>[vector<16xi32>, vector<16xi32>, vector<16xi32>], vector<16xf32>,
      %add3A_723 = arith.constant 2 : i32
      %add3A_724 = vector.broadcast %add3A_723 : i32 to vector<16xi32>
      %add3A_725 = arith.addi %mul3A_8, %add3A_724 : vector<16xi32>
      %mul3A_726 = arith.mulf %gather3A_719, %gather3A_721 : vector<16xf32>
      %mul3A_727 = arith.mulf %gather3A_720, %gather3A_722 : vector<16xf32>
      %add3A_728 = arith.addf %mul3A_726, %mul3A_727 : vector<16xf32>
      tpu.vector_store_idx %arg12[%add3A_725], %add3A_728 : memref<256xf32, #tpu.memory_space<vmem>>[vector<16xi32>], vector<16xf32>,
      %eq3A_729 = arith.constant 10 : i32
      %eq3A_730 = vector.broadcast %eq3A_729 : i32 to vector<16xi32>
      %eq3A_731 = arith.cmpi eq, %iota3A, %eq3A_730 : vector<16xi32>
      %select_n3A_732 = arith.select %eq3A_731, %get3A_431, %broadcast_in_dim3A_9 : vector<16xi1>, vector<16xi32>
      %reduce_sum3A_733 = arith.constant true
      %reduce_sum3A_734 = vector.broadcast %reduce_sum3A_733 : i1 to vector<16xi1>
      %reduce_sum3A_735 = tpu.scan <sum>, %select_n3A_732 masked %reduce_sum3A_734 : vector<16xi32>, vector<16xi1> -> vector<16xi32>
      %reduce_sum3A_736 = vector.extract %reduce_sum3A_735[15] : i32 from vector<16xi32>
      %eq3A_737 = arith.constant 10 : i32
      %eq3A_738 = vector.broadcast %eq3A_737 : i32 to vector<16xi32>
      %eq3A_739 = arith.cmpi eq, %iota3A, %eq3A_738 : vector<16xi32>
      %select_n3A_740 = arith.select %eq3A_739, %get3A_435, %broadcast_in_dim3A_9 : vector<16xi1>, vector<16xi32>
      %reduce_sum3A_741 = arith.constant true
      %reduce_sum3A_742 = vector.broadcast %reduce_sum3A_741 : i1 to vector<16xi1>
      %reduce_sum3A_743 = tpu.scan <sum>, %select_n3A_740 masked %reduce_sum3A_742 : vector<16xi32>, vector<16xi1> -> vector<16xi32>
      %reduce_sum3A_744 = vector.extract %reduce_sum3A_743[15] : i32 from vector<16xi32>
      %shift_right_arithmetic3A_745 = arith.constant 7 : i32
      %shift_right_arithmetic3A_746 = arith.shrsi %reduce_sum3A_736, %shift_right_arithmetic3A_745 : i32
      %mul3A_747 = arith.constant 128 : i32
      %mul3A_748 = arith.muli %shift_right_arithmetic3A_746, %mul3A_747 : i32
      %multiple_of3A_749 = tpu.assume_multiple %mul3A_748, 128 : i32
      %dma_start3A_750 = arith.constant 2 : i32
      %dma_start3A_751 = arith.constant 0 : i32
      %dma_start3A_752 = arith.constant 0 : i32
      %dma_start3A_753 = tpu.memref_slice %arg9[%dma_start3A_750, %dma_start3A_751, %dma_start3A_752] : memref<8x32x128xf32, #tpu.memory_space<vmem>> -> memref<1x32x128xf32, #tpu.memory_space<vmem>>
      %dma_start3A_754 = tpu.memref_squeeze %dma_start3A_753 : memref<1x32x128xf32, #tpu.memory_space<vmem>> -> memref<32x128xf32, #tpu.memory_space<vmem>>
      %dma_start3A_755 = arith.constant 0 : i32
      %dma_start3A_756 = tpu.memref_slice %arg4[%dma_start3A_755, %multiple_of3A_749] : memref<32x1000000xf32, #tpu.memory_space<hbm>> -> memref<32x128xf32, #tpu.memory_space<hbm>>
      %dma_start3A_757 = arith.constant 0 : i32
      %dma_start3A_758 = arith.constant 0 : i32
      %dma_start3A_759 = tpu.memref_slice %arg9[%dma_start3A_750, %dma_start3A_757, %dma_start3A_758] : memref<8x32x128xf32, #tpu.memory_space<vmem>> -> memref<1x32x128xf32, #tpu.memory_space<vmem>>
      %dma_start3A_760 = tpu.memref_squeeze %dma_start3A_759 : memref<1x32x128xf32, #tpu.memory_space<vmem>> -> memref<32x128xf32, #tpu.memory_space<vmem>>
      %dma_start3A_761 = arith.constant 0 : i32
      %dma_start3A_762 = tpu.memref_slice %arg4[%dma_start3A_761, %multiple_of3A_749] : memref<32x1000000xf32, #tpu.memory_space<hbm>> -> memref<32x128xf32, #tpu.memory_space<hbm>>
      tpu.enqueue_dma source(%dma_start3A_762 : memref<32x128xf32, #tpu.memory_space<hbm>>) target(%dma_start3A_760 : memref<32x128xf32, #tpu.memory_space<vmem>>) target_semaphore(%arg15 : memref<!tpu.dma_semaphore, #tpu.memory_space<semaphore_mem>>)
      %shift_right_arithmetic3A_763 = arith.constant 7 : i32
      %shift_right_arithmetic3A_764 = arith.shrsi %reduce_sum3A_744, %shift_right_arithmetic3A_763 : i32
      %mul3A_765 = arith.constant 128 : i32
      %mul3A_766 = arith.muli %shift_right_arithmetic3A_764, %mul3A_765 : i32
      %multiple_of3A_767 = tpu.assume_multiple %mul3A_766, 128 : i32
      %dma_start3A_768 = arith.constant 2 : i32
      %dma_start3A_769 = arith.constant 0 : i32
      %dma_start3A_770 = arith.constant 0 : i32
      %dma_start3A_771 = tpu.memref_slice %arg10[%dma_start3A_768, %dma_start3A_769, %dma_start3A_770] : memref<8x32x128xf32, #tpu.memory_space<vmem>> -> memref<1x32x128xf32, #tpu.memory_space<vmem>>
      %dma_start3A_772 = tpu.memref_squeeze %dma_start3A_771 : memref<1x32x128xf32, #tpu.memory_space<vmem>> -> memref<32x128xf32, #tpu.memory_space<vmem>>
      %dma_start3A_773 = arith.constant 0 : i32
      %dma_start3A_774 = tpu.memref_slice %arg5[%dma_start3A_773, %multiple_of3A_767] : memref<32x1000000xf32, #tpu.memory_space<hbm>> -> memref<32x128xf32, #tpu.memory_space<hbm>>
      %dma_start3A_775 = arith.constant 0 : i32
      %dma_start3A_776 = arith.constant 0 : i32
      %dma_start3A_777 = tpu.memref_slice %arg10[%dma_start3A_768, %dma_start3A_775, %dma_start3A_776] : memref<8x32x128xf32, #tpu.memory_space<vmem>> -> memref<1x32x128xf32, #tpu.memory_space<vmem>>
      %dma_start3A_778 = tpu.memref_squeeze %dma_start3A_777 : memref<1x32x128xf32, #tpu.memory_space<vmem>> -> memref<32x128xf32, #tpu.memory_space<vmem>>
      %dma_start3A_779 = arith.constant 0 : i32
      %dma_start3A_780 = tpu.memref_slice %arg5[%dma_start3A_779, %multiple_of3A_767] : memref<32x1000000xf32, #tpu.memory_space<hbm>> -> memref<32x128xf32, #tpu.memory_space<hbm>>
      tpu.enqueue_dma source(%dma_start3A_780 : memref<32x128xf32, #tpu.memory_space<hbm>>) target(%dma_start3A_778 : memref<32x128xf32, #tpu.memory_space<vmem>>) target_semaphore(%arg23 : memref<!tpu.dma_semaphore, #tpu.memory_space<semaphore_mem>>)
      %dma_wait3A_781 = arith.constant 3 : i32
      %dma_wait3A_782 = arith.constant 0 : i32
      %dma_wait3A_783 = arith.constant 0 : i32
      %dma_wait3A_784 = tpu.memref_slice %arg9[%dma_wait3A_781, %dma_wait3A_782, %dma_wait3A_783] : memref<8x32x128xf32, #tpu.memory_space<vmem>> -> memref<1x32x128xf32, #tpu.memory_space<vmem>>
      %dma_wait3A_785 = tpu.memref_squeeze %dma_wait3A_784 : memref<1x32x128xf32, #tpu.memory_space<vmem>> -> memref<32x128xf32, #tpu.memory_space<vmem>>
      %dma_wait3A_786 = arith.constant 0 : i32
      %dma_wait3A_787 = arith.constant 0 : i32
      %dma_wait3A_788 = tpu.memref_slice %arg4[%dma_wait3A_786, %dma_wait3A_787] : memref<32x1000000xf32, #tpu.memory_space<hbm>> -> memref<32x128xf32, #tpu.memory_space<hbm>>
      %dma_wait3A_789 = arith.constant 0 : i32
      %dma_wait3A_790 = arith.constant 0 : i32
      %dma_wait3A_791 = tpu.memref_slice %arg9[%dma_wait3A_781, %dma_wait3A_789, %dma_wait3A_790] : memref<8x32x128xf32, #tpu.memory_space<vmem>> -> memref<1x32x128xf32, #tpu.memory_space<vmem>>
      %dma_wait3A_792 = tpu.memref_squeeze %dma_wait3A_791 : memref<1x32x128xf32, #tpu.memory_space<vmem>> -> memref<32x128xf32, #tpu.memory_space<vmem>>
      %dma_wait3A_793 = arith.constant 0 : i32
      %dma_wait3A_794 = arith.constant 0 : i32
      %dma_wait3A_795 = tpu.memref_slice %arg4[%dma_wait3A_793, %dma_wait3A_794] : memref<32x1000000xf32, #tpu.memory_space<hbm>> -> memref<32x128xf32, #tpu.memory_space<hbm>>
      tpu.wait_dma2 semaphore(%arg16 : memref<!tpu.dma_semaphore, #tpu.memory_space<semaphore_mem>>) src(%dma_wait3A_795 : memref<32x128xf32, #tpu.memory_space<hbm>>) dst(%dma_wait3A_792 : memref<32x128xf32, #tpu.memory_space<vmem>>)
      %dma_wait3A_796 = arith.constant 3 : i32
      %dma_wait3A_797 = arith.constant 0 : i32
      %dma_wait3A_798 = arith.constant 0 : i32
      %dma_wait3A_799 = tpu.memref_slice %arg10[%dma_wait3A_796, %dma_wait3A_797, %dma_wait3A_798] : memref<8x32x128xf32, #tpu.memory_space<vmem>> -> memref<1x32x128xf32, #tpu.memory_space<vmem>>
      %dma_wait3A_800 = tpu.memref_squeeze %dma_wait3A_799 : memref<1x32x128xf32, #tpu.memory_space<vmem>> -> memref<32x128xf32, #tpu.memory_space<vmem>>
      %dma_wait3A_801 = arith.constant 0 : i32
      %dma_wait3A_802 = arith.constant 0 : i32
      %dma_wait3A_803 = tpu.memref_slice %arg5[%dma_wait3A_801, %dma_wait3A_802] : memref<32x1000000xf32, #tpu.memory_space<hbm>> -> memref<32x128xf32, #tpu.memory_space<hbm>>
      %dma_wait3A_804 = arith.constant 0 : i32
      %dma_wait3A_805 = arith.constant 0 : i32
      %dma_wait3A_806 = tpu.memref_slice %arg10[%dma_wait3A_796, %dma_wait3A_804, %dma_wait3A_805] : memref<8x32x128xf32, #tpu.memory_space<vmem>> -> memref<1x32x128xf32, #tpu.memory_space<vmem>>
      %dma_wait3A_807 = tpu.memref_squeeze %dma_wait3A_806 : memref<1x32x128xf32, #tpu.memory_space<vmem>> -> memref<32x128xf32, #tpu.memory_space<vmem>>
      %dma_wait3A_808 = arith.constant 0 : i32
      %dma_wait3A_809 = arith.constant 0 : i32
      %dma_wait3A_810 = tpu.memref_slice %arg5[%dma_wait3A_808, %dma_wait3A_809] : memref<32x1000000xf32, #tpu.memory_space<hbm>> -> memref<32x128xf32, #tpu.memory_space<hbm>>
      tpu.wait_dma2 semaphore(%arg24 : memref<!tpu.dma_semaphore, #tpu.memory_space<semaphore_mem>>) src(%dma_wait3A_810 : memref<32x128xf32, #tpu.memory_space<hbm>>) dst(%dma_wait3A_807 : memref<32x128xf32, #tpu.memory_space<vmem>>)
      %eq3A_811 = arith.constant 3 : i32
      %eq3A_812 = vector.broadcast %eq3A_811 : i32 to vector<16xi32>
      %eq3A_813 = arith.cmpi eq, %iota3A, %eq3A_812 : vector<16xi32>
      %select_n3A_814 = arith.select %eq3A_813, %get3A_431, %broadcast_in_dim3A_9 : vector<16xi1>, vector<16xi32>
      %reduce_sum3A_815 = arith.constant true
      %reduce_sum3A_816 = vector.broadcast %reduce_sum3A_815 : i1 to vector<16xi1>
      %reduce_sum3A_817 = tpu.scan <sum>, %select_n3A_814 masked %reduce_sum3A_816 : vector<16xi32>, vector<16xi1> -> vector<16xi32>
      %reduce_sum3A_818 = vector.extract %reduce_sum3A_817[15] : i32 from vector<16xi32>
      %eq3A_819 = arith.constant 3 : i32
      %eq3A_820 = vector.broadcast %eq3A_819 : i32 to vector<16xi32>
      %eq3A_821 = arith.cmpi eq, %iota3A, %eq3A_820 : vector<16xi32>
      %select_n3A_822 = arith.select %eq3A_821, %get3A_435, %broadcast_in_dim3A_9 : vector<16xi1>, vector<16xi32>
      %reduce_sum3A_823 = arith.constant true
      %reduce_sum3A_824 = vector.broadcast %reduce_sum3A_823 : i1 to vector<16xi1>
      %reduce_sum3A_825 = tpu.scan <sum>, %select_n3A_822 masked %reduce_sum3A_824 : vector<16xi32>, vector<16xi1> -> vector<16xi32>
      %reduce_sum3A_826 = vector.extract %reduce_sum3A_825[15] : i32 from vector<16xi32>
      %broadcast_in_dim3A_827 = arith.constant 3 : i32
      %broadcast_in_dim3A_828 = vector.broadcast %broadcast_in_dim3A_827 : i32 to vector<16xi32>
      %and3A_829 = arith.constant 127 : i32
      %and3A_830 = arith.andi %reduce_sum3A_818, %and3A_829 : i32
      %broadcast_in_dim3A_831 = vector.broadcast %and3A_830 : i32 to vector<16xi32>
      %and3A_832 = arith.constant 127 : i32
      %and3A_833 = arith.andi %reduce_sum3A_826, %and3A_832 : i32
      %broadcast_in_dim3A_834 = vector.broadcast %and3A_833 : i32 to vector<16xi32>
      %gather3A_835 = tpu.vector_load_idx %arg9[%broadcast_in_dim3A_828, %iota3A, %broadcast_in_dim3A_831] : memref<8x32x128xf32, #tpu.memory_space<vmem>>[vector<16xi32>, vector<16xi32>, vector<16xi32>], vector<16xf32>,
      %gather3A_836 = tpu.vector_load_idx %arg9[%broadcast_in_dim3A_828, %add3A_5, %broadcast_in_dim3A_831] : memref<8x32x128xf32, #tpu.memory_space<vmem>>[vector<16xi32>, vector<16xi32>, vector<16xi32>], vector<16xf32>,
      %gather3A_837 = tpu.vector_load_idx %arg10[%broadcast_in_dim3A_828, %iota3A, %broadcast_in_dim3A_834] : memref<8x32x128xf32, #tpu.memory_space<vmem>>[vector<16xi32>, vector<16xi32>, vector<16xi32>], vector<16xf32>,
      %gather3A_838 = tpu.vector_load_idx %arg10[%broadcast_in_dim3A_828, %add3A_5, %broadcast_in_dim3A_834] : memref<8x32x128xf32, #tpu.memory_space<vmem>>[vector<16xi32>, vector<16xi32>, vector<16xi32>], vector<16xf32>,
      %add3A_839 = arith.constant 3 : i32
      %add3A_840 = vector.broadcast %add3A_839 : i32 to vector<16xi32>
      %add3A_841 = arith.addi %mul3A_8, %add3A_840 : vector<16xi32>
      %mul3A_842 = arith.mulf %gather3A_835, %gather3A_837 : vector<16xf32>
      %mul3A_843 = arith.mulf %gather3A_836, %gather3A_838 : vector<16xf32>
      %add3A_844 = arith.addf %mul3A_842, %mul3A_843 : vector<16xf32>
      tpu.vector_store_idx %arg12[%add3A_841], %add3A_844 : memref<256xf32, #tpu.memory_space<vmem>>[vector<16xi32>], vector<16xf32>,
      %eq3A_845 = arith.constant 11 : i32
      %eq3A_846 = vector.broadcast %eq3A_845 : i32 to vector<16xi32>
      %eq3A_847 = arith.cmpi eq, %iota3A, %eq3A_846 : vector<16xi32>
      %select_n3A_848 = arith.select %eq3A_847, %get3A_431, %broadcast_in_dim3A_9 : vector<16xi1>, vector<16xi32>
      %reduce_sum3A_849 = arith.constant true
      %reduce_sum3A_850 = vector.broadcast %reduce_sum3A_849 : i1 to vector<16xi1>
      %reduce_sum3A_851 = tpu.scan <sum>, %select_n3A_848 masked %reduce_sum3A_850 : vector<16xi32>, vector<16xi1> -> vector<16xi32>
      %reduce_sum3A_852 = vector.extract %reduce_sum3A_851[15] : i32 from vector<16xi32>
      %eq3A_853 = arith.constant 11 : i32
      %eq3A_854 = vector.broadcast %eq3A_853 : i32 to vector<16xi32>
      %eq3A_855 = arith.cmpi eq, %iota3A, %eq3A_854 : vector<16xi32>
      %select_n3A_856 = arith.select %eq3A_855, %get3A_435, %broadcast_in_dim3A_9 : vector<16xi1>, vector<16xi32>
      %reduce_sum3A_857 = arith.constant true
      %reduce_sum3A_858 = vector.broadcast %reduce_sum3A_857 : i1 to vector<16xi1>
      %reduce_sum3A_859 = tpu.scan <sum>, %select_n3A_856 masked %reduce_sum3A_858 : vector<16xi32>, vector<16xi1> -> vector<16xi32>
      %reduce_sum3A_860 = vector.extract %reduce_sum3A_859[15] : i32 from vector<16xi32>
      %shift_right_arithmetic3A_861 = arith.constant 7 : i32
      %shift_right_arithmetic3A_862 = arith.shrsi %reduce_sum3A_852, %shift_right_arithmetic3A_861 : i32
      %mul3A_863 = arith.constant 128 : i32
      %mul3A_864 = arith.muli %shift_right_arithmetic3A_862, %mul3A_863 : i32
      %multiple_of3A_865 = tpu.assume_multiple %mul3A_864, 128 : i32
      %dma_start3A_866 = arith.constant 3 : i32
      %dma_start3A_867 = arith.constant 0 : i32
      %dma_start3A_868 = arith.constant 0 : i32
      %dma_start3A_869 = tpu.memref_slice %arg9[%dma_start3A_866, %dma_start3A_867, %dma_start3A_868] : memref<8x32x128xf32, #tpu.memory_space<vmem>> -> memref<1x32x128xf32, #tpu.memory_space<vmem>>
      %dma_start3A_870 = tpu.memref_squeeze %dma_start3A_869 : memref<1x32x128xf32, #tpu.memory_space<vmem>> -> memref<32x128xf32, #tpu.memory_space<vmem>>
      %dma_start3A_871 = arith.constant 0 : i32
      %dma_start3A_872 = tpu.memref_slice %arg4[%dma_start3A_871, %multiple_of3A_865] : memref<32x1000000xf32, #tpu.memory_space<hbm>> -> memref<32x128xf32, #tpu.memory_space<hbm>>
      %dma_start3A_873 = arith.constant 0 : i32
      %dma_start3A_874 = arith.constant 0 : i32
      %dma_start3A_875 = tpu.memref_slice %arg9[%dma_start3A_866, %dma_start3A_873, %dma_start3A_874] : memref<8x32x128xf32, #tpu.memory_space<vmem>> -> memref<1x32x128xf32, #tpu.memory_space<vmem>>
      %dma_start3A_876 = tpu.memref_squeeze %dma_start3A_875 : memref<1x32x128xf32, #tpu.memory_space<vmem>> -> memref<32x128xf32, #tpu.memory_space<vmem>>
      %dma_start3A_877 = arith.constant 0 : i32
      %dma_start3A_878 = tpu.memref_slice %arg4[%dma_start3A_877, %multiple_of3A_865] : memref<32x1000000xf32, #tpu.memory_space<hbm>> -> memref<32x128xf32, #tpu.memory_space<hbm>>
      tpu.enqueue_dma source(%dma_start3A_878 : memref<32x128xf32, #tpu.memory_space<hbm>>) target(%dma_start3A_876 : memref<32x128xf32, #tpu.memory_space<vmem>>) target_semaphore(%arg16 : memref<!tpu.dma_semaphore, #tpu.memory_space<semaphore_mem>>)
      %shift_right_arithmetic3A_879 = arith.constant 7 : i32
      %shift_right_arithmetic3A_880 = arith.shrsi %reduce_sum3A_860, %shift_right_arithmetic3A_879 : i32
      %mul3A_881 = arith.constant 128 : i32
      %mul3A_882 = arith.muli %shift_right_arithmetic3A_880, %mul3A_881 : i32
      %multiple_of3A_883 = tpu.assume_multiple %mul3A_882, 128 : i32
      %dma_start3A_884 = arith.constant 3 : i32
      %dma_start3A_885 = arith.constant 0 : i32
      %dma_start3A_886 = arith.constant 0 : i32
      %dma_start3A_887 = tpu.memref_slice %arg10[%dma_start3A_884, %dma_start3A_885, %dma_start3A_886] : memref<8x32x128xf32, #tpu.memory_space<vmem>> -> memref<1x32x128xf32, #tpu.memory_space<vmem>>
      %dma_start3A_888 = tpu.memref_squeeze %dma_start3A_887 : memref<1x32x128xf32, #tpu.memory_space<vmem>> -> memref<32x128xf32, #tpu.memory_space<vmem>>
      %dma_start3A_889 = arith.constant 0 : i32
      %dma_start3A_890 = tpu.memref_slice %arg5[%dma_start3A_889, %multiple_of3A_883] : memref<32x1000000xf32, #tpu.memory_space<hbm>> -> memref<32x128xf32, #tpu.memory_space<hbm>>
      %dma_start3A_891 = arith.constant 0 : i32
      %dma_start3A_892 = arith.constant 0 : i32
      %dma_start3A_893 = tpu.memref_slice %arg10[%dma_start3A_884, %dma_start3A_891, %dma_start3A_892] : memref<8x32x128xf32, #tpu.memory_space<vmem>> -> memref<1x32x128xf32, #tpu.memory_space<vmem>>
      %dma_start3A_894 = tpu.memref_squeeze %dma_start3A_893 : memref<1x32x128xf32, #tpu.memory_space<vmem>> -> memref<32x128xf32, #tpu.memory_space<vmem>>
      %dma_start3A_895 = arith.constant 0 : i32
      %dma_start3A_896 = tpu.memref_slice %arg5[%dma_start3A_895, %multiple_of3A_883] : memref<32x1000000xf32, #tpu.memory_space<hbm>> -> memref<32x128xf32, #tpu.memory_space<hbm>>
      tpu.enqueue_dma source(%dma_start3A_896 : memref<32x128xf32, #tpu.memory_space<hbm>>) target(%dma_start3A_894 : memref<32x128xf32, #tpu.memory_space<vmem>>) target_semaphore(%arg24 : memref<!tpu.dma_semaphore, #tpu.memory_space<semaphore_mem>>)
      %dma_wait3A_897 = arith.constant 4 : i32
      %dma_wait3A_898 = arith.constant 0 : i32
      %dma_wait3A_899 = arith.constant 0 : i32
      %dma_wait3A_900 = tpu.memref_slice %arg9[%dma_wait3A_897, %dma_wait3A_898, %dma_wait3A_899] : memref<8x32x128xf32, #tpu.memory_space<vmem>> -> memref<1x32x128xf32, #tpu.memory_space<vmem>>
      %dma_wait3A_901 = tpu.memref_squeeze %dma_wait3A_900 : memref<1x32x128xf32, #tpu.memory_space<vmem>> -> memref<32x128xf32, #tpu.memory_space<vmem>>
      %dma_wait3A_902 = arith.constant 0 : i32
      %dma_wait3A_903 = arith.constant 0 : i32
      %dma_wait3A_904 = tpu.memref_slice %arg4[%dma_wait3A_902, %dma_wait3A_903] : memref<32x1000000xf32, #tpu.memory_space<hbm>> -> memref<32x128xf32, #tpu.memory_space<hbm>>
      %dma_wait3A_905 = arith.constant 0 : i32
      %dma_wait3A_906 = arith.constant 0 : i32
      %dma_wait3A_907 = tpu.memref_slice %arg9[%dma_wait3A_897, %dma_wait3A_905, %dma_wait3A_906] : memref<8x32x128xf32, #tpu.memory_space<vmem>> -> memref<1x32x128xf32, #tpu.memory_space<vmem>>
      %dma_wait3A_908 = tpu.memref_squeeze %dma_wait3A_907 : memref<1x32x128xf32, #tpu.memory_space<vmem>> -> memref<32x128xf32, #tpu.memory_space<vmem>>
      %dma_wait3A_909 = arith.constant 0 : i32
      %dma_wait3A_910 = arith.constant 0 : i32
      %dma_wait3A_911 = tpu.memref_slice %arg4[%dma_wait3A_909, %dma_wait3A_910] : memref<32x1000000xf32, #tpu.memory_space<hbm>> -> memref<32x128xf32, #tpu.memory_space<hbm>>
      tpu.wait_dma2 semaphore(%arg17 : memref<!tpu.dma_semaphore, #tpu.memory_space<semaphore_mem>>) src(%dma_wait3A_911 : memref<32x128xf32, #tpu.memory_space<hbm>>) dst(%dma_wait3A_908 : memref<32x128xf32, #tpu.memory_space<vmem>>)
      %dma_wait3A_912 = arith.constant 4 : i32
      %dma_wait3A_913 = arith.constant 0 : i32
      %dma_wait3A_914 = arith.constant 0 : i32
      %dma_wait3A_915 = tpu.memref_slice %arg10[%dma_wait3A_912, %dma_wait3A_913, %dma_wait3A_914] : memref<8x32x128xf32, #tpu.memory_space<vmem>> -> memref<1x32x128xf32, #tpu.memory_space<vmem>>
      %dma_wait3A_916 = tpu.memref_squeeze %dma_wait3A_915 : memref<1x32x128xf32, #tpu.memory_space<vmem>> -> memref<32x128xf32, #tpu.memory_space<vmem>>
      %dma_wait3A_917 = arith.constant 0 : i32
      %dma_wait3A_918 = arith.constant 0 : i32
      %dma_wait3A_919 = tpu.memref_slice %arg5[%dma_wait3A_917, %dma_wait3A_918] : memref<32x1000000xf32, #tpu.memory_space<hbm>> -> memref<32x128xf32, #tpu.memory_space<hbm>>
      %dma_wait3A_920 = arith.constant 0 : i32
      %dma_wait3A_921 = arith.constant 0 : i32
      %dma_wait3A_922 = tpu.memref_slice %arg10[%dma_wait3A_912, %dma_wait3A_920, %dma_wait3A_921] : memref<8x32x128xf32, #tpu.memory_space<vmem>> -> memref<1x32x128xf32, #tpu.memory_space<vmem>>
      %dma_wait3A_923 = tpu.memref_squeeze %dma_wait3A_922 : memref<1x32x128xf32, #tpu.memory_space<vmem>> -> memref<32x128xf32, #tpu.memory_space<vmem>>
      %dma_wait3A_924 = arith.constant 0 : i32
      %dma_wait3A_925 = arith.constant 0 : i32
      %dma_wait3A_926 = tpu.memref_slice %arg5[%dma_wait3A_924, %dma_wait3A_925] : memref<32x1000000xf32, #tpu.memory_space<hbm>> -> memref<32x128xf32, #tpu.memory_space<hbm>>
      tpu.wait_dma2 semaphore(%arg25 : memref<!tpu.dma_semaphore, #tpu.memory_space<semaphore_mem>>) src(%dma_wait3A_926 : memref<32x128xf32, #tpu.memory_space<hbm>>) dst(%dma_wait3A_923 : memref<32x128xf32, #tpu.memory_space<vmem>>)
      %eq3A_927 = arith.constant 4 : i32
      %eq3A_928 = vector.broadcast %eq3A_927 : i32 to vector<16xi32>
      %eq3A_929 = arith.cmpi eq, %iota3A, %eq3A_928 : vector<16xi32>
      %select_n3A_930 = arith.select %eq3A_929, %get3A_431, %broadcast_in_dim3A_9 : vector<16xi1>, vector<16xi32>
      %reduce_sum3A_931 = arith.constant true
      %reduce_sum3A_932 = vector.broadcast %reduce_sum3A_931 : i1 to vector<16xi1>
      %reduce_sum3A_933 = tpu.scan <sum>, %select_n3A_930 masked %reduce_sum3A_932 : vector<16xi32>, vector<16xi1> -> vector<16xi32>
      %reduce_sum3A_934 = vector.extract %reduce_sum3A_933[15] : i32 from vector<16xi32>
      %eq3A_935 = arith.constant 4 : i32
      %eq3A_936 = vector.broadcast %eq3A_935 : i32 to vector<16xi32>
      %eq3A_937 = arith.cmpi eq, %iota3A, %eq3A_936 : vector<16xi32>
      %select_n3A_938 = arith.select %eq3A_937, %get3A_435, %broadcast_in_dim3A_9 : vector<16xi1>, vector<16xi32>
      %reduce_sum3A_939 = arith.constant true
      %reduce_sum3A_940 = vector.broadcast %reduce_sum3A_939 : i1 to vector<16xi1>
      %reduce_sum3A_941 = tpu.scan <sum>, %select_n3A_938 masked %reduce_sum3A_940 : vector<16xi32>, vector<16xi1> -> vector<16xi32>
      %reduce_sum3A_942 = vector.extract %reduce_sum3A_941[15] : i32 from vector<16xi32>
      %broadcast_in_dim3A_943 = arith.constant 4 : i32
      %broadcast_in_dim3A_944 = vector.broadcast %broadcast_in_dim3A_943 : i32 to vector<16xi32>
      %and3A_945 = arith.constant 127 : i32
      %and3A_946 = arith.andi %reduce_sum3A_934, %and3A_945 : i32
      %broadcast_in_dim3A_947 = vector.broadcast %and3A_946 : i32 to vector<16xi32>
      %and3A_948 = arith.constant 127 : i32
      %and3A_949 = arith.andi %reduce_sum3A_942, %and3A_948 : i32
      %broadcast_in_dim3A_950 = vector.broadcast %and3A_949 : i32 to vector<16xi32>
      %gather3A_951 = tpu.vector_load_idx %arg9[%broadcast_in_dim3A_944, %iota3A, %broadcast_in_dim3A_947] : memref<8x32x128xf32, #tpu.memory_space<vmem>>[vector<16xi32>, vector<16xi32>, vector<16xi32>], vector<16xf32>,
      %gather3A_952 = tpu.vector_load_idx %arg9[%broadcast_in_dim3A_944, %add3A_5, %broadcast_in_dim3A_947] : memref<8x32x128xf32, #tpu.memory_space<vmem>>[vector<16xi32>, vector<16xi32>, vector<16xi32>], vector<16xf32>,
      %gather3A_953 = tpu.vector_load_idx %arg10[%broadcast_in_dim3A_944, %iota3A, %broadcast_in_dim3A_950] : memref<8x32x128xf32, #tpu.memory_space<vmem>>[vector<16xi32>, vector<16xi32>, vector<16xi32>], vector<16xf32>,
      %gather3A_954 = tpu.vector_load_idx %arg10[%broadcast_in_dim3A_944, %add3A_5, %broadcast_in_dim3A_950] : memref<8x32x128xf32, #tpu.memory_space<vmem>>[vector<16xi32>, vector<16xi32>, vector<16xi32>], vector<16xf32>,
      %add3A_955 = arith.constant 4 : i32
      %add3A_956 = vector.broadcast %add3A_955 : i32 to vector<16xi32>
      %add3A_957 = arith.addi %mul3A_8, %add3A_956 : vector<16xi32>
      %mul3A_958 = arith.mulf %gather3A_951, %gather3A_953 : vector<16xf32>
      %mul3A_959 = arith.mulf %gather3A_952, %gather3A_954 : vector<16xf32>
      %add3A_960 = arith.addf %mul3A_958, %mul3A_959 : vector<16xf32>
      tpu.vector_store_idx %arg12[%add3A_957], %add3A_960 : memref<256xf32, #tpu.memory_space<vmem>>[vector<16xi32>], vector<16xf32>,
      %eq3A_961 = arith.constant 12 : i32
      %eq3A_962 = vector.broadcast %eq3A_961 : i32 to vector<16xi32>
      %eq3A_963 = arith.cmpi eq, %iota3A, %eq3A_962 : vector<16xi32>
      %select_n3A_964 = arith.select %eq3A_963, %get3A_431, %broadcast_in_dim3A_9 : vector<16xi1>, vector<16xi32>
      %reduce_sum3A_965 = arith.constant true
      %reduce_sum3A_966 = vector.broadcast %reduce_sum3A_965 : i1 to vector<16xi1>
      %reduce_sum3A_967 = tpu.scan <sum>, %select_n3A_964 masked %reduce_sum3A_966 : vector<16xi32>, vector<16xi1> -> vector<16xi32>
      %reduce_sum3A_968 = vector.extract %reduce_sum3A_967[15] : i32 from vector<16xi32>
      %eq3A_969 = arith.constant 12 : i32
      %eq3A_970 = vector.broadcast %eq3A_969 : i32 to vector<16xi32>
      %eq3A_971 = arith.cmpi eq, %iota3A, %eq3A_970 : vector<16xi32>
      %select_n3A_972 = arith.select %eq3A_971, %get3A_435, %broadcast_in_dim3A_9 : vector<16xi1>, vector<16xi32>
      %reduce_sum3A_973 = arith.constant true
      %reduce_sum3A_974 = vector.broadcast %reduce_sum3A_973 : i1 to vector<16xi1>
      %reduce_sum3A_975 = tpu.scan <sum>, %select_n3A_972 masked %reduce_sum3A_974 : vector<16xi32>, vector<16xi1> -> vector<16xi32>
      %reduce_sum3A_976 = vector.extract %reduce_sum3A_975[15] : i32 from vector<16xi32>
      %shift_right_arithmetic3A_977 = arith.constant 7 : i32
      %shift_right_arithmetic3A_978 = arith.shrsi %reduce_sum3A_968, %shift_right_arithmetic3A_977 : i32
      %mul3A_979 = arith.constant 128 : i32
      %mul3A_980 = arith.muli %shift_right_arithmetic3A_978, %mul3A_979 : i32
      %multiple_of3A_981 = tpu.assume_multiple %mul3A_980, 128 : i32
      %dma_start3A_982 = arith.constant 4 : i32
      %dma_start3A_983 = arith.constant 0 : i32
      %dma_start3A_984 = arith.constant 0 : i32
      %dma_start3A_985 = tpu.memref_slice %arg9[%dma_start3A_982, %dma_start3A_983, %dma_start3A_984] : memref<8x32x128xf32, #tpu.memory_space<vmem>> -> memref<1x32x128xf32, #tpu.memory_space<vmem>>
      %dma_start3A_986 = tpu.memref_squeeze %dma_start3A_985 : memref<1x32x128xf32, #tpu.memory_space<vmem>> -> memref<32x128xf32, #tpu.memory_space<vmem>>
      %dma_start3A_987 = arith.constant 0 : i32
      %dma_start3A_988 = tpu.memref_slice %arg4[%dma_start3A_987, %multiple_of3A_981] : memref<32x1000000xf32, #tpu.memory_space<hbm>> -> memref<32x128xf32, #tpu.memory_space<hbm>>
      %dma_start3A_989 = arith.constant 0 : i32
      %dma_start3A_990 = arith.constant 0 : i32
      %dma_start3A_991 = tpu.memref_slice %arg9[%dma_start3A_982, %dma_start3A_989, %dma_start3A_990] : memref<8x32x128xf32, #tpu.memory_space<vmem>> -> memref<1x32x128xf32, #tpu.memory_space<vmem>>
      %dma_start3A_992 = tpu.memref_squeeze %dma_start3A_991 : memref<1x32x128xf32, #tpu.memory_space<vmem>> -> memref<32x128xf32, #tpu.memory_space<vmem>>
      %dma_start3A_993 = arith.constant 0 : i32
      %dma_start3A_994 = tpu.memref_slice %arg4[%dma_start3A_993, %multiple_of3A_981] : memref<32x1000000xf32, #tpu.memory_space<hbm>> -> memref<32x128xf32, #tpu.memory_space<hbm>>
      tpu.enqueue_dma source(%dma_start3A_994 : memref<32x128xf32, #tpu.memory_space<hbm>>) target(%dma_start3A_992 : memref<32x128xf32, #tpu.memory_space<vmem>>) target_semaphore(%arg17 : memref<!tpu.dma_semaphore, #tpu.memory_space<semaphore_mem>>)
      %shift_right_arithmetic3A_995 = arith.constant 7 : i32
      %shift_right_arithmetic3A_996 = arith.shrsi %reduce_sum3A_976, %shift_right_arithmetic3A_995 : i32
      %mul3A_997 = arith.constant 128 : i32
      %mul3A_998 = arith.muli %shift_right_arithmetic3A_996, %mul3A_997 : i32
      %multiple_of3A_999 = tpu.assume_multiple %mul3A_998, 128 : i32
      %dma_start3A_1000 = arith.constant 4 : i32
      %dma_start3A_1001 = arith.constant 0 : i32
      %dma_start3A_1002 = arith.constant 0 : i32
      %dma_start3A_1003 = tpu.memref_slice %arg10[%dma_start3A_1000, %dma_start3A_1001, %dma_start3A_1002] : memref<8x32x128xf32, #tpu.memory_space<vmem>> -> memref<1x32x128xf32, #tpu.memory_space<vmem>>
      %dma_start3A_1004 = tpu.memref_squeeze %dma_start3A_1003 : memref<1x32x128xf32, #tpu.memory_space<vmem>> -> memref<32x128xf32, #tpu.memory_space<vmem>>
      %dma_start3A_1005 = arith.constant 0 : i32
      %dma_start3A_1006 = tpu.memref_slice %arg5[%dma_start3A_1005, %multiple_of3A_999] : memref<32x1000000xf32, #tpu.memory_space<hbm>> -> memref<32x128xf32, #tpu.memory_space<hbm>>
      %dma_start3A_1007 = arith.constant 0 : i32
      %dma_start3A_1008 = arith.constant 0 : i32
      %dma_start3A_1009 = tpu.memref_slice %arg10[%dma_start3A_1000, %dma_start3A_1007, %dma_start3A_1008] : memref<8x32x128xf32, #tpu.memory_space<vmem>> -> memref<1x32x128xf32, #tpu.memory_space<vmem>>
      %dma_start3A_1010 = tpu.memref_squeeze %dma_start3A_1009 : memref<1x32x128xf32, #tpu.memory_space<vmem>> -> memref<32x128xf32, #tpu.memory_space<vmem>>
      %dma_start3A_1011 = arith.constant 0 : i32
      %dma_start3A_1012 = tpu.memref_slice %arg5[%dma_start3A_1011, %multiple_of3A_999] : memref<32x1000000xf32, #tpu.memory_space<hbm>> -> memref<32x128xf32, #tpu.memory_space<hbm>>
      tpu.enqueue_dma source(%dma_start3A_1012 : memref<32x128xf32, #tpu.memory_space<hbm>>) target(%dma_start3A_1010 : memref<32x128xf32, #tpu.memory_space<vmem>>) target_semaphore(%arg25 : memref<!tpu.dma_semaphore, #tpu.memory_space<semaphore_mem>>)
      %dma_wait3A_1013 = arith.constant 5 : i32
      %dma_wait3A_1014 = arith.constant 0 : i32
      %dma_wait3A_1015 = arith.constant 0 : i32
      %dma_wait3A_1016 = tpu.memref_slice %arg9[%dma_wait3A_1013, %dma_wait3A_1014, %dma_wait3A_1015] : memref<8x32x128xf32, #tpu.memory_space<vmem>> -> memref<1x32x128xf32, #tpu.memory_space<vmem>>
      %dma_wait3A_1017 = tpu.memref_squeeze %dma_wait3A_1016 : memref<1x32x128xf32, #tpu.memory_space<vmem>> -> memref<32x128xf32, #tpu.memory_space<vmem>>
      %dma_wait3A_1018 = arith.constant 0 : i32
      %dma_wait3A_1019 = arith.constant 0 : i32
      %dma_wait3A_1020 = tpu.memref_slice %arg4[%dma_wait3A_1018, %dma_wait3A_1019] : memref<32x1000000xf32, #tpu.memory_space<hbm>> -> memref<32x128xf32, #tpu.memory_space<hbm>>
      %dma_wait3A_1021 = arith.constant 0 : i32
      %dma_wait3A_1022 = arith.constant 0 : i32
      %dma_wait3A_1023 = tpu.memref_slice %arg9[%dma_wait3A_1013, %dma_wait3A_1021, %dma_wait3A_1022] : memref<8x32x128xf32, #tpu.memory_space<vmem>> -> memref<1x32x128xf32, #tpu.memory_space<vmem>>
      %dma_wait3A_1024 = tpu.memref_squeeze %dma_wait3A_1023 : memref<1x32x128xf32, #tpu.memory_space<vmem>> -> memref<32x128xf32, #tpu.memory_space<vmem>>
      %dma_wait3A_1025 = arith.constant 0 : i32
      %dma_wait3A_1026 = arith.constant 0 : i32
      %dma_wait3A_1027 = tpu.memref_slice %arg4[%dma_wait3A_1025, %dma_wait3A_1026] : memref<32x1000000xf32, #tpu.memory_space<hbm>> -> memref<32x128xf32, #tpu.memory_space<hbm>>
      tpu.wait_dma2 semaphore(%arg18 : memref<!tpu.dma_semaphore, #tpu.memory_space<semaphore_mem>>) src(%dma_wait3A_1027 : memref<32x128xf32, #tpu.memory_space<hbm>>) dst(%dma_wait3A_1024 : memref<32x128xf32, #tpu.memory_space<vmem>>)
      %dma_wait3A_1028 = arith.constant 5 : i32
      %dma_wait3A_1029 = arith.constant 0 : i32
      %dma_wait3A_1030 = arith.constant 0 : i32
      %dma_wait3A_1031 = tpu.memref_slice %arg10[%dma_wait3A_1028, %dma_wait3A_1029, %dma_wait3A_1030] : memref<8x32x128xf32, #tpu.memory_space<vmem>> -> memref<1x32x128xf32, #tpu.memory_space<vmem>>
      %dma_wait3A_1032 = tpu.memref_squeeze %dma_wait3A_1031 : memref<1x32x128xf32, #tpu.memory_space<vmem>> -> memref<32x128xf32, #tpu.memory_space<vmem>>
      %dma_wait3A_1033 = arith.constant 0 : i32
      %dma_wait3A_1034 = arith.constant 0 : i32
      %dma_wait3A_1035 = tpu.memref_slice %arg5[%dma_wait3A_1033, %dma_wait3A_1034] : memref<32x1000000xf32, #tpu.memory_space<hbm>> -> memref<32x128xf32, #tpu.memory_space<hbm>>
      %dma_wait3A_1036 = arith.constant 0 : i32
      %dma_wait3A_1037 = arith.constant 0 : i32
      %dma_wait3A_1038 = tpu.memref_slice %arg10[%dma_wait3A_1028, %dma_wait3A_1036, %dma_wait3A_1037] : memref<8x32x128xf32, #tpu.memory_space<vmem>> -> memref<1x32x128xf32, #tpu.memory_space<vmem>>
      %dma_wait3A_1039 = tpu.memref_squeeze %dma_wait3A_1038 : memref<1x32x128xf32, #tpu.memory_space<vmem>> -> memref<32x128xf32, #tpu.memory_space<vmem>>
      %dma_wait3A_1040 = arith.constant 0 : i32
      %dma_wait3A_1041 = arith.constant 0 : i32
      %dma_wait3A_1042 = tpu.memref_slice %arg5[%dma_wait3A_1040, %dma_wait3A_1041] : memref<32x1000000xf32, #tpu.memory_space<hbm>> -> memref<32x128xf32, #tpu.memory_space<hbm>>
      tpu.wait_dma2 semaphore(%arg26 : memref<!tpu.dma_semaphore, #tpu.memory_space<semaphore_mem>>) src(%dma_wait3A_1042 : memref<32x128xf32, #tpu.memory_space<hbm>>) dst(%dma_wait3A_1039 : memref<32x128xf32, #tpu.memory_space<vmem>>)
      %eq3A_1043 = arith.constant 5 : i32
      %eq3A_1044 = vector.broadcast %eq3A_1043 : i32 to vector<16xi32>
      %eq3A_1045 = arith.cmpi eq, %iota3A, %eq3A_1044 : vector<16xi32>
      %select_n3A_1046 = arith.select %eq3A_1045, %get3A_431, %broadcast_in_dim3A_9 : vector<16xi1>, vector<16xi32>
      %reduce_sum3A_1047 = arith.constant true
      %reduce_sum3A_1048 = vector.broadcast %reduce_sum3A_1047 : i1 to vector<16xi1>
      %reduce_sum3A_1049 = tpu.scan <sum>, %select_n3A_1046 masked %reduce_sum3A_1048 : vector<16xi32>, vector<16xi1> -> vector<16xi32>
      %reduce_sum3A_1050 = vector.extract %reduce_sum3A_1049[15] : i32 from vector<16xi32>
      %eq3A_1051 = arith.constant 5 : i32
      %eq3A_1052 = vector.broadcast %eq3A_1051 : i32 to vector<16xi32>
      %eq3A_1053 = arith.cmpi eq, %iota3A, %eq3A_1052 : vector<16xi32>
      %select_n3A_1054 = arith.select %eq3A_1053, %get3A_435, %broadcast_in_dim3A_9 : vector<16xi1>, vector<16xi32>
      %reduce_sum3A_1055 = arith.constant true
      %reduce_sum3A_1056 = vector.broadcast %reduce_sum3A_1055 : i1 to vector<16xi1>
      %reduce_sum3A_1057 = tpu.scan <sum>, %select_n3A_1054 masked %reduce_sum3A_1056 : vector<16xi32>, vector<16xi1> -> vector<16xi32>
      %reduce_sum3A_1058 = vector.extract %reduce_sum3A_1057[15] : i32 from vector<16xi32>
      %broadcast_in_dim3A_1059 = arith.constant 5 : i32
      %broadcast_in_dim3A_1060 = vector.broadcast %broadcast_in_dim3A_1059 : i32 to vector<16xi32>
      %and3A_1061 = arith.constant 127 : i32
      %and3A_1062 = arith.andi %reduce_sum3A_1050, %and3A_1061 : i32
      %broadcast_in_dim3A_1063 = vector.broadcast %and3A_1062 : i32 to vector<16xi32>
      %and3A_1064 = arith.constant 127 : i32
      %and3A_1065 = arith.andi %reduce_sum3A_1058, %and3A_1064 : i32
      %broadcast_in_dim3A_1066 = vector.broadcast %and3A_1065 : i32 to vector<16xi32>
      %gather3A_1067 = tpu.vector_load_idx %arg9[%broadcast_in_dim3A_1060, %iota3A, %broadcast_in_dim3A_1063] : memref<8x32x128xf32, #tpu.memory_space<vmem>>[vector<16xi32>, vector<16xi32>, vector<16xi32>], vector<16xf32>,
      %gather3A_1068 = tpu.vector_load_idx %arg9[%broadcast_in_dim3A_1060, %add3A_5, %broadcast_in_dim3A_1063] : memref<8x32x128xf32, #tpu.memory_space<vmem>>[vector<16xi32>, vector<16xi32>, vector<16xi32>], vector<16xf32>,
      %gather3A_1069 = tpu.vector_load_idx %arg10[%broadcast_in_dim3A_1060, %iota3A, %broadcast_in_dim3A_1066] : memref<8x32x128xf32, #tpu.memory_space<vmem>>[vector<16xi32>, vector<16xi32>, vector<16xi32>], vector<16xf32>,
      %gather3A_1070 = tpu.vector_load_idx %arg10[%broadcast_in_dim3A_1060, %add3A_5, %broadcast_in_dim3A_1066] : memref<8x32x128xf32, #tpu.memory_space<vmem>>[vector<16xi32>, vector<16xi32>, vector<16xi32>], vector<16xf32>,
      %add3A_1071 = arith.constant 5 : i32
      %add3A_1072 = vector.broadcast %add3A_1071 : i32 to vector<16xi32>
      %add3A_1073 = arith.addi %mul3A_8, %add3A_1072 : vector<16xi32>
      %mul3A_1074 = arith.mulf %gather3A_1067, %gather3A_1069 : vector<16xf32>
      %mul3A_1075 = arith.mulf %gather3A_1068, %gather3A_1070 : vector<16xf32>
      %add3A_1076 = arith.addf %mul3A_1074, %mul3A_1075 : vector<16xf32>
      tpu.vector_store_idx %arg12[%add3A_1073], %add3A_1076 : memref<256xf32, #tpu.memory_space<vmem>>[vector<16xi32>], vector<16xf32>,
      %eq3A_1077 = arith.constant 13 : i32
      %eq3A_1078 = vector.broadcast %eq3A_1077 : i32 to vector<16xi32>
      %eq3A_1079 = arith.cmpi eq, %iota3A, %eq3A_1078 : vector<16xi32>
      %select_n3A_1080 = arith.select %eq3A_1079, %get3A_431, %broadcast_in_dim3A_9 : vector<16xi1>, vector<16xi32>
      %reduce_sum3A_1081 = arith.constant true
      %reduce_sum3A_1082 = vector.broadcast %reduce_sum3A_1081 : i1 to vector<16xi1>
      %reduce_sum3A_1083 = tpu.scan <sum>, %select_n3A_1080 masked %reduce_sum3A_1082 : vector<16xi32>, vector<16xi1> -> vector<16xi32>
      %reduce_sum3A_1084 = vector.extract %reduce_sum3A_1083[15] : i32 from vector<16xi32>
      %eq3A_1085 = arith.constant 13 : i32
      %eq3A_1086 = vector.broadcast %eq3A_1085 : i32 to vector<16xi32>
      %eq3A_1087 = arith.cmpi eq, %iota3A, %eq3A_1086 : vector<16xi32>
      %select_n3A_1088 = arith.select %eq3A_1087, %get3A_435, %broadcast_in_dim3A_9 : vector<16xi1>, vector<16xi32>
      %reduce_sum3A_1089 = arith.constant true
      %reduce_sum3A_1090 = vector.broadcast %reduce_sum3A_1089 : i1 to vector<16xi1>
      %reduce_sum3A_1091 = tpu.scan <sum>, %select_n3A_1088 masked %reduce_sum3A_1090 : vector<16xi32>, vector<16xi1> -> vector<16xi32>
      %reduce_sum3A_1092 = vector.extract %reduce_sum3A_1091[15] : i32 from vector<16xi32>
      %shift_right_arithmetic3A_1093 = arith.constant 7 : i32
      %shift_right_arithmetic3A_1094 = arith.shrsi %reduce_sum3A_1084, %shift_right_arithmetic3A_1093 : i32
      %mul3A_1095 = arith.constant 128 : i32
      %mul3A_1096 = arith.muli %shift_right_arithmetic3A_1094, %mul3A_1095 : i32
      %multiple_of3A_1097 = tpu.assume_multiple %mul3A_1096, 128 : i32
      %dma_start3A_1098 = arith.constant 5 : i32
      %dma_start3A_1099 = arith.constant 0 : i32
      %dma_start3A_1100 = arith.constant 0 : i32
      %dma_start3A_1101 = tpu.memref_slice %arg9[%dma_start3A_1098, %dma_start3A_1099, %dma_start3A_1100] : memref<8x32x128xf32, #tpu.memory_space<vmem>> -> memref<1x32x128xf32, #tpu.memory_space<vmem>>
      %dma_start3A_1102 = tpu.memref_squeeze %dma_start3A_1101 : memref<1x32x128xf32, #tpu.memory_space<vmem>> -> memref<32x128xf32, #tpu.memory_space<vmem>>
      %dma_start3A_1103 = arith.constant 0 : i32
      %dma_start3A_1104 = tpu.memref_slice %arg4[%dma_start3A_1103, %multiple_of3A_1097] : memref<32x1000000xf32, #tpu.memory_space<hbm>> -> memref<32x128xf32, #tpu.memory_space<hbm>>
      %dma_start3A_1105 = arith.constant 0 : i32
      %dma_start3A_1106 = arith.constant 0 : i32
      %dma_start3A_1107 = tpu.memref_slice %arg9[%dma_start3A_1098, %dma_start3A_1105, %dma_start3A_1106] : memref<8x32x128xf32, #tpu.memory_space<vmem>> -> memref<1x32x128xf32, #tpu.memory_space<vmem>>
      %dma_start3A_1108 = tpu.memref_squeeze %dma_start3A_1107 : memref<1x32x128xf32, #tpu.memory_space<vmem>> -> memref<32x128xf32, #tpu.memory_space<vmem>>
      %dma_start3A_1109 = arith.constant 0 : i32
      %dma_start3A_1110 = tpu.memref_slice %arg4[%dma_start3A_1109, %multiple_of3A_1097] : memref<32x1000000xf32, #tpu.memory_space<hbm>> -> memref<32x128xf32, #tpu.memory_space<hbm>>
      tpu.enqueue_dma source(%dma_start3A_1110 : memref<32x128xf32, #tpu.memory_space<hbm>>) target(%dma_start3A_1108 : memref<32x128xf32, #tpu.memory_space<vmem>>) target_semaphore(%arg18 : memref<!tpu.dma_semaphore, #tpu.memory_space<semaphore_mem>>)
      %shift_right_arithmetic3A_1111 = arith.constant 7 : i32
      %shift_right_arithmetic3A_1112 = arith.shrsi %reduce_sum3A_1092, %shift_right_arithmetic3A_1111 : i32
      %mul3A_1113 = arith.constant 128 : i32
      %mul3A_1114 = arith.muli %shift_right_arithmetic3A_1112, %mul3A_1113 : i32
      %multiple_of3A_1115 = tpu.assume_multiple %mul3A_1114, 128 : i32
      %dma_start3A_1116 = arith.constant 5 : i32
      %dma_start3A_1117 = arith.constant 0 : i32
      %dma_start3A_1118 = arith.constant 0 : i32
      %dma_start3A_1119 = tpu.memref_slice %arg10[%dma_start3A_1116, %dma_start3A_1117, %dma_start3A_1118] : memref<8x32x128xf32, #tpu.memory_space<vmem>> -> memref<1x32x128xf32, #tpu.memory_space<vmem>>
      %dma_start3A_1120 = tpu.memref_squeeze %dma_start3A_1119 : memref<1x32x128xf32, #tpu.memory_space<vmem>> -> memref<32x128xf32, #tpu.memory_space<vmem>>
      %dma_start3A_1121 = arith.constant 0 : i32
      %dma_start3A_1122 = tpu.memref_slice %arg5[%dma_start3A_1121, %multiple_of3A_1115] : memref<32x1000000xf32, #tpu.memory_space<hbm>> -> memref<32x128xf32, #tpu.memory_space<hbm>>
      %dma_start3A_1123 = arith.constant 0 : i32
      %dma_start3A_1124 = arith.constant 0 : i32
      %dma_start3A_1125 = tpu.memref_slice %arg10[%dma_start3A_1116, %dma_start3A_1123, %dma_start3A_1124] : memref<8x32x128xf32, #tpu.memory_space<vmem>> -> memref<1x32x128xf32, #tpu.memory_space<vmem>>
      %dma_start3A_1126 = tpu.memref_squeeze %dma_start3A_1125 : memref<1x32x128xf32, #tpu.memory_space<vmem>> -> memref<32x128xf32, #tpu.memory_space<vmem>>
      %dma_start3A_1127 = arith.constant 0 : i32
      %dma_start3A_1128 = tpu.memref_slice %arg5[%dma_start3A_1127, %multiple_of3A_1115] : memref<32x1000000xf32, #tpu.memory_space<hbm>> -> memref<32x128xf32, #tpu.memory_space<hbm>>
      tpu.enqueue_dma source(%dma_start3A_1128 : memref<32x128xf32, #tpu.memory_space<hbm>>) target(%dma_start3A_1126 : memref<32x128xf32, #tpu.memory_space<vmem>>) target_semaphore(%arg26 : memref<!tpu.dma_semaphore, #tpu.memory_space<semaphore_mem>>)
      %dma_wait3A_1129 = arith.constant 6 : i32
      %dma_wait3A_1130 = arith.constant 0 : i32
      %dma_wait3A_1131 = arith.constant 0 : i32
      %dma_wait3A_1132 = tpu.memref_slice %arg9[%dma_wait3A_1129, %dma_wait3A_1130, %dma_wait3A_1131] : memref<8x32x128xf32, #tpu.memory_space<vmem>> -> memref<1x32x128xf32, #tpu.memory_space<vmem>>
      %dma_wait3A_1133 = tpu.memref_squeeze %dma_wait3A_1132 : memref<1x32x128xf32, #tpu.memory_space<vmem>> -> memref<32x128xf32, #tpu.memory_space<vmem>>
      %dma_wait3A_1134 = arith.constant 0 : i32
      %dma_wait3A_1135 = arith.constant 0 : i32
      %dma_wait3A_1136 = tpu.memref_slice %arg4[%dma_wait3A_1134, %dma_wait3A_1135] : memref<32x1000000xf32, #tpu.memory_space<hbm>> -> memref<32x128xf32, #tpu.memory_space<hbm>>
      %dma_wait3A_1137 = arith.constant 0 : i32
      %dma_wait3A_1138 = arith.constant 0 : i32
      %dma_wait3A_1139 = tpu.memref_slice %arg9[%dma_wait3A_1129, %dma_wait3A_1137, %dma_wait3A_1138] : memref<8x32x128xf32, #tpu.memory_space<vmem>> -> memref<1x32x128xf32, #tpu.memory_space<vmem>>
      %dma_wait3A_1140 = tpu.memref_squeeze %dma_wait3A_1139 : memref<1x32x128xf32, #tpu.memory_space<vmem>> -> memref<32x128xf32, #tpu.memory_space<vmem>>
      %dma_wait3A_1141 = arith.constant 0 : i32
      %dma_wait3A_1142 = arith.constant 0 : i32
      %dma_wait3A_1143 = tpu.memref_slice %arg4[%dma_wait3A_1141, %dma_wait3A_1142] : memref<32x1000000xf32, #tpu.memory_space<hbm>> -> memref<32x128xf32, #tpu.memory_space<hbm>>
      tpu.wait_dma2 semaphore(%arg19 : memref<!tpu.dma_semaphore, #tpu.memory_space<semaphore_mem>>) src(%dma_wait3A_1143 : memref<32x128xf32, #tpu.memory_space<hbm>>) dst(%dma_wait3A_1140 : memref<32x128xf32, #tpu.memory_space<vmem>>)
      %dma_wait3A_1144 = arith.constant 6 : i32
      %dma_wait3A_1145 = arith.constant 0 : i32
      %dma_wait3A_1146 = arith.constant 0 : i32
      %dma_wait3A_1147 = tpu.memref_slice %arg10[%dma_wait3A_1144, %dma_wait3A_1145, %dma_wait3A_1146] : memref<8x32x128xf32, #tpu.memory_space<vmem>> -> memref<1x32x128xf32, #tpu.memory_space<vmem>>
      %dma_wait3A_1148 = tpu.memref_squeeze %dma_wait3A_1147 : memref<1x32x128xf32, #tpu.memory_space<vmem>> -> memref<32x128xf32, #tpu.memory_space<vmem>>
      %dma_wait3A_1149 = arith.constant 0 : i32
      %dma_wait3A_1150 = arith.constant 0 : i32
      %dma_wait3A_1151 = tpu.memref_slice %arg5[%dma_wait3A_1149, %dma_wait3A_1150] : memref<32x1000000xf32, #tpu.memory_space<hbm>> -> memref<32x128xf32, #tpu.memory_space<hbm>>
      %dma_wait3A_1152 = arith.constant 0 : i32
      %dma_wait3A_1153 = arith.constant 0 : i32
      %dma_wait3A_1154 = tpu.memref_slice %arg10[%dma_wait3A_1144, %dma_wait3A_1152, %dma_wait3A_1153] : memref<8x32x128xf32, #tpu.memory_space<vmem>> -> memref<1x32x128xf32, #tpu.memory_space<vmem>>
      %dma_wait3A_1155 = tpu.memref_squeeze %dma_wait3A_1154 : memref<1x32x128xf32, #tpu.memory_space<vmem>> -> memref<32x128xf32, #tpu.memory_space<vmem>>
      %dma_wait3A_1156 = arith.constant 0 : i32
      %dma_wait3A_1157 = arith.constant 0 : i32
      %dma_wait3A_1158 = tpu.memref_slice %arg5[%dma_wait3A_1156, %dma_wait3A_1157] : memref<32x1000000xf32, #tpu.memory_space<hbm>> -> memref<32x128xf32, #tpu.memory_space<hbm>>
      tpu.wait_dma2 semaphore(%arg27 : memref<!tpu.dma_semaphore, #tpu.memory_space<semaphore_mem>>) src(%dma_wait3A_1158 : memref<32x128xf32, #tpu.memory_space<hbm>>) dst(%dma_wait3A_1155 : memref<32x128xf32, #tpu.memory_space<vmem>>)
      %eq3A_1159 = arith.constant 6 : i32
      %eq3A_1160 = vector.broadcast %eq3A_1159 : i32 to vector<16xi32>
      %eq3A_1161 = arith.cmpi eq, %iota3A, %eq3A_1160 : vector<16xi32>
      %select_n3A_1162 = arith.select %eq3A_1161, %get3A_431, %broadcast_in_dim3A_9 : vector<16xi1>, vector<16xi32>
      %reduce_sum3A_1163 = arith.constant true
      %reduce_sum3A_1164 = vector.broadcast %reduce_sum3A_1163 : i1 to vector<16xi1>
      %reduce_sum3A_1165 = tpu.scan <sum>, %select_n3A_1162 masked %reduce_sum3A_1164 : vector<16xi32>, vector<16xi1> -> vector<16xi32>
      %reduce_sum3A_1166 = vector.extract %reduce_sum3A_1165[15] : i32 from vector<16xi32>
      %eq3A_1167 = arith.constant 6 : i32
      %eq3A_1168 = vector.broadcast %eq3A_1167 : i32 to vector<16xi32>
      %eq3A_1169 = arith.cmpi eq, %iota3A, %eq3A_1168 : vector<16xi32>
      %select_n3A_1170 = arith.select %eq3A_1169, %get3A_435, %broadcast_in_dim3A_9 : vector<16xi1>, vector<16xi32>
      %reduce_sum3A_1171 = arith.constant true
      %reduce_sum3A_1172 = vector.broadcast %reduce_sum3A_1171 : i1 to vector<16xi1>
      %reduce_sum3A_1173 = tpu.scan <sum>, %select_n3A_1170 masked %reduce_sum3A_1172 : vector<16xi32>, vector<16xi1> -> vector<16xi32>
      %reduce_sum3A_1174 = vector.extract %reduce_sum3A_1173[15] : i32 from vector<16xi32>
      %broadcast_in_dim3A_1175 = arith.constant 6 : i32
      %broadcast_in_dim3A_1176 = vector.broadcast %broadcast_in_dim3A_1175 : i32 to vector<16xi32>
      %and3A_1177 = arith.constant 127 : i32
      %and3A_1178 = arith.andi %reduce_sum3A_1166, %and3A_1177 : i32
      %broadcast_in_dim3A_1179 = vector.broadcast %and3A_1178 : i32 to vector<16xi32>
      %and3A_1180 = arith.constant 127 : i32
      %and3A_1181 = arith.andi %reduce_sum3A_1174, %and3A_1180 : i32
      %broadcast_in_dim3A_1182 = vector.broadcast %and3A_1181 : i32 to vector<16xi32>
      %gather3A_1183 = tpu.vector_load_idx %arg9[%broadcast_in_dim3A_1176, %iota3A, %broadcast_in_dim3A_1179] : memref<8x32x128xf32, #tpu.memory_space<vmem>>[vector<16xi32>, vector<16xi32>, vector<16xi32>], vector<16xf32>,
      %gather3A_1184 = tpu.vector_load_idx %arg9[%broadcast_in_dim3A_1176, %add3A_5, %broadcast_in_dim3A_1179] : memref<8x32x128xf32, #tpu.memory_space<vmem>>[vector<16xi32>, vector<16xi32>, vector<16xi32>], vector<16xf32>,
      %gather3A_1185 = tpu.vector_load_idx %arg10[%broadcast_in_dim3A_1176, %iota3A, %broadcast_in_dim3A_1182] : memref<8x32x128xf32, #tpu.memory_space<vmem>>[vector<16xi32>, vector<16xi32>, vector<16xi32>], vector<16xf32>,
      %gather3A_1186 = tpu.vector_load_idx %arg10[%broadcast_in_dim3A_1176, %add3A_5, %broadcast_in_dim3A_1182] : memref<8x32x128xf32, #tpu.memory_space<vmem>>[vector<16xi32>, vector<16xi32>, vector<16xi32>], vector<16xf32>,
      %add3A_1187 = arith.constant 6 : i32
      %add3A_1188 = vector.broadcast %add3A_1187 : i32 to vector<16xi32>
      %add3A_1189 = arith.addi %mul3A_8, %add3A_1188 : vector<16xi32>
      %mul3A_1190 = arith.mulf %gather3A_1183, %gather3A_1185 : vector<16xf32>
      %mul3A_1191 = arith.mulf %gather3A_1184, %gather3A_1186 : vector<16xf32>
      %add3A_1192 = arith.addf %mul3A_1190, %mul3A_1191 : vector<16xf32>
      tpu.vector_store_idx %arg12[%add3A_1189], %add3A_1192 : memref<256xf32, #tpu.memory_space<vmem>>[vector<16xi32>], vector<16xf32>,
      %eq3A_1193 = arith.constant 14 : i32
      %eq3A_1194 = vector.broadcast %eq3A_1193 : i32 to vector<16xi32>
      %eq3A_1195 = arith.cmpi eq, %iota3A, %eq3A_1194 : vector<16xi32>
      %select_n3A_1196 = arith.select %eq3A_1195, %get3A_431, %broadcast_in_dim3A_9 : vector<16xi1>, vector<16xi32>
      %reduce_sum3A_1197 = arith.constant true
      %reduce_sum3A_1198 = vector.broadcast %reduce_sum3A_1197 : i1 to vector<16xi1>
      %reduce_sum3A_1199 = tpu.scan <sum>, %select_n3A_1196 masked %reduce_sum3A_1198 : vector<16xi32>, vector<16xi1> -> vector<16xi32>
      %reduce_sum3A_1200 = vector.extract %reduce_sum3A_1199[15] : i32 from vector<16xi32>
      %eq3A_1201 = arith.constant 14 : i32
      %eq3A_1202 = vector.broadcast %eq3A_1201 : i32 to vector<16xi32>
      %eq3A_1203 = arith.cmpi eq, %iota3A, %eq3A_1202 : vector<16xi32>
      %select_n3A_1204 = arith.select %eq3A_1203, %get3A_435, %broadcast_in_dim3A_9 : vector<16xi1>, vector<16xi32>
      %reduce_sum3A_1205 = arith.constant true
      %reduce_sum3A_1206 = vector.broadcast %reduce_sum3A_1205 : i1 to vector<16xi1>
      %reduce_sum3A_1207 = tpu.scan <sum>, %select_n3A_1204 masked %reduce_sum3A_1206 : vector<16xi32>, vector<16xi1> -> vector<16xi32>
      %reduce_sum3A_1208 = vector.extract %reduce_sum3A_1207[15] : i32 from vector<16xi32>
      %shift_right_arithmetic3A_1209 = arith.constant 7 : i32
      %shift_right_arithmetic3A_1210 = arith.shrsi %reduce_sum3A_1200, %shift_right_arithmetic3A_1209 : i32
      %mul3A_1211 = arith.constant 128 : i32
      %mul3A_1212 = arith.muli %shift_right_arithmetic3A_1210, %mul3A_1211 : i32
      %multiple_of3A_1213 = tpu.assume_multiple %mul3A_1212, 128 : i32
      %dma_start3A_1214 = arith.constant 6 : i32
      %dma_start3A_1215 = arith.constant 0 : i32
      %dma_start3A_1216 = arith.constant 0 : i32
      %dma_start3A_1217 = tpu.memref_slice %arg9[%dma_start3A_1214, %dma_start3A_1215, %dma_start3A_1216] : memref<8x32x128xf32, #tpu.memory_space<vmem>> -> memref<1x32x128xf32, #tpu.memory_space<vmem>>
      %dma_start3A_1218 = tpu.memref_squeeze %dma_start3A_1217 : memref<1x32x128xf32, #tpu.memory_space<vmem>> -> memref<32x128xf32, #tpu.memory_space<vmem>>
      %dma_start3A_1219 = arith.constant 0 : i32
      %dma_start3A_1220 = tpu.memref_slice %arg4[%dma_start3A_1219, %multiple_of3A_1213] : memref<32x1000000xf32, #tpu.memory_space<hbm>> -> memref<32x128xf32, #tpu.memory_space<hbm>>
      %dma_start3A_1221 = arith.constant 0 : i32
      %dma_start3A_1222 = arith.constant 0 : i32
      %dma_start3A_1223 = tpu.memref_slice %arg9[%dma_start3A_1214, %dma_start3A_1221, %dma_start3A_1222] : memref<8x32x128xf32, #tpu.memory_space<vmem>> -> memref<1x32x128xf32, #tpu.memory_space<vmem>>
      %dma_start3A_1224 = tpu.memref_squeeze %dma_start3A_1223 : memref<1x32x128xf32, #tpu.memory_space<vmem>> -> memref<32x128xf32, #tpu.memory_space<vmem>>
      %dma_start3A_1225 = arith.constant 0 : i32
      %dma_start3A_1226 = tpu.memref_slice %arg4[%dma_start3A_1225, %multiple_of3A_1213] : memref<32x1000000xf32, #tpu.memory_space<hbm>> -> memref<32x128xf32, #tpu.memory_space<hbm>>
      tpu.enqueue_dma source(%dma_start3A_1226 : memref<32x128xf32, #tpu.memory_space<hbm>>) target(%dma_start3A_1224 : memref<32x128xf32, #tpu.memory_space<vmem>>) target_semaphore(%arg19 : memref<!tpu.dma_semaphore, #tpu.memory_space<semaphore_mem>>)
      %shift_right_arithmetic3A_1227 = arith.constant 7 : i32
      %shift_right_arithmetic3A_1228 = arith.shrsi %reduce_sum3A_1208, %shift_right_arithmetic3A_1227 : i32
      %mul3A_1229 = arith.constant 128 : i32
      %mul3A_1230 = arith.muli %shift_right_arithmetic3A_1228, %mul3A_1229 : i32
      %multiple_of3A_1231 = tpu.assume_multiple %mul3A_1230, 128 : i32
      %dma_start3A_1232 = arith.constant 6 : i32
      %dma_start3A_1233 = arith.constant 0 : i32
      %dma_start3A_1234 = arith.constant 0 : i32
      %dma_start3A_1235 = tpu.memref_slice %arg10[%dma_start3A_1232, %dma_start3A_1233, %dma_start3A_1234] : memref<8x32x128xf32, #tpu.memory_space<vmem>> -> memref<1x32x128xf32, #tpu.memory_space<vmem>>
      %dma_start3A_1236 = tpu.memref_squeeze %dma_start3A_1235 : memref<1x32x128xf32, #tpu.memory_space<vmem>> -> memref<32x128xf32, #tpu.memory_space<vmem>>
      %dma_start3A_1237 = arith.constant 0 : i32
      %dma_start3A_1238 = tpu.memref_slice %arg5[%dma_start3A_1237, %multiple_of3A_1231] : memref<32x1000000xf32, #tpu.memory_space<hbm>> -> memref<32x128xf32, #tpu.memory_space<hbm>>
      %dma_start3A_1239 = arith.constant 0 : i32
      %dma_start3A_1240 = arith.constant 0 : i32
      %dma_start3A_1241 = tpu.memref_slice %arg10[%dma_start3A_1232, %dma_start3A_1239, %dma_start3A_1240] : memref<8x32x128xf32, #tpu.memory_space<vmem>> -> memref<1x32x128xf32, #tpu.memory_space<vmem>>
      %dma_start3A_1242 = tpu.memref_squeeze %dma_start3A_1241 : memref<1x32x128xf32, #tpu.memory_space<vmem>> -> memref<32x128xf32, #tpu.memory_space<vmem>>
      %dma_start3A_1243 = arith.constant 0 : i32
      %dma_start3A_1244 = tpu.memref_slice %arg5[%dma_start3A_1243, %multiple_of3A_1231] : memref<32x1000000xf32, #tpu.memory_space<hbm>> -> memref<32x128xf32, #tpu.memory_space<hbm>>
      tpu.enqueue_dma source(%dma_start3A_1244 : memref<32x128xf32, #tpu.memory_space<hbm>>) target(%dma_start3A_1242 : memref<32x128xf32, #tpu.memory_space<vmem>>) target_semaphore(%arg27 : memref<!tpu.dma_semaphore, #tpu.memory_space<semaphore_mem>>)
      %dma_wait3A_1245 = arith.constant 7 : i32
      %dma_wait3A_1246 = arith.constant 0 : i32
      %dma_wait3A_1247 = arith.constant 0 : i32
      %dma_wait3A_1248 = tpu.memref_slice %arg9[%dma_wait3A_1245, %dma_wait3A_1246, %dma_wait3A_1247] : memref<8x32x128xf32, #tpu.memory_space<vmem>> -> memref<1x32x128xf32, #tpu.memory_space<vmem>>
      %dma_wait3A_1249 = tpu.memref_squeeze %dma_wait3A_1248 : memref<1x32x128xf32, #tpu.memory_space<vmem>> -> memref<32x128xf32, #tpu.memory_space<vmem>>
      %dma_wait3A_1250 = arith.constant 0 : i32
      %dma_wait3A_1251 = arith.constant 0 : i32
      %dma_wait3A_1252 = tpu.memref_slice %arg4[%dma_wait3A_1250, %dma_wait3A_1251] : memref<32x1000000xf32, #tpu.memory_space<hbm>> -> memref<32x128xf32, #tpu.memory_space<hbm>>
      %dma_wait3A_1253 = arith.constant 0 : i32
      %dma_wait3A_1254 = arith.constant 0 : i32
      %dma_wait3A_1255 = tpu.memref_slice %arg9[%dma_wait3A_1245, %dma_wait3A_1253, %dma_wait3A_1254] : memref<8x32x128xf32, #tpu.memory_space<vmem>> -> memref<1x32x128xf32, #tpu.memory_space<vmem>>
      %dma_wait3A_1256 = tpu.memref_squeeze %dma_wait3A_1255 : memref<1x32x128xf32, #tpu.memory_space<vmem>> -> memref<32x128xf32, #tpu.memory_space<vmem>>
      %dma_wait3A_1257 = arith.constant 0 : i32
      %dma_wait3A_1258 = arith.constant 0 : i32
      %dma_wait3A_1259 = tpu.memref_slice %arg4[%dma_wait3A_1257, %dma_wait3A_1258] : memref<32x1000000xf32, #tpu.memory_space<hbm>> -> memref<32x128xf32, #tpu.memory_space<hbm>>
      tpu.wait_dma2 semaphore(%arg20 : memref<!tpu.dma_semaphore, #tpu.memory_space<semaphore_mem>>) src(%dma_wait3A_1259 : memref<32x128xf32, #tpu.memory_space<hbm>>) dst(%dma_wait3A_1256 : memref<32x128xf32, #tpu.memory_space<vmem>>)
      %dma_wait3A_1260 = arith.constant 7 : i32
      %dma_wait3A_1261 = arith.constant 0 : i32
      %dma_wait3A_1262 = arith.constant 0 : i32
      %dma_wait3A_1263 = tpu.memref_slice %arg10[%dma_wait3A_1260, %dma_wait3A_1261, %dma_wait3A_1262] : memref<8x32x128xf32, #tpu.memory_space<vmem>> -> memref<1x32x128xf32, #tpu.memory_space<vmem>>
      %dma_wait3A_1264 = tpu.memref_squeeze %dma_wait3A_1263 : memref<1x32x128xf32, #tpu.memory_space<vmem>> -> memref<32x128xf32, #tpu.memory_space<vmem>>
      %dma_wait3A_1265 = arith.constant 0 : i32
      %dma_wait3A_1266 = arith.constant 0 : i32
      %dma_wait3A_1267 = tpu.memref_slice %arg5[%dma_wait3A_1265, %dma_wait3A_1266] : memref<32x1000000xf32, #tpu.memory_space<hbm>> -> memref<32x128xf32, #tpu.memory_space<hbm>>
      %dma_wait3A_1268 = arith.constant 0 : i32
      %dma_wait3A_1269 = arith.constant 0 : i32
      %dma_wait3A_1270 = tpu.memref_slice %arg10[%dma_wait3A_1260, %dma_wait3A_1268, %dma_wait3A_1269] : memref<8x32x128xf32, #tpu.memory_space<vmem>> -> memref<1x32x128xf32, #tpu.memory_space<vmem>>
      %dma_wait3A_1271 = tpu.memref_squeeze %dma_wait3A_1270 : memref<1x32x128xf32, #tpu.memory_space<vmem>> -> memref<32x128xf32, #tpu.memory_space<vmem>>
      %dma_wait3A_1272 = arith.constant 0 : i32
      %dma_wait3A_1273 = arith.constant 0 : i32
      %dma_wait3A_1274 = tpu.memref_slice %arg5[%dma_wait3A_1272, %dma_wait3A_1273] : memref<32x1000000xf32, #tpu.memory_space<hbm>> -> memref<32x128xf32, #tpu.memory_space<hbm>>
      tpu.wait_dma2 semaphore(%arg28 : memref<!tpu.dma_semaphore, #tpu.memory_space<semaphore_mem>>) src(%dma_wait3A_1274 : memref<32x128xf32, #tpu.memory_space<hbm>>) dst(%dma_wait3A_1271 : memref<32x128xf32, #tpu.memory_space<vmem>>)
      %eq3A_1275 = arith.constant 7 : i32
      %eq3A_1276 = vector.broadcast %eq3A_1275 : i32 to vector<16xi32>
      %eq3A_1277 = arith.cmpi eq, %iota3A, %eq3A_1276 : vector<16xi32>
      %select_n3A_1278 = arith.select %eq3A_1277, %get3A_431, %broadcast_in_dim3A_9 : vector<16xi1>, vector<16xi32>
      %reduce_sum3A_1279 = arith.constant true
      %reduce_sum3A_1280 = vector.broadcast %reduce_sum3A_1279 : i1 to vector<16xi1>
      %reduce_sum3A_1281 = tpu.scan <sum>, %select_n3A_1278 masked %reduce_sum3A_1280 : vector<16xi32>, vector<16xi1> -> vector<16xi32>
      %reduce_sum3A_1282 = vector.extract %reduce_sum3A_1281[15] : i32 from vector<16xi32>
      %eq3A_1283 = arith.constant 7 : i32
      %eq3A_1284 = vector.broadcast %eq3A_1283 : i32 to vector<16xi32>
      %eq3A_1285 = arith.cmpi eq, %iota3A, %eq3A_1284 : vector<16xi32>
      %select_n3A_1286 = arith.select %eq3A_1285, %get3A_435, %broadcast_in_dim3A_9 : vector<16xi1>, vector<16xi32>
      %reduce_sum3A_1287 = arith.constant true
      %reduce_sum3A_1288 = vector.broadcast %reduce_sum3A_1287 : i1 to vector<16xi1>
      %reduce_sum3A_1289 = tpu.scan <sum>, %select_n3A_1286 masked %reduce_sum3A_1288 : vector<16xi32>, vector<16xi1> -> vector<16xi32>
      %reduce_sum3A_1290 = vector.extract %reduce_sum3A_1289[15] : i32 from vector<16xi32>
      %broadcast_in_dim3A_1291 = arith.constant 7 : i32
      %broadcast_in_dim3A_1292 = vector.broadcast %broadcast_in_dim3A_1291 : i32 to vector<16xi32>
      %and3A_1293 = arith.constant 127 : i32
      %and3A_1294 = arith.andi %reduce_sum3A_1282, %and3A_1293 : i32
      %broadcast_in_dim3A_1295 = vector.broadcast %and3A_1294 : i32 to vector<16xi32>
      %and3A_1296 = arith.constant 127 : i32
      %and3A_1297 = arith.andi %reduce_sum3A_1290, %and3A_1296 : i32
      %broadcast_in_dim3A_1298 = vector.broadcast %and3A_1297 : i32 to vector<16xi32>
      %gather3A_1299 = tpu.vector_load_idx %arg9[%broadcast_in_dim3A_1292, %iota3A, %broadcast_in_dim3A_1295] : memref<8x32x128xf32, #tpu.memory_space<vmem>>[vector<16xi32>, vector<16xi32>, vector<16xi32>], vector<16xf32>,
      %gather3A_1300 = tpu.vector_load_idx %arg9[%broadcast_in_dim3A_1292, %add3A_5, %broadcast_in_dim3A_1295] : memref<8x32x128xf32, #tpu.memory_space<vmem>>[vector<16xi32>, vector<16xi32>, vector<16xi32>], vector<16xf32>,
      %gather3A_1301 = tpu.vector_load_idx %arg10[%broadcast_in_dim3A_1292, %iota3A, %broadcast_in_dim3A_1298] : memref<8x32x128xf32, #tpu.memory_space<vmem>>[vector<16xi32>, vector<16xi32>, vector<16xi32>], vector<16xf32>,
      %gather3A_1302 = tpu.vector_load_idx %arg10[%broadcast_in_dim3A_1292, %add3A_5, %broadcast_in_dim3A_1298] : memref<8x32x128xf32, #tpu.memory_space<vmem>>[vector<16xi32>, vector<16xi32>, vector<16xi32>], vector<16xf32>,
      %add3A_1303 = arith.constant 7 : i32
      %add3A_1304 = vector.broadcast %add3A_1303 : i32 to vector<16xi32>
      %add3A_1305 = arith.addi %mul3A_8, %add3A_1304 : vector<16xi32>
      %mul3A_1306 = arith.mulf %gather3A_1299, %gather3A_1301 : vector<16xf32>
      %mul3A_1307 = arith.mulf %gather3A_1300, %gather3A_1302 : vector<16xf32>
      %add3A_1308 = arith.addf %mul3A_1306, %mul3A_1307 : vector<16xf32>
      tpu.vector_store_idx %arg12[%add3A_1305], %add3A_1308 : memref<256xf32, #tpu.memory_space<vmem>>[vector<16xi32>], vector<16xf32>,
      %eq3A_1309 = arith.constant 15 : i32
      %eq3A_1310 = vector.broadcast %eq3A_1309 : i32 to vector<16xi32>
      %eq3A_1311 = arith.cmpi eq, %iota3A, %eq3A_1310 : vector<16xi32>
      %select_n3A_1312 = arith.select %eq3A_1311, %get3A_431, %broadcast_in_dim3A_9 : vector<16xi1>, vector<16xi32>
      %reduce_sum3A_1313 = arith.constant true
      %reduce_sum3A_1314 = vector.broadcast %reduce_sum3A_1313 : i1 to vector<16xi1>
      %reduce_sum3A_1315 = tpu.scan <sum>, %select_n3A_1312 masked %reduce_sum3A_1314 : vector<16xi32>, vector<16xi1> -> vector<16xi32>
      %reduce_sum3A_1316 = vector.extract %reduce_sum3A_1315[15] : i32 from vector<16xi32>
      %eq3A_1317 = arith.constant 15 : i32
      %eq3A_1318 = vector.broadcast %eq3A_1317 : i32 to vector<16xi32>
      %eq3A_1319 = arith.cmpi eq, %iota3A, %eq3A_1318 : vector<16xi32>
      %select_n3A_1320 = arith.select %eq3A_1319, %get3A_435, %broadcast_in_dim3A_9 : vector<16xi1>, vector<16xi32>
      %reduce_sum3A_1321 = arith.constant true
      %reduce_sum3A_1322 = vector.broadcast %reduce_sum3A_1321 : i1 to vector<16xi1>
      %reduce_sum3A_1323 = tpu.scan <sum>, %select_n3A_1320 masked %reduce_sum3A_1322 : vector<16xi32>, vector<16xi1> -> vector<16xi32>
      %reduce_sum3A_1324 = vector.extract %reduce_sum3A_1323[15] : i32 from vector<16xi32>
      %shift_right_arithmetic3A_1325 = arith.constant 7 : i32
      %shift_right_arithmetic3A_1326 = arith.shrsi %reduce_sum3A_1316, %shift_right_arithmetic3A_1325 : i32
      %mul3A_1327 = arith.constant 128 : i32
      %mul3A_1328 = arith.muli %shift_right_arithmetic3A_1326, %mul3A_1327 : i32
      %multiple_of3A_1329 = tpu.assume_multiple %mul3A_1328, 128 : i32
      %dma_start3A_1330 = arith.constant 7 : i32
      %dma_start3A_1331 = arith.constant 0 : i32
      %dma_start3A_1332 = arith.constant 0 : i32
      %dma_start3A_1333 = tpu.memref_slice %arg9[%dma_start3A_1330, %dma_start3A_1331, %dma_start3A_1332] : memref<8x32x128xf32, #tpu.memory_space<vmem>> -> memref<1x32x128xf32, #tpu.memory_space<vmem>>
      %dma_start3A_1334 = tpu.memref_squeeze %dma_start3A_1333 : memref<1x32x128xf32, #tpu.memory_space<vmem>> -> memref<32x128xf32, #tpu.memory_space<vmem>>
      %dma_start3A_1335 = arith.constant 0 : i32
      %dma_start3A_1336 = tpu.memref_slice %arg4[%dma_start3A_1335, %multiple_of3A_1329] : memref<32x1000000xf32, #tpu.memory_space<hbm>> -> memref<32x128xf32, #tpu.memory_space<hbm>>
      %dma_start3A_1337 = arith.constant 0 : i32
      %dma_start3A_1338 = arith.constant 0 : i32
      %dma_start3A_1339 = tpu.memref_slice %arg9[%dma_start3A_1330, %dma_start3A_1337, %dma_start3A_1338] : memref<8x32x128xf32, #tpu.memory_space<vmem>> -> memref<1x32x128xf32, #tpu.memory_space<vmem>>
      %dma_start3A_1340 = tpu.memref_squeeze %dma_start3A_1339 : memref<1x32x128xf32, #tpu.memory_space<vmem>> -> memref<32x128xf32, #tpu.memory_space<vmem>>
      %dma_start3A_1341 = arith.constant 0 : i32
      %dma_start3A_1342 = tpu.memref_slice %arg4[%dma_start3A_1341, %multiple_of3A_1329] : memref<32x1000000xf32, #tpu.memory_space<hbm>> -> memref<32x128xf32, #tpu.memory_space<hbm>>
      tpu.enqueue_dma source(%dma_start3A_1342 : memref<32x128xf32, #tpu.memory_space<hbm>>) target(%dma_start3A_1340 : memref<32x128xf32, #tpu.memory_space<vmem>>) target_semaphore(%arg20 : memref<!tpu.dma_semaphore, #tpu.memory_space<semaphore_mem>>)
      %shift_right_arithmetic3A_1343 = arith.constant 7 : i32
      %shift_right_arithmetic3A_1344 = arith.shrsi %reduce_sum3A_1324, %shift_right_arithmetic3A_1343 : i32
      %mul3A_1345 = arith.constant 128 : i32
      %mul3A_1346 = arith.muli %shift_right_arithmetic3A_1344, %mul3A_1345 : i32
      %multiple_of3A_1347 = tpu.assume_multiple %mul3A_1346, 128 : i32
      %dma_start3A_1348 = arith.constant 7 : i32
      %dma_start3A_1349 = arith.constant 0 : i32
      %dma_start3A_1350 = arith.constant 0 : i32
      %dma_start3A_1351 = tpu.memref_slice %arg10[%dma_start3A_1348, %dma_start3A_1349, %dma_start3A_1350] : memref<8x32x128xf32, #tpu.memory_space<vmem>> -> memref<1x32x128xf32, #tpu.memory_space<vmem>>
      %dma_start3A_1352 = tpu.memref_squeeze %dma_start3A_1351 : memref<1x32x128xf32, #tpu.memory_space<vmem>> -> memref<32x128xf32, #tpu.memory_space<vmem>>
      %dma_start3A_1353 = arith.constant 0 : i32
      %dma_start3A_1354 = tpu.memref_slice %arg5[%dma_start3A_1353, %multiple_of3A_1347] : memref<32x1000000xf32, #tpu.memory_space<hbm>> -> memref<32x128xf32, #tpu.memory_space<hbm>>
      %dma_start3A_1355 = arith.constant 0 : i32
      %dma_start3A_1356 = arith.constant 0 : i32
      %dma_start3A_1357 = tpu.memref_slice %arg10[%dma_start3A_1348, %dma_start3A_1355, %dma_start3A_1356] : memref<8x32x128xf32, #tpu.memory_space<vmem>> -> memref<1x32x128xf32, #tpu.memory_space<vmem>>
      %dma_start3A_1358 = tpu.memref_squeeze %dma_start3A_1357 : memref<1x32x128xf32, #tpu.memory_space<vmem>> -> memref<32x128xf32, #tpu.memory_space<vmem>>
      %dma_start3A_1359 = arith.constant 0 : i32
      %dma_start3A_1360 = tpu.memref_slice %arg5[%dma_start3A_1359, %multiple_of3A_1347] : memref<32x1000000xf32, #tpu.memory_space<hbm>> -> memref<32x128xf32, #tpu.memory_space<hbm>>
      tpu.enqueue_dma source(%dma_start3A_1360 : memref<32x128xf32, #tpu.memory_space<hbm>>) target(%dma_start3A_1358 : memref<32x128xf32, #tpu.memory_space<vmem>>) target_semaphore(%arg28 : memref<!tpu.dma_semaphore, #tpu.memory_space<semaphore_mem>>)
      %dma_wait3A_1361 = arith.constant 0 : i32
      %dma_wait3A_1362 = arith.constant 0 : i32
      %dma_wait3A_1363 = arith.constant 0 : i32
      %dma_wait3A_1364 = tpu.memref_slice %arg9[%dma_wait3A_1361, %dma_wait3A_1362, %dma_wait3A_1363] : memref<8x32x128xf32, #tpu.memory_space<vmem>> -> memref<1x32x128xf32, #tpu.memory_space<vmem>>
      %dma_wait3A_1365 = tpu.memref_squeeze %dma_wait3A_1364 : memref<1x32x128xf32, #tpu.memory_space<vmem>> -> memref<32x128xf32, #tpu.memory_space<vmem>>
      %dma_wait3A_1366 = arith.constant 0 : i32
      %dma_wait3A_1367 = arith.constant 0 : i32
      %dma_wait3A_1368 = tpu.memref_slice %arg4[%dma_wait3A_1366, %dma_wait3A_1367] : memref<32x1000000xf32, #tpu.memory_space<hbm>> -> memref<32x128xf32, #tpu.memory_space<hbm>>
      %dma_wait3A_1369 = arith.constant 0 : i32
      %dma_wait3A_1370 = arith.constant 0 : i32
      %dma_wait3A_1371 = tpu.memref_slice %arg9[%dma_wait3A_1361, %dma_wait3A_1369, %dma_wait3A_1370] : memref<8x32x128xf32, #tpu.memory_space<vmem>> -> memref<1x32x128xf32, #tpu.memory_space<vmem>>
      %dma_wait3A_1372 = tpu.memref_squeeze %dma_wait3A_1371 : memref<1x32x128xf32, #tpu.memory_space<vmem>> -> memref<32x128xf32, #tpu.memory_space<vmem>>
      %dma_wait3A_1373 = arith.constant 0 : i32
      %dma_wait3A_1374 = arith.constant 0 : i32
      %dma_wait3A_1375 = tpu.memref_slice %arg4[%dma_wait3A_1373, %dma_wait3A_1374] : memref<32x1000000xf32, #tpu.memory_space<hbm>> -> memref<32x128xf32, #tpu.memory_space<hbm>>
      tpu.wait_dma2 semaphore(%arg13 : memref<!tpu.dma_semaphore, #tpu.memory_space<semaphore_mem>>) src(%dma_wait3A_1375 : memref<32x128xf32, #tpu.memory_space<hbm>>) dst(%dma_wait3A_1372 : memref<32x128xf32, #tpu.memory_space<vmem>>)
      %dma_wait3A_1376 = arith.constant 0 : i32
      %dma_wait3A_1377 = arith.constant 0 : i32
      %dma_wait3A_1378 = arith.constant 0 : i32
      %dma_wait3A_1379 = tpu.memref_slice %arg10[%dma_wait3A_1376, %dma_wait3A_1377, %dma_wait3A_1378] : memref<8x32x128xf32, #tpu.memory_space<vmem>> -> memref<1x32x128xf32, #tpu.memory_space<vmem>>
      %dma_wait3A_1380 = tpu.memref_squeeze %dma_wait3A_1379 : memref<1x32x128xf32, #tpu.memory_space<vmem>> -> memref<32x128xf32, #tpu.memory_space<vmem>>
      %dma_wait3A_1381 = arith.constant 0 : i32
      %dma_wait3A_1382 = arith.constant 0 : i32
      %dma_wait3A_1383 = tpu.memref_slice %arg5[%dma_wait3A_1381, %dma_wait3A_1382] : memref<32x1000000xf32, #tpu.memory_space<hbm>> -> memref<32x128xf32, #tpu.memory_space<hbm>>
      %dma_wait3A_1384 = arith.constant 0 : i32
      %dma_wait3A_1385 = arith.constant 0 : i32
      %dma_wait3A_1386 = tpu.memref_slice %arg10[%dma_wait3A_1376, %dma_wait3A_1384, %dma_wait3A_1385] : memref<8x32x128xf32, #tpu.memory_space<vmem>> -> memref<1x32x128xf32, #tpu.memory_space<vmem>>
      %dma_wait3A_1387 = tpu.memref_squeeze %dma_wait3A_1386 : memref<1x32x128xf32, #tpu.memory_space<vmem>> -> memref<32x128xf32, #tpu.memory_space<vmem>>
      %dma_wait3A_1388 = arith.constant 0 : i32
      %dma_wait3A_1389 = arith.constant 0 : i32
      %dma_wait3A_1390 = tpu.memref_slice %arg5[%dma_wait3A_1388, %dma_wait3A_1389] : memref<32x1000000xf32, #tpu.memory_space<hbm>> -> memref<32x128xf32, #tpu.memory_space<hbm>>
      tpu.wait_dma2 semaphore(%arg21 : memref<!tpu.dma_semaphore, #tpu.memory_space<semaphore_mem>>) src(%dma_wait3A_1390 : memref<32x128xf32, #tpu.memory_space<hbm>>) dst(%dma_wait3A_1387 : memref<32x128xf32, #tpu.memory_space<vmem>>)
      %eq3A_1391 = arith.constant 8 : i32
      %eq3A_1392 = vector.broadcast %eq3A_1391 : i32 to vector<16xi32>
      %eq3A_1393 = arith.cmpi eq, %iota3A, %eq3A_1392 : vector<16xi32>
      %select_n3A_1394 = arith.select %eq3A_1393, %get3A_431, %broadcast_in_dim3A_9 : vector<16xi1>, vector<16xi32>
      %reduce_sum3A_1395 = arith.constant true
      %reduce_sum3A_1396 = vector.broadcast %reduce_sum3A_1395 : i1 to vector<16xi1>
      %reduce_sum3A_1397 = tpu.scan <sum>, %select_n3A_1394 masked %reduce_sum3A_1396 : vector<16xi32>, vector<16xi1> -> vector<16xi32>
      %reduce_sum3A_1398 = vector.extract %reduce_sum3A_1397[15] : i32 from vector<16xi32>
      %eq3A_1399 = arith.constant 8 : i32
      %eq3A_1400 = vector.broadcast %eq3A_1399 : i32 to vector<16xi32>
      %eq3A_1401 = arith.cmpi eq, %iota3A, %eq3A_1400 : vector<16xi32>
      %select_n3A_1402 = arith.select %eq3A_1401, %get3A_435, %broadcast_in_dim3A_9 : vector<16xi1>, vector<16xi32>
      %reduce_sum3A_1403 = arith.constant true
      %reduce_sum3A_1404 = vector.broadcast %reduce_sum3A_1403 : i1 to vector<16xi1>
      %reduce_sum3A_1405 = tpu.scan <sum>, %select_n3A_1402 masked %reduce_sum3A_1404 : vector<16xi32>, vector<16xi1> -> vector<16xi32>
      %reduce_sum3A_1406 = vector.extract %reduce_sum3A_1405[15] : i32 from vector<16xi32>
      %broadcast_in_dim3A_1407 = arith.constant 0 : i32
      %broadcast_in_dim3A_1408 = vector.broadcast %broadcast_in_dim3A_1407 : i32 to vector<16xi32>
      %and3A_1409 = arith.constant 127 : i32
      %and3A_1410 = arith.andi %reduce_sum3A_1398, %and3A_1409 : i32
      %broadcast_in_dim3A_1411 = vector.broadcast %and3A_1410 : i32 to vector<16xi32>
      %and3A_1412 = arith.constant 127 : i32
      %and3A_1413 = arith.andi %reduce_sum3A_1406, %and3A_1412 : i32
      %broadcast_in_dim3A_1414 = vector.broadcast %and3A_1413 : i32 to vector<16xi32>
      %gather3A_1415 = tpu.vector_load_idx %arg9[%broadcast_in_dim3A_1408, %iota3A, %broadcast_in_dim3A_1411] : memref<8x32x128xf32, #tpu.memory_space<vmem>>[vector<16xi32>, vector<16xi32>, vector<16xi32>], vector<16xf32>,
      %gather3A_1416 = tpu.vector_load_idx %arg9[%broadcast_in_dim3A_1408, %add3A_5, %broadcast_in_dim3A_1411] : memref<8x32x128xf32, #tpu.memory_space<vmem>>[vector<16xi32>, vector<16xi32>, vector<16xi32>], vector<16xf32>,
      %gather3A_1417 = tpu.vector_load_idx %arg10[%broadcast_in_dim3A_1408, %iota3A, %broadcast_in_dim3A_1414] : memref<8x32x128xf32, #tpu.memory_space<vmem>>[vector<16xi32>, vector<16xi32>, vector<16xi32>], vector<16xf32>,
      %gather3A_1418 = tpu.vector_load_idx %arg10[%broadcast_in_dim3A_1408, %add3A_5, %broadcast_in_dim3A_1414] : memref<8x32x128xf32, #tpu.memory_space<vmem>>[vector<16xi32>, vector<16xi32>, vector<16xi32>], vector<16xf32>,
      %add3A_1419 = arith.constant 8 : i32
      %add3A_1420 = vector.broadcast %add3A_1419 : i32 to vector<16xi32>
      %add3A_1421 = arith.addi %mul3A_8, %add3A_1420 : vector<16xi32>
      %mul3A_1422 = arith.mulf %gather3A_1415, %gather3A_1417 : vector<16xf32>
      %mul3A_1423 = arith.mulf %gather3A_1416, %gather3A_1418 : vector<16xf32>
      %add3A_1424 = arith.addf %mul3A_1422, %mul3A_1423 : vector<16xf32>
      tpu.vector_store_idx %arg12[%add3A_1421], %add3A_1424 : memref<256xf32, #tpu.memory_space<vmem>>[vector<16xi32>], vector<16xf32>,
      %lt3A = arith.constant 31 : i32
      %lt3A_1425 = arith.cmpi slt, %scan3A_427, %lt3A : i32
      %convert_element_type3A = arith.extui %lt3A_1425 : i1 to i32
      %cond3A = arith.constant 0 : i32
      %cond3A_1426 = arith.cmpi ne, %convert_element_type3A, %cond3A : i32
      scf.if %cond3A_1426 {
        %add3A_1960 = arith.constant 1 : i32
        %add3A_1961 = arith.addi %scan3A_427, %add3A_1960 : i32
        %mul3A_1962 = arith.constant 16 : i32
        %mul3A_1963 = arith.muli %add3A_1961, %mul3A_1962 : i32
        %get3A_1964 = arith.index_cast %mul3A_1963 : i32 to index
        %get3A_1965 = tpu.vector_load %arg7[%get3A_1964] {strides = array<i32>} : memref<512xi32, #tpu.memory_space<vmem>>, vector<16xi32>,
        %add3A_1966 = arith.constant 1 : i32
        %add3A_1967 = arith.addi %scan3A_427, %add3A_1966 : i32
        %mul3A_1968 = arith.constant 16 : i32
        %mul3A_1969 = arith.muli %add3A_1967, %mul3A_1968 : i32
        %get3A_1970 = arith.index_cast %mul3A_1969 : i32 to index
        %get3A_1971 = tpu.vector_load %arg8[%get3A_1970] {strides = array<i32>} : memref<512xi32, #tpu.memory_space<vmem>>, vector<16xi32>,
        %eq3A_1972 = arith.constant 0 : i32
        %eq3A_1973 = vector.broadcast %eq3A_1972 : i32 to vector<16xi32>
        %eq3A_1974 = arith.cmpi eq, %iota3A, %eq3A_1973 : vector<16xi32>
        %select_n3A_1975 = arith.select %eq3A_1974, %get3A_1965, %broadcast_in_dim3A_9 : vector<16xi1>, vector<16xi32>
        %reduce_sum3A_1976 = arith.constant true
        %reduce_sum3A_1977 = vector.broadcast %reduce_sum3A_1976 : i1 to vector<16xi1>
        %reduce_sum3A_1978 = tpu.scan <sum>, %select_n3A_1975 masked %reduce_sum3A_1977 : vector<16xi32>, vector<16xi1> -> vector<16xi32>
        %reduce_sum3A_1979 = vector.extract %reduce_sum3A_1978[15] : i32 from vector<16xi32>
        %eq3A_1980 = arith.constant 0 : i32
        %eq3A_1981 = vector.broadcast %eq3A_1980 : i32 to vector<16xi32>
        %eq3A_1982 = arith.cmpi eq, %iota3A, %eq3A_1981 : vector<16xi32>
        %select_n3A_1983 = arith.select %eq3A_1982, %get3A_1971, %broadcast_in_dim3A_9 : vector<16xi1>, vector<16xi32>
        %reduce_sum3A_1984 = arith.constant true
        %reduce_sum3A_1985 = vector.broadcast %reduce_sum3A_1984 : i1 to vector<16xi1>
        %reduce_sum3A_1986 = tpu.scan <sum>, %select_n3A_1983 masked %reduce_sum3A_1985 : vector<16xi32>, vector<16xi1> -> vector<16xi32>
        %reduce_sum3A_1987 = vector.extract %reduce_sum3A_1986[15] : i32 from vector<16xi32>
        %shift_right_arithmetic3A_1988 = arith.constant 7 : i32
        %shift_right_arithmetic3A_1989 = arith.shrsi %reduce_sum3A_1979, %shift_right_arithmetic3A_1988 : i32
        %mul3A_1990 = arith.constant 128 : i32
        %mul3A_1991 = arith.muli %shift_right_arithmetic3A_1989, %mul3A_1990 : i32
        %multiple_of3A_1992 = tpu.assume_multiple %mul3A_1991, 128 : i32
        %dma_start3A_1993 = arith.constant 0 : i32
        %dma_start3A_1994 = arith.constant 0 : i32
        %dma_start3A_1995 = arith.constant 0 : i32
        %dma_start3A_1996 = tpu.memref_slice %arg9[%dma_start3A_1993, %dma_start3A_1994, %dma_start3A_1995] : memref<8x32x128xf32, #tpu.memory_space<vmem>> -> memref<1x32x128xf32, #tpu.memory_space<vmem>>
        %dma_start3A_1997 = tpu.memref_squeeze %dma_start3A_1996 : memref<1x32x128xf32, #tpu.memory_space<vmem>> -> memref<32x128xf32, #tpu.memory_space<vmem>>
        %dma_start3A_1998 = arith.constant 0 : i32
        %dma_start3A_1999 = tpu.memref_slice %arg4[%dma_start3A_1998, %multiple_of3A_1992] : memref<32x1000000xf32, #tpu.memory_space<hbm>> -> memref<32x128xf32, #tpu.memory_space<hbm>>
        %dma_start3A_2000 = arith.constant 0 : i32
        %dma_start3A_2001 = arith.constant 0 : i32
        %dma_start3A_2002 = tpu.memref_slice %arg9[%dma_start3A_1993, %dma_start3A_2000, %dma_start3A_2001] : memref<8x32x128xf32, #tpu.memory_space<vmem>> -> memref<1x32x128xf32, #tpu.memory_space<vmem>>
        %dma_start3A_2003 = tpu.memref_squeeze %dma_start3A_2002 : memref<1x32x128xf32, #tpu.memory_space<vmem>> -> memref<32x128xf32, #tpu.memory_space<vmem>>
        %dma_start3A_2004 = arith.constant 0 : i32
        %dma_start3A_2005 = tpu.memref_slice %arg4[%dma_start3A_2004, %multiple_of3A_1992] : memref<32x1000000xf32, #tpu.memory_space<hbm>> -> memref<32x128xf32, #tpu.memory_space<hbm>>
        tpu.enqueue_dma source(%dma_start3A_2005 : memref<32x128xf32, #tpu.memory_space<hbm>>) target(%dma_start3A_2003 : memref<32x128xf32, #tpu.memory_space<vmem>>) target_semaphore(%arg13 : memref<!tpu.dma_semaphore, #tpu.memory_space<semaphore_mem>>)
        %shift_right_arithmetic3A_2006 = arith.constant 7 : i32
        %shift_right_arithmetic3A_2007 = arith.shrsi %reduce_sum3A_1987, %shift_right_arithmetic3A_2006 : i32
        %mul3A_2008 = arith.constant 128 : i32
        %mul3A_2009 = arith.muli %shift_right_arithmetic3A_2007, %mul3A_2008 : i32
        %multiple_of3A_2010 = tpu.assume_multiple %mul3A_2009, 128 : i32
        %dma_start3A_2011 = arith.constant 0 : i32
        %dma_start3A_2012 = arith.constant 0 : i32
        %dma_start3A_2013 = arith.constant 0 : i32
        %dma_start3A_2014 = tpu.memref_slice %arg10[%dma_start3A_2011, %dma_start3A_2012, %dma_start3A_2013] : memref<8x32x128xf32, #tpu.memory_space<vmem>> -> memref<1x32x128xf32, #tpu.memory_space<vmem>>
        %dma_start3A_2015 = tpu.memref_squeeze %dma_start3A_2014 : memref<1x32x128xf32, #tpu.memory_space<vmem>> -> memref<32x128xf32, #tpu.memory_space<vmem>>
        %dma_start3A_2016 = arith.constant 0 : i32
        %dma_start3A_2017 = tpu.memref_slice %arg5[%dma_start3A_2016, %multiple_of3A_2010] : memref<32x1000000xf32, #tpu.memory_space<hbm>> -> memref<32x128xf32, #tpu.memory_space<hbm>>
        %dma_start3A_2018 = arith.constant 0 : i32
        %dma_start3A_2019 = arith.constant 0 : i32
        %dma_start3A_2020 = tpu.memref_slice %arg10[%dma_start3A_2011, %dma_start3A_2018, %dma_start3A_2019] : memref<8x32x128xf32, #tpu.memory_space<vmem>> -> memref<1x32x128xf32, #tpu.memory_space<vmem>>
        %dma_start3A_2021 = tpu.memref_squeeze %dma_start3A_2020 : memref<1x32x128xf32, #tpu.memory_space<vmem>> -> memref<32x128xf32, #tpu.memory_space<vmem>>
        %dma_start3A_2022 = arith.constant 0 : i32
        %dma_start3A_2023 = tpu.memref_slice %arg5[%dma_start3A_2022, %multiple_of3A_2010] : memref<32x1000000xf32, #tpu.memory_space<hbm>> -> memref<32x128xf32, #tpu.memory_space<hbm>>
        tpu.enqueue_dma source(%dma_start3A_2023 : memref<32x128xf32, #tpu.memory_space<hbm>>) target(%dma_start3A_2021 : memref<32x128xf32, #tpu.memory_space<vmem>>) target_semaphore(%arg21 : memref<!tpu.dma_semaphore, #tpu.memory_space<semaphore_mem>>)
      } else {
      }
      %dma_wait3A_1427 = arith.constant 1 : i32
      %dma_wait3A_1428 = arith.constant 0 : i32
      %dma_wait3A_1429 = arith.constant 0 : i32
      %dma_wait3A_1430 = tpu.memref_slice %arg9[%dma_wait3A_1427, %dma_wait3A_1428, %dma_wait3A_1429] : memref<8x32x128xf32, #tpu.memory_space<vmem>> -> memref<1x32x128xf32, #tpu.memory_space<vmem>>
      %dma_wait3A_1431 = tpu.memref_squeeze %dma_wait3A_1430 : memref<1x32x128xf32, #tpu.memory_space<vmem>> -> memref<32x128xf32, #tpu.memory_space<vmem>>
      %dma_wait3A_1432 = arith.constant 0 : i32
      %dma_wait3A_1433 = arith.constant 0 : i32
      %dma_wait3A_1434 = tpu.memref_slice %arg4[%dma_wait3A_1432, %dma_wait3A_1433] : memref<32x1000000xf32, #tpu.memory_space<hbm>> -> memref<32x128xf32, #tpu.memory_space<hbm>>
      %dma_wait3A_1435 = arith.constant 0 : i32
      %dma_wait3A_1436 = arith.constant 0 : i32
      %dma_wait3A_1437 = tpu.memref_slice %arg9[%dma_wait3A_1427, %dma_wait3A_1435, %dma_wait3A_1436] : memref<8x32x128xf32, #tpu.memory_space<vmem>> -> memref<1x32x128xf32, #tpu.memory_space<vmem>>
      %dma_wait3A_1438 = tpu.memref_squeeze %dma_wait3A_1437 : memref<1x32x128xf32, #tpu.memory_space<vmem>> -> memref<32x128xf32, #tpu.memory_space<vmem>>
      %dma_wait3A_1439 = arith.constant 0 : i32
      %dma_wait3A_1440 = arith.constant 0 : i32
      %dma_wait3A_1441 = tpu.memref_slice %arg4[%dma_wait3A_1439, %dma_wait3A_1440] : memref<32x1000000xf32, #tpu.memory_space<hbm>> -> memref<32x128xf32, #tpu.memory_space<hbm>>
      tpu.wait_dma2 semaphore(%arg14 : memref<!tpu.dma_semaphore, #tpu.memory_space<semaphore_mem>>) src(%dma_wait3A_1441 : memref<32x128xf32, #tpu.memory_space<hbm>>) dst(%dma_wait3A_1438 : memref<32x128xf32, #tpu.memory_space<vmem>>)
      %dma_wait3A_1442 = arith.constant 1 : i32
      %dma_wait3A_1443 = arith.constant 0 : i32
      %dma_wait3A_1444 = arith.constant 0 : i32
      %dma_wait3A_1445 = tpu.memref_slice %arg10[%dma_wait3A_1442, %dma_wait3A_1443, %dma_wait3A_1444] : memref<8x32x128xf32, #tpu.memory_space<vmem>> -> memref<1x32x128xf32, #tpu.memory_space<vmem>>
      %dma_wait3A_1446 = tpu.memref_squeeze %dma_wait3A_1445 : memref<1x32x128xf32, #tpu.memory_space<vmem>> -> memref<32x128xf32, #tpu.memory_space<vmem>>
      %dma_wait3A_1447 = arith.constant 0 : i32
      %dma_wait3A_1448 = arith.constant 0 : i32
      %dma_wait3A_1449 = tpu.memref_slice %arg5[%dma_wait3A_1447, %dma_wait3A_1448] : memref<32x1000000xf32, #tpu.memory_space<hbm>> -> memref<32x128xf32, #tpu.memory_space<hbm>>
      %dma_wait3A_1450 = arith.constant 0 : i32
      %dma_wait3A_1451 = arith.constant 0 : i32
      %dma_wait3A_1452 = tpu.memref_slice %arg10[%dma_wait3A_1442, %dma_wait3A_1450, %dma_wait3A_1451] : memref<8x32x128xf32, #tpu.memory_space<vmem>> -> memref<1x32x128xf32, #tpu.memory_space<vmem>>
      %dma_wait3A_1453 = tpu.memref_squeeze %dma_wait3A_1452 : memref<1x32x128xf32, #tpu.memory_space<vmem>> -> memref<32x128xf32, #tpu.memory_space<vmem>>
      %dma_wait3A_1454 = arith.constant 0 : i32
      %dma_wait3A_1455 = arith.constant 0 : i32
      %dma_wait3A_1456 = tpu.memref_slice %arg5[%dma_wait3A_1454, %dma_wait3A_1455] : memref<32x1000000xf32, #tpu.memory_space<hbm>> -> memref<32x128xf32, #tpu.memory_space<hbm>>
      tpu.wait_dma2 semaphore(%arg22 : memref<!tpu.dma_semaphore, #tpu.memory_space<semaphore_mem>>) src(%dma_wait3A_1456 : memref<32x128xf32, #tpu.memory_space<hbm>>) dst(%dma_wait3A_1453 : memref<32x128xf32, #tpu.memory_space<vmem>>)
      %eq3A_1457 = arith.constant 9 : i32
      %eq3A_1458 = vector.broadcast %eq3A_1457 : i32 to vector<16xi32>
      %eq3A_1459 = arith.cmpi eq, %iota3A, %eq3A_1458 : vector<16xi32>
      %select_n3A_1460 = arith.select %eq3A_1459, %get3A_431, %broadcast_in_dim3A_9 : vector<16xi1>, vector<16xi32>
      %reduce_sum3A_1461 = arith.constant true
      %reduce_sum3A_1462 = vector.broadcast %reduce_sum3A_1461 : i1 to vector<16xi1>
      %reduce_sum3A_1463 = tpu.scan <sum>, %select_n3A_1460 masked %reduce_sum3A_1462 : vector<16xi32>, vector<16xi1> -> vector<16xi32>
      %reduce_sum3A_1464 = vector.extract %reduce_sum3A_1463[15] : i32 from vector<16xi32>
      %eq3A_1465 = arith.constant 9 : i32
      %eq3A_1466 = vector.broadcast %eq3A_1465 : i32 to vector<16xi32>
      %eq3A_1467 = arith.cmpi eq, %iota3A, %eq3A_1466 : vector<16xi32>
      %select_n3A_1468 = arith.select %eq3A_1467, %get3A_435, %broadcast_in_dim3A_9 : vector<16xi1>, vector<16xi32>
      %reduce_sum3A_1469 = arith.constant true
      %reduce_sum3A_1470 = vector.broadcast %reduce_sum3A_1469 : i1 to vector<16xi1>
      %reduce_sum3A_1471 = tpu.scan <sum>, %select_n3A_1468 masked %reduce_sum3A_1470 : vector<16xi32>, vector<16xi1> -> vector<16xi32>
      %reduce_sum3A_1472 = vector.extract %reduce_sum3A_1471[15] : i32 from vector<16xi32>
      %broadcast_in_dim3A_1473 = arith.constant 1 : i32
      %broadcast_in_dim3A_1474 = vector.broadcast %broadcast_in_dim3A_1473 : i32 to vector<16xi32>
      %and3A_1475 = arith.constant 127 : i32
      %and3A_1476 = arith.andi %reduce_sum3A_1464, %and3A_1475 : i32
      %broadcast_in_dim3A_1477 = vector.broadcast %and3A_1476 : i32 to vector<16xi32>
      %and3A_1478 = arith.constant 127 : i32
      %and3A_1479 = arith.andi %reduce_sum3A_1472, %and3A_1478 : i32
      %broadcast_in_dim3A_1480 = vector.broadcast %and3A_1479 : i32 to vector<16xi32>
      %gather3A_1481 = tpu.vector_load_idx %arg9[%broadcast_in_dim3A_1474, %iota3A, %broadcast_in_dim3A_1477] : memref<8x32x128xf32, #tpu.memory_space<vmem>>[vector<16xi32>, vector<16xi32>, vector<16xi32>], vector<16xf32>,
      %gather3A_1482 = tpu.vector_load_idx %arg9[%broadcast_in_dim3A_1474, %add3A_5, %broadcast_in_dim3A_1477] : memref<8x32x128xf32, #tpu.memory_space<vmem>>[vector<16xi32>, vector<16xi32>, vector<16xi32>], vector<16xf32>,
      %gather3A_1483 = tpu.vector_load_idx %arg10[%broadcast_in_dim3A_1474, %iota3A, %broadcast_in_dim3A_1480] : memref<8x32x128xf32, #tpu.memory_space<vmem>>[vector<16xi32>, vector<16xi32>, vector<16xi32>], vector<16xf32>,
      %gather3A_1484 = tpu.vector_load_idx %arg10[%broadcast_in_dim3A_1474, %add3A_5, %broadcast_in_dim3A_1480] : memref<8x32x128xf32, #tpu.memory_space<vmem>>[vector<16xi32>, vector<16xi32>, vector<16xi32>], vector<16xf32>,
      %add3A_1485 = arith.constant 9 : i32
      %add3A_1486 = vector.broadcast %add3A_1485 : i32 to vector<16xi32>
      %add3A_1487 = arith.addi %mul3A_8, %add3A_1486 : vector<16xi32>
      %mul3A_1488 = arith.mulf %gather3A_1481, %gather3A_1483 : vector<16xf32>
      %mul3A_1489 = arith.mulf %gather3A_1482, %gather3A_1484 : vector<16xf32>
      %add3A_1490 = arith.addf %mul3A_1488, %mul3A_1489 : vector<16xf32>
      tpu.vector_store_idx %arg12[%add3A_1487], %add3A_1490 : memref<256xf32, #tpu.memory_space<vmem>>[vector<16xi32>], vector<16xf32>,
      %lt3A_1491 = arith.constant 31 : i32
      %lt3A_1492 = arith.cmpi slt, %scan3A_427, %lt3A_1491 : i32
      %convert_element_type3A_1493 = arith.extui %lt3A_1492 : i1 to i32
      %cond3A_1494 = arith.constant 0 : i32
      %cond3A_1495 = arith.cmpi ne, %convert_element_type3A_1493, %cond3A_1494 : i32
      scf.if %cond3A_1495 {
        %add3A_1960 = arith.constant 1 : i32
        %add3A_1961 = arith.addi %scan3A_427, %add3A_1960 : i32
        %mul3A_1962 = arith.constant 16 : i32
        %mul3A_1963 = arith.muli %add3A_1961, %mul3A_1962 : i32
        %get3A_1964 = arith.index_cast %mul3A_1963 : i32 to index
        %get3A_1965 = tpu.vector_load %arg7[%get3A_1964] {strides = array<i32>} : memref<512xi32, #tpu.memory_space<vmem>>, vector<16xi32>,
        %add3A_1966 = arith.constant 1 : i32
        %add3A_1967 = arith.addi %scan3A_427, %add3A_1966 : i32
        %mul3A_1968 = arith.constant 16 : i32
        %mul3A_1969 = arith.muli %add3A_1967, %mul3A_1968 : i32
        %get3A_1970 = arith.index_cast %mul3A_1969 : i32 to index
        %get3A_1971 = tpu.vector_load %arg8[%get3A_1970] {strides = array<i32>} : memref<512xi32, #tpu.memory_space<vmem>>, vector<16xi32>,
        %eq3A_1972 = arith.constant 1 : i32
        %eq3A_1973 = vector.broadcast %eq3A_1972 : i32 to vector<16xi32>
        %eq3A_1974 = arith.cmpi eq, %iota3A, %eq3A_1973 : vector<16xi32>
        %select_n3A_1975 = arith.select %eq3A_1974, %get3A_1965, %broadcast_in_dim3A_9 : vector<16xi1>, vector<16xi32>
        %reduce_sum3A_1976 = arith.constant true
        %reduce_sum3A_1977 = vector.broadcast %reduce_sum3A_1976 : i1 to vector<16xi1>
        %reduce_sum3A_1978 = tpu.scan <sum>, %select_n3A_1975 masked %reduce_sum3A_1977 : vector<16xi32>, vector<16xi1> -> vector<16xi32>
        %reduce_sum3A_1979 = vector.extract %reduce_sum3A_1978[15] : i32 from vector<16xi32>
        %eq3A_1980 = arith.constant 1 : i32
        %eq3A_1981 = vector.broadcast %eq3A_1980 : i32 to vector<16xi32>
        %eq3A_1982 = arith.cmpi eq, %iota3A, %eq3A_1981 : vector<16xi32>
        %select_n3A_1983 = arith.select %eq3A_1982, %get3A_1971, %broadcast_in_dim3A_9 : vector<16xi1>, vector<16xi32>
        %reduce_sum3A_1984 = arith.constant true
        %reduce_sum3A_1985 = vector.broadcast %reduce_sum3A_1984 : i1 to vector<16xi1>
        %reduce_sum3A_1986 = tpu.scan <sum>, %select_n3A_1983 masked %reduce_sum3A_1985 : vector<16xi32>, vector<16xi1> -> vector<16xi32>
        %reduce_sum3A_1987 = vector.extract %reduce_sum3A_1986[15] : i32 from vector<16xi32>
        %shift_right_arithmetic3A_1988 = arith.constant 7 : i32
        %shift_right_arithmetic3A_1989 = arith.shrsi %reduce_sum3A_1979, %shift_right_arithmetic3A_1988 : i32
        %mul3A_1990 = arith.constant 128 : i32
        %mul3A_1991 = arith.muli %shift_right_arithmetic3A_1989, %mul3A_1990 : i32
        %multiple_of3A_1992 = tpu.assume_multiple %mul3A_1991, 128 : i32
        %dma_start3A_1993 = arith.constant 1 : i32
        %dma_start3A_1994 = arith.constant 0 : i32
        %dma_start3A_1995 = arith.constant 0 : i32
        %dma_start3A_1996 = tpu.memref_slice %arg9[%dma_start3A_1993, %dma_start3A_1994, %dma_start3A_1995] : memref<8x32x128xf32, #tpu.memory_space<vmem>> -> memref<1x32x128xf32, #tpu.memory_space<vmem>>
        %dma_start3A_1997 = tpu.memref_squeeze %dma_start3A_1996 : memref<1x32x128xf32, #tpu.memory_space<vmem>> -> memref<32x128xf32, #tpu.memory_space<vmem>>
        %dma_start3A_1998 = arith.constant 0 : i32
        %dma_start3A_1999 = tpu.memref_slice %arg4[%dma_start3A_1998, %multiple_of3A_1992] : memref<32x1000000xf32, #tpu.memory_space<hbm>> -> memref<32x128xf32, #tpu.memory_space<hbm>>
        %dma_start3A_2000 = arith.constant 0 : i32
        %dma_start3A_2001 = arith.constant 0 : i32
        %dma_start3A_2002 = tpu.memref_slice %arg9[%dma_start3A_1993, %dma_start3A_2000, %dma_start3A_2001] : memref<8x32x128xf32, #tpu.memory_space<vmem>> -> memref<1x32x128xf32, #tpu.memory_space<vmem>>
        %dma_start3A_2003 = tpu.memref_squeeze %dma_start3A_2002 : memref<1x32x128xf32, #tpu.memory_space<vmem>> -> memref<32x128xf32, #tpu.memory_space<vmem>>
        %dma_start3A_2004 = arith.constant 0 : i32
        %dma_start3A_2005 = tpu.memref_slice %arg4[%dma_start3A_2004, %multiple_of3A_1992] : memref<32x1000000xf32, #tpu.memory_space<hbm>> -> memref<32x128xf32, #tpu.memory_space<hbm>>
        tpu.enqueue_dma source(%dma_start3A_2005 : memref<32x128xf32, #tpu.memory_space<hbm>>) target(%dma_start3A_2003 : memref<32x128xf32, #tpu.memory_space<vmem>>) target_semaphore(%arg14 : memref<!tpu.dma_semaphore, #tpu.memory_space<semaphore_mem>>)
        %shift_right_arithmetic3A_2006 = arith.constant 7 : i32
        %shift_right_arithmetic3A_2007 = arith.shrsi %reduce_sum3A_1987, %shift_right_arithmetic3A_2006 : i32
        %mul3A_2008 = arith.constant 128 : i32
        %mul3A_2009 = arith.muli %shift_right_arithmetic3A_2007, %mul3A_2008 : i32
        %multiple_of3A_2010 = tpu.assume_multiple %mul3A_2009, 128 : i32
        %dma_start3A_2011 = arith.constant 1 : i32
        %dma_start3A_2012 = arith.constant 0 : i32
        %dma_start3A_2013 = arith.constant 0 : i32
        %dma_start3A_2014 = tpu.memref_slice %arg10[%dma_start3A_2011, %dma_start3A_2012, %dma_start3A_2013] : memref<8x32x128xf32, #tpu.memory_space<vmem>> -> memref<1x32x128xf32, #tpu.memory_space<vmem>>
        %dma_start3A_2015 = tpu.memref_squeeze %dma_start3A_2014 : memref<1x32x128xf32, #tpu.memory_space<vmem>> -> memref<32x128xf32, #tpu.memory_space<vmem>>
        %dma_start3A_2016 = arith.constant 0 : i32
        %dma_start3A_2017 = tpu.memref_slice %arg5[%dma_start3A_2016, %multiple_of3A_2010] : memref<32x1000000xf32, #tpu.memory_space<hbm>> -> memref<32x128xf32, #tpu.memory_space<hbm>>
        %dma_start3A_2018 = arith.constant 0 : i32
        %dma_start3A_2019 = arith.constant 0 : i32
        %dma_start3A_2020 = tpu.memref_slice %arg10[%dma_start3A_2011, %dma_start3A_2018, %dma_start3A_2019] : memref<8x32x128xf32, #tpu.memory_space<vmem>> -> memref<1x32x128xf32, #tpu.memory_space<vmem>>
        %dma_start3A_2021 = tpu.memref_squeeze %dma_start3A_2020 : memref<1x32x128xf32, #tpu.memory_space<vmem>> -> memref<32x128xf32, #tpu.memory_space<vmem>>
        %dma_start3A_2022 = arith.constant 0 : i32
        %dma_start3A_2023 = tpu.memref_slice %arg5[%dma_start3A_2022, %multiple_of3A_2010] : memref<32x1000000xf32, #tpu.memory_space<hbm>> -> memref<32x128xf32, #tpu.memory_space<hbm>>
        tpu.enqueue_dma source(%dma_start3A_2023 : memref<32x128xf32, #tpu.memory_space<hbm>>) target(%dma_start3A_2021 : memref<32x128xf32, #tpu.memory_space<vmem>>) target_semaphore(%arg22 : memref<!tpu.dma_semaphore, #tpu.memory_space<semaphore_mem>>)
      } else {
      }
      %dma_wait3A_1496 = arith.constant 2 : i32
      %dma_wait3A_1497 = arith.constant 0 : i32
      %dma_wait3A_1498 = arith.constant 0 : i32
      %dma_wait3A_1499 = tpu.memref_slice %arg9[%dma_wait3A_1496, %dma_wait3A_1497, %dma_wait3A_1498] : memref<8x32x128xf32, #tpu.memory_space<vmem>> -> memref<1x32x128xf32, #tpu.memory_space<vmem>>
      %dma_wait3A_1500 = tpu.memref_squeeze %dma_wait3A_1499 : memref<1x32x128xf32, #tpu.memory_space<vmem>> -> memref<32x128xf32, #tpu.memory_space<vmem>>
      %dma_wait3A_1501 = arith.constant 0 : i32
      %dma_wait3A_1502 = arith.constant 0 : i32
      %dma_wait3A_1503 = tpu.memref_slice %arg4[%dma_wait3A_1501, %dma_wait3A_1502] : memref<32x1000000xf32, #tpu.memory_space<hbm>> -> memref<32x128xf32, #tpu.memory_space<hbm>>
      %dma_wait3A_1504 = arith.constant 0 : i32
      %dma_wait3A_1505 = arith.constant 0 : i32
      %dma_wait3A_1506 = tpu.memref_slice %arg9[%dma_wait3A_1496, %dma_wait3A_1504, %dma_wait3A_1505] : memref<8x32x128xf32, #tpu.memory_space<vmem>> -> memref<1x32x128xf32, #tpu.memory_space<vmem>>
      %dma_wait3A_1507 = tpu.memref_squeeze %dma_wait3A_1506 : memref<1x32x128xf32, #tpu.memory_space<vmem>> -> memref<32x128xf32, #tpu.memory_space<vmem>>
      %dma_wait3A_1508 = arith.constant 0 : i32
      %dma_wait3A_1509 = arith.constant 0 : i32
      %dma_wait3A_1510 = tpu.memref_slice %arg4[%dma_wait3A_1508, %dma_wait3A_1509] : memref<32x1000000xf32, #tpu.memory_space<hbm>> -> memref<32x128xf32, #tpu.memory_space<hbm>>
      tpu.wait_dma2 semaphore(%arg15 : memref<!tpu.dma_semaphore, #tpu.memory_space<semaphore_mem>>) src(%dma_wait3A_1510 : memref<32x128xf32, #tpu.memory_space<hbm>>) dst(%dma_wait3A_1507 : memref<32x128xf32, #tpu.memory_space<vmem>>)
      %dma_wait3A_1511 = arith.constant 2 : i32
      %dma_wait3A_1512 = arith.constant 0 : i32
      %dma_wait3A_1513 = arith.constant 0 : i32
      %dma_wait3A_1514 = tpu.memref_slice %arg10[%dma_wait3A_1511, %dma_wait3A_1512, %dma_wait3A_1513] : memref<8x32x128xf32, #tpu.memory_space<vmem>> -> memref<1x32x128xf32, #tpu.memory_space<vmem>>
      %dma_wait3A_1515 = tpu.memref_squeeze %dma_wait3A_1514 : memref<1x32x128xf32, #tpu.memory_space<vmem>> -> memref<32x128xf32, #tpu.memory_space<vmem>>
      %dma_wait3A_1516 = arith.constant 0 : i32
      %dma_wait3A_1517 = arith.constant 0 : i32
      %dma_wait3A_1518 = tpu.memref_slice %arg5[%dma_wait3A_1516, %dma_wait3A_1517] : memref<32x1000000xf32, #tpu.memory_space<hbm>> -> memref<32x128xf32, #tpu.memory_space<hbm>>
      %dma_wait3A_1519 = arith.constant 0 : i32
      %dma_wait3A_1520 = arith.constant 0 : i32
      %dma_wait3A_1521 = tpu.memref_slice %arg10[%dma_wait3A_1511, %dma_wait3A_1519, %dma_wait3A_1520] : memref<8x32x128xf32, #tpu.memory_space<vmem>> -> memref<1x32x128xf32, #tpu.memory_space<vmem>>
      %dma_wait3A_1522 = tpu.memref_squeeze %dma_wait3A_1521 : memref<1x32x128xf32, #tpu.memory_space<vmem>> -> memref<32x128xf32, #tpu.memory_space<vmem>>
      %dma_wait3A_1523 = arith.constant 0 : i32
      %dma_wait3A_1524 = arith.constant 0 : i32
      %dma_wait3A_1525 = tpu.memref_slice %arg5[%dma_wait3A_1523, %dma_wait3A_1524] : memref<32x1000000xf32, #tpu.memory_space<hbm>> -> memref<32x128xf32, #tpu.memory_space<hbm>>
      tpu.wait_dma2 semaphore(%arg23 : memref<!tpu.dma_semaphore, #tpu.memory_space<semaphore_mem>>) src(%dma_wait3A_1525 : memref<32x128xf32, #tpu.memory_space<hbm>>) dst(%dma_wait3A_1522 : memref<32x128xf32, #tpu.memory_space<vmem>>)
      %eq3A_1526 = arith.constant 10 : i32
      %eq3A_1527 = vector.broadcast %eq3A_1526 : i32 to vector<16xi32>
      %eq3A_1528 = arith.cmpi eq, %iota3A, %eq3A_1527 : vector<16xi32>
      %select_n3A_1529 = arith.select %eq3A_1528, %get3A_431, %broadcast_in_dim3A_9 : vector<16xi1>, vector<16xi32>
      %reduce_sum3A_1530 = arith.constant true
      %reduce_sum3A_1531 = vector.broadcast %reduce_sum3A_1530 : i1 to vector<16xi1>
      %reduce_sum3A_1532 = tpu.scan <sum>, %select_n3A_1529 masked %reduce_sum3A_1531 : vector<16xi32>, vector<16xi1> -> vector<16xi32>
      %reduce_sum3A_1533 = vector.extract %reduce_sum3A_1532[15] : i32 from vector<16xi32>
      %eq3A_1534 = arith.constant 10 : i32
      %eq3A_1535 = vector.broadcast %eq3A_1534 : i32 to vector<16xi32>
      %eq3A_1536 = arith.cmpi eq, %iota3A, %eq3A_1535 : vector<16xi32>
      %select_n3A_1537 = arith.select %eq3A_1536, %get3A_435, %broadcast_in_dim3A_9 : vector<16xi1>, vector<16xi32>
      %reduce_sum3A_1538 = arith.constant true
      %reduce_sum3A_1539 = vector.broadcast %reduce_sum3A_1538 : i1 to vector<16xi1>
      %reduce_sum3A_1540 = tpu.scan <sum>, %select_n3A_1537 masked %reduce_sum3A_1539 : vector<16xi32>, vector<16xi1> -> vector<16xi32>
      %reduce_sum3A_1541 = vector.extract %reduce_sum3A_1540[15] : i32 from vector<16xi32>
      %broadcast_in_dim3A_1542 = arith.constant 2 : i32
      %broadcast_in_dim3A_1543 = vector.broadcast %broadcast_in_dim3A_1542 : i32 to vector<16xi32>
      %and3A_1544 = arith.constant 127 : i32
      %and3A_1545 = arith.andi %reduce_sum3A_1533, %and3A_1544 : i32
      %broadcast_in_dim3A_1546 = vector.broadcast %and3A_1545 : i32 to vector<16xi32>
      %and3A_1547 = arith.constant 127 : i32
      %and3A_1548 = arith.andi %reduce_sum3A_1541, %and3A_1547 : i32
      %broadcast_in_dim3A_1549 = vector.broadcast %and3A_1548 : i32 to vector<16xi32>
      %gather3A_1550 = tpu.vector_load_idx %arg9[%broadcast_in_dim3A_1543, %iota3A, %broadcast_in_dim3A_1546] : memref<8x32x128xf32, #tpu.memory_space<vmem>>[vector<16xi32>, vector<16xi32>, vector<16xi32>], vector<16xf32>,
      %gather3A_1551 = tpu.vector_load_idx %arg9[%broadcast_in_dim3A_1543, %add3A_5, %broadcast_in_dim3A_1546] : memref<8x32x128xf32, #tpu.memory_space<vmem>>[vector<16xi32>, vector<16xi32>, vector<16xi32>], vector<16xf32>,
      %gather3A_1552 = tpu.vector_load_idx %arg10[%broadcast_in_dim3A_1543, %iota3A, %broadcast_in_dim3A_1549] : memref<8x32x128xf32, #tpu.memory_space<vmem>>[vector<16xi32>, vector<16xi32>, vector<16xi32>], vector<16xf32>,
      %gather3A_1553 = tpu.vector_load_idx %arg10[%broadcast_in_dim3A_1543, %add3A_5, %broadcast_in_dim3A_1549] : memref<8x32x128xf32, #tpu.memory_space<vmem>>[vector<16xi32>, vector<16xi32>, vector<16xi32>], vector<16xf32>,
      %add3A_1554 = arith.constant 10 : i32
      %add3A_1555 = vector.broadcast %add3A_1554 : i32 to vector<16xi32>
      %add3A_1556 = arith.addi %mul3A_8, %add3A_1555 : vector<16xi32>
      %mul3A_1557 = arith.mulf %gather3A_1550, %gather3A_1552 : vector<16xf32>
      %mul3A_1558 = arith.mulf %gather3A_1551, %gather3A_1553 : vector<16xf32>
      %add3A_1559 = arith.addf %mul3A_1557, %mul3A_1558 : vector<16xf32>
      tpu.vector_store_idx %arg12[%add3A_1556], %add3A_1559 : memref<256xf32, #tpu.memory_space<vmem>>[vector<16xi32>], vector<16xf32>,
      %lt3A_1560 = arith.constant 31 : i32
      %lt3A_1561 = arith.cmpi slt, %scan3A_427, %lt3A_1560 : i32
      %convert_element_type3A_1562 = arith.extui %lt3A_1561 : i1 to i32
      %cond3A_1563 = arith.constant 0 : i32
      %cond3A_1564 = arith.cmpi ne, %convert_element_type3A_1562, %cond3A_1563 : i32
      scf.if %cond3A_1564 {
        %add3A_1960 = arith.constant 1 : i32
        %add3A_1961 = arith.addi %scan3A_427, %add3A_1960 : i32
        %mul3A_1962 = arith.constant 16 : i32
        %mul3A_1963 = arith.muli %add3A_1961, %mul3A_1962 : i32
        %get3A_1964 = arith.index_cast %mul3A_1963 : i32 to index
        %get3A_1965 = tpu.vector_load %arg7[%get3A_1964] {strides = array<i32>} : memref<512xi32, #tpu.memory_space<vmem>>, vector<16xi32>,
        %add3A_1966 = arith.constant 1 : i32
        %add3A_1967 = arith.addi %scan3A_427, %add3A_1966 : i32
        %mul3A_1968 = arith.constant 16 : i32
        %mul3A_1969 = arith.muli %add3A_1967, %mul3A_1968 : i32
        %get3A_1970 = arith.index_cast %mul3A_1969 : i32 to index
        %get3A_1971 = tpu.vector_load %arg8[%get3A_1970] {strides = array<i32>} : memref<512xi32, #tpu.memory_space<vmem>>, vector<16xi32>,
        %eq3A_1972 = arith.constant 2 : i32
        %eq3A_1973 = vector.broadcast %eq3A_1972 : i32 to vector<16xi32>
        %eq3A_1974 = arith.cmpi eq, %iota3A, %eq3A_1973 : vector<16xi32>
        %select_n3A_1975 = arith.select %eq3A_1974, %get3A_1965, %broadcast_in_dim3A_9 : vector<16xi1>, vector<16xi32>
        %reduce_sum3A_1976 = arith.constant true
        %reduce_sum3A_1977 = vector.broadcast %reduce_sum3A_1976 : i1 to vector<16xi1>
        %reduce_sum3A_1978 = tpu.scan <sum>, %select_n3A_1975 masked %reduce_sum3A_1977 : vector<16xi32>, vector<16xi1> -> vector<16xi32>
        %reduce_sum3A_1979 = vector.extract %reduce_sum3A_1978[15] : i32 from vector<16xi32>
        %eq3A_1980 = arith.constant 2 : i32
        %eq3A_1981 = vector.broadcast %eq3A_1980 : i32 to vector<16xi32>
        %eq3A_1982 = arith.cmpi eq, %iota3A, %eq3A_1981 : vector<16xi32>
        %select_n3A_1983 = arith.select %eq3A_1982, %get3A_1971, %broadcast_in_dim3A_9 : vector<16xi1>, vector<16xi32>
        %reduce_sum3A_1984 = arith.constant true
        %reduce_sum3A_1985 = vector.broadcast %reduce_sum3A_1984 : i1 to vector<16xi1>
        %reduce_sum3A_1986 = tpu.scan <sum>, %select_n3A_1983 masked %reduce_sum3A_1985 : vector<16xi32>, vector<16xi1> -> vector<16xi32>
        %reduce_sum3A_1987 = vector.extract %reduce_sum3A_1986[15] : i32 from vector<16xi32>
        %shift_right_arithmetic3A_1988 = arith.constant 7 : i32
        %shift_right_arithmetic3A_1989 = arith.shrsi %reduce_sum3A_1979, %shift_right_arithmetic3A_1988 : i32
        %mul3A_1990 = arith.constant 128 : i32
        %mul3A_1991 = arith.muli %shift_right_arithmetic3A_1989, %mul3A_1990 : i32
        %multiple_of3A_1992 = tpu.assume_multiple %mul3A_1991, 128 : i32
        %dma_start3A_1993 = arith.constant 2 : i32
        %dma_start3A_1994 = arith.constant 0 : i32
        %dma_start3A_1995 = arith.constant 0 : i32
        %dma_start3A_1996 = tpu.memref_slice %arg9[%dma_start3A_1993, %dma_start3A_1994, %dma_start3A_1995] : memref<8x32x128xf32, #tpu.memory_space<vmem>> -> memref<1x32x128xf32, #tpu.memory_space<vmem>>
        %dma_start3A_1997 = tpu.memref_squeeze %dma_start3A_1996 : memref<1x32x128xf32, #tpu.memory_space<vmem>> -> memref<32x128xf32, #tpu.memory_space<vmem>>
        %dma_start3A_1998 = arith.constant 0 : i32
        %dma_start3A_1999 = tpu.memref_slice %arg4[%dma_start3A_1998, %multiple_of3A_1992] : memref<32x1000000xf32, #tpu.memory_space<hbm>> -> memref<32x128xf32, #tpu.memory_space<hbm>>
        %dma_start3A_2000 = arith.constant 0 : i32
        %dma_start3A_2001 = arith.constant 0 : i32
        %dma_start3A_2002 = tpu.memref_slice %arg9[%dma_start3A_1993, %dma_start3A_2000, %dma_start3A_2001] : memref<8x32x128xf32, #tpu.memory_space<vmem>> -> memref<1x32x128xf32, #tpu.memory_space<vmem>>
        %dma_start3A_2003 = tpu.memref_squeeze %dma_start3A_2002 : memref<1x32x128xf32, #tpu.memory_space<vmem>> -> memref<32x128xf32, #tpu.memory_space<vmem>>
        %dma_start3A_2004 = arith.constant 0 : i32
        %dma_start3A_2005 = tpu.memref_slice %arg4[%dma_start3A_2004, %multiple_of3A_1992] : memref<32x1000000xf32, #tpu.memory_space<hbm>> -> memref<32x128xf32, #tpu.memory_space<hbm>>
        tpu.enqueue_dma source(%dma_start3A_2005 : memref<32x128xf32, #tpu.memory_space<hbm>>) target(%dma_start3A_2003 : memref<32x128xf32, #tpu.memory_space<vmem>>) target_semaphore(%arg15 : memref<!tpu.dma_semaphore, #tpu.memory_space<semaphore_mem>>)
        %shift_right_arithmetic3A_2006 = arith.constant 7 : i32
        %shift_right_arithmetic3A_2007 = arith.shrsi %reduce_sum3A_1987, %shift_right_arithmetic3A_2006 : i32
        %mul3A_2008 = arith.constant 128 : i32
        %mul3A_2009 = arith.muli %shift_right_arithmetic3A_2007, %mul3A_2008 : i32
        %multiple_of3A_2010 = tpu.assume_multiple %mul3A_2009, 128 : i32
        %dma_start3A_2011 = arith.constant 2 : i32
        %dma_start3A_2012 = arith.constant 0 : i32
        %dma_start3A_2013 = arith.constant 0 : i32
        %dma_start3A_2014 = tpu.memref_slice %arg10[%dma_start3A_2011, %dma_start3A_2012, %dma_start3A_2013] : memref<8x32x128xf32, #tpu.memory_space<vmem>> -> memref<1x32x128xf32, #tpu.memory_space<vmem>>
        %dma_start3A_2015 = tpu.memref_squeeze %dma_start3A_2014 : memref<1x32x128xf32, #tpu.memory_space<vmem>> -> memref<32x128xf32, #tpu.memory_space<vmem>>
        %dma_start3A_2016 = arith.constant 0 : i32
        %dma_start3A_2017 = tpu.memref_slice %arg5[%dma_start3A_2016, %multiple_of3A_2010] : memref<32x1000000xf32, #tpu.memory_space<hbm>> -> memref<32x128xf32, #tpu.memory_space<hbm>>
        %dma_start3A_2018 = arith.constant 0 : i32
        %dma_start3A_2019 = arith.constant 0 : i32
        %dma_start3A_2020 = tpu.memref_slice %arg10[%dma_start3A_2011, %dma_start3A_2018, %dma_start3A_2019] : memref<8x32x128xf32, #tpu.memory_space<vmem>> -> memref<1x32x128xf32, #tpu.memory_space<vmem>>
        %dma_start3A_2021 = tpu.memref_squeeze %dma_start3A_2020 : memref<1x32x128xf32, #tpu.memory_space<vmem>> -> memref<32x128xf32, #tpu.memory_space<vmem>>
        %dma_start3A_2022 = arith.constant 0 : i32
        %dma_start3A_2023 = tpu.memref_slice %arg5[%dma_start3A_2022, %multiple_of3A_2010] : memref<32x1000000xf32, #tpu.memory_space<hbm>> -> memref<32x128xf32, #tpu.memory_space<hbm>>
        tpu.enqueue_dma source(%dma_start3A_2023 : memref<32x128xf32, #tpu.memory_space<hbm>>) target(%dma_start3A_2021 : memref<32x128xf32, #tpu.memory_space<vmem>>) target_semaphore(%arg23 : memref<!tpu.dma_semaphore, #tpu.memory_space<semaphore_mem>>)
      } else {
      }
      %dma_wait3A_1565 = arith.constant 3 : i32
      %dma_wait3A_1566 = arith.constant 0 : i32
      %dma_wait3A_1567 = arith.constant 0 : i32
      %dma_wait3A_1568 = tpu.memref_slice %arg9[%dma_wait3A_1565, %dma_wait3A_1566, %dma_wait3A_1567] : memref<8x32x128xf32, #tpu.memory_space<vmem>> -> memref<1x32x128xf32, #tpu.memory_space<vmem>>
      %dma_wait3A_1569 = tpu.memref_squeeze %dma_wait3A_1568 : memref<1x32x128xf32, #tpu.memory_space<vmem>> -> memref<32x128xf32, #tpu.memory_space<vmem>>
      %dma_wait3A_1570 = arith.constant 0 : i32
      %dma_wait3A_1571 = arith.constant 0 : i32
      %dma_wait3A_1572 = tpu.memref_slice %arg4[%dma_wait3A_1570, %dma_wait3A_1571] : memref<32x1000000xf32, #tpu.memory_space<hbm>> -> memref<32x128xf32, #tpu.memory_space<hbm>>
      %dma_wait3A_1573 = arith.constant 0 : i32
      %dma_wait3A_1574 = arith.constant 0 : i32
      %dma_wait3A_1575 = tpu.memref_slice %arg9[%dma_wait3A_1565, %dma_wait3A_1573, %dma_wait3A_1574] : memref<8x32x128xf32, #tpu.memory_space<vmem>> -> memref<1x32x128xf32, #tpu.memory_space<vmem>>
      %dma_wait3A_1576 = tpu.memref_squeeze %dma_wait3A_1575 : memref<1x32x128xf32, #tpu.memory_space<vmem>> -> memref<32x128xf32, #tpu.memory_space<vmem>>
      %dma_wait3A_1577 = arith.constant 0 : i32
      %dma_wait3A_1578 = arith.constant 0 : i32
      %dma_wait3A_1579 = tpu.memref_slice %arg4[%dma_wait3A_1577, %dma_wait3A_1578] : memref<32x1000000xf32, #tpu.memory_space<hbm>> -> memref<32x128xf32, #tpu.memory_space<hbm>>
      tpu.wait_dma2 semaphore(%arg16 : memref<!tpu.dma_semaphore, #tpu.memory_space<semaphore_mem>>) src(%dma_wait3A_1579 : memref<32x128xf32, #tpu.memory_space<hbm>>) dst(%dma_wait3A_1576 : memref<32x128xf32, #tpu.memory_space<vmem>>)
      %dma_wait3A_1580 = arith.constant 3 : i32
      %dma_wait3A_1581 = arith.constant 0 : i32
      %dma_wait3A_1582 = arith.constant 0 : i32
      %dma_wait3A_1583 = tpu.memref_slice %arg10[%dma_wait3A_1580, %dma_wait3A_1581, %dma_wait3A_1582] : memref<8x32x128xf32, #tpu.memory_space<vmem>> -> memref<1x32x128xf32, #tpu.memory_space<vmem>>
      %dma_wait3A_1584 = tpu.memref_squeeze %dma_wait3A_1583 : memref<1x32x128xf32, #tpu.memory_space<vmem>> -> memref<32x128xf32, #tpu.memory_space<vmem>>
      %dma_wait3A_1585 = arith.constant 0 : i32
      %dma_wait3A_1586 = arith.constant 0 : i32
      %dma_wait3A_1587 = tpu.memref_slice %arg5[%dma_wait3A_1585, %dma_wait3A_1586] : memref<32x1000000xf32, #tpu.memory_space<hbm>> -> memref<32x128xf32, #tpu.memory_space<hbm>>
      %dma_wait3A_1588 = arith.constant 0 : i32
      %dma_wait3A_1589 = arith.constant 0 : i32
      %dma_wait3A_1590 = tpu.memref_slice %arg10[%dma_wait3A_1580, %dma_wait3A_1588, %dma_wait3A_1589] : memref<8x32x128xf32, #tpu.memory_space<vmem>> -> memref<1x32x128xf32, #tpu.memory_space<vmem>>
      %dma_wait3A_1591 = tpu.memref_squeeze %dma_wait3A_1590 : memref<1x32x128xf32, #tpu.memory_space<vmem>> -> memref<32x128xf32, #tpu.memory_space<vmem>>
      %dma_wait3A_1592 = arith.constant 0 : i32
      %dma_wait3A_1593 = arith.constant 0 : i32
      %dma_wait3A_1594 = tpu.memref_slice %arg5[%dma_wait3A_1592, %dma_wait3A_1593] : memref<32x1000000xf32, #tpu.memory_space<hbm>> -> memref<32x128xf32, #tpu.memory_space<hbm>>
      tpu.wait_dma2 semaphore(%arg24 : memref<!tpu.dma_semaphore, #tpu.memory_space<semaphore_mem>>) src(%dma_wait3A_1594 : memref<32x128xf32, #tpu.memory_space<hbm>>) dst(%dma_wait3A_1591 : memref<32x128xf32, #tpu.memory_space<vmem>>)
      %eq3A_1595 = arith.constant 11 : i32
      %eq3A_1596 = vector.broadcast %eq3A_1595 : i32 to vector<16xi32>
      %eq3A_1597 = arith.cmpi eq, %iota3A, %eq3A_1596 : vector<16xi32>
      %select_n3A_1598 = arith.select %eq3A_1597, %get3A_431, %broadcast_in_dim3A_9 : vector<16xi1>, vector<16xi32>
      %reduce_sum3A_1599 = arith.constant true
      %reduce_sum3A_1600 = vector.broadcast %reduce_sum3A_1599 : i1 to vector<16xi1>
      %reduce_sum3A_1601 = tpu.scan <sum>, %select_n3A_1598 masked %reduce_sum3A_1600 : vector<16xi32>, vector<16xi1> -> vector<16xi32>
      %reduce_sum3A_1602 = vector.extract %reduce_sum3A_1601[15] : i32 from vector<16xi32>
      %eq3A_1603 = arith.constant 11 : i32
      %eq3A_1604 = vector.broadcast %eq3A_1603 : i32 to vector<16xi32>
      %eq3A_1605 = arith.cmpi eq, %iota3A, %eq3A_1604 : vector<16xi32>
      %select_n3A_1606 = arith.select %eq3A_1605, %get3A_435, %broadcast_in_dim3A_9 : vector<16xi1>, vector<16xi32>
      %reduce_sum3A_1607 = arith.constant true
      %reduce_sum3A_1608 = vector.broadcast %reduce_sum3A_1607 : i1 to vector<16xi1>
      %reduce_sum3A_1609 = tpu.scan <sum>, %select_n3A_1606 masked %reduce_sum3A_1608 : vector<16xi32>, vector<16xi1> -> vector<16xi32>
      %reduce_sum3A_1610 = vector.extract %reduce_sum3A_1609[15] : i32 from vector<16xi32>
      %broadcast_in_dim3A_1611 = arith.constant 3 : i32
      %broadcast_in_dim3A_1612 = vector.broadcast %broadcast_in_dim3A_1611 : i32 to vector<16xi32>
      %and3A_1613 = arith.constant 127 : i32
      %and3A_1614 = arith.andi %reduce_sum3A_1602, %and3A_1613 : i32
      %broadcast_in_dim3A_1615 = vector.broadcast %and3A_1614 : i32 to vector<16xi32>
      %and3A_1616 = arith.constant 127 : i32
      %and3A_1617 = arith.andi %reduce_sum3A_1610, %and3A_1616 : i32
      %broadcast_in_dim3A_1618 = vector.broadcast %and3A_1617 : i32 to vector<16xi32>
      %gather3A_1619 = tpu.vector_load_idx %arg9[%broadcast_in_dim3A_1612, %iota3A, %broadcast_in_dim3A_1615] : memref<8x32x128xf32, #tpu.memory_space<vmem>>[vector<16xi32>, vector<16xi32>, vector<16xi32>], vector<16xf32>,
      %gather3A_1620 = tpu.vector_load_idx %arg9[%broadcast_in_dim3A_1612, %add3A_5, %broadcast_in_dim3A_1615] : memref<8x32x128xf32, #tpu.memory_space<vmem>>[vector<16xi32>, vector<16xi32>, vector<16xi32>], vector<16xf32>,
      %gather3A_1621 = tpu.vector_load_idx %arg10[%broadcast_in_dim3A_1612, %iota3A, %broadcast_in_dim3A_1618] : memref<8x32x128xf32, #tpu.memory_space<vmem>>[vector<16xi32>, vector<16xi32>, vector<16xi32>], vector<16xf32>,
      %gather3A_1622 = tpu.vector_load_idx %arg10[%broadcast_in_dim3A_1612, %add3A_5, %broadcast_in_dim3A_1618] : memref<8x32x128xf32, #tpu.memory_space<vmem>>[vector<16xi32>, vector<16xi32>, vector<16xi32>], vector<16xf32>,
      %add3A_1623 = arith.constant 11 : i32
      %add3A_1624 = vector.broadcast %add3A_1623 : i32 to vector<16xi32>
      %add3A_1625 = arith.addi %mul3A_8, %add3A_1624 : vector<16xi32>
      %mul3A_1626 = arith.mulf %gather3A_1619, %gather3A_1621 : vector<16xf32>
      %mul3A_1627 = arith.mulf %gather3A_1620, %gather3A_1622 : vector<16xf32>
      %add3A_1628 = arith.addf %mul3A_1626, %mul3A_1627 : vector<16xf32>
      tpu.vector_store_idx %arg12[%add3A_1625], %add3A_1628 : memref<256xf32, #tpu.memory_space<vmem>>[vector<16xi32>], vector<16xf32>,
      %lt3A_1629 = arith.constant 31 : i32
      %lt3A_1630 = arith.cmpi slt, %scan3A_427, %lt3A_1629 : i32
      %convert_element_type3A_1631 = arith.extui %lt3A_1630 : i1 to i32
      %cond3A_1632 = arith.constant 0 : i32
      %cond3A_1633 = arith.cmpi ne, %convert_element_type3A_1631, %cond3A_1632 : i32
      scf.if %cond3A_1633 {
        %add3A_1960 = arith.constant 1 : i32
        %add3A_1961 = arith.addi %scan3A_427, %add3A_1960 : i32
        %mul3A_1962 = arith.constant 16 : i32
        %mul3A_1963 = arith.muli %add3A_1961, %mul3A_1962 : i32
        %get3A_1964 = arith.index_cast %mul3A_1963 : i32 to index
        %get3A_1965 = tpu.vector_load %arg7[%get3A_1964] {strides = array<i32>} : memref<512xi32, #tpu.memory_space<vmem>>, vector<16xi32>,
        %add3A_1966 = arith.constant 1 : i32
        %add3A_1967 = arith.addi %scan3A_427, %add3A_1966 : i32
        %mul3A_1968 = arith.constant 16 : i32
        %mul3A_1969 = arith.muli %add3A_1967, %mul3A_1968 : i32
        %get3A_1970 = arith.index_cast %mul3A_1969 : i32 to index
        %get3A_1971 = tpu.vector_load %arg8[%get3A_1970] {strides = array<i32>} : memref<512xi32, #tpu.memory_space<vmem>>, vector<16xi32>,
        %eq3A_1972 = arith.constant 3 : i32
        %eq3A_1973 = vector.broadcast %eq3A_1972 : i32 to vector<16xi32>
        %eq3A_1974 = arith.cmpi eq, %iota3A, %eq3A_1973 : vector<16xi32>
        %select_n3A_1975 = arith.select %eq3A_1974, %get3A_1965, %broadcast_in_dim3A_9 : vector<16xi1>, vector<16xi32>
        %reduce_sum3A_1976 = arith.constant true
        %reduce_sum3A_1977 = vector.broadcast %reduce_sum3A_1976 : i1 to vector<16xi1>
        %reduce_sum3A_1978 = tpu.scan <sum>, %select_n3A_1975 masked %reduce_sum3A_1977 : vector<16xi32>, vector<16xi1> -> vector<16xi32>
        %reduce_sum3A_1979 = vector.extract %reduce_sum3A_1978[15] : i32 from vector<16xi32>
        %eq3A_1980 = arith.constant 3 : i32
        %eq3A_1981 = vector.broadcast %eq3A_1980 : i32 to vector<16xi32>
        %eq3A_1982 = arith.cmpi eq, %iota3A, %eq3A_1981 : vector<16xi32>
        %select_n3A_1983 = arith.select %eq3A_1982, %get3A_1971, %broadcast_in_dim3A_9 : vector<16xi1>, vector<16xi32>
        %reduce_sum3A_1984 = arith.constant true
        %reduce_sum3A_1985 = vector.broadcast %reduce_sum3A_1984 : i1 to vector<16xi1>
        %reduce_sum3A_1986 = tpu.scan <sum>, %select_n3A_1983 masked %reduce_sum3A_1985 : vector<16xi32>, vector<16xi1> -> vector<16xi32>
        %reduce_sum3A_1987 = vector.extract %reduce_sum3A_1986[15] : i32 from vector<16xi32>
        %shift_right_arithmetic3A_1988 = arith.constant 7 : i32
        %shift_right_arithmetic3A_1989 = arith.shrsi %reduce_sum3A_1979, %shift_right_arithmetic3A_1988 : i32
        %mul3A_1990 = arith.constant 128 : i32
        %mul3A_1991 = arith.muli %shift_right_arithmetic3A_1989, %mul3A_1990 : i32
        %multiple_of3A_1992 = tpu.assume_multiple %mul3A_1991, 128 : i32
        %dma_start3A_1993 = arith.constant 3 : i32
        %dma_start3A_1994 = arith.constant 0 : i32
        %dma_start3A_1995 = arith.constant 0 : i32
        %dma_start3A_1996 = tpu.memref_slice %arg9[%dma_start3A_1993, %dma_start3A_1994, %dma_start3A_1995] : memref<8x32x128xf32, #tpu.memory_space<vmem>> -> memref<1x32x128xf32, #tpu.memory_space<vmem>>
        %dma_start3A_1997 = tpu.memref_squeeze %dma_start3A_1996 : memref<1x32x128xf32, #tpu.memory_space<vmem>> -> memref<32x128xf32, #tpu.memory_space<vmem>>
        %dma_start3A_1998 = arith.constant 0 : i32
        %dma_start3A_1999 = tpu.memref_slice %arg4[%dma_start3A_1998, %multiple_of3A_1992] : memref<32x1000000xf32, #tpu.memory_space<hbm>> -> memref<32x128xf32, #tpu.memory_space<hbm>>
        %dma_start3A_2000 = arith.constant 0 : i32
        %dma_start3A_2001 = arith.constant 0 : i32
        %dma_start3A_2002 = tpu.memref_slice %arg9[%dma_start3A_1993, %dma_start3A_2000, %dma_start3A_2001] : memref<8x32x128xf32, #tpu.memory_space<vmem>> -> memref<1x32x128xf32, #tpu.memory_space<vmem>>
        %dma_start3A_2003 = tpu.memref_squeeze %dma_start3A_2002 : memref<1x32x128xf32, #tpu.memory_space<vmem>> -> memref<32x128xf32, #tpu.memory_space<vmem>>
        %dma_start3A_2004 = arith.constant 0 : i32
        %dma_start3A_2005 = tpu.memref_slice %arg4[%dma_start3A_2004, %multiple_of3A_1992] : memref<32x1000000xf32, #tpu.memory_space<hbm>> -> memref<32x128xf32, #tpu.memory_space<hbm>>
        tpu.enqueue_dma source(%dma_start3A_2005 : memref<32x128xf32, #tpu.memory_space<hbm>>) target(%dma_start3A_2003 : memref<32x128xf32, #tpu.memory_space<vmem>>) target_semaphore(%arg16 : memref<!tpu.dma_semaphore, #tpu.memory_space<semaphore_mem>>)
        %shift_right_arithmetic3A_2006 = arith.constant 7 : i32
        %shift_right_arithmetic3A_2007 = arith.shrsi %reduce_sum3A_1987, %shift_right_arithmetic3A_2006 : i32
        %mul3A_2008 = arith.constant 128 : i32
        %mul3A_2009 = arith.muli %shift_right_arithmetic3A_2007, %mul3A_2008 : i32
        %multiple_of3A_2010 = tpu.assume_multiple %mul3A_2009, 128 : i32
        %dma_start3A_2011 = arith.constant 3 : i32
        %dma_start3A_2012 = arith.constant 0 : i32
        %dma_start3A_2013 = arith.constant 0 : i32
        %dma_start3A_2014 = tpu.memref_slice %arg10[%dma_start3A_2011, %dma_start3A_2012, %dma_start3A_2013] : memref<8x32x128xf32, #tpu.memory_space<vmem>> -> memref<1x32x128xf32, #tpu.memory_space<vmem>>
        %dma_start3A_2015 = tpu.memref_squeeze %dma_start3A_2014 : memref<1x32x128xf32, #tpu.memory_space<vmem>> -> memref<32x128xf32, #tpu.memory_space<vmem>>
        %dma_start3A_2016 = arith.constant 0 : i32
        %dma_start3A_2017 = tpu.memref_slice %arg5[%dma_start3A_2016, %multiple_of3A_2010] : memref<32x1000000xf32, #tpu.memory_space<hbm>> -> memref<32x128xf32, #tpu.memory_space<hbm>>
        %dma_start3A_2018 = arith.constant 0 : i32
        %dma_start3A_2019 = arith.constant 0 : i32
        %dma_start3A_2020 = tpu.memref_slice %arg10[%dma_start3A_2011, %dma_start3A_2018, %dma_start3A_2019] : memref<8x32x128xf32, #tpu.memory_space<vmem>> -> memref<1x32x128xf32, #tpu.memory_space<vmem>>
        %dma_start3A_2021 = tpu.memref_squeeze %dma_start3A_2020 : memref<1x32x128xf32, #tpu.memory_space<vmem>> -> memref<32x128xf32, #tpu.memory_space<vmem>>
        %dma_start3A_2022 = arith.constant 0 : i32
        %dma_start3A_2023 = tpu.memref_slice %arg5[%dma_start3A_2022, %multiple_of3A_2010] : memref<32x1000000xf32, #tpu.memory_space<hbm>> -> memref<32x128xf32, #tpu.memory_space<hbm>>
        tpu.enqueue_dma source(%dma_start3A_2023 : memref<32x128xf32, #tpu.memory_space<hbm>>) target(%dma_start3A_2021 : memref<32x128xf32, #tpu.memory_space<vmem>>) target_semaphore(%arg24 : memref<!tpu.dma_semaphore, #tpu.memory_space<semaphore_mem>>)
      } else {
      }
      %dma_wait3A_1634 = arith.constant 4 : i32
      %dma_wait3A_1635 = arith.constant 0 : i32
      %dma_wait3A_1636 = arith.constant 0 : i32
      %dma_wait3A_1637 = tpu.memref_slice %arg9[%dma_wait3A_1634, %dma_wait3A_1635, %dma_wait3A_1636] : memref<8x32x128xf32, #tpu.memory_space<vmem>> -> memref<1x32x128xf32, #tpu.memory_space<vmem>>
      %dma_wait3A_1638 = tpu.memref_squeeze %dma_wait3A_1637 : memref<1x32x128xf32, #tpu.memory_space<vmem>> -> memref<32x128xf32, #tpu.memory_space<vmem>>
      %dma_wait3A_1639 = arith.constant 0 : i32
      %dma_wait3A_1640 = arith.constant 0 : i32
      %dma_wait3A_1641 = tpu.memref_slice %arg4[%dma_wait3A_1639, %dma_wait3A_1640] : memref<32x1000000xf32, #tpu.memory_space<hbm>> -> memref<32x128xf32, #tpu.memory_space<hbm>>
      %dma_wait3A_1642 = arith.constant 0 : i32
      %dma_wait3A_1643 = arith.constant 0 : i32
      %dma_wait3A_1644 = tpu.memref_slice %arg9[%dma_wait3A_1634, %dma_wait3A_1642, %dma_wait3A_1643] : memref<8x32x128xf32, #tpu.memory_space<vmem>> -> memref<1x32x128xf32, #tpu.memory_space<vmem>>
      %dma_wait3A_1645 = tpu.memref_squeeze %dma_wait3A_1644 : memref<1x32x128xf32, #tpu.memory_space<vmem>> -> memref<32x128xf32, #tpu.memory_space<vmem>>
      %dma_wait3A_1646 = arith.constant 0 : i32
      %dma_wait3A_1647 = arith.constant 0 : i32
      %dma_wait3A_1648 = tpu.memref_slice %arg4[%dma_wait3A_1646, %dma_wait3A_1647] : memref<32x1000000xf32, #tpu.memory_space<hbm>> -> memref<32x128xf32, #tpu.memory_space<hbm>>
      tpu.wait_dma2 semaphore(%arg17 : memref<!tpu.dma_semaphore, #tpu.memory_space<semaphore_mem>>) src(%dma_wait3A_1648 : memref<32x128xf32, #tpu.memory_space<hbm>>) dst(%dma_wait3A_1645 : memref<32x128xf32, #tpu.memory_space<vmem>>)
      %dma_wait3A_1649 = arith.constant 4 : i32
      %dma_wait3A_1650 = arith.constant 0 : i32
      %dma_wait3A_1651 = arith.constant 0 : i32
      %dma_wait3A_1652 = tpu.memref_slice %arg10[%dma_wait3A_1649, %dma_wait3A_1650, %dma_wait3A_1651] : memref<8x32x128xf32, #tpu.memory_space<vmem>> -> memref<1x32x128xf32, #tpu.memory_space<vmem>>
      %dma_wait3A_1653 = tpu.memref_squeeze %dma_wait3A_1652 : memref<1x32x128xf32, #tpu.memory_space<vmem>> -> memref<32x128xf32, #tpu.memory_space<vmem>>
      %dma_wait3A_1654 = arith.constant 0 : i32
      %dma_wait3A_1655 = arith.constant 0 : i32
      %dma_wait3A_1656 = tpu.memref_slice %arg5[%dma_wait3A_1654, %dma_wait3A_1655] : memref<32x1000000xf32, #tpu.memory_space<hbm>> -> memref<32x128xf32, #tpu.memory_space<hbm>>
      %dma_wait3A_1657 = arith.constant 0 : i32
      %dma_wait3A_1658 = arith.constant 0 : i32
      %dma_wait3A_1659 = tpu.memref_slice %arg10[%dma_wait3A_1649, %dma_wait3A_1657, %dma_wait3A_1658] : memref<8x32x128xf32, #tpu.memory_space<vmem>> -> memref<1x32x128xf32, #tpu.memory_space<vmem>>
      %dma_wait3A_1660 = tpu.memref_squeeze %dma_wait3A_1659 : memref<1x32x128xf32, #tpu.memory_space<vmem>> -> memref<32x128xf32, #tpu.memory_space<vmem>>
      %dma_wait3A_1661 = arith.constant 0 : i32
      %dma_wait3A_1662 = arith.constant 0 : i32
      %dma_wait3A_1663 = tpu.memref_slice %arg5[%dma_wait3A_1661, %dma_wait3A_1662] : memref<32x1000000xf32, #tpu.memory_space<hbm>> -> memref<32x128xf32, #tpu.memory_space<hbm>>
      tpu.wait_dma2 semaphore(%arg25 : memref<!tpu.dma_semaphore, #tpu.memory_space<semaphore_mem>>) src(%dma_wait3A_1663 : memref<32x128xf32, #tpu.memory_space<hbm>>) dst(%dma_wait3A_1660 : memref<32x128xf32, #tpu.memory_space<vmem>>)
      %eq3A_1664 = arith.constant 12 : i32
      %eq3A_1665 = vector.broadcast %eq3A_1664 : i32 to vector<16xi32>
      %eq3A_1666 = arith.cmpi eq, %iota3A, %eq3A_1665 : vector<16xi32>
      %select_n3A_1667 = arith.select %eq3A_1666, %get3A_431, %broadcast_in_dim3A_9 : vector<16xi1>, vector<16xi32>
      %reduce_sum3A_1668 = arith.constant true
      %reduce_sum3A_1669 = vector.broadcast %reduce_sum3A_1668 : i1 to vector<16xi1>
      %reduce_sum3A_1670 = tpu.scan <sum>, %select_n3A_1667 masked %reduce_sum3A_1669 : vector<16xi32>, vector<16xi1> -> vector<16xi32>
      %reduce_sum3A_1671 = vector.extract %reduce_sum3A_1670[15] : i32 from vector<16xi32>
      %eq3A_1672 = arith.constant 12 : i32
      %eq3A_1673 = vector.broadcast %eq3A_1672 : i32 to vector<16xi32>
      %eq3A_1674 = arith.cmpi eq, %iota3A, %eq3A_1673 : vector<16xi32>
      %select_n3A_1675 = arith.select %eq3A_1674, %get3A_435, %broadcast_in_dim3A_9 : vector<16xi1>, vector<16xi32>
      %reduce_sum3A_1676 = arith.constant true
      %reduce_sum3A_1677 = vector.broadcast %reduce_sum3A_1676 : i1 to vector<16xi1>
      %reduce_sum3A_1678 = tpu.scan <sum>, %select_n3A_1675 masked %reduce_sum3A_1677 : vector<16xi32>, vector<16xi1> -> vector<16xi32>
      %reduce_sum3A_1679 = vector.extract %reduce_sum3A_1678[15] : i32 from vector<16xi32>
      %broadcast_in_dim3A_1680 = arith.constant 4 : i32
      %broadcast_in_dim3A_1681 = vector.broadcast %broadcast_in_dim3A_1680 : i32 to vector<16xi32>
      %and3A_1682 = arith.constant 127 : i32
      %and3A_1683 = arith.andi %reduce_sum3A_1671, %and3A_1682 : i32
      %broadcast_in_dim3A_1684 = vector.broadcast %and3A_1683 : i32 to vector<16xi32>
      %and3A_1685 = arith.constant 127 : i32
      %and3A_1686 = arith.andi %reduce_sum3A_1679, %and3A_1685 : i32
      %broadcast_in_dim3A_1687 = vector.broadcast %and3A_1686 : i32 to vector<16xi32>
      %gather3A_1688 = tpu.vector_load_idx %arg9[%broadcast_in_dim3A_1681, %iota3A, %broadcast_in_dim3A_1684] : memref<8x32x128xf32, #tpu.memory_space<vmem>>[vector<16xi32>, vector<16xi32>, vector<16xi32>], vector<16xf32>,
      %gather3A_1689 = tpu.vector_load_idx %arg9[%broadcast_in_dim3A_1681, %add3A_5, %broadcast_in_dim3A_1684] : memref<8x32x128xf32, #tpu.memory_space<vmem>>[vector<16xi32>, vector<16xi32>, vector<16xi32>], vector<16xf32>,
      %gather3A_1690 = tpu.vector_load_idx %arg10[%broadcast_in_dim3A_1681, %iota3A, %broadcast_in_dim3A_1687] : memref<8x32x128xf32, #tpu.memory_space<vmem>>[vector<16xi32>, vector<16xi32>, vector<16xi32>], vector<16xf32>,
      %gather3A_1691 = tpu.vector_load_idx %arg10[%broadcast_in_dim3A_1681, %add3A_5, %broadcast_in_dim3A_1687] : memref<8x32x128xf32, #tpu.memory_space<vmem>>[vector<16xi32>, vector<16xi32>, vector<16xi32>], vector<16xf32>,
      %add3A_1692 = arith.constant 12 : i32
      %add3A_1693 = vector.broadcast %add3A_1692 : i32 to vector<16xi32>
      %add3A_1694 = arith.addi %mul3A_8, %add3A_1693 : vector<16xi32>
      %mul3A_1695 = arith.mulf %gather3A_1688, %gather3A_1690 : vector<16xf32>
      %mul3A_1696 = arith.mulf %gather3A_1689, %gather3A_1691 : vector<16xf32>
      %add3A_1697 = arith.addf %mul3A_1695, %mul3A_1696 : vector<16xf32>
      tpu.vector_store_idx %arg12[%add3A_1694], %add3A_1697 : memref<256xf32, #tpu.memory_space<vmem>>[vector<16xi32>], vector<16xf32>,
      %lt3A_1698 = arith.constant 31 : i32
      %lt3A_1699 = arith.cmpi slt, %scan3A_427, %lt3A_1698 : i32
      %convert_element_type3A_1700 = arith.extui %lt3A_1699 : i1 to i32
      %cond3A_1701 = arith.constant 0 : i32
      %cond3A_1702 = arith.cmpi ne, %convert_element_type3A_1700, %cond3A_1701 : i32
      scf.if %cond3A_1702 {
        %add3A_1960 = arith.constant 1 : i32
        %add3A_1961 = arith.addi %scan3A_427, %add3A_1960 : i32
        %mul3A_1962 = arith.constant 16 : i32
        %mul3A_1963 = arith.muli %add3A_1961, %mul3A_1962 : i32
        %get3A_1964 = arith.index_cast %mul3A_1963 : i32 to index
        %get3A_1965 = tpu.vector_load %arg7[%get3A_1964] {strides = array<i32>} : memref<512xi32, #tpu.memory_space<vmem>>, vector<16xi32>,
        %add3A_1966 = arith.constant 1 : i32
        %add3A_1967 = arith.addi %scan3A_427, %add3A_1966 : i32
        %mul3A_1968 = arith.constant 16 : i32
        %mul3A_1969 = arith.muli %add3A_1967, %mul3A_1968 : i32
        %get3A_1970 = arith.index_cast %mul3A_1969 : i32 to index
        %get3A_1971 = tpu.vector_load %arg8[%get3A_1970] {strides = array<i32>} : memref<512xi32, #tpu.memory_space<vmem>>, vector<16xi32>,
        %eq3A_1972 = arith.constant 4 : i32
        %eq3A_1973 = vector.broadcast %eq3A_1972 : i32 to vector<16xi32>
        %eq3A_1974 = arith.cmpi eq, %iota3A, %eq3A_1973 : vector<16xi32>
        %select_n3A_1975 = arith.select %eq3A_1974, %get3A_1965, %broadcast_in_dim3A_9 : vector<16xi1>, vector<16xi32>
        %reduce_sum3A_1976 = arith.constant true
        %reduce_sum3A_1977 = vector.broadcast %reduce_sum3A_1976 : i1 to vector<16xi1>
        %reduce_sum3A_1978 = tpu.scan <sum>, %select_n3A_1975 masked %reduce_sum3A_1977 : vector<16xi32>, vector<16xi1> -> vector<16xi32>
        %reduce_sum3A_1979 = vector.extract %reduce_sum3A_1978[15] : i32 from vector<16xi32>
        %eq3A_1980 = arith.constant 4 : i32
        %eq3A_1981 = vector.broadcast %eq3A_1980 : i32 to vector<16xi32>
        %eq3A_1982 = arith.cmpi eq, %iota3A, %eq3A_1981 : vector<16xi32>
        %select_n3A_1983 = arith.select %eq3A_1982, %get3A_1971, %broadcast_in_dim3A_9 : vector<16xi1>, vector<16xi32>
        %reduce_sum3A_1984 = arith.constant true
        %reduce_sum3A_1985 = vector.broadcast %reduce_sum3A_1984 : i1 to vector<16xi1>
        %reduce_sum3A_1986 = tpu.scan <sum>, %select_n3A_1983 masked %reduce_sum3A_1985 : vector<16xi32>, vector<16xi1> -> vector<16xi32>
        %reduce_sum3A_1987 = vector.extract %reduce_sum3A_1986[15] : i32 from vector<16xi32>
        %shift_right_arithmetic3A_1988 = arith.constant 7 : i32
        %shift_right_arithmetic3A_1989 = arith.shrsi %reduce_sum3A_1979, %shift_right_arithmetic3A_1988 : i32
        %mul3A_1990 = arith.constant 128 : i32
        %mul3A_1991 = arith.muli %shift_right_arithmetic3A_1989, %mul3A_1990 : i32
        %multiple_of3A_1992 = tpu.assume_multiple %mul3A_1991, 128 : i32
        %dma_start3A_1993 = arith.constant 4 : i32
        %dma_start3A_1994 = arith.constant 0 : i32
        %dma_start3A_1995 = arith.constant 0 : i32
        %dma_start3A_1996 = tpu.memref_slice %arg9[%dma_start3A_1993, %dma_start3A_1994, %dma_start3A_1995] : memref<8x32x128xf32, #tpu.memory_space<vmem>> -> memref<1x32x128xf32, #tpu.memory_space<vmem>>
        %dma_start3A_1997 = tpu.memref_squeeze %dma_start3A_1996 : memref<1x32x128xf32, #tpu.memory_space<vmem>> -> memref<32x128xf32, #tpu.memory_space<vmem>>
        %dma_start3A_1998 = arith.constant 0 : i32
        %dma_start3A_1999 = tpu.memref_slice %arg4[%dma_start3A_1998, %multiple_of3A_1992] : memref<32x1000000xf32, #tpu.memory_space<hbm>> -> memref<32x128xf32, #tpu.memory_space<hbm>>
        %dma_start3A_2000 = arith.constant 0 : i32
        %dma_start3A_2001 = arith.constant 0 : i32
        %dma_start3A_2002 = tpu.memref_slice %arg9[%dma_start3A_1993, %dma_start3A_2000, %dma_start3A_2001] : memref<8x32x128xf32, #tpu.memory_space<vmem>> -> memref<1x32x128xf32, #tpu.memory_space<vmem>>
        %dma_start3A_2003 = tpu.memref_squeeze %dma_start3A_2002 : memref<1x32x128xf32, #tpu.memory_space<vmem>> -> memref<32x128xf32, #tpu.memory_space<vmem>>
        %dma_start3A_2004 = arith.constant 0 : i32
        %dma_start3A_2005 = tpu.memref_slice %arg4[%dma_start3A_2004, %multiple_of3A_1992] : memref<32x1000000xf32, #tpu.memory_space<hbm>> -> memref<32x128xf32, #tpu.memory_space<hbm>>
        tpu.enqueue_dma source(%dma_start3A_2005 : memref<32x128xf32, #tpu.memory_space<hbm>>) target(%dma_start3A_2003 : memref<32x128xf32, #tpu.memory_space<vmem>>) target_semaphore(%arg17 : memref<!tpu.dma_semaphore, #tpu.memory_space<semaphore_mem>>)
        %shift_right_arithmetic3A_2006 = arith.constant 7 : i32
        %shift_right_arithmetic3A_2007 = arith.shrsi %reduce_sum3A_1987, %shift_right_arithmetic3A_2006 : i32
        %mul3A_2008 = arith.constant 128 : i32
        %mul3A_2009 = arith.muli %shift_right_arithmetic3A_2007, %mul3A_2008 : i32
        %multiple_of3A_2010 = tpu.assume_multiple %mul3A_2009, 128 : i32
        %dma_start3A_2011 = arith.constant 4 : i32
        %dma_start3A_2012 = arith.constant 0 : i32
        %dma_start3A_2013 = arith.constant 0 : i32
        %dma_start3A_2014 = tpu.memref_slice %arg10[%dma_start3A_2011, %dma_start3A_2012, %dma_start3A_2013] : memref<8x32x128xf32, #tpu.memory_space<vmem>> -> memref<1x32x128xf32, #tpu.memory_space<vmem>>
        %dma_start3A_2015 = tpu.memref_squeeze %dma_start3A_2014 : memref<1x32x128xf32, #tpu.memory_space<vmem>> -> memref<32x128xf32, #tpu.memory_space<vmem>>
        %dma_start3A_2016 = arith.constant 0 : i32
        %dma_start3A_2017 = tpu.memref_slice %arg5[%dma_start3A_2016, %multiple_of3A_2010] : memref<32x1000000xf32, #tpu.memory_space<hbm>> -> memref<32x128xf32, #tpu.memory_space<hbm>>
        %dma_start3A_2018 = arith.constant 0 : i32
        %dma_start3A_2019 = arith.constant 0 : i32
        %dma_start3A_2020 = tpu.memref_slice %arg10[%dma_start3A_2011, %dma_start3A_2018, %dma_start3A_2019] : memref<8x32x128xf32, #tpu.memory_space<vmem>> -> memref<1x32x128xf32, #tpu.memory_space<vmem>>
        %dma_start3A_2021 = tpu.memref_squeeze %dma_start3A_2020 : memref<1x32x128xf32, #tpu.memory_space<vmem>> -> memref<32x128xf32, #tpu.memory_space<vmem>>
        %dma_start3A_2022 = arith.constant 0 : i32
        %dma_start3A_2023 = tpu.memref_slice %arg5[%dma_start3A_2022, %multiple_of3A_2010] : memref<32x1000000xf32, #tpu.memory_space<hbm>> -> memref<32x128xf32, #tpu.memory_space<hbm>>
        tpu.enqueue_dma source(%dma_start3A_2023 : memref<32x128xf32, #tpu.memory_space<hbm>>) target(%dma_start3A_2021 : memref<32x128xf32, #tpu.memory_space<vmem>>) target_semaphore(%arg25 : memref<!tpu.dma_semaphore, #tpu.memory_space<semaphore_mem>>)
      } else {
      }
      %dma_wait3A_1703 = arith.constant 5 : i32
      %dma_wait3A_1704 = arith.constant 0 : i32
      %dma_wait3A_1705 = arith.constant 0 : i32
      %dma_wait3A_1706 = tpu.memref_slice %arg9[%dma_wait3A_1703, %dma_wait3A_1704, %dma_wait3A_1705] : memref<8x32x128xf32, #tpu.memory_space<vmem>> -> memref<1x32x128xf32, #tpu.memory_space<vmem>>
      %dma_wait3A_1707 = tpu.memref_squeeze %dma_wait3A_1706 : memref<1x32x128xf32, #tpu.memory_space<vmem>> -> memref<32x128xf32, #tpu.memory_space<vmem>>
      %dma_wait3A_1708 = arith.constant 0 : i32
      %dma_wait3A_1709 = arith.constant 0 : i32
      %dma_wait3A_1710 = tpu.memref_slice %arg4[%dma_wait3A_1708, %dma_wait3A_1709] : memref<32x1000000xf32, #tpu.memory_space<hbm>> -> memref<32x128xf32, #tpu.memory_space<hbm>>
      %dma_wait3A_1711 = arith.constant 0 : i32
      %dma_wait3A_1712 = arith.constant 0 : i32
      %dma_wait3A_1713 = tpu.memref_slice %arg9[%dma_wait3A_1703, %dma_wait3A_1711, %dma_wait3A_1712] : memref<8x32x128xf32, #tpu.memory_space<vmem>> -> memref<1x32x128xf32, #tpu.memory_space<vmem>>
      %dma_wait3A_1714 = tpu.memref_squeeze %dma_wait3A_1713 : memref<1x32x128xf32, #tpu.memory_space<vmem>> -> memref<32x128xf32, #tpu.memory_space<vmem>>
      %dma_wait3A_1715 = arith.constant 0 : i32
      %dma_wait3A_1716 = arith.constant 0 : i32
      %dma_wait3A_1717 = tpu.memref_slice %arg4[%dma_wait3A_1715, %dma_wait3A_1716] : memref<32x1000000xf32, #tpu.memory_space<hbm>> -> memref<32x128xf32, #tpu.memory_space<hbm>>
      tpu.wait_dma2 semaphore(%arg18 : memref<!tpu.dma_semaphore, #tpu.memory_space<semaphore_mem>>) src(%dma_wait3A_1717 : memref<32x128xf32, #tpu.memory_space<hbm>>) dst(%dma_wait3A_1714 : memref<32x128xf32, #tpu.memory_space<vmem>>)
      %dma_wait3A_1718 = arith.constant 5 : i32
      %dma_wait3A_1719 = arith.constant 0 : i32
      %dma_wait3A_1720 = arith.constant 0 : i32
      %dma_wait3A_1721 = tpu.memref_slice %arg10[%dma_wait3A_1718, %dma_wait3A_1719, %dma_wait3A_1720] : memref<8x32x128xf32, #tpu.memory_space<vmem>> -> memref<1x32x128xf32, #tpu.memory_space<vmem>>
      %dma_wait3A_1722 = tpu.memref_squeeze %dma_wait3A_1721 : memref<1x32x128xf32, #tpu.memory_space<vmem>> -> memref<32x128xf32, #tpu.memory_space<vmem>>
      %dma_wait3A_1723 = arith.constant 0 : i32
      %dma_wait3A_1724 = arith.constant 0 : i32
      %dma_wait3A_1725 = tpu.memref_slice %arg5[%dma_wait3A_1723, %dma_wait3A_1724] : memref<32x1000000xf32, #tpu.memory_space<hbm>> -> memref<32x128xf32, #tpu.memory_space<hbm>>
      %dma_wait3A_1726 = arith.constant 0 : i32
      %dma_wait3A_1727 = arith.constant 0 : i32
      %dma_wait3A_1728 = tpu.memref_slice %arg10[%dma_wait3A_1718, %dma_wait3A_1726, %dma_wait3A_1727] : memref<8x32x128xf32, #tpu.memory_space<vmem>> -> memref<1x32x128xf32, #tpu.memory_space<vmem>>
      %dma_wait3A_1729 = tpu.memref_squeeze %dma_wait3A_1728 : memref<1x32x128xf32, #tpu.memory_space<vmem>> -> memref<32x128xf32, #tpu.memory_space<vmem>>
      %dma_wait3A_1730 = arith.constant 0 : i32
      %dma_wait3A_1731 = arith.constant 0 : i32
      %dma_wait3A_1732 = tpu.memref_slice %arg5[%dma_wait3A_1730, %dma_wait3A_1731] : memref<32x1000000xf32, #tpu.memory_space<hbm>> -> memref<32x128xf32, #tpu.memory_space<hbm>>
      tpu.wait_dma2 semaphore(%arg26 : memref<!tpu.dma_semaphore, #tpu.memory_space<semaphore_mem>>) src(%dma_wait3A_1732 : memref<32x128xf32, #tpu.memory_space<hbm>>) dst(%dma_wait3A_1729 : memref<32x128xf32, #tpu.memory_space<vmem>>)
      %eq3A_1733 = arith.constant 13 : i32
      %eq3A_1734 = vector.broadcast %eq3A_1733 : i32 to vector<16xi32>
      %eq3A_1735 = arith.cmpi eq, %iota3A, %eq3A_1734 : vector<16xi32>
      %select_n3A_1736 = arith.select %eq3A_1735, %get3A_431, %broadcast_in_dim3A_9 : vector<16xi1>, vector<16xi32>
      %reduce_sum3A_1737 = arith.constant true
      %reduce_sum3A_1738 = vector.broadcast %reduce_sum3A_1737 : i1 to vector<16xi1>
      %reduce_sum3A_1739 = tpu.scan <sum>, %select_n3A_1736 masked %reduce_sum3A_1738 : vector<16xi32>, vector<16xi1> -> vector<16xi32>
      %reduce_sum3A_1740 = vector.extract %reduce_sum3A_1739[15] : i32 from vector<16xi32>
      %eq3A_1741 = arith.constant 13 : i32
      %eq3A_1742 = vector.broadcast %eq3A_1741 : i32 to vector<16xi32>
      %eq3A_1743 = arith.cmpi eq, %iota3A, %eq3A_1742 : vector<16xi32>
      %select_n3A_1744 = arith.select %eq3A_1743, %get3A_435, %broadcast_in_dim3A_9 : vector<16xi1>, vector<16xi32>
      %reduce_sum3A_1745 = arith.constant true
      %reduce_sum3A_1746 = vector.broadcast %reduce_sum3A_1745 : i1 to vector<16xi1>
      %reduce_sum3A_1747 = tpu.scan <sum>, %select_n3A_1744 masked %reduce_sum3A_1746 : vector<16xi32>, vector<16xi1> -> vector<16xi32>
      %reduce_sum3A_1748 = vector.extract %reduce_sum3A_1747[15] : i32 from vector<16xi32>
      %broadcast_in_dim3A_1749 = arith.constant 5 : i32
      %broadcast_in_dim3A_1750 = vector.broadcast %broadcast_in_dim3A_1749 : i32 to vector<16xi32>
      %and3A_1751 = arith.constant 127 : i32
      %and3A_1752 = arith.andi %reduce_sum3A_1740, %and3A_1751 : i32
      %broadcast_in_dim3A_1753 = vector.broadcast %and3A_1752 : i32 to vector<16xi32>
      %and3A_1754 = arith.constant 127 : i32
      %and3A_1755 = arith.andi %reduce_sum3A_1748, %and3A_1754 : i32
      %broadcast_in_dim3A_1756 = vector.broadcast %and3A_1755 : i32 to vector<16xi32>
      %gather3A_1757 = tpu.vector_load_idx %arg9[%broadcast_in_dim3A_1750, %iota3A, %broadcast_in_dim3A_1753] : memref<8x32x128xf32, #tpu.memory_space<vmem>>[vector<16xi32>, vector<16xi32>, vector<16xi32>], vector<16xf32>,
      %gather3A_1758 = tpu.vector_load_idx %arg9[%broadcast_in_dim3A_1750, %add3A_5, %broadcast_in_dim3A_1753] : memref<8x32x128xf32, #tpu.memory_space<vmem>>[vector<16xi32>, vector<16xi32>, vector<16xi32>], vector<16xf32>,
      %gather3A_1759 = tpu.vector_load_idx %arg10[%broadcast_in_dim3A_1750, %iota3A, %broadcast_in_dim3A_1756] : memref<8x32x128xf32, #tpu.memory_space<vmem>>[vector<16xi32>, vector<16xi32>, vector<16xi32>], vector<16xf32>,
      %gather3A_1760 = tpu.vector_load_idx %arg10[%broadcast_in_dim3A_1750, %add3A_5, %broadcast_in_dim3A_1756] : memref<8x32x128xf32, #tpu.memory_space<vmem>>[vector<16xi32>, vector<16xi32>, vector<16xi32>], vector<16xf32>,
      %add3A_1761 = arith.constant 13 : i32
      %add3A_1762 = vector.broadcast %add3A_1761 : i32 to vector<16xi32>
      %add3A_1763 = arith.addi %mul3A_8, %add3A_1762 : vector<16xi32>
      %mul3A_1764 = arith.mulf %gather3A_1757, %gather3A_1759 : vector<16xf32>
      %mul3A_1765 = arith.mulf %gather3A_1758, %gather3A_1760 : vector<16xf32>
      %add3A_1766 = arith.addf %mul3A_1764, %mul3A_1765 : vector<16xf32>
      tpu.vector_store_idx %arg12[%add3A_1763], %add3A_1766 : memref<256xf32, #tpu.memory_space<vmem>>[vector<16xi32>], vector<16xf32>,
      %lt3A_1767 = arith.constant 31 : i32
      %lt3A_1768 = arith.cmpi slt, %scan3A_427, %lt3A_1767 : i32
      %convert_element_type3A_1769 = arith.extui %lt3A_1768 : i1 to i32
      %cond3A_1770 = arith.constant 0 : i32
      %cond3A_1771 = arith.cmpi ne, %convert_element_type3A_1769, %cond3A_1770 : i32
      scf.if %cond3A_1771 {
        %add3A_1960 = arith.constant 1 : i32
        %add3A_1961 = arith.addi %scan3A_427, %add3A_1960 : i32
        %mul3A_1962 = arith.constant 16 : i32
        %mul3A_1963 = arith.muli %add3A_1961, %mul3A_1962 : i32
        %get3A_1964 = arith.index_cast %mul3A_1963 : i32 to index
        %get3A_1965 = tpu.vector_load %arg7[%get3A_1964] {strides = array<i32>} : memref<512xi32, #tpu.memory_space<vmem>>, vector<16xi32>,
        %add3A_1966 = arith.constant 1 : i32
        %add3A_1967 = arith.addi %scan3A_427, %add3A_1966 : i32
        %mul3A_1968 = arith.constant 16 : i32
        %mul3A_1969 = arith.muli %add3A_1967, %mul3A_1968 : i32
        %get3A_1970 = arith.index_cast %mul3A_1969 : i32 to index
        %get3A_1971 = tpu.vector_load %arg8[%get3A_1970] {strides = array<i32>} : memref<512xi32, #tpu.memory_space<vmem>>, vector<16xi32>,
        %eq3A_1972 = arith.constant 5 : i32
        %eq3A_1973 = vector.broadcast %eq3A_1972 : i32 to vector<16xi32>
        %eq3A_1974 = arith.cmpi eq, %iota3A, %eq3A_1973 : vector<16xi32>
        %select_n3A_1975 = arith.select %eq3A_1974, %get3A_1965, %broadcast_in_dim3A_9 : vector<16xi1>, vector<16xi32>
        %reduce_sum3A_1976 = arith.constant true
        %reduce_sum3A_1977 = vector.broadcast %reduce_sum3A_1976 : i1 to vector<16xi1>
        %reduce_sum3A_1978 = tpu.scan <sum>, %select_n3A_1975 masked %reduce_sum3A_1977 : vector<16xi32>, vector<16xi1> -> vector<16xi32>
        %reduce_sum3A_1979 = vector.extract %reduce_sum3A_1978[15] : i32 from vector<16xi32>
        %eq3A_1980 = arith.constant 5 : i32
        %eq3A_1981 = vector.broadcast %eq3A_1980 : i32 to vector<16xi32>
        %eq3A_1982 = arith.cmpi eq, %iota3A, %eq3A_1981 : vector<16xi32>
        %select_n3A_1983 = arith.select %eq3A_1982, %get3A_1971, %broadcast_in_dim3A_9 : vector<16xi1>, vector<16xi32>
        %reduce_sum3A_1984 = arith.constant true
        %reduce_sum3A_1985 = vector.broadcast %reduce_sum3A_1984 : i1 to vector<16xi1>
        %reduce_sum3A_1986 = tpu.scan <sum>, %select_n3A_1983 masked %reduce_sum3A_1985 : vector<16xi32>, vector<16xi1> -> vector<16xi32>
        %reduce_sum3A_1987 = vector.extract %reduce_sum3A_1986[15] : i32 from vector<16xi32>
        %shift_right_arithmetic3A_1988 = arith.constant 7 : i32
        %shift_right_arithmetic3A_1989 = arith.shrsi %reduce_sum3A_1979, %shift_right_arithmetic3A_1988 : i32
        %mul3A_1990 = arith.constant 128 : i32
        %mul3A_1991 = arith.muli %shift_right_arithmetic3A_1989, %mul3A_1990 : i32
        %multiple_of3A_1992 = tpu.assume_multiple %mul3A_1991, 128 : i32
        %dma_start3A_1993 = arith.constant 5 : i32
        %dma_start3A_1994 = arith.constant 0 : i32
        %dma_start3A_1995 = arith.constant 0 : i32
        %dma_start3A_1996 = tpu.memref_slice %arg9[%dma_start3A_1993, %dma_start3A_1994, %dma_start3A_1995] : memref<8x32x128xf32, #tpu.memory_space<vmem>> -> memref<1x32x128xf32, #tpu.memory_space<vmem>>
        %dma_start3A_1997 = tpu.memref_squeeze %dma_start3A_1996 : memref<1x32x128xf32, #tpu.memory_space<vmem>> -> memref<32x128xf32, #tpu.memory_space<vmem>>
        %dma_start3A_1998 = arith.constant 0 : i32
        %dma_start3A_1999 = tpu.memref_slice %arg4[%dma_start3A_1998, %multiple_of3A_1992] : memref<32x1000000xf32, #tpu.memory_space<hbm>> -> memref<32x128xf32, #tpu.memory_space<hbm>>
        %dma_start3A_2000 = arith.constant 0 : i32
        %dma_start3A_2001 = arith.constant 0 : i32
        %dma_start3A_2002 = tpu.memref_slice %arg9[%dma_start3A_1993, %dma_start3A_2000, %dma_start3A_2001] : memref<8x32x128xf32, #tpu.memory_space<vmem>> -> memref<1x32x128xf32, #tpu.memory_space<vmem>>
        %dma_start3A_2003 = tpu.memref_squeeze %dma_start3A_2002 : memref<1x32x128xf32, #tpu.memory_space<vmem>> -> memref<32x128xf32, #tpu.memory_space<vmem>>
        %dma_start3A_2004 = arith.constant 0 : i32
        %dma_start3A_2005 = tpu.memref_slice %arg4[%dma_start3A_2004, %multiple_of3A_1992] : memref<32x1000000xf32, #tpu.memory_space<hbm>> -> memref<32x128xf32, #tpu.memory_space<hbm>>
        tpu.enqueue_dma source(%dma_start3A_2005 : memref<32x128xf32, #tpu.memory_space<hbm>>) target(%dma_start3A_2003 : memref<32x128xf32, #tpu.memory_space<vmem>>) target_semaphore(%arg18 : memref<!tpu.dma_semaphore, #tpu.memory_space<semaphore_mem>>)
        %shift_right_arithmetic3A_2006 = arith.constant 7 : i32
        %shift_right_arithmetic3A_2007 = arith.shrsi %reduce_sum3A_1987, %shift_right_arithmetic3A_2006 : i32
        %mul3A_2008 = arith.constant 128 : i32
        %mul3A_2009 = arith.muli %shift_right_arithmetic3A_2007, %mul3A_2008 : i32
        %multiple_of3A_2010 = tpu.assume_multiple %mul3A_2009, 128 : i32
        %dma_start3A_2011 = arith.constant 5 : i32
        %dma_start3A_2012 = arith.constant 0 : i32
        %dma_start3A_2013 = arith.constant 0 : i32
        %dma_start3A_2014 = tpu.memref_slice %arg10[%dma_start3A_2011, %dma_start3A_2012, %dma_start3A_2013] : memref<8x32x128xf32, #tpu.memory_space<vmem>> -> memref<1x32x128xf32, #tpu.memory_space<vmem>>
        %dma_start3A_2015 = tpu.memref_squeeze %dma_start3A_2014 : memref<1x32x128xf32, #tpu.memory_space<vmem>> -> memref<32x128xf32, #tpu.memory_space<vmem>>
        %dma_start3A_2016 = arith.constant 0 : i32
        %dma_start3A_2017 = tpu.memref_slice %arg5[%dma_start3A_2016, %multiple_of3A_2010] : memref<32x1000000xf32, #tpu.memory_space<hbm>> -> memref<32x128xf32, #tpu.memory_space<hbm>>
        %dma_start3A_2018 = arith.constant 0 : i32
        %dma_start3A_2019 = arith.constant 0 : i32
        %dma_start3A_2020 = tpu.memref_slice %arg10[%dma_start3A_2011, %dma_start3A_2018, %dma_start3A_2019] : memref<8x32x128xf32, #tpu.memory_space<vmem>> -> memref<1x32x128xf32, #tpu.memory_space<vmem>>
        %dma_start3A_2021 = tpu.memref_squeeze %dma_start3A_2020 : memref<1x32x128xf32, #tpu.memory_space<vmem>> -> memref<32x128xf32, #tpu.memory_space<vmem>>
        %dma_start3A_2022 = arith.constant 0 : i32
        %dma_start3A_2023 = tpu.memref_slice %arg5[%dma_start3A_2022, %multiple_of3A_2010] : memref<32x1000000xf32, #tpu.memory_space<hbm>> -> memref<32x128xf32, #tpu.memory_space<hbm>>
        tpu.enqueue_dma source(%dma_start3A_2023 : memref<32x128xf32, #tpu.memory_space<hbm>>) target(%dma_start3A_2021 : memref<32x128xf32, #tpu.memory_space<vmem>>) target_semaphore(%arg26 : memref<!tpu.dma_semaphore, #tpu.memory_space<semaphore_mem>>)
      } else {
      }
      %dma_wait3A_1772 = arith.constant 6 : i32
      %dma_wait3A_1773 = arith.constant 0 : i32
      %dma_wait3A_1774 = arith.constant 0 : i32
      %dma_wait3A_1775 = tpu.memref_slice %arg9[%dma_wait3A_1772, %dma_wait3A_1773, %dma_wait3A_1774] : memref<8x32x128xf32, #tpu.memory_space<vmem>> -> memref<1x32x128xf32, #tpu.memory_space<vmem>>
      %dma_wait3A_1776 = tpu.memref_squeeze %dma_wait3A_1775 : memref<1x32x128xf32, #tpu.memory_space<vmem>> -> memref<32x128xf32, #tpu.memory_space<vmem>>
      %dma_wait3A_1777 = arith.constant 0 : i32
      %dma_wait3A_1778 = arith.constant 0 : i32
      %dma_wait3A_1779 = tpu.memref_slice %arg4[%dma_wait3A_1777, %dma_wait3A_1778] : memref<32x1000000xf32, #tpu.memory_space<hbm>> -> memref<32x128xf32, #tpu.memory_space<hbm>>
      %dma_wait3A_1780 = arith.constant 0 : i32
      %dma_wait3A_1781 = arith.constant 0 : i32
      %dma_wait3A_1782 = tpu.memref_slice %arg9[%dma_wait3A_1772, %dma_wait3A_1780, %dma_wait3A_1781] : memref<8x32x128xf32, #tpu.memory_space<vmem>> -> memref<1x32x128xf32, #tpu.memory_space<vmem>>
      %dma_wait3A_1783 = tpu.memref_squeeze %dma_wait3A_1782 : memref<1x32x128xf32, #tpu.memory_space<vmem>> -> memref<32x128xf32, #tpu.memory_space<vmem>>
      %dma_wait3A_1784 = arith.constant 0 : i32
      %dma_wait3A_1785 = arith.constant 0 : i32
      %dma_wait3A_1786 = tpu.memref_slice %arg4[%dma_wait3A_1784, %dma_wait3A_1785] : memref<32x1000000xf32, #tpu.memory_space<hbm>> -> memref<32x128xf32, #tpu.memory_space<hbm>>
      tpu.wait_dma2 semaphore(%arg19 : memref<!tpu.dma_semaphore, #tpu.memory_space<semaphore_mem>>) src(%dma_wait3A_1786 : memref<32x128xf32, #tpu.memory_space<hbm>>) dst(%dma_wait3A_1783 : memref<32x128xf32, #tpu.memory_space<vmem>>)
      %dma_wait3A_1787 = arith.constant 6 : i32
      %dma_wait3A_1788 = arith.constant 0 : i32
      %dma_wait3A_1789 = arith.constant 0 : i32
      %dma_wait3A_1790 = tpu.memref_slice %arg10[%dma_wait3A_1787, %dma_wait3A_1788, %dma_wait3A_1789] : memref<8x32x128xf32, #tpu.memory_space<vmem>> -> memref<1x32x128xf32, #tpu.memory_space<vmem>>
      %dma_wait3A_1791 = tpu.memref_squeeze %dma_wait3A_1790 : memref<1x32x128xf32, #tpu.memory_space<vmem>> -> memref<32x128xf32, #tpu.memory_space<vmem>>
      %dma_wait3A_1792 = arith.constant 0 : i32
      %dma_wait3A_1793 = arith.constant 0 : i32
      %dma_wait3A_1794 = tpu.memref_slice %arg5[%dma_wait3A_1792, %dma_wait3A_1793] : memref<32x1000000xf32, #tpu.memory_space<hbm>> -> memref<32x128xf32, #tpu.memory_space<hbm>>
      %dma_wait3A_1795 = arith.constant 0 : i32
      %dma_wait3A_1796 = arith.constant 0 : i32
      %dma_wait3A_1797 = tpu.memref_slice %arg10[%dma_wait3A_1787, %dma_wait3A_1795, %dma_wait3A_1796] : memref<8x32x128xf32, #tpu.memory_space<vmem>> -> memref<1x32x128xf32, #tpu.memory_space<vmem>>
      %dma_wait3A_1798 = tpu.memref_squeeze %dma_wait3A_1797 : memref<1x32x128xf32, #tpu.memory_space<vmem>> -> memref<32x128xf32, #tpu.memory_space<vmem>>
      %dma_wait3A_1799 = arith.constant 0 : i32
      %dma_wait3A_1800 = arith.constant 0 : i32
      %dma_wait3A_1801 = tpu.memref_slice %arg5[%dma_wait3A_1799, %dma_wait3A_1800] : memref<32x1000000xf32, #tpu.memory_space<hbm>> -> memref<32x128xf32, #tpu.memory_space<hbm>>
      tpu.wait_dma2 semaphore(%arg27 : memref<!tpu.dma_semaphore, #tpu.memory_space<semaphore_mem>>) src(%dma_wait3A_1801 : memref<32x128xf32, #tpu.memory_space<hbm>>) dst(%dma_wait3A_1798 : memref<32x128xf32, #tpu.memory_space<vmem>>)
      %eq3A_1802 = arith.constant 14 : i32
      %eq3A_1803 = vector.broadcast %eq3A_1802 : i32 to vector<16xi32>
      %eq3A_1804 = arith.cmpi eq, %iota3A, %eq3A_1803 : vector<16xi32>
      %select_n3A_1805 = arith.select %eq3A_1804, %get3A_431, %broadcast_in_dim3A_9 : vector<16xi1>, vector<16xi32>
      %reduce_sum3A_1806 = arith.constant true
      %reduce_sum3A_1807 = vector.broadcast %reduce_sum3A_1806 : i1 to vector<16xi1>
      %reduce_sum3A_1808 = tpu.scan <sum>, %select_n3A_1805 masked %reduce_sum3A_1807 : vector<16xi32>, vector<16xi1> -> vector<16xi32>
      %reduce_sum3A_1809 = vector.extract %reduce_sum3A_1808[15] : i32 from vector<16xi32>
      %eq3A_1810 = arith.constant 14 : i32
      %eq3A_1811 = vector.broadcast %eq3A_1810 : i32 to vector<16xi32>
      %eq3A_1812 = arith.cmpi eq, %iota3A, %eq3A_1811 : vector<16xi32>
      %select_n3A_1813 = arith.select %eq3A_1812, %get3A_435, %broadcast_in_dim3A_9 : vector<16xi1>, vector<16xi32>
      %reduce_sum3A_1814 = arith.constant true
      %reduce_sum3A_1815 = vector.broadcast %reduce_sum3A_1814 : i1 to vector<16xi1>
      %reduce_sum3A_1816 = tpu.scan <sum>, %select_n3A_1813 masked %reduce_sum3A_1815 : vector<16xi32>, vector<16xi1> -> vector<16xi32>
      %reduce_sum3A_1817 = vector.extract %reduce_sum3A_1816[15] : i32 from vector<16xi32>
      %broadcast_in_dim3A_1818 = arith.constant 6 : i32
      %broadcast_in_dim3A_1819 = vector.broadcast %broadcast_in_dim3A_1818 : i32 to vector<16xi32>
      %and3A_1820 = arith.constant 127 : i32
      %and3A_1821 = arith.andi %reduce_sum3A_1809, %and3A_1820 : i32
      %broadcast_in_dim3A_1822 = vector.broadcast %and3A_1821 : i32 to vector<16xi32>
      %and3A_1823 = arith.constant 127 : i32
      %and3A_1824 = arith.andi %reduce_sum3A_1817, %and3A_1823 : i32
      %broadcast_in_dim3A_1825 = vector.broadcast %and3A_1824 : i32 to vector<16xi32>
      %gather3A_1826 = tpu.vector_load_idx %arg9[%broadcast_in_dim3A_1819, %iota3A, %broadcast_in_dim3A_1822] : memref<8x32x128xf32, #tpu.memory_space<vmem>>[vector<16xi32>, vector<16xi32>, vector<16xi32>], vector<16xf32>,
      %gather3A_1827 = tpu.vector_load_idx %arg9[%broadcast_in_dim3A_1819, %add3A_5, %broadcast_in_dim3A_1822] : memref<8x32x128xf32, #tpu.memory_space<vmem>>[vector<16xi32>, vector<16xi32>, vector<16xi32>], vector<16xf32>,
      %gather3A_1828 = tpu.vector_load_idx %arg10[%broadcast_in_dim3A_1819, %iota3A, %broadcast_in_dim3A_1825] : memref<8x32x128xf32, #tpu.memory_space<vmem>>[vector<16xi32>, vector<16xi32>, vector<16xi32>], vector<16xf32>,
      %gather3A_1829 = tpu.vector_load_idx %arg10[%broadcast_in_dim3A_1819, %add3A_5, %broadcast_in_dim3A_1825] : memref<8x32x128xf32, #tpu.memory_space<vmem>>[vector<16xi32>, vector<16xi32>, vector<16xi32>], vector<16xf32>,
      %add3A_1830 = arith.constant 14 : i32
      %add3A_1831 = vector.broadcast %add3A_1830 : i32 to vector<16xi32>
      %add3A_1832 = arith.addi %mul3A_8, %add3A_1831 : vector<16xi32>
      %mul3A_1833 = arith.mulf %gather3A_1826, %gather3A_1828 : vector<16xf32>
      %mul3A_1834 = arith.mulf %gather3A_1827, %gather3A_1829 : vector<16xf32>
      %add3A_1835 = arith.addf %mul3A_1833, %mul3A_1834 : vector<16xf32>
      tpu.vector_store_idx %arg12[%add3A_1832], %add3A_1835 : memref<256xf32, #tpu.memory_space<vmem>>[vector<16xi32>], vector<16xf32>,
      %lt3A_1836 = arith.constant 31 : i32
      %lt3A_1837 = arith.cmpi slt, %scan3A_427, %lt3A_1836 : i32
      %convert_element_type3A_1838 = arith.extui %lt3A_1837 : i1 to i32
      %cond3A_1839 = arith.constant 0 : i32
      %cond3A_1840 = arith.cmpi ne, %convert_element_type3A_1838, %cond3A_1839 : i32
      scf.if %cond3A_1840 {
        %add3A_1960 = arith.constant 1 : i32
        %add3A_1961 = arith.addi %scan3A_427, %add3A_1960 : i32
        %mul3A_1962 = arith.constant 16 : i32
        %mul3A_1963 = arith.muli %add3A_1961, %mul3A_1962 : i32
        %get3A_1964 = arith.index_cast %mul3A_1963 : i32 to index
        %get3A_1965 = tpu.vector_load %arg7[%get3A_1964] {strides = array<i32>} : memref<512xi32, #tpu.memory_space<vmem>>, vector<16xi32>,
        %add3A_1966 = arith.constant 1 : i32
        %add3A_1967 = arith.addi %scan3A_427, %add3A_1966 : i32
        %mul3A_1968 = arith.constant 16 : i32
        %mul3A_1969 = arith.muli %add3A_1967, %mul3A_1968 : i32
        %get3A_1970 = arith.index_cast %mul3A_1969 : i32 to index
        %get3A_1971 = tpu.vector_load %arg8[%get3A_1970] {strides = array<i32>} : memref<512xi32, #tpu.memory_space<vmem>>, vector<16xi32>,
        %eq3A_1972 = arith.constant 6 : i32
        %eq3A_1973 = vector.broadcast %eq3A_1972 : i32 to vector<16xi32>
        %eq3A_1974 = arith.cmpi eq, %iota3A, %eq3A_1973 : vector<16xi32>
        %select_n3A_1975 = arith.select %eq3A_1974, %get3A_1965, %broadcast_in_dim3A_9 : vector<16xi1>, vector<16xi32>
        %reduce_sum3A_1976 = arith.constant true
        %reduce_sum3A_1977 = vector.broadcast %reduce_sum3A_1976 : i1 to vector<16xi1>
        %reduce_sum3A_1978 = tpu.scan <sum>, %select_n3A_1975 masked %reduce_sum3A_1977 : vector<16xi32>, vector<16xi1> -> vector<16xi32>
        %reduce_sum3A_1979 = vector.extract %reduce_sum3A_1978[15] : i32 from vector<16xi32>
        %eq3A_1980 = arith.constant 6 : i32
        %eq3A_1981 = vector.broadcast %eq3A_1980 : i32 to vector<16xi32>
        %eq3A_1982 = arith.cmpi eq, %iota3A, %eq3A_1981 : vector<16xi32>
        %select_n3A_1983 = arith.select %eq3A_1982, %get3A_1971, %broadcast_in_dim3A_9 : vector<16xi1>, vector<16xi32>
        %reduce_sum3A_1984 = arith.constant true
        %reduce_sum3A_1985 = vector.broadcast %reduce_sum3A_1984 : i1 to vector<16xi1>
        %reduce_sum3A_1986 = tpu.scan <sum>, %select_n3A_1983 masked %reduce_sum3A_1985 : vector<16xi32>, vector<16xi1> -> vector<16xi32>
        %reduce_sum3A_1987 = vector.extract %reduce_sum3A_1986[15] : i32 from vector<16xi32>
        %shift_right_arithmetic3A_1988 = arith.constant 7 : i32
        %shift_right_arithmetic3A_1989 = arith.shrsi %reduce_sum3A_1979, %shift_right_arithmetic3A_1988 : i32
        %mul3A_1990 = arith.constant 128 : i32
        %mul3A_1991 = arith.muli %shift_right_arithmetic3A_1989, %mul3A_1990 : i32
        %multiple_of3A_1992 = tpu.assume_multiple %mul3A_1991, 128 : i32
        %dma_start3A_1993 = arith.constant 6 : i32
        %dma_start3A_1994 = arith.constant 0 : i32
        %dma_start3A_1995 = arith.constant 0 : i32
        %dma_start3A_1996 = tpu.memref_slice %arg9[%dma_start3A_1993, %dma_start3A_1994, %dma_start3A_1995] : memref<8x32x128xf32, #tpu.memory_space<vmem>> -> memref<1x32x128xf32, #tpu.memory_space<vmem>>
        %dma_start3A_1997 = tpu.memref_squeeze %dma_start3A_1996 : memref<1x32x128xf32, #tpu.memory_space<vmem>> -> memref<32x128xf32, #tpu.memory_space<vmem>>
        %dma_start3A_1998 = arith.constant 0 : i32
        %dma_start3A_1999 = tpu.memref_slice %arg4[%dma_start3A_1998, %multiple_of3A_1992] : memref<32x1000000xf32, #tpu.memory_space<hbm>> -> memref<32x128xf32, #tpu.memory_space<hbm>>
        %dma_start3A_2000 = arith.constant 0 : i32
        %dma_start3A_2001 = arith.constant 0 : i32
        %dma_start3A_2002 = tpu.memref_slice %arg9[%dma_start3A_1993, %dma_start3A_2000, %dma_start3A_2001] : memref<8x32x128xf32, #tpu.memory_space<vmem>> -> memref<1x32x128xf32, #tpu.memory_space<vmem>>
        %dma_start3A_2003 = tpu.memref_squeeze %dma_start3A_2002 : memref<1x32x128xf32, #tpu.memory_space<vmem>> -> memref<32x128xf32, #tpu.memory_space<vmem>>
        %dma_start3A_2004 = arith.constant 0 : i32
        %dma_start3A_2005 = tpu.memref_slice %arg4[%dma_start3A_2004, %multiple_of3A_1992] : memref<32x1000000xf32, #tpu.memory_space<hbm>> -> memref<32x128xf32, #tpu.memory_space<hbm>>
        tpu.enqueue_dma source(%dma_start3A_2005 : memref<32x128xf32, #tpu.memory_space<hbm>>) target(%dma_start3A_2003 : memref<32x128xf32, #tpu.memory_space<vmem>>) target_semaphore(%arg19 : memref<!tpu.dma_semaphore, #tpu.memory_space<semaphore_mem>>)
        %shift_right_arithmetic3A_2006 = arith.constant 7 : i32
        %shift_right_arithmetic3A_2007 = arith.shrsi %reduce_sum3A_1987, %shift_right_arithmetic3A_2006 : i32
        %mul3A_2008 = arith.constant 128 : i32
        %mul3A_2009 = arith.muli %shift_right_arithmetic3A_2007, %mul3A_2008 : i32
        %multiple_of3A_2010 = tpu.assume_multiple %mul3A_2009, 128 : i32
        %dma_start3A_2011 = arith.constant 6 : i32
        %dma_start3A_2012 = arith.constant 0 : i32
        %dma_start3A_2013 = arith.constant 0 : i32
        %dma_start3A_2014 = tpu.memref_slice %arg10[%dma_start3A_2011, %dma_start3A_2012, %dma_start3A_2013] : memref<8x32x128xf32, #tpu.memory_space<vmem>> -> memref<1x32x128xf32, #tpu.memory_space<vmem>>
        %dma_start3A_2015 = tpu.memref_squeeze %dma_start3A_2014 : memref<1x32x128xf32, #tpu.memory_space<vmem>> -> memref<32x128xf32, #tpu.memory_space<vmem>>
        %dma_start3A_2016 = arith.constant 0 : i32
        %dma_start3A_2017 = tpu.memref_slice %arg5[%dma_start3A_2016, %multiple_of3A_2010] : memref<32x1000000xf32, #tpu.memory_space<hbm>> -> memref<32x128xf32, #tpu.memory_space<hbm>>
        %dma_start3A_2018 = arith.constant 0 : i32
        %dma_start3A_2019 = arith.constant 0 : i32
        %dma_start3A_2020 = tpu.memref_slice %arg10[%dma_start3A_2011, %dma_start3A_2018, %dma_start3A_2019] : memref<8x32x128xf32, #tpu.memory_space<vmem>> -> memref<1x32x128xf32, #tpu.memory_space<vmem>>
        %dma_start3A_2021 = tpu.memref_squeeze %dma_start3A_2020 : memref<1x32x128xf32, #tpu.memory_space<vmem>> -> memref<32x128xf32, #tpu.memory_space<vmem>>
        %dma_start3A_2022 = arith.constant 0 : i32
        %dma_start3A_2023 = tpu.memref_slice %arg5[%dma_start3A_2022, %multiple_of3A_2010] : memref<32x1000000xf32, #tpu.memory_space<hbm>> -> memref<32x128xf32, #tpu.memory_space<hbm>>
        tpu.enqueue_dma source(%dma_start3A_2023 : memref<32x128xf32, #tpu.memory_space<hbm>>) target(%dma_start3A_2021 : memref<32x128xf32, #tpu.memory_space<vmem>>) target_semaphore(%arg27 : memref<!tpu.dma_semaphore, #tpu.memory_space<semaphore_mem>>)
      } else {
      }
      %dma_wait3A_1841 = arith.constant 7 : i32
      %dma_wait3A_1842 = arith.constant 0 : i32
      %dma_wait3A_1843 = arith.constant 0 : i32
      %dma_wait3A_1844 = tpu.memref_slice %arg9[%dma_wait3A_1841, %dma_wait3A_1842, %dma_wait3A_1843] : memref<8x32x128xf32, #tpu.memory_space<vmem>> -> memref<1x32x128xf32, #tpu.memory_space<vmem>>
      %dma_wait3A_1845 = tpu.memref_squeeze %dma_wait3A_1844 : memref<1x32x128xf32, #tpu.memory_space<vmem>> -> memref<32x128xf32, #tpu.memory_space<vmem>>
      %dma_wait3A_1846 = arith.constant 0 : i32
      %dma_wait3A_1847 = arith.constant 0 : i32
      %dma_wait3A_1848 = tpu.memref_slice %arg4[%dma_wait3A_1846, %dma_wait3A_1847] : memref<32x1000000xf32, #tpu.memory_space<hbm>> -> memref<32x128xf32, #tpu.memory_space<hbm>>
      %dma_wait3A_1849 = arith.constant 0 : i32
      %dma_wait3A_1850 = arith.constant 0 : i32
      %dma_wait3A_1851 = tpu.memref_slice %arg9[%dma_wait3A_1841, %dma_wait3A_1849, %dma_wait3A_1850] : memref<8x32x128xf32, #tpu.memory_space<vmem>> -> memref<1x32x128xf32, #tpu.memory_space<vmem>>
      %dma_wait3A_1852 = tpu.memref_squeeze %dma_wait3A_1851 : memref<1x32x128xf32, #tpu.memory_space<vmem>> -> memref<32x128xf32, #tpu.memory_space<vmem>>
      %dma_wait3A_1853 = arith.constant 0 : i32
      %dma_wait3A_1854 = arith.constant 0 : i32
      %dma_wait3A_1855 = tpu.memref_slice %arg4[%dma_wait3A_1853, %dma_wait3A_1854] : memref<32x1000000xf32, #tpu.memory_space<hbm>> -> memref<32x128xf32, #tpu.memory_space<hbm>>
      tpu.wait_dma2 semaphore(%arg20 : memref<!tpu.dma_semaphore, #tpu.memory_space<semaphore_mem>>) src(%dma_wait3A_1855 : memref<32x128xf32, #tpu.memory_space<hbm>>) dst(%dma_wait3A_1852 : memref<32x128xf32, #tpu.memory_space<vmem>>)
      %dma_wait3A_1856 = arith.constant 7 : i32
      %dma_wait3A_1857 = arith.constant 0 : i32
      %dma_wait3A_1858 = arith.constant 0 : i32
      %dma_wait3A_1859 = tpu.memref_slice %arg10[%dma_wait3A_1856, %dma_wait3A_1857, %dma_wait3A_1858] : memref<8x32x128xf32, #tpu.memory_space<vmem>> -> memref<1x32x128xf32, #tpu.memory_space<vmem>>
      %dma_wait3A_1860 = tpu.memref_squeeze %dma_wait3A_1859 : memref<1x32x128xf32, #tpu.memory_space<vmem>> -> memref<32x128xf32, #tpu.memory_space<vmem>>
      %dma_wait3A_1861 = arith.constant 0 : i32
      %dma_wait3A_1862 = arith.constant 0 : i32
      %dma_wait3A_1863 = tpu.memref_slice %arg5[%dma_wait3A_1861, %dma_wait3A_1862] : memref<32x1000000xf32, #tpu.memory_space<hbm>> -> memref<32x128xf32, #tpu.memory_space<hbm>>
      %dma_wait3A_1864 = arith.constant 0 : i32
      %dma_wait3A_1865 = arith.constant 0 : i32
      %dma_wait3A_1866 = tpu.memref_slice %arg10[%dma_wait3A_1856, %dma_wait3A_1864, %dma_wait3A_1865] : memref<8x32x128xf32, #tpu.memory_space<vmem>> -> memref<1x32x128xf32, #tpu.memory_space<vmem>>
      %dma_wait3A_1867 = tpu.memref_squeeze %dma_wait3A_1866 : memref<1x32x128xf32, #tpu.memory_space<vmem>> -> memref<32x128xf32, #tpu.memory_space<vmem>>
      %dma_wait3A_1868 = arith.constant 0 : i32
      %dma_wait3A_1869 = arith.constant 0 : i32
      %dma_wait3A_1870 = tpu.memref_slice %arg5[%dma_wait3A_1868, %dma_wait3A_1869] : memref<32x1000000xf32, #tpu.memory_space<hbm>> -> memref<32x128xf32, #tpu.memory_space<hbm>>
      tpu.wait_dma2 semaphore(%arg28 : memref<!tpu.dma_semaphore, #tpu.memory_space<semaphore_mem>>) src(%dma_wait3A_1870 : memref<32x128xf32, #tpu.memory_space<hbm>>) dst(%dma_wait3A_1867 : memref<32x128xf32, #tpu.memory_space<vmem>>)
      %eq3A_1871 = arith.constant 15 : i32
      %eq3A_1872 = vector.broadcast %eq3A_1871 : i32 to vector<16xi32>
      %eq3A_1873 = arith.cmpi eq, %iota3A, %eq3A_1872 : vector<16xi32>
      %select_n3A_1874 = arith.select %eq3A_1873, %get3A_431, %broadcast_in_dim3A_9 : vector<16xi1>, vector<16xi32>
      %reduce_sum3A_1875 = arith.constant true
      %reduce_sum3A_1876 = vector.broadcast %reduce_sum3A_1875 : i1 to vector<16xi1>
      %reduce_sum3A_1877 = tpu.scan <sum>, %select_n3A_1874 masked %reduce_sum3A_1876 : vector<16xi32>, vector<16xi1> -> vector<16xi32>
      %reduce_sum3A_1878 = vector.extract %reduce_sum3A_1877[15] : i32 from vector<16xi32>
      %eq3A_1879 = arith.constant 15 : i32
      %eq3A_1880 = vector.broadcast %eq3A_1879 : i32 to vector<16xi32>
      %eq3A_1881 = arith.cmpi eq, %iota3A, %eq3A_1880 : vector<16xi32>
      %select_n3A_1882 = arith.select %eq3A_1881, %get3A_435, %broadcast_in_dim3A_9 : vector<16xi1>, vector<16xi32>
      %reduce_sum3A_1883 = arith.constant true
      %reduce_sum3A_1884 = vector.broadcast %reduce_sum3A_1883 : i1 to vector<16xi1>
      %reduce_sum3A_1885 = tpu.scan <sum>, %select_n3A_1882 masked %reduce_sum3A_1884 : vector<16xi32>, vector<16xi1> -> vector<16xi32>
      %reduce_sum3A_1886 = vector.extract %reduce_sum3A_1885[15] : i32 from vector<16xi32>
      %broadcast_in_dim3A_1887 = arith.constant 7 : i32
      %broadcast_in_dim3A_1888 = vector.broadcast %broadcast_in_dim3A_1887 : i32 to vector<16xi32>
      %and3A_1889 = arith.constant 127 : i32
      %and3A_1890 = arith.andi %reduce_sum3A_1878, %and3A_1889 : i32
      %broadcast_in_dim3A_1891 = vector.broadcast %and3A_1890 : i32 to vector<16xi32>
      %and3A_1892 = arith.constant 127 : i32
      %and3A_1893 = arith.andi %reduce_sum3A_1886, %and3A_1892 : i32
      %broadcast_in_dim3A_1894 = vector.broadcast %and3A_1893 : i32 to vector<16xi32>
      %gather3A_1895 = tpu.vector_load_idx %arg9[%broadcast_in_dim3A_1888, %iota3A, %broadcast_in_dim3A_1891] : memref<8x32x128xf32, #tpu.memory_space<vmem>>[vector<16xi32>, vector<16xi32>, vector<16xi32>], vector<16xf32>,
      %gather3A_1896 = tpu.vector_load_idx %arg9[%broadcast_in_dim3A_1888, %add3A_5, %broadcast_in_dim3A_1891] : memref<8x32x128xf32, #tpu.memory_space<vmem>>[vector<16xi32>, vector<16xi32>, vector<16xi32>], vector<16xf32>,
      %gather3A_1897 = tpu.vector_load_idx %arg10[%broadcast_in_dim3A_1888, %iota3A, %broadcast_in_dim3A_1894] : memref<8x32x128xf32, #tpu.memory_space<vmem>>[vector<16xi32>, vector<16xi32>, vector<16xi32>], vector<16xf32>,
      %gather3A_1898 = tpu.vector_load_idx %arg10[%broadcast_in_dim3A_1888, %add3A_5, %broadcast_in_dim3A_1894] : memref<8x32x128xf32, #tpu.memory_space<vmem>>[vector<16xi32>, vector<16xi32>, vector<16xi32>], vector<16xf32>,
      %add3A_1899 = arith.constant 15 : i32
      %add3A_1900 = vector.broadcast %add3A_1899 : i32 to vector<16xi32>
      %add3A_1901 = arith.addi %mul3A_8, %add3A_1900 : vector<16xi32>
      %mul3A_1902 = arith.mulf %gather3A_1895, %gather3A_1897 : vector<16xf32>
      %mul3A_1903 = arith.mulf %gather3A_1896, %gather3A_1898 : vector<16xf32>
      %add3A_1904 = arith.addf %mul3A_1902, %mul3A_1903 : vector<16xf32>
      tpu.vector_store_idx %arg12[%add3A_1901], %add3A_1904 : memref<256xf32, #tpu.memory_space<vmem>>[vector<16xi32>], vector<16xf32>,
      %lt3A_1905 = arith.constant 31 : i32
      %lt3A_1906 = arith.cmpi slt, %scan3A_427, %lt3A_1905 : i32
      %convert_element_type3A_1907 = arith.extui %lt3A_1906 : i1 to i32
      %cond3A_1908 = arith.constant 0 : i32
      %cond3A_1909 = arith.cmpi ne, %convert_element_type3A_1907, %cond3A_1908 : i32
      scf.if %cond3A_1909 {
        %add3A_1960 = arith.constant 1 : i32
        %add3A_1961 = arith.addi %scan3A_427, %add3A_1960 : i32
        %mul3A_1962 = arith.constant 16 : i32
        %mul3A_1963 = arith.muli %add3A_1961, %mul3A_1962 : i32
        %get3A_1964 = arith.index_cast %mul3A_1963 : i32 to index
        %get3A_1965 = tpu.vector_load %arg7[%get3A_1964] {strides = array<i32>} : memref<512xi32, #tpu.memory_space<vmem>>, vector<16xi32>,
        %add3A_1966 = arith.constant 1 : i32
        %add3A_1967 = arith.addi %scan3A_427, %add3A_1966 : i32
        %mul3A_1968 = arith.constant 16 : i32
        %mul3A_1969 = arith.muli %add3A_1967, %mul3A_1968 : i32
        %get3A_1970 = arith.index_cast %mul3A_1969 : i32 to index
        %get3A_1971 = tpu.vector_load %arg8[%get3A_1970] {strides = array<i32>} : memref<512xi32, #tpu.memory_space<vmem>>, vector<16xi32>,
        %eq3A_1972 = arith.constant 7 : i32
        %eq3A_1973 = vector.broadcast %eq3A_1972 : i32 to vector<16xi32>
        %eq3A_1974 = arith.cmpi eq, %iota3A, %eq3A_1973 : vector<16xi32>
        %select_n3A_1975 = arith.select %eq3A_1974, %get3A_1965, %broadcast_in_dim3A_9 : vector<16xi1>, vector<16xi32>
        %reduce_sum3A_1976 = arith.constant true
        %reduce_sum3A_1977 = vector.broadcast %reduce_sum3A_1976 : i1 to vector<16xi1>
        %reduce_sum3A_1978 = tpu.scan <sum>, %select_n3A_1975 masked %reduce_sum3A_1977 : vector<16xi32>, vector<16xi1> -> vector<16xi32>
        %reduce_sum3A_1979 = vector.extract %reduce_sum3A_1978[15] : i32 from vector<16xi32>
        %eq3A_1980 = arith.constant 7 : i32
        %eq3A_1981 = vector.broadcast %eq3A_1980 : i32 to vector<16xi32>
        %eq3A_1982 = arith.cmpi eq, %iota3A, %eq3A_1981 : vector<16xi32>
        %select_n3A_1983 = arith.select %eq3A_1982, %get3A_1971, %broadcast_in_dim3A_9 : vector<16xi1>, vector<16xi32>
        %reduce_sum3A_1984 = arith.constant true
        %reduce_sum3A_1985 = vector.broadcast %reduce_sum3A_1984 : i1 to vector<16xi1>
        %reduce_sum3A_1986 = tpu.scan <sum>, %select_n3A_1983 masked %reduce_sum3A_1985 : vector<16xi32>, vector<16xi1> -> vector<16xi32>
        %reduce_sum3A_1987 = vector.extract %reduce_sum3A_1986[15] : i32 from vector<16xi32>
        %shift_right_arithmetic3A_1988 = arith.constant 7 : i32
        %shift_right_arithmetic3A_1989 = arith.shrsi %reduce_sum3A_1979, %shift_right_arithmetic3A_1988 : i32
        %mul3A_1990 = arith.constant 128 : i32
        %mul3A_1991 = arith.muli %shift_right_arithmetic3A_1989, %mul3A_1990 : i32
        %multiple_of3A_1992 = tpu.assume_multiple %mul3A_1991, 128 : i32
        %dma_start3A_1993 = arith.constant 7 : i32
        %dma_start3A_1994 = arith.constant 0 : i32
        %dma_start3A_1995 = arith.constant 0 : i32
        %dma_start3A_1996 = tpu.memref_slice %arg9[%dma_start3A_1993, %dma_start3A_1994, %dma_start3A_1995] : memref<8x32x128xf32, #tpu.memory_space<vmem>> -> memref<1x32x128xf32, #tpu.memory_space<vmem>>
        %dma_start3A_1997 = tpu.memref_squeeze %dma_start3A_1996 : memref<1x32x128xf32, #tpu.memory_space<vmem>> -> memref<32x128xf32, #tpu.memory_space<vmem>>
        %dma_start3A_1998 = arith.constant 0 : i32
        %dma_start3A_1999 = tpu.memref_slice %arg4[%dma_start3A_1998, %multiple_of3A_1992] : memref<32x1000000xf32, #tpu.memory_space<hbm>> -> memref<32x128xf32, #tpu.memory_space<hbm>>
        %dma_start3A_2000 = arith.constant 0 : i32
        %dma_start3A_2001 = arith.constant 0 : i32
        %dma_start3A_2002 = tpu.memref_slice %arg9[%dma_start3A_1993, %dma_start3A_2000, %dma_start3A_2001] : memref<8x32x128xf32, #tpu.memory_space<vmem>> -> memref<1x32x128xf32, #tpu.memory_space<vmem>>
        %dma_start3A_2003 = tpu.memref_squeeze %dma_start3A_2002 : memref<1x32x128xf32, #tpu.memory_space<vmem>> -> memref<32x128xf32, #tpu.memory_space<vmem>>
        %dma_start3A_2004 = arith.constant 0 : i32
        %dma_start3A_2005 = tpu.memref_slice %arg4[%dma_start3A_2004, %multiple_of3A_1992] : memref<32x1000000xf32, #tpu.memory_space<hbm>> -> memref<32x128xf32, #tpu.memory_space<hbm>>
        tpu.enqueue_dma source(%dma_start3A_2005 : memref<32x128xf32, #tpu.memory_space<hbm>>) target(%dma_start3A_2003 : memref<32x128xf32, #tpu.memory_space<vmem>>) target_semaphore(%arg20 : memref<!tpu.dma_semaphore, #tpu.memory_space<semaphore_mem>>)
        %shift_right_arithmetic3A_2006 = arith.constant 7 : i32
        %shift_right_arithmetic3A_2007 = arith.shrsi %reduce_sum3A_1987, %shift_right_arithmetic3A_2006 : i32
        %mul3A_2008 = arith.constant 128 : i32
        %mul3A_2009 = arith.muli %shift_right_arithmetic3A_2007, %mul3A_2008 : i32
        %multiple_of3A_2010 = tpu.assume_multiple %mul3A_2009, 128 : i32
        %dma_start3A_2011 = arith.constant 7 : i32
        %dma_start3A_2012 = arith.constant 0 : i32
        %dma_start3A_2013 = arith.constant 0 : i32
        %dma_start3A_2014 = tpu.memref_slice %arg10[%dma_start3A_2011, %dma_start3A_2012, %dma_start3A_2013] : memref<8x32x128xf32, #tpu.memory_space<vmem>> -> memref<1x32x128xf32, #tpu.memory_space<vmem>>
        %dma_start3A_2015 = tpu.memref_squeeze %dma_start3A_2014 : memref<1x32x128xf32, #tpu.memory_space<vmem>> -> memref<32x128xf32, #tpu.memory_space<vmem>>
        %dma_start3A_2016 = arith.constant 0 : i32
        %dma_start3A_2017 = tpu.memref_slice %arg5[%dma_start3A_2016, %multiple_of3A_2010] : memref<32x1000000xf32, #tpu.memory_space<hbm>> -> memref<32x128xf32, #tpu.memory_space<hbm>>
        %dma_start3A_2018 = arith.constant 0 : i32
        %dma_start3A_2019 = arith.constant 0 : i32
        %dma_start3A_2020 = tpu.memref_slice %arg10[%dma_start3A_2011, %dma_start3A_2018, %dma_start3A_2019] : memref<8x32x128xf32, #tpu.memory_space<vmem>> -> memref<1x32x128xf32, #tpu.memory_space<vmem>>
        %dma_start3A_2021 = tpu.memref_squeeze %dma_start3A_2020 : memref<1x32x128xf32, #tpu.memory_space<vmem>> -> memref<32x128xf32, #tpu.memory_space<vmem>>
        %dma_start3A_2022 = arith.constant 0 : i32
        %dma_start3A_2023 = tpu.memref_slice %arg5[%dma_start3A_2022, %multiple_of3A_2010] : memref<32x1000000xf32, #tpu.memory_space<hbm>> -> memref<32x128xf32, #tpu.memory_space<hbm>>
        tpu.enqueue_dma source(%dma_start3A_2023 : memref<32x128xf32, #tpu.memory_space<hbm>>) target(%dma_start3A_2021 : memref<32x128xf32, #tpu.memory_space<vmem>>) target_semaphore(%arg28 : memref<!tpu.dma_semaphore, #tpu.memory_space<semaphore_mem>>)
      } else {
      }
      %get3A_1910 = arith.constant 0 : index
      %get3A_1911 = tpu.vector_load %arg12[%get3A_1910] {strides = array<i32>} : memref<256xf32, #tpu.memory_space<vmem>>, vector<16xf32>,
      %get3A_1912 = arith.constant 16 : index
      %get3A_1913 = tpu.vector_load %arg12[%get3A_1912] {strides = array<i32>} : memref<256xf32, #tpu.memory_space<vmem>>, vector<16xf32>,
      %add3A_1914 = arith.addf %get3A_1911, %get3A_1913 : vector<16xf32>
      %get3A_1915 = arith.constant 32 : index
      %get3A_1916 = tpu.vector_load %arg12[%get3A_1915] {strides = array<i32>} : memref<256xf32, #tpu.memory_space<vmem>>, vector<16xf32>,
      %add3A_1917 = arith.addf %add3A_1914, %get3A_1916 : vector<16xf32>
      %get3A_1918 = arith.constant 48 : index
      %get3A_1919 = tpu.vector_load %arg12[%get3A_1918] {strides = array<i32>} : memref<256xf32, #tpu.memory_space<vmem>>, vector<16xf32>,
      %add3A_1920 = arith.addf %add3A_1917, %get3A_1919 : vector<16xf32>
      %get3A_1921 = arith.constant 64 : index
      %get3A_1922 = tpu.vector_load %arg12[%get3A_1921] {strides = array<i32>} : memref<256xf32, #tpu.memory_space<vmem>>, vector<16xf32>,
      %add3A_1923 = arith.addf %add3A_1920, %get3A_1922 : vector<16xf32>
      %get3A_1924 = arith.constant 80 : index
      %get3A_1925 = tpu.vector_load %arg12[%get3A_1924] {strides = array<i32>} : memref<256xf32, #tpu.memory_space<vmem>>, vector<16xf32>,
      %add3A_1926 = arith.addf %add3A_1923, %get3A_1925 : vector<16xf32>
      %get3A_1927 = arith.constant 96 : index
      %get3A_1928 = tpu.vector_load %arg12[%get3A_1927] {strides = array<i32>} : memref<256xf32, #tpu.memory_space<vmem>>, vector<16xf32>,
      %add3A_1929 = arith.addf %add3A_1926, %get3A_1928 : vector<16xf32>
      %get3A_1930 = arith.constant 112 : index
      %get3A_1931 = tpu.vector_load %arg12[%get3A_1930] {strides = array<i32>} : memref<256xf32, #tpu.memory_space<vmem>>, vector<16xf32>,
      %add3A_1932 = arith.addf %add3A_1929, %get3A_1931 : vector<16xf32>
      %get3A_1933 = arith.constant 128 : index
      %get3A_1934 = tpu.vector_load %arg12[%get3A_1933] {strides = array<i32>} : memref<256xf32, #tpu.memory_space<vmem>>, vector<16xf32>,
      %add3A_1935 = arith.addf %add3A_1932, %get3A_1934 : vector<16xf32>
      %get3A_1936 = arith.constant 144 : index
      %get3A_1937 = tpu.vector_load %arg12[%get3A_1936] {strides = array<i32>} : memref<256xf32, #tpu.memory_space<vmem>>, vector<16xf32>,
      %add3A_1938 = arith.addf %add3A_1935, %get3A_1937 : vector<16xf32>
      %get3A_1939 = arith.constant 160 : index
      %get3A_1940 = tpu.vector_load %arg12[%get3A_1939] {strides = array<i32>} : memref<256xf32, #tpu.memory_space<vmem>>, vector<16xf32>,
      %add3A_1941 = arith.addf %add3A_1938, %get3A_1940 : vector<16xf32>
      %get3A_1942 = arith.constant 176 : index
      %get3A_1943 = tpu.vector_load %arg12[%get3A_1942] {strides = array<i32>} : memref<256xf32, #tpu.memory_space<vmem>>, vector<16xf32>,
      %add3A_1944 = arith.addf %add3A_1941, %get3A_1943 : vector<16xf32>
      %get3A_1945 = arith.constant 192 : index
      %get3A_1946 = tpu.vector_load %arg12[%get3A_1945] {strides = array<i32>} : memref<256xf32, #tpu.memory_space<vmem>>, vector<16xf32>,
      %add3A_1947 = arith.addf %add3A_1944, %get3A_1946 : vector<16xf32>
      %get3A_1948 = arith.constant 208 : index
      %get3A_1949 = tpu.vector_load %arg12[%get3A_1948] {strides = array<i32>} : memref<256xf32, #tpu.memory_space<vmem>>, vector<16xf32>,
      %add3A_1950 = arith.addf %add3A_1947, %get3A_1949 : vector<16xf32>
      %get3A_1951 = arith.constant 224 : index
      %get3A_1952 = tpu.vector_load %arg12[%get3A_1951] {strides = array<i32>} : memref<256xf32, #tpu.memory_space<vmem>>, vector<16xf32>,
      %add3A_1953 = arith.addf %add3A_1950, %get3A_1952 : vector<16xf32>
      %get3A_1954 = arith.constant 240 : index
      %get3A_1955 = tpu.vector_load %arg12[%get3A_1954] {strides = array<i32>} : memref<256xf32, #tpu.memory_space<vmem>>, vector<16xf32>,
      %add3A_1956 = arith.addf %add3A_1953, %get3A_1955 : vector<16xf32>
      %mul3A_1957 = arith.constant 16 : i32
      %mul3A_1958 = arith.muli %scan3A_427, %mul3A_1957 : i32
      %swap3A = arith.index_cast %mul3A_1958 : i32 to index
      %swap3A_1959 = tpu.vector_load %arg11[%swap3A] {strides = array<i32>} : memref<512xf32, #tpu.memory_space<vmem>>, vector<16xf32>,
      tpu.vector_store %arg11[%swap3A], %add3A_1956 {strides = array<i32>} : memref<512xf32, #tpu.memory_space<vmem>>, vector<16xf32>,
    }
    %scan3A_426 = arith.constant 32 : i32
    "tpu.region"() ({
      %run_scoped3A = tpu.sem_alloc : memref<!tpu.dma_semaphore, #tpu.memory_space<semaphore_mem>>
      %dma_start3A_427 = tpu.memref_slice %arg6[%mul3A_2] : memref<16384xf32, #tpu.memory_space<hbm>> -> memref<512xf32, #tpu.memory_space<hbm>>
      %dma_start3A_428 = tpu.memref_slice %arg6[%mul3A_2] : memref<16384xf32, #tpu.memory_space<hbm>> -> memref<512xf32, #tpu.memory_space<hbm>>
      tpu.enqueue_dma source(%arg11 : memref<512xf32, #tpu.memory_space<vmem>>) target(%dma_start3A_428 : memref<512xf32, #tpu.memory_space<hbm>>) target_semaphore(%run_scoped3A : memref<!tpu.dma_semaphore, #tpu.memory_space<semaphore_mem>>)
      %dma_wait3A = tpu.memref_slice %arg6[%mul3A_2] : memref<16384xf32, #tpu.memory_space<hbm>> -> memref<512xf32, #tpu.memory_space<hbm>>
      %dma_wait3A_429 = tpu.memref_slice %arg6[%mul3A_2] : memref<16384xf32, #tpu.memory_space<hbm>> -> memref<512xf32, #tpu.memory_space<hbm>>
      tpu.wait_dma2 semaphore(%run_scoped3A : memref<!tpu.dma_semaphore, #tpu.memory_space<semaphore_mem>>) src(%arg11 : memref<512xf32, #tpu.memory_space<vmem>>) dst(%dma_wait3A_429 : memref<512xf32, #tpu.memory_space<hbm>>)
      tpu.yield
    }) : () -> ()
    return
  }
}

</mosaic_0001>

<sc_bundles>
// kernel: kernel.3.cloned.1.call-start
scs
__scs_entry_jumppad:
0x0: {  	(pc) =	sbr.rel $0x88, $3  }
0x1: {  	(tag) =	ssettag $0x0;
	lr =	simm.s32 $0x1  }
0x2: {  	[smem:$0x3F9D] =	sst lr;
	_ =	strace $0xD0000000  }
0x3: {  	_ = 	snop  }
0x4: {  	_ = 	snop  }
0x5: {  	_ = 	snop  }
0x6: {  	_ = 	snop  }
0x7: {  	_ = 	snop  }
__scs_overlays_trampoline_lowered:
0x8: {  	[smem:$0x3FAC] =	sst s0  }
0x9: {  	[smem:$0x3FAD] =	sst s1  }
0xa: {  	[smem:$0x3FAE] =	sst s2  }
0xb: {  	[smem:$0x3FAF] =	sst s3  }
0xc: {  	[smem:$0x3FB0] =	sst s4  }
0xd: {  	[smem:$0x3FB1] =	sst s5  }
0xe: {  	[smem:$0x3FB2] =	sst s6  }
0xf: {  	[smem:$0x3FB3] =	sst s7  }
0x10: {  	[smem:$0x3FB4] =	sst s8  }
0x11: {  	[smem:$0x3FB5] =	sst s9;
	s0 =	simm.s32 @!p0 $0x0  }
0x12: {  	s1 =	sld [smem:$0x3F9B];
	s0 =	simm.s32 @p0 $0x1  }
0x13: {  	[smem:$0x3FB6] =	sst s0;
	s0 =	simm.s32 @!p1 $0x0  }
0x14: {  	s2 =	sld [smem:$0x3F9A];
	s0 =	simm.s32 @p1 $0x1  }
0x15: {  	[smem:$0x3FB7] =	sst s0;
	s0 =	simm.s32 @!p2 $0x0  }
0x16: {  	s3 =	sld [smem:$0x3FDB];
	s0 =	simm.s32 @p2 $0x1  }
0x17: {  	s4 =	simm.s32 $0x1BF5;
	[smem:$0x3FB9] =	sst s0  }
0x18: {  	s0 =	sld [smem:$0x3F9C];
	_ =	swait.ge [sflag:s4], $0x0  }
0x19: {  	s7 =	sld [smem:$0x3F9D]  }
0x1a: {  	s8 =	sadd.s32 $0xFFFFE003, lr  }
0x1b: {  	s9 =	sadd.s32 $0xFFFFFEF7, lr;
	s5 =	simm.s32 $0xFFFFFFFF;
	p2 =	slt.u32 s8, $0xFFFFF086  }
0x1c: {  	p1 =	slt.u32 s9, $0xF7A;
	s5 =	simm.s32 @!p2 $0x0  }
0x1d: {  	s5 =	simm.s32 @p1 $0x1;
	p0 =	seq.s32 s7, s2  }
0x1e: {  	s7 =	smul.u32 @!p0 $0xF7A, s2;
	p2 =	seq.s32 @!p0 s5, $0x0  }
0x1f: {  	s9 =	smul.u32 $0xF7A, s1;
	s8 =	simm.s32 @!p0 $0x1BF5;
	p2 =	por !p2, p0  }
0x20: {  	[sflag:s8] =	ssyncset.s32 @!p0 $0xFFFFF086;
	s6 =	sadd.s32 @!p0 s3, s7;
	s7 =	simm.s32 @!p0 $0x108  }
0x21: {  	s3 =	sadd.s32 s3, s9;
	s6 =	sadd.s32 @!p0 $0x88, s6;
	s7 =	simm.s32 @p2 $0x1082  }
0x22: {  	[simem:s7], [sflag:s8] =	dma.local @!p0 [hbm:s6], $0xF7A  }
0x23: {  	s9 =	sor.u32 $0xD0000000, s2;
	s6 =	simm.s32 $0x108;
	_ =	swait.ge @!p0 [sflag:s8], $0x0  }
0x24: {  	s3 =	sadd.s32 $0x88, s3;
	s6 =	simm.s32 @!p1 $0x1082;
	[sflag:s4] =	ssyncset.s32 $0xFFFFF086  }
0x25: {  	[simem:s6], [sflag:s4] =	dma.local [hbm:s3], $0xF7A  }
0x26: {  	[smem:$0x3F9D] =	sst s1;
	(tag) =	ssettag s2;
	_ =	strace s9  }
0x27: {  	s1 =	sld [smem:$0x3FAD]  }
0x28: {  	s2 =	sld [smem:$0x3FAE]  }
0x29: {  	s4 =	sld [smem:$0x3FB0]  }
0x2a: {  	p0 =	seq.s32 s5, $0x0;
	s5 =	sld [smem:$0x3FB1]  }
0x2b: {  	s6 =	sld [smem:$0x3FB2]  }
0x2c: {  	s7 =	sld [smem:$0x3FB3]  }
0x2d: {  	s3 =	simm.s32 $0x108;
	s8 =	sld [smem:$0x3FB4]  }
0x2e: {  	s3 =	simm.s32 @!p0 $0x1082;
	s9 =	sld [smem:$0x3FB5]  }
0x2f: {  	lr =	sadd.s32 s0, s3;
	s0 =	sld [smem:$0x3FAC]  }
0x30: {  	s3 =	sld [smem:$0x3FAF]  }
0x31: {  	[smem:$0x3FB8] =	sst s10  }
0x32: {  	s10 =	sld [smem:$0x3FB6];
	_ =	sdelay $0x3  }
0x33: {  	p0 =	seq.s32 s10, $0x1;
	s10 =	sld [smem:$0x3FB8];
	_ =	sdelay $0x3  }
0x34: {  	[smem:$0x3FB8] =	sst s10  }
0x35: {  	s10 =	sld [smem:$0x3FB7];
	_ =	sdelay $0x3  }
0x36: {  	p1 =	seq.s32 s10, $0x1;
	s10 =	sld [smem:$0x3FB8];
	_ =	sdelay $0x3  }
0x37: {  	[smem:$0x3FB8] =	sst s10  }
0x38: {  	s10 =	sld [smem:$0x3FB9]  }
0x39: {  	_ = 	snop;
	(pc) =	sbr.ind lr, $3  }
0x3a: {  	_ = 	snop  }
0x3b: {  	_ = 	snop  }
0x3c: {  	p2 =	seq.s32 s10, $0x1;
	s10 =	sld [smem:$0x3FB8]  }
0x3d: {  	_ =	shalt  }
0x3e: {  	_ =	shalt  }
0x3f: {  	_ =	shalt  }
0x40: {  	_ =	shalt  }
0x41: {  	_ =	shalt  }
0x42: {  	_ =	shalt  }
0x43: {  	_ =	shalt  }
0x44: {  	_ =	shalt  }
0x45: {  	_ =	shalt  }
0x46: {  	_ =	shalt  }
0x47: {  	_ =	shalt  }
0x48: {  	_ =	shalt  }
0x49: {  	_ =	shalt  }
0x4a: {  	_ =	shalt  }
0x4b: {  	_ =	shalt  }
0x4c: {  	_ =	shalt  }
0x4d: {  	_ =	shalt  }
0x4e: {  	_ =	shalt  }
0x4f: {  	_ =	shalt  }
0x50: {  	_ =	shalt  }
0x51: {  	_ =	shalt  }
0x52: {  	_ =	shalt  }
0x53: {  	_ =	shalt  }
0x54: {  	_ =	shalt  }
0x55: {  	_ =	shalt  }
0x56: {  	_ =	shalt  }
0x57: {  	_ =	shalt  }
0x58: {  	_ =	shalt  }
0x59: {  	_ =	shalt  }
0x5a: {  	_ =	shalt  }
0x5b: {  	_ =	shalt  }
0x5c: {  	_ =	shalt  }
0x5d: {  	_ =	shalt  }
0x5e: {  	_ =	shalt  }
0x5f: {  	_ =	shalt  }
0x60: {  	_ =	shalt  }
0x61: {  	_ =	shalt  }
0x62: {  	_ =	shalt  }
0x63: {  	_ =	shalt  }
0x64: {  	_ =	shalt  }
0x65: {  	_ =	shalt  }
0x66: {  	_ =	shalt  }
0x67: {  	_ =	shalt  }
0x68: {  	_ =	shalt  }
0x69: {  	_ =	shalt  }
0x6a: {  	_ =	shalt  }
0x6b: {  	_ =	shalt  }
0x6c: {  	_ =	shalt  }
0x6d: {  	_ =	shalt  }
0x6e: {  	_ =	shalt  }
0x6f: {  	_ =	shalt  }
0x70: {  	_ =	shalt  }
0x71: {  	_ =	shalt  }
0x72: {  	_ =	shalt  }
0x73: {  	_ =	shalt  }
0x74: {  	_ =	shalt  }
0x75: {  	_ =	shalt  }
0x76: {  	_ =	shalt  }
0x77: {  	_ =	shalt  }
0x78: {  	_ =	shalt  }
0x79: {  	_ =	shalt  }
0x7a: {  	_ =	shalt  }
0x7b: {  	_ =	shalt  }
0x7c: {  	_ =	shalt  }
0x7d: {  	_ =	shalt  }
0x7e: {  	_ =	shalt  }
0x7f: {  	_ =	shalt  }
0x80: {  	_ =	shalt  }
0x81: {  	_ =	shalt  }
0x82: {  	_ =	shalt  }
0x83: {  	_ =	shalt  }
0x84: {  	_ =	shalt  }
0x85: {  	_ =	shalt  }
0x86: {  	_ =	shalt  }
0x87: {  	_ =	shalt  }
.Lfunc_end0:
.L_simem_size_0:
called_computation_lowered:
.L_overlay_start_0:
0x88: {  	s2 =	sld [smem:$0x3FD9]  }
0x89: {  	s3 =	sld [smem:$0x3FFE];
	_ =	sdelay $0x1  }
0x8a: {  	s1 =	srdreg.scid  }
0x8b: {  	s0 =	sand.u32 $0x1, s1  }
0x8c: {  	s18 =	sshll.u32 s0, $0xA;
	s2 =	sadd.s32 s3, s2  }
0x8d: {  	s2 =	sadd.s32 s2, s18  }
0x8e: {  	[smem:$0x3FC4] =	sst s2  }
0x8f: {  	_ = 	snop  }
0x90: {  	s2 =	sld [smem:$0x3FC9]  }
0x91: {  	s19 =	sld [smem:$0x3FC8]  }
0x92: {  	s4 =	sld [smem:$0x3FC7]  }
0x93: {  	s5 =	sld [smem:$0x3FC6]  }
0x94: {  	s6 =	sld [smem:$0x3FD0];
	(tm) =	ssettm $0x1  }
0x95: {  	s7 =	sld [smem:$0x3FFB];
	_ =	sdelay $0x3  }
0x96: {  	_ =	strace s7  }
0x97: {  	s7 =	sld [smem:$0x3FFC];
	_ =	sdelay $0x3  }
0x98: {  	_ =	strace s7  }
0x99: {  	s7 =	sld [smem:$0x3FFD];
	_ =	sdelay $0x3  }
0x9a: {  	_ =	strace s7  }
0x9b: {  	_ =	strace $0x8FFFFFFF  }
0x9c: {  	s20 =	sld [smem:$0x3FDB];
	_ =	sdelay $0x1  }
0x9d: {  	s8 =	simm.s32 $_scs_section_size  }
0x9e: {  	s9 =	simm.s32 $_size__tile_overlayer_lowered;
	s10 =	simm.s32 $_tile_overlayer_lowered  }
0x9f: {  	s23 =	simm.s32 $0x1BFF;
	s22 =	sshll.u32 s10, $0x1;
	s7 =	sadd.s32 s8, s20  }
0xa0: {  	s11 =	simm.s32 $0x0;
	s21 =	sshll.u32 s9, $0x1;
	s9 =	sadd.s32 s22, s7  }
0xa1: {  	[timem:s11], [sflag:s23] =	dma.local [hbm:s9], s21  }
0xa2: {  	_ =	swait.ge [sflag:s23], s21  }
0xa3: {  	s8 =	ssub.s32 $0x0, s21;
	[sflag:s23] =	ssyncset.done $0x0  }
0xa4: {  	[sflag:s23] =	ssyncadd.s32 s8;
	_ =	sdelay $0x1  }
0xa5: {  	s24 =	simm.s32 $0x1B8B  }
0xa6: {  	_ =	swait.ge [sflag:s24], $0x1  }
0xa7: {  	[sflag:s24] =	ssyncset.done $0x0  }
0xa8: {  	s25 =	simm.s32 $0x1B8E;
	[sflag:s24] =	ssyncadd.s32 $0xFFFFFFFF  }
0xa9: {  	s26 =	simm.s32 $execute0_lowered;
	[smem:$0x3FD2] =	sst s25  }
0xaa: {  	s8 =	sshll.u32 s26, $0x1;
	_ =	strace $0x80000046;
	[dreg:$0x1] =	wrdreg $0xFFFFFFFF  }
0xab: {  	s28 =	simm.s32 $_size_execute0_lowered;
	s7 =	sadd.s32 s7, s8;
	[dreg:$0x0] =	wrdreg $0x0  }
0xac: {  	s8 =	sshll.u32 s28, $0x1;
	[dreg:$0x2] =	wrdreg s7  }
0xad: {  	[dreg:$0x3] =	wrdreg s8  }
0xae: {  	[dreg:$0x4] =	wrdreg $0xC0  }
0xaf: {  	_ =	task [dreg:s11], $0x5FFFF  }
0xb0: {  	[dreg:$0x1] =	wrdreg $0xFFFFFFFF  }
0xb1: {  	[dreg:$0x0] =	wrdreg $0x60  }
0xb2: {  	[dreg:$0x2] =	wrdreg s2  }
0xb3: {  	[dreg:$0x3] =	wrdreg s19  }
0xb4: {  	[dreg:$0x4] =	wrdreg s4  }
0xb5: {  	[dreg:$0x5] =	wrdreg s5  }
0xb6: {  	[dreg:$0x6] =	wrdreg s6  }
0xb7: {  	[dreg:$0x7] =	wrdreg $0x9  }
0xb8: {  	_ =	task.clear_ibuf [dreg:s11], $0x8FFFF;
	_ =	strace $0x90000046  }
0xb9: {  	s29 =	simm.s32 $0x9;
	_ =	strace $0x80000048  }
0xba: {  	_ =	swait.ge [sflag:s29], $0x1  }
0xbb: {  	[sflag:s29] =	ssyncadd.s32 $0xFFFFFFFF  }
0xbc: {  	_ =	strace $0x90000048  }
0xbd: {  	_ =	sfence  }
0xbe: {  	s30 =	sld [smem:$0x0];
	_ =	sdelay $0x2  }
0xbf: {  	s31 =	sshll.u32 s1, $0xD;
	s1 =	sshrl.u32 s1, $0x2  }
0xc0: {  	s3 =	sand.u32 $0x4000, s31;
	s1 =	sadd.s32 s1, s30  }
0xc1: {  	s0 =	sor.u32 s3, s0;
	s1 =	sshll.u32 s1, $0x11  }
0xc2: {  	s0 =	sor.u32 s1, s0  }
0xc3: {  	s0 =	sadd.s32 $0x8F2B, s0  }
0xc4: {  	[sflag:s0] =	ssyncadd.remote.s32 $0x1  }
0xc5: {  	_ =	sfence.sel $0xFFFF  }
0xc6: {  	[dreg:$0x0] =	wrdreg $0xFFFFFFFF;
	(pc) =	sbr.abs _section_cstart, $3  }
0xc7: {  	[dreg:$0x1] =	wrdreg $0xFFFFFFFF  }
0xc8: {  	_ =	task.clear_ibuf [dreg:s11], $0x2FFFF;
	_ =	strace $0x9FFFFFFF  }
0xc9: {  	(tm) =	ssettm $0x7FFFFFFF  }
tec
execute0_lowered:
.L_overlay_start_1:
0x0: {  	(tag) =	ssettag $0x1  }
0x1: {  	s0 =	rddreg [dreg:$0x0]  }
0x2: {  	s3 =	rddreg [dreg:$0x1]  }
0x3: {  	s17 =	rddreg [dreg:$0x2]  }
0x4: {  	s2 =	rddreg [dreg:$0x3];
	vm0 =	vmmov $0x1;
	vm1 =	vcmask $0x308;
	vm2 =	vcmask $0x70C  }
0x5: {  	s4 =	rddreg [dreg:$0x4];
	s5 =	srdreg.scid;
	v1 =	vlaneseq.u32;
	vm3 =	vcmask $0xB10;
	vm4 =	vcmask $0xF14  }
0x6: {  	s9 =	simm.s32 $0x0;
	s8 =	stileid.u32;
	vm5 =	vcmask $0x1318;
	vm6 =	vcmask $0x171C;
	vm7 =	vcmask $0x1B20;
	s11 =	simm.s32 $0x7A1400  }
0x7: {  	vm8 =	vcmask $0x1F24;
	s12 =	simm.s32 $0x400;
	s13 =	simm.s32 $0x8400;
	s10 =	simm.s32 $0x9400;
	vm9 =	vcmask $0x2328;
	vm10 =	vcmask $0x272C  }
0x8: {  	s31 =	simm.s32 $0x3400;
	s14 =	simm.s32 $0xB400;
	s19 =	simm.s32 $0x4400;
	vm11 =	vcmask $0x2B30;
	vm12 =	vcmask $0x2F34;
	vm13 =	vcmask $0x3338  }
0x9: {  	s1 =	simm.s32 $0xC400;
	s21 =	simm.s32 $0x5400;
	s22 =	simm.s32 $0xD400;
	vm15 =	vmmov $0x7fff;
	v32 =	vimm.s32 $0x0;
	v0 =	vmul.u32 $0x80, v1  }
0xa: {  	s23 =	simm.s32 $0x6400;
	s28 =	simm.s32 $0x1;
	s29 =	simm.s32 $0x9;
	vm14 =	vcmask $0x373C;
	v1 =	vmul.u32 $0x10, v1;
	v32 =	vsel vm15, $0xFFFFFFFF, v32  }
0xb: {  	s20 =	simm.s32 $0x10600;
	s15 =	simm.s32 $0x2;
	s30 =	simm.s32 $0x4;
	v2 =	vor.u32 $0x800, v0;
	v3 =	vor.u32 $0x1000, v0;
	v4 =	vor.u32 $0x1800, v0  }
0xc: {  	s16 =	simm.s32 $0xC;
	s5 =	sand.u32 $0x1, s5;
	[smem:$0x7FF] =	sst s9;
	v5 =	vor.u32 $0x1, v1;
	v6 =	vor.u32 $0x2000, v0;
	v7 =	vor.u32 $0x2800, v0  }
0xd: {  	s8 =	sshll.u32 s8, $0x7;
	s6 =	ssub.s32 $0x2, s5;
	s5 =	sshll.u32 s5, $0x6;
	v8 =	vor.u32 $0x2, v1;
	v9 =	vor.u32 $0x3000, v0;
	v10 =	vor.u32 $0x3800, v0  }
0xe: {  	_ =	strace $0x80000047;
	s7 =	sshrl.u32 s6, $0x1;
	s5 =	sor.u32 s5, s8;
	v11 =	vor.u32 $0x3, v1;
	v12 =	vor.u32 $0x4000, v0;
	v13 =	vor.u32 $0x4800, v0  }
0xf: {  	s8 =	simm.s32 $0xA400;
	v14 =	vor.u32 $0x4, v1;
	v15 =	vor.u32 $0x5000, v0;
	v16 =	vor.u32 $0x5800, v0;
	s6 =	ssub.s32 s6, s7;
	s0 =	sadd.s32 s0, s5  }
0x10: {  	v17 =	vor.u32 $0x5, v1;
	v18 =	vor.u32 $0x6000, v0;
	v19 =	vor.u32 $0x6800, v0;
	s24 =	sadd.s32 s3, s5;
	s25 =	sadd.s32 s4, s5;
	[dreg:$0x6] =	wrdreg s0  }
0x11: {  	v20 =	vor.u32 $0x6, v1;
	v21 =	vor.u32 $0x7000, v0;
	v22 =	vor.u32 $0x7800, v0;
	s3 =	simm.s32 $0x11;
	s7 =	simm.s32 $0x2400;
	[dreg:$0x7] =	wrdreg s24  }
0x12: {  	v23 =	vor.u32 $0x7, v1;
	v24 =	vor.u32 $0x8, v1;
	v25 =	vor.u32 $0x9, v1;
	s5 =	simm.s32 $0xE400;
	s4 =	simm.s32 $0x0;
	[dreg:$0x8] =	wrdreg s25  }
0x13: {  	v26 =	vor.u32 $0xA, v1;
	v27 =	vor.u32 $0xB, v1;
	v28 =	vor.u32 $0xC, v1;
	s26 =	smax.u32 s6, $0x1;
	s6 =	simm.s32 $0x1400;
	s25 =	simm.s32 $0x7400  }
0x14: {  	[tilespmem:$0x1FFF0] =	vst v32;
	v29 =	vor.u32 $0xD, v1;
	v30 =	vor.u32 $0xE, v1;
	v31 =	vor.u32 $0xF, v1;
	s24 =	simm.s32 $0x8;
	[dreg:$0x9] =	wrdreg s26;
	s26 =	simm.s32 $0xF400  }
.LBB2_1:
0x15: {  	[dreg:$0xa] =	wrdreg s4  }
0x16: {  	s0 =	rddreg [dreg:$0x6]  }
0x17: {  	[tilespmem:s9], [sflag:$0x11] =	stream.linear.gather [hbm4b:s0+s9], $0x200, $0x38;
	[tilespmem:$0x10700] =	vst v63  }
0x18: {  	_ =	swait.ge [sflag:s3], $0x200  }
0x19: {  	[sflag:s3] =	ssyncset.done $0x0  }
0x1a: {  	s18 =	simm.s32 $0x200;
	s4 =	rddreg [dreg:$0x7];
	[sflag:s3] =	ssyncadd.s32 $0xFFFFFE00  }
0x1b: {  	[tilespmem:s18], [sflag:$0x11] =	stream.linear.gather [hbm4b:s4+s9], $0x200, $0x38;
	[tilespmem:$0x10700] =	vst v63  }
0x1c: {  	_ =	swait.ge [sflag:s3], $0x200  }
0x1d: {  	[sflag:s3] =	ssyncset.done $0x0  }
0x1e: {  	[sflag:s3] =	ssyncadd.s32 $0xFFFFFE00  }
0x1f: {  	v32 =	vld [tilespmem:$0x0];
	_ =	sdelay $0x1  }
0x20: {  	v33 =	vld [tilespmem:$0x200];
	_ =	sdelay $0x2  }
0x21: {  	v34 =	vnsel vm0, $0x0, v32  }
0x22: {  	(xrf0) =	vadd.scan.msk.s32 $0xffff, v34  }
0x23: {  	v62 =	vnsel vm0, $0x0, v33  }
0x24: {  	(xrf0) =	vadd.scan.msk.s32 $0xffff, v62;
	_ =	sdelay $0x3  }
0x25: {  	v36 =	vsel vm1, $0x0, v32;
	v63, _, _ =	vpop (xrf0)  }
0x26: {  	(xrf0) =	vadd.scan.msk.s32 $0xffff, v36;
	(v2sf) =	vpush v63, $0xF  }
0x27: {  	v37, _, _ =	vpop (xrf0)  }
0x28: {  	v38 =	vsel vm1, $0x0, v33;
	(v2sf) =	vpush v37, $0xF  }
0x29: {  	(xrf0) =	vadd.scan.msk.s32 $0xffff, v38;
	_ =	sdelay $0x2  }
0x2a: {  	v39, _, _ =	vpop (xrf0)  }
0x2b: {  	v40 =	vsel vm2, $0x0, v32;
	(v2sf) =	vpush v39, $0xF  }
0x2c: {  	(xrf0) =	vadd.scan.msk.s32 $0xffff, v40  }
0x2d: {  	v42 =	vsel vm2, $0x0, v33;
	v41, _, _ =	vpop (xrf0)  }
0x2e: {  	(xrf0) =	vadd.scan.msk.s32 $0xffff, v42;
	(v2sf) =	vpush v41, $0xF;
	_ =	sdelay $0x3  }
0x2f: {  	v44 =	vsel vm3, $0x0, v32;
	v43, _, _ =	vpop (xrf0)  }
0x30: {  	(xrf0) =	vadd.scan.msk.s32 $0xffff, v44;
	s4 =	spop (v2sf);
	(v2sf) =	vpush v43, $0xF  }
0x31: {  	v45, _, _ =	vpop (xrf0)  }
0x32: {  	v46 =	vsel vm3, $0x0, v33;
	s9 =	spop (v2sf);
	(v2sf) =	vpush v45, $0xF  }
0x33: {  	(xrf0) =	vadd.scan.msk.s32 $0xffff, v46;
	_ =	sdelay $0x2  }
0x34: {  	v48 =	vsel vm4, $0x0, v32;
	s0 =	sand.u32 $0xFFFFF80, s4;
	v47, _, _ =	vpop (xrf0)  }
0x35: {  	s0 =	sadd.s32 s17, s0;
	(xrf0) =	vadd.scan.msk.s32 $0xffff, v48;
	s18 =	spop (v2sf);
	(v2sf) =	vpush v47, $0xF  }
0x36: {  	[tilespmem:s12], [sflag:$0x1] =	stream.strided.gather [hbm4b:s0+s12], $0x1000, s11, s12, $0x38;
	[tilespmem:$0x10700] =	vst v63  }
0x37: {  	v50 =	vsel vm4, $0x0, v33;
	s0 =	sand.u32 $0xFFFFF80, s9;
	v49, _, _ =	vpop (xrf0)  }
0x38: {  	(xrf0) =	vadd.scan.msk.s32 $0xffff, v50;
	s0 =	sadd.s32 s2, s0;
	s3 =	spop (v2sf);
	(v2sf) =	vpush v49, $0xF  }
0x39: {  	[tilespmem:s13], [sflag:$0x9] =	stream.strided.gather [hbm4b:s0+s12], $0x1000, s11, s12, $0x38;
	[tilespmem:$0x10700] =	vst v63  }
0x3a: {  	s0 =	sand.u32 $0xFFFFF80, s18  }
0x3b: {  	s0 =	sadd.s32 s17, s0  }
0x3c: {  	v52 =	vsel vm5, $0x0, v32;
	v51, _, _ =	vpop (xrf0);
	[tilespmem:s6], [sflag:$0x2] =	stream.strided.gather [hbm4b:s0+s12], $0x1000, s11, s12, $0x38;
	[tilespmem:$0x10700] =	vst v63  }
0x3d: {  	(xrf0) =	vadd.scan.msk.s32 $0xffff, v52;
	s4 =	spop (v2sf);
	(v2sf) =	vpush v51, $0xF  }
0x3e: {  	v54 =	vsel vm5, $0x0, v33;
	s0 =	sand.u32 $0xFFFFF80, s3;
	v53, _, _ =	vpop (xrf0)  }
0x3f: {  	(xrf0) =	vadd.scan.msk.s32 $0xffff, v54;
	s0 =	sadd.s32 s2, s0;
	s9 =	spop (v2sf);
	(v2sf) =	vpush v53, $0xF  }
0x40: {  	[tilespmem:s10], [sflag:$0xA] =	stream.strided.gather [hbm4b:s0+s12], $0x1000, s11, s12, $0x38;
	[tilespmem:$0x10700] =	vst v63  }
0x41: {  	s0 =	sand.u32 $0xFFFFF80, s4  }
0x42: {  	s0 =	sadd.s32 s17, s0  }
0x43: {  	v55, _, _ =	vpop (xrf0);
	[tilespmem:s7], [sflag:$0x3] =	stream.strided.gather [hbm4b:s0+s12], $0x1000, s11, s12, $0x38;
	[tilespmem:$0x10700] =	vst v63  }
0x44: {  	v56 =	vsel vm6, $0x0, v32;
	s0 =	sand.u32 $0xFFFFF80, s9;
	s18 =	spop (v2sf);
	(v2sf) =	vpush v55, $0xF  }
0x45: {  	(xrf0) =	vadd.scan.msk.s32 $0xffff, v56;
	s0 =	sadd.s32 s2, s0  }
0x46: {  	v58 =	vsel vm6, $0x0, v33;
	v57, _, _ =	vpop (xrf0);
	[tilespmem:s8], [sflag:$0xB] =	stream.strided.gather [hbm4b:s0+s12], $0x1000, s11, s12, $0x38;
	[tilespmem:$0x10700] =	vst v63  }
0x47: {  	(xrf0) =	vadd.scan.msk.s32 $0xffff, v58;
	s3 =	spop (v2sf);
	(v2sf) =	vpush v57, $0xF  }
0x48: {  	s0 =	sand.u32 $0xFFFFF80, s18  }
0x49: {  	s0 =	sadd.s32 s17, s0  }
0x4a: {  	[tilespmem:s31], [sflag:$0x4] =	stream.strided.gather [hbm4b:s0+s12], $0x1000, s11, s12, $0x38;
	[tilespmem:$0x10700] =	vst v63  }
0x4b: {  	v32 =	vsel vm7, $0x0, v32;
	v59, _, _ =	vpop (xrf0);
	s0 =	sand.u32 $0xFFFFF80, s3  }
0x4c: {  	(xrf0) =	vadd.scan.msk.s32 $0xffff, v32;
	s0 =	sadd.s32 s2, s0;
	s4 =	spop (v2sf);
	(v2sf) =	vpush v59, $0xF  }
0x4d: {  	v60, _, _ =	vpop (xrf0);
	[tilespmem:s14], [sflag:$0xC] =	stream.strided.gather [hbm4b:s0+s12], $0x1000, s11, s12, $0x38;
	[tilespmem:$0x10700] =	vst v63  }
0x4e: {  	s9 =	spop (v2sf);
	(v2sf) =	vpush v60, $0xF  }
0x4f: {  	v61 =	vsel vm7, $0x0, v33;
	s0 =	sand.u32 $0xFFFFF80, s4  }
0x50: {  	(xrf0) =	vadd.scan.msk.s32 $0xffff, v61;
	s0 =	sadd.s32 s17, s0  }
0x51: {  	[tilespmem:s19], [sflag:$0x5] =	stream.strided.gather [hbm4b:s0+s12], $0x1000, s11, s12, $0x38;
	[tilespmem:$0x10700] =	vst v63  }
0x52: {  	v62, _, _ =	vpop (xrf0);
	s0 =	sand.u32 $0xFFFFF80, s9  }
0x53: {  	s0 =	sadd.s32 s2, s0;
	s18 =	spop (v2sf);
	(v2sf) =	vpush v62, $0xF  }
0x54: {  	[tilespmem:s1], [sflag:$0xD] =	stream.strided.gather [hbm4b:s0+s12], $0x1000, s11, s12, $0x38;
	[tilespmem:$0x10700] =	vst v63  }
0x55: {  	s0 =	sand.u32 $0xFFFFF80, s18  }
0x56: {  	v63, _, _ =	vpop (xrf0);
	s19 =	spop (v2sf);
	s0 =	sadd.s32 s17, s0  }
0x57: {  	(v2sf) =	vpush v63, $0xF;
	[tilespmem:s21], [sflag:$0x6] =	stream.strided.gather [hbm4b:s0+s12], $0x1000, s11, s12, $0x38;
	[tilespmem:$0x10700] =	vst v63  }
0x58: {  	s0 =	sand.u32 $0xFFFFF80, s19  }
0x59: {  	s0 =	sadd.s32 s2, s0  }
0x5a: {  	[tilespmem:s22], [sflag:$0xE] =	stream.strided.gather [hbm4b:s0+s12], $0x1000, s11, s12, $0x38;
	[tilespmem:$0x10700] =	vst v63  }
0x5b: {  	s21 =	spop (v2sf)  }
0x5c: {  	s0 =	sand.u32 $0xFFFFF80, s21  }
0x5d: {  	s22 =	spop (v2sf);
	s0 =	sadd.s32 s17, s0  }
0x5e: {  	[tilespmem:s23], [sflag:$0x7] =	stream.strided.gather [hbm4b:s0+s12], $0x1000, s11, s12, $0x38;
	[tilespmem:$0x10700] =	vst v63  }
0x5f: {  	s0 =	sand.u32 $0xFFFFF80, s22  }
0x60: {  	s0 =	sadd.s32 s2, s0  }
0x61: {  	[tilespmem:s5], [sflag:$0xF] =	stream.strided.gather [hbm4b:s0+s12], $0x1000, s11, s12, $0x38;
	[tilespmem:$0x10700] =	vst v63  }
0x62: {  	s23 =	spop (v2sf)  }
0x63: {  	s0 =	sand.u32 $0xFFFFF80, s23  }
0x64: {  	s0 =	sadd.s32 s17, s0  }
0x65: {  	[tilespmem:s25], [sflag:$0x8] =	stream.strided.gather [hbm4b:s0+s12], $0x1000, s11, s12, $0x38;
	[tilespmem:$0x10700] =	vst v63  }
0x66: {  	s25 =	spop (v2sf)  }
0x67: {  	s0 =	sand.u32 $0xFFFFF80, s25  }
0x68: {  	s19 =	simm.s32 $0x0;
	s0 =	sadd.s32 s2, s0  }
0x69: {  	[tilespmem:s26], [sflag:$0x10] =	stream.strided.gather [hbm4b:s0+s12], $0x1000, s11, s12, $0x38;
	[tilespmem:$0x10700] =	vst v63  }
0x6a: {  	s23 =	simm.s32 $0xA;
	s25 =	simm.s32 $0xB;
	s26 =	simm.s32 $0x3  }
.LBB2_2:
0x6b: {  	s0 =	sshra.s32 s19, $0x2  }
0x6c: {  	v33 =	vld [tilespmem:s0+$0x0]  }
0x6d: {  	[dreg:$0xb] =	wrdreg s0  }
0x6e: {  	v32 =	vld [tilespmem:s0+$0x200];
	_ =	swait.ge [sflag:s28], $0x1000  }
0x6f: {  	[sflag:s28] =	ssyncset.done $0x0  }
0x70: {  	[sflag:s28] =	ssyncadd.s32 $0xFFFFF000  }
0x71: {  	_ =	swait.ge [sflag:s29], $0x1000;
	v34 =	vnsel vm0, $0x0, v33  }
0x72: {  	(xrf0) =	vadd.scan.msk.s32 $0xffff, v34  }
0x73: {  	v56 =	vnsel vm0, $0x0, v32  }
0x74: {  	(xrf0) =	vadd.scan.msk.s32 $0xffff, v56;
	_ =	sdelay $0x3  }
0x75: {  	v57, _, _ =	vpop (xrf0)  }
0x76: {  	(v2sf) =	vpush v57, $0xF  }
0x77: {  	v58, _, _ =	vpop (xrf0)  }
0x78: {  	(v2sf) =	vpush v58, $0xF;
	_ =	sdelay $0x6  }
0x79: {  	v59 =	vsel vm8, $0x0, v33  }
0x7a: {  	v60 =	vsel vm8, $0x0, v32;
	(xrf0) =	vadd.scan.msk.s32 $0xffff, v59  }
0x7b: {  	(xrf0) =	vadd.scan.msk.s32 $0xffff, v60;
	_ =	sdelay $0x3  }
0x7c: {  	s1 =	spop (v2sf)  }
0x7d: {  	v61, _, _ =	vpop (xrf0);
	s0 =	sand.u32 $0x7F, s1  }
0x7e: {  	v36, _, _ =	vpop (xrf0);
	(v2sf) =	vpush v61, $0xF;
	s3 =	spop (v2sf);
	v35 =	vor.u32 s0, v0  }
0x7f: {  	(v2sf) =	vpush v36, $0xF;
	s3 =	sand.u32 $0x7F, s3;
	v62 =	vor.u32 s0, v2  }
0x80: {  	v37 =	vor.u32 s3, v0  }
0x81: {  	[sflag:s29] =	ssyncset.done $0x0;
	v63 =	vor.u32 s3, v2  }
0x82: {  	[sflag:s29] =	ssyncadd.s32 $0xFFFFF000  }
0x83: {  	v35 =	vld.idx.msk [tilespmem:v35+s12+$0x0], $0xffff  }
0x84: {  	v34 =	vld.idx.msk [tilespmem:v62+s12+$0x0], $0xffff  }
0x85: {  	v37 =	vld.idx.msk [tilespmem:v37+s13+$0x0], $0xffff  }
0x86: {  	v36 =	vld.idx.msk [tilespmem:v63+s13+$0x0], $0xffff;
	_ =	sdelay $0x4  }
0x87: {  	v35 =	vmul.f32 v37, v35;
	v34 =	vmul.f32 v36, v34;
	_ =	sdelay $0x1  }
0x88: {  	v34 =	vadd.f32 v34, v35;
	s22 =	spop (v2sf)  }
0x89: {  	s3 =	sand.u32 $0xFFFFF80, s22;
	s21 =	spop (v2sf)  }
0x8a: {  	[tilespmem:v1+s20+$0x0] =	vst.idx.msk $0xffff, v34;
	s0 =	sadd.s32 s17, s3;
	s4 =	sand.u32 $0xFFFFF80, s21  }
0x8b: {  	[tilespmem:s12], [sflag:$0x1] =	stream.strided.gather [hbm4b:s0+s12], $0x1000, s11, s12, $0x38;
	[tilespmem:$0x10700] =	vst v63  }
0x8c: {  	s0 =	sadd.s32 s2, s4  }
0x8d: {  	[tilespmem:s13], [sflag:$0x9] =	stream.strided.gather [hbm4b:s0+s12], $0x1000, s11, s12, $0x38;
	[tilespmem:$0x10700] =	vst v63  }
0x8e: {  	_ =	swait.ge [sflag:s15], $0x1000  }
0x8f: {  	[sflag:s15] =	ssyncset.done $0x0  }
0x90: {  	[sflag:s15] =	ssyncadd.s32 $0xFFFFF000  }
0x91: {  	v40 =	vsel vm1, $0x0, v33;
	_ =	swait.ge [sflag:s23], $0x1000  }
0x92: {  	(xrf0) =	vadd.scan.msk.s32 $0xffff, v40  }
0x93: {  	v41 =	vsel vm1, $0x0, v32  }
0x94: {  	(xrf0) =	vadd.scan.msk.s32 $0xffff, v41;
	_ =	sdelay $0x3  }
0x95: {  	v42, _, _ =	vpop (xrf0)  }
0x96: {  	(v2sf) =	vpush v42, $0xF  }
0x97: {  	v43, _, _ =	vpop (xrf0)  }
0x98: {  	(v2sf) =	vpush v43, $0xF;
	_ =	sdelay $0x6  }
0x99: {  	v44 =	vsel vm9, $0x0, v33  }
0x9a: {  	v45 =	vsel vm9, $0x0, v32;
	(xrf0) =	vadd.scan.msk.s32 $0xffff, v44  }
0x9b: {  	(xrf0) =	vadd.scan.msk.s32 $0xffff, v45;
	_ =	sdelay $0x3  }
0x9c: {  	s5 =	spop (v2sf)  }
0x9d: {  	v46, _, _ =	vpop (xrf0);
	s0 =	sand.u32 $0x7F, s5  }
0x9e: {  	v49, _, _ =	vpop (xrf0);
	(v2sf) =	vpush v46, $0xF;
	s9 =	spop (v2sf);
	v47 =	vor.u32 s0, v3  }
0x9f: {  	(v2sf) =	vpush v49, $0xF;
	s3 =	sand.u32 $0x7F, s9;
	v48 =	vor.u32 s0, v4  }
0xa0: {  	v50 =	vor.u32 s3, v3  }
0xa1: {  	[sflag:s23] =	ssyncset.done $0x0;
	v51 =	vor.u32 s3, v4  }
0xa2: {  	[sflag:s23] =	ssyncadd.s32 $0xFFFFF000  }
0xa3: {  	v35 =	vld.idx.msk [tilespmem:v47+s12+$0x0], $0xffff  }
0xa4: {  	v34 =	vld.idx.msk [tilespmem:v48+s12+$0x0], $0xffff  }
0xa5: {  	v37 =	vld.idx.msk [tilespmem:v50+s13+$0x0], $0xffff  }
0xa6: {  	v36 =	vld.idx.msk [tilespmem:v51+s13+$0x0], $0xffff;
	_ =	sdelay $0x4  }
0xa7: {  	v35 =	vmul.f32 v37, v35;
	v34 =	vmul.f32 v36, v34;
	_ =	sdelay $0x1  }
0xa8: {  	v34 =	vadd.f32 v34, v35;
	s23 =	spop (v2sf)  }
0xa9: {  	s15 =	sand.u32 $0xFFFFF80, s23;
	s1 =	spop (v2sf)  }
0xaa: {  	[tilespmem:v5+s20+$0x0] =	vst.idx.msk $0xffff, v34;
	s0 =	sadd.s32 s17, s15;
	s18 =	sand.u32 $0xFFFFF80, s1  }
0xab: {  	[tilespmem:s6], [sflag:$0x2] =	stream.strided.gather [hbm4b:s0+s12], $0x1000, s11, s12, $0x38;
	[tilespmem:$0x10700] =	vst v63  }
0xac: {  	[dreg:$0xc] =	wrdreg s1;
	s0 =	sadd.s32 s2, s18  }
0xad: {  	[tilespmem:s10], [sflag:$0xA] =	stream.strided.gather [hbm4b:s0+s12], $0x1000, s11, s12, $0x38;
	[tilespmem:$0x10700] =	vst v63  }
0xae: {  	_ =	swait.ge [sflag:s26], $0x1000  }
0xaf: {  	[sflag:s26] =	ssyncset.done $0x0  }
0xb0: {  	[sflag:s26] =	ssyncadd.s32 $0xFFFFF000  }
0xb1: {  	v52 =	vsel vm2, $0x0, v33;
	_ =	swait.ge [sflag:s25], $0x1000  }
0xb2: {  	(xrf0) =	vadd.scan.msk.s32 $0xffff, v52  }
0xb3: {  	v53 =	vsel vm2, $0x0, v32  }
0xb4: {  	(xrf0) =	vadd.scan.msk.s32 $0xffff, v53;
	_ =	sdelay $0x3  }
0xb5: {  	v54, _, _ =	vpop (xrf0)  }
0xb6: {  	(v2sf) =	vpush v54, $0xF  }
0xb7: {  	v55, _, _ =	vpop (xrf0)  }
0xb8: {  	(v2sf) =	vpush v55, $0xF;
	_ =	sdelay $0x6  }
0xb9: {  	v56 =	vsel vm10, $0x0, v33  }
0xba: {  	v57 =	vsel vm10, $0x0, v32;
	(xrf0) =	vadd.scan.msk.s32 $0xffff, v56  }
0xbb: {  	(xrf0) =	vadd.scan.msk.s32 $0xffff, v57;
	_ =	sdelay $0x3  }
0xbc: {  	s26 =	spop (v2sf)  }
0xbd: {  	v58, _, _ =	vpop (xrf0);
	s0 =	sand.u32 $0x7F, s26  }
0xbe: {  	v61, _, _ =	vpop (xrf0);
	(v2sf) =	vpush v58, $0xF;
	s1 =	spop (v2sf);
	v59 =	vor.u32 s0, v6  }
0xbf: {  	(v2sf) =	vpush v61, $0xF;
	s3 =	sand.u32 $0x7F, s1;
	v60 =	vor.u32 s0, v7  }
0xc0: {  	v62 =	vor.u32 s3, v6  }
0xc1: {  	[sflag:s25] =	ssyncset.done $0x0;
	v63 =	vor.u32 s3, v7  }
0xc2: {  	[sflag:s25] =	ssyncadd.s32 $0xFFFFF000  }
0xc3: {  	v35 =	vld.idx.msk [tilespmem:v59+s12+$0x0], $0xffff  }
0xc4: {  	v34 =	vld.idx.msk [tilespmem:v60+s12+$0x0], $0xffff  }
0xc5: {  	v37 =	vld.idx.msk [tilespmem:v62+s13+$0x0], $0xffff  }
0xc6: {  	v36 =	vld.idx.msk [tilespmem:v63+s13+$0x0], $0xffff;
	_ =	sdelay $0x4  }
0xc7: {  	v35 =	vmul.f32 v37, v35;
	v34 =	vmul.f32 v36, v34;
	_ =	sdelay $0x1  }
0xc8: {  	v34 =	vadd.f32 v34, v35;
	s26 =	spop (v2sf)  }
0xc9: {  	s3 =	sand.u32 $0xFFFFF80, s26;
	s25 =	spop (v2sf)  }
0xca: {  	[tilespmem:v8+s20+$0x0] =	vst.idx.msk $0xffff, v34;
	s0 =	sadd.s32 s17, s3;
	s4 =	sand.u32 $0xFFFFF80, s25  }
0xcb: {  	[tilespmem:s7], [sflag:$0x3] =	stream.strided.gather [hbm4b:s0+s12], $0x1000, s11, s12, $0x38;
	[tilespmem:$0x10700] =	vst v63  }
0xcc: {  	s0 =	sadd.s32 s2, s4  }
0xcd: {  	[tilespmem:s8], [sflag:$0xB] =	stream.strided.gather [hbm4b:s0+s12], $0x1000, s11, s12, $0x38;
	[tilespmem:$0x10700] =	vst v63  }
0xce: {  	_ =	swait.ge [sflag:s30], $0x1000  }
0xcf: {  	[sflag:s30] =	ssyncset.done $0x0  }
0xd0: {  	[sflag:s30] =	ssyncadd.s32 $0xFFFFF000  }
0xd1: {  	v40 =	vsel vm3, $0x0, v33;
	_ =	swait.ge [sflag:s16], $0x1000  }
0xd2: {  	(xrf0) =	vadd.scan.msk.s32 $0xffff, v40  }
0xd3: {  	v41 =	vsel vm3, $0x0, v32  }
0xd4: {  	(xrf0) =	vadd.scan.msk.s32 $0xffff, v41;
	_ =	sdelay $0x3  }
0xd5: {  	v42, _, _ =	vpop (xrf0)  }
0xd6: {  	(v2sf) =	vpush v42, $0xF  }
0xd7: {  	v43, _, _ =	vpop (xrf0)  }
0xd8: {  	(v2sf) =	vpush v43, $0xF;
	_ =	sdelay $0x6  }
0xd9: {  	v44 =	vsel vm11, $0x0, v33  }
0xda: {  	v45 =	vsel vm11, $0x0, v32;
	(xrf0) =	vadd.scan.msk.s32 $0xffff, v44  }
0xdb: {  	(xrf0) =	vadd.scan.msk.s32 $0xffff, v45;
	_ =	sdelay $0x3  }
0xdc: {  	s5 =	spop (v2sf)  }
0xdd: {  	v46, _, _ =	vpop (xrf0);
	s0 =	sand.u32 $0x7F, s5  }
0xde: {  	v49, _, _ =	vpop (xrf0);
	(v2sf) =	vpush v46, $0xF;
	s6 =	spop (v2sf);
	v47 =	vor.u32 s0, v9  }
0xdf: {  	(v2sf) =	vpush v49, $0xF;
	s3 =	sand.u32 $0x7F, s6;
	v48 =	vor.u32 s0, v10  }
0xe0: {  	v50 =	vor.u32 s3, v9  }
0xe1: {  	[sflag:s16] =	ssyncset.done $0x0;
	v51 =	vor.u32 s3, v10  }
0xe2: {  	[sflag:s16] =	ssyncadd.s32 $0xFFFFF000  }
0xe3: {  	v35 =	vld.idx.msk [tilespmem:v47+s12+$0x0], $0xffff  }
0xe4: {  	v34 =	vld.idx.msk [tilespmem:v48+s12+$0x0], $0xffff  }
0xe5: {  	v37 =	vld.idx.msk [tilespmem:v50+s13+$0x0], $0xffff  }
0xe6: {  	v36 =	vld.idx.msk [tilespmem:v51+s13+$0x0], $0xffff;
	_ =	sdelay $0x4  }
0xe7: {  	v35 =	vmul.f32 v37, v35;
	v34 =	vmul.f32 v36, v34;
	_ =	sdelay $0x1  }
0xe8: {  	v34 =	vadd.f32 v34, v35;
	s29 =	spop (v2sf)  }
0xe9: {  	s7 =	sand.u32 $0xFFFFF80, s29;
	s28 =	spop (v2sf)  }
0xea: {  	[tilespmem:v11+s20+$0x0] =	vst.idx.msk $0xffff, v34;
	s0 =	sadd.s32 s17, s7;
	s8 =	sand.u32 $0xFFFFF80, s28  }
0xeb: {  	[tilespmem:s31], [sflag:$0x4] =	stream.strided.gather [hbm4b:s0+s12], $0x1000, s11, s12, $0x38;
	[tilespmem:$0x10700] =	vst v63  }
0xec: {  	s0 =	sadd.s32 s2, s8  }
0xed: {  	[tilespmem:s14], [sflag:$0xC] =	stream.strided.gather [hbm4b:s0+s12], $0x1000, s11, s12, $0x38;
	[tilespmem:$0x10700] =	vst v63  }
0xee: {  	s11 =	simm.s32 $0x5  }
0xef: {  	_ =	swait.ge [sflag:s11], $0x1000  }
0xf0: {  	[sflag:s11] =	ssyncset.done $0x0  }
0xf1: {  	s10 =	simm.s32 $0xD;
	[sflag:s11] =	ssyncadd.s32 $0xFFFFF000  }
0xf2: {  	v52 =	vsel vm4, $0x0, v33;
	_ =	swait.ge [sflag:s10], $0x1000  }
0xf3: {  	(xrf0) =	vadd.scan.msk.s32 $0xffff, v52  }
0xf4: {  	v53 =	vsel vm4, $0x0, v32  }
0xf5: {  	(xrf0) =	vadd.scan.msk.s32 $0xffff, v53;
	_ =	sdelay $0x3  }
0xf6: {  	v54, _, _ =	vpop (xrf0)  }
0xf7: {  	(v2sf) =	vpush v54, $0xF  }
0xf8: {  	v55, _, _ =	vpop (xrf0)  }
0xf9: {  	(v2sf) =	vpush v55, $0xF;
	_ =	sdelay $0x6  }
0xfa: {  	v56 =	vsel vm12, $0x0, v33  }
0xfb: {  	v57 =	vsel vm12, $0x0, v32;
	(xrf0) =	vadd.scan.msk.s32 $0xffff, v56  }
0xfc: {  	(xrf0) =	vadd.scan.msk.s32 $0xffff, v57;
	_ =	sdelay $0x3  }
0xfd: {  	s14 =	spop (v2sf)  }
0xfe: {  	v58, _, _ =	vpop (xrf0);
	s0 =	sand.u32 $0x7F, s14  }
0xff: {  	v61, _, _ =	vpop (xrf0);
	(v2sf) =	vpush v58, $0xF;
	s16 =	spop (v2sf);
	v59 =	vor.u32 s0, v12  }
0x100: {  	(v2sf) =	vpush v61, $0xF;
	s3 =	sand.u32 $0x7F, s16;
	v60 =	vor.u32 s0, v13  }
0x101: {  	v62 =	vor.u32 s3, v12  }
0x102: {  	[sflag:s10] =	ssyncset.done $0x0;
	v63 =	vor.u32 s3, v13  }
0x103: {  	[sflag:s10] =	ssyncadd.s32 $0xFFFFF000  }
0x104: {  	v35 =	vld.idx.msk [tilespmem:v59+s12+$0x0], $0xffff  }
0x105: {  	v34 =	vld.idx.msk [tilespmem:v60+s12+$0x0], $0xffff  }
0x106: {  	v37 =	vld.idx.msk [tilespmem:v62+s13+$0x0], $0xffff  }
0x107: {  	v36 =	vld.idx.msk [tilespmem:v63+s13+$0x0], $0xffff;
	_ =	sdelay $0x4  }
0x108: {  	v35 =	vmul.f32 v37, v35;
	v34 =	vmul.f32 v36, v34;
	_ =	sdelay $0x1  }
0x109: {  	v34 =	vadd.f32 v34, v35;
	s0 =	spop (v2sf)  }
0x10a: {  	s4 =	simm.s32 $0x4400;
	s18 =	sand.u32 $0xFFFFF80, s0;
	s30 =	spop (v2sf)  }
0x10b: {  	s31 =	simm.s32 $0x7A1400;
	[tilespmem:v14+s20+$0x0] =	vst.idx.msk $0xffff, v34;
	s3 =	sadd.s32 s17, s18;
	s20 =	sand.u32 $0xFFFFF80, s30  }
0x10c: {  	[tilespmem:s4], [sflag:$0x5] =	stream.strided.gather [hbm4b:s3+s12], $0x1000, s31, s12, $0x38;
	[tilespmem:$0x10700] =	vst v63  }
0x10d: {  	s1 =	simm.s32 $0xC400;
	s10 =	simm.s32 $0x6;
	s3 =	sadd.s32 s2, s20  }
0x10e: {  	[tilespmem:s1], [sflag:$0xD] =	stream.strided.gather [hbm4b:s3+s12], $0x1000, s31, s12, $0x38;
	[tilespmem:$0x10700] =	vst v63  }
0x10f: {  	_ =	swait.ge [sflag:s10], $0x1000  }
0x110: {  	[sflag:s10] =	ssyncset.done $0x0  }
0x111: {  	s20 =	simm.s32 $0xE;
	[sflag:s10] =	ssyncadd.s32 $0xFFFFF000  }
0x112: {  	v37 =	vsel vm5, $0x0, v33;
	_ =	swait.ge [sflag:s20], $0x1000  }
0x113: {  	(xrf0) =	vadd.scan.msk.s32 $0xffff, v37  }
0x114: {  	v38 =	vsel vm5, $0x0, v32  }
0x115: {  	(xrf0) =	vadd.scan.msk.s32 $0xffff, v38;
	_ =	sdelay $0x3  }
0x116: {  	v39, _, _ =	vpop (xrf0)  }
0x117: {  	(v2sf) =	vpush v39, $0xF  }
0x118: {  	v40, _, _ =	vpop (xrf0)  }
0x119: {  	(v2sf) =	vpush v40, $0xF;
	_ =	sdelay $0x6  }
0x11a: {  	v41 =	vsel vm13, $0x0, v33  }
0x11b: {  	v42 =	vsel vm13, $0x0, v32;
	(xrf0) =	vadd.scan.msk.s32 $0xffff, v41  }
0x11c: {  	(xrf0) =	vadd.scan.msk.s32 $0xffff, v42;
	_ =	sdelay $0x3  }
0x11d: {  	s5 =	spop (v2sf)  }
0x11e: {  	v43, _, _ =	vpop (xrf0);
	s3 =	sand.u32 $0x7F, s5  }
0x11f: {  	v46, _, _ =	vpop (xrf0);
	(v2sf) =	vpush v43, $0xF;
	s6 =	spop (v2sf);
	v44 =	vor.u32 s3, v15  }
0x120: {  	(v2sf) =	vpush v46, $0xF;
	s4 =	sand.u32 $0x7F, s6;
	v45 =	vor.u32 s3, v16  }
0x121: {  	v47 =	vor.u32 s4, v15  }
0x122: {  	[sflag:s20] =	ssyncset.done $0x0;
	v48 =	vor.u32 s4, v16  }
0x123: {  	[sflag:s20] =	ssyncadd.s32 $0xFFFFF000  }
0x124: {  	v35 =	vld.idx.msk [tilespmem:v44+s12+$0x0], $0xffff  }
0x125: {  	v34 =	vld.idx.msk [tilespmem:v45+s12+$0x0], $0xffff  }
0x126: {  	v37 =	vld.idx.msk [tilespmem:v47+s13+$0x0], $0xffff  }
0x127: {  	v36 =	vld.idx.msk [tilespmem:v48+s13+$0x0], $0xffff;
	_ =	sdelay $0x4  }
0x128: {  	v35 =	vmul.f32 v37, v35;
	v34 =	vmul.f32 v36, v34;
	_ =	sdelay $0x1  }
0x129: {  	s18 =	simm.s32 $0xD400;
	v34 =	vadd.f32 v34, v35;
	s3 =	spop (v2sf)  }
0x12a: {  	s1 =	simm.s32 $0x10600;
	s7 =	sand.u32 $0xFFFFF80, s3;
	s8 =	spop (v2sf)  }
0x12b: {  	s5 =	simm.s32 $0x5400;
	[tilespmem:v17+s1+$0x0] =	vst.idx.msk $0xffff, v34;
	s4 =	sadd.s32 s17, s7;
	s14 =	sand.u32 $0xFFFFF80, s8  }
0x12c: {  	[tilespmem:s5], [sflag:$0x6] =	stream.strided.gather [hbm4b:s4+s12], $0x1000, s31, s12, $0x38;
	[tilespmem:$0x10700] =	vst v63  }
0x12d: {  	s6 =	simm.s32 $0x7;
	[dreg:$0xd] =	wrdreg s8;
	s4 =	sadd.s32 s2, s14  }
0x12e: {  	[tilespmem:s18], [sflag:$0xE] =	stream.strided.gather [hbm4b:s4+s12], $0x1000, s31, s12, $0x38;
	[tilespmem:$0x10700] =	vst v63  }
0x12f: {  	_ =	swait.ge [sflag:s6], $0x1000  }
0x130: {  	[sflag:s6] =	ssyncset.done $0x0  }
0x131: {  	s8 =	simm.s32 $0xF;
	[sflag:s6] =	ssyncadd.s32 $0xFFFFF000  }
0x132: {  	v49 =	vsel vm6, $0x0, v33;
	_ =	swait.ge [sflag:s8], $0x1000  }
0x133: {  	(xrf0) =	vadd.scan.msk.s32 $0xffff, v49  }
0x134: {  	v50 =	vsel vm6, $0x0, v32  }
0x135: {  	(xrf0) =	vadd.scan.msk.s32 $0xffff, v50;
	_ =	sdelay $0x3  }
0x136: {  	v51, _, _ =	vpop (xrf0)  }
0x137: {  	(v2sf) =	vpush v51, $0xF  }
0x138: {  	v52, _, _ =	vpop (xrf0)  }
0x139: {  	(v2sf) =	vpush v52, $0xF;
	_ =	sdelay $0x5  }
0x13a: {  	v53 =	vsel vm14, $0x0, v33  }
0x13b: {  	(xrf0) =	vadd.scan.msk.s32 $0xffff, v53  }
0x13c: {  	v54 =	vsel vm14, $0x0, v32  }
0x13d: {  	(xrf0) =	vadd.scan.msk.s32 $0xffff, v54;
	_ =	sdelay $0x3  }
0x13e: {  	v55, _, _ =	vpop (xrf0);
	s5 =	spop (v2sf)  }
0x13f: {  	(v2sf) =	vpush v55, $0xF;
	s4 =	sand.u32 $0x7F, s5  }
0x140: {  	v58, _, _ =	vpop (xrf0);
	s7 =	spop (v2sf);
	v56 =	vor.u32 s4, v18  }
0x141: {  	(v2sf) =	vpush v58, $0xF;
	s5 =	sand.u32 $0x7F, s7;
	v57 =	vor.u32 s4, v19  }
0x142: {  	v59 =	vor.u32 s5, v18  }
0x143: {  	[sflag:s8] =	ssyncset.done $0x0;
	v60 =	vor.u32 s5, v19  }
0x144: {  	[sflag:s8] =	ssyncadd.s32 $0xFFFFF000  }
0x145: {  	v35 =	vld.idx.msk [tilespmem:v56+s12+$0x0], $0xffff  }
0x146: {  	v34 =	vld.idx.msk [tilespmem:v57+s12+$0x0], $0xffff  }
0x147: {  	v37 =	vld.idx.msk [tilespmem:v59+s13+$0x0], $0xffff  }
0x148: {  	v36 =	vld.idx.msk [tilespmem:v60+s13+$0x0], $0xffff;
	_ =	sdelay $0x4  }
0x149: {  	v35 =	vmul.f32 v37, v35;
	v34 =	vmul.f32 v36, v34  }
0x14a: {  	s14 =	spop (v2sf)  }
0x14b: {  	v34 =	vadd.f32 v34, v35;
	[dreg:$0xe] =	wrdreg s14  }
0x14c: {  	s4 =	sand.u32 $0xFFFFF80, s14;
	s18 =	spop (v2sf);
	s14 =	simm.s32 $0x6400  }
0x14d: {  	[tilespmem:v20+s1+$0x0] =	vst.idx.msk $0xffff, v34;
	[dreg:$0xf] =	wrdreg s18;
	s4 =	sadd.s32 s17, s4;
	s18 =	sand.u32 $0xFFFFF80, s18  }
0x14e: {  	[tilespmem:s14], [sflag:$0x7] =	stream.strided.gather [hbm4b:s4+s12], $0x1000, s31, s12, $0x38;
	[tilespmem:$0x10700] =	vst v63  }
0x14f: {  	s5 =	simm.s32 $0xE400;
	s4 =	sadd.s32 s2, s18  }
0x150: {  	[tilespmem:s5], [sflag:$0xF] =	stream.strided.gather [hbm4b:s4+s12], $0x1000, s31, s12, $0x38;
	[tilespmem:$0x10700] =	vst v63  }
0x151: {  	_ =	swait.ge [sflag:s24], $0x1000  }
0x152: {  	[sflag:s24] =	ssyncset.done $0x0  }
0x153: {  	s5 =	simm.s32 $0x10;
	[sflag:s24] =	ssyncadd.s32 $0xFFFFF000  }
0x154: {  	v61 =	vsel vm7, $0x0, v33;
	_ =	swait.ge [sflag:s5], $0x1000  }
0x155: {  	(xrf0) =	vadd.scan.msk.s32 $0xffff, v61  }
0x156: {  	v62 =	vsel vm7, $0x0, v32  }
0x157: {  	(xrf0) =	vadd.scan.msk.s32 $0xffff, v62;
	_ =	sdelay $0x3  }
0x158: {  	v63, _, _ =	vpop (xrf0)  }
0x159: {  	(v2sf) =	vpush v63, $0xF  }
0x15a: {  	v36, _, _ =	vpop (xrf0)  }
0x15b: {  	(v2sf) =	vpush v36, $0xF;
	_ =	sdelay $0x6  }
0x15c: {  	v33 =	vsel vm15, $0x0, v33  }
0x15d: {  	(xrf0) =	vadd.scan.msk.s32 $0xffff, v33  }
0x15e: {  	v32 =	vsel vm15, $0x0, v32  }
0x15f: {  	(xrf0) =	vadd.scan.msk.s32 $0xffff, v32;
	_ =	sdelay $0x2  }
0x160: {  	s14 =	spop (v2sf)  }
0x161: {  	v37, _, _ =	vpop (xrf0);
	s4 =	sand.u32 $0x7F, s14  }
0x162: {  	(v2sf) =	vpush v37, $0xF;
	s18 =	spop (v2sf);
	v38 =	vor.u32 s4, v21  }
0x163: {  	v40, _, _ =	vpop (xrf0);
	s7 =	sand.u32 $0x7F, s18;
	v39 =	vor.u32 s4, v22  }
0x164: {  	(v2sf) =	vpush v40, $0xF;
	v41 =	vor.u32 s7, v21  }
0x165: {  	[sflag:s5] =	ssyncset.done $0x0;
	v42 =	vor.u32 s7, v22  }
0x166: {  	[sflag:s5] =	ssyncadd.s32 $0xFFFFF000  }
0x167: {  	v33 =	vld.idx.msk [tilespmem:v38+s12+$0x0], $0xffff  }
0x168: {  	v32 =	vld.idx.msk [tilespmem:v39+s12+$0x0], $0xffff  }
0x169: {  	v35 =	vld.idx.msk [tilespmem:v41+s13+$0x0], $0xffff  }
0x16a: {  	v34 =	vld.idx.msk [tilespmem:v42+s13+$0x0], $0xffff;
	_ =	sdelay $0x4  }
0x16b: {  	v33 =	vmul.f32 v35, v33;
	v32 =	vmul.f32 v34, v32;
	_ =	sdelay $0x1  }
0x16c: {  	v32 =	vadd.f32 v32, v33;
	s7 =	spop (v2sf)  }
0x16d: {  	s14 =	sand.u32 $0xFFFFF80, s7  }
0x16e: {  	s18 =	spop (v2sf);
	[tilespmem:v23+s1+$0x0] =	vst.idx.msk $0xffff, v32;
	s4 =	sadd.s32 s17, s14;
	s14 =	simm.s32 $0x7400  }
0x16f: {  	[tilespmem:s14], [sflag:$0x8] =	stream.strided.gather [hbm4b:s4+s12], $0x1000, s31, s12, $0x38;
	[tilespmem:$0x10700] =	vst v63  }
0x170: {  	s14 =	sand.u32 $0xFFFFF80, s18  }
0x171: {  	s9 =	simm.s32 $0x1;
	s4 =	sadd.s32 s2, s14;
	s14 =	simm.s32 $0xF400  }
0x172: {  	[tilespmem:s14], [sflag:$0x10] =	stream.strided.gather [hbm4b:s4+s12], $0x1000, s31, s12, $0x38;
	[tilespmem:$0x10700] =	vst v63  }
0x173: {  	s22 =	sand.u32 $0x7F, s22;
	_ =	swait.ge [sflag:s9], $0x1000  }
0x174: {  	v43 =	vor.u32 s22, v0;
	[sflag:s9] =	ssyncset.done $0x0  }
0x175: {  	s21 =	sand.u32 $0x7F, s21;
	s15 =	simm.s32 $0x9;
	v44 =	vor.u32 s22, v2;
	[sflag:s9] =	ssyncadd.s32 $0xFFFFF000  }
0x176: {  	v45 =	vor.u32 s21, v0;
	_ =	swait.ge [sflag:s15], $0x1000  }
0x177: {  	v46 =	vor.u32 s21, v2;
	[sflag:s15] =	ssyncset.done $0x0  }
0x178: {  	[sflag:s15] =	ssyncadd.s32 $0xFFFFF000  }
0x179: {  	v32 =	vld.idx.msk [tilespmem:v43+s12+$0x0], $0xffff  }
0x17a: {  	v33 =	vld.idx.msk [tilespmem:v44+s12+$0x0], $0xffff  }
0x17b: {  	v34 =	vld.idx.msk [tilespmem:v45+s13+$0x0], $0xffff  }
0x17c: {  	v35 =	vld.idx.msk [tilespmem:v46+s13+$0x0], $0xffff;
	_ =	sdelay $0x4  }
0x17d: {  	v32 =	vmul.f32 v34, v32;
	v33 =	vmul.f32 v35, v33;
	_ =	sdelay $0x1  }
0x17e: {  	v32 =	vadd.f32 v33, v32  }
0x17f: {  	p0 =	seq.s32 s19, $0x7C0  }
0x180: {  	vm15 =	vmmov vm0;
	s4 =	sshra.s32 @!p0 s19, $0x2;
	[tilespmem:v24+s1+$0x0] =	vst.idx.msk $0xffff, v32  }
0x181: {  	vm0 =	vmmov vm14;
	vm14 =	vmmov vm13;
	vm13 =	vmmov vm12;
	v32 =	vld @!p0 [tilespmem:s4+$0x10]  }
0x182: {  	vm12 =	vmmov vm7;
	vm7 =	vmmov vm11;
	vm11 =	vmmov vm6  }
0x183: {  	vm6 =	vmmov vm5;
	vm5 =	vmmov vm4;
	vm4 =	vmmov vm10  }
0x184: {  	vm10 =	vmmov vm3;
	vm3 =	vmmov vm2;
	vm2 =	vmmov vm1  }
0x185: {  	vm1 =	vmmov vm9;
	vm9 =	vmmov vm8;
	vm8 =	vmmov @!p0 $0x1;
	v33 =	vld @!p0 [tilespmem:s4+$0x210]  }
0x186: {  	v32 =	vnsel @!p0 vm8, $0x0, v32  }
0x187: {  	(xrf0) =	vadd.scan.msk.s32 @!p0 $0xffff, v32;
	_ =	sdelay $0x2  }
0x188: {  	v32 =	vnsel @!p0 vm8, $0x0, v33  }
0x189: {  	(xrf0) =	vadd.scan.msk.s32 @!p0 $0xffff, v32;
	_ =	sdelay $0x1  }
0x18a: {  	v32, _, _ =	vpop @!p0 (xrf0)  }
0x18b: {  	(v2sf) =	vpush @!p0 v32, $0xF;
	_ =	sdelay $0x2  }
0x18c: {  	v32, _, _ =	vpop @!p0 (xrf0)  }
0x18d: {  	(v2sf) =	vpush @!p0 v32, $0xF;
	_ =	sdelay $0xa  }
0x18e: {  	s21 =	spop @!p0 (v2sf)  }
0x18f: {  	s21 =	sand.u32 @!p0 $0xFFFFF80, s21  }
0x190: {  	s22 =	simm.s32 @!p0 $0x400;
	s9 =	sadd.s32 @!p0 s17, s21;
	s21 =	simm.s32 @!p0 $0x7A1400  }
0x191: {  	[tilespmem:s22], [sflag:$0x1] =	stream.strided.gather @!p0 [hbm4b:s9+s22], $0x1000, s21, s22, $0x38;
	[tilespmem:$0x10700] =	vst v63  }
0x192: {  	s9 =	spop @!p0 (v2sf)  }
0x193: {  	s9 =	sand.u32 @!p0 $0xFFFFF80, s9  }
0x194: {  	s14 =	simm.s32 @!p0 $0x8400;
	s15 =	simm.s32 $0x2;
	s9 =	sadd.s32 @!p0 s2, s9  }
0x195: {  	[tilespmem:s14], [sflag:$0x9] =	stream.strided.gather @!p0 [hbm4b:s9+s22], $0x1000, s21, s22, $0x38;
	[tilespmem:$0x10700] =	vst v63  }
0x196: {  	s9 =	sand.u32 $0x7F, s23;
	_ =	swait.ge [sflag:s15], $0x1000  }
0x197: {  	v47 =	vor.u32 s9, v3;
	[sflag:s15] =	ssyncset.done $0x0;
	s23 =	rddreg [dreg:$0xc]  }
0x198: {  	v48 =	vor.u32 s9, v4;
	[sflag:s15] =	ssyncadd.s32 $0xFFFFF000;
	s14 =	sand.u32 $0x7F, s23;
	s23 =	simm.s32 $0xA  }
0x199: {  	_ =	swait.ge [sflag:s23], $0x1000;
	v49 =	vor.u32 s14, v3  }
0x19a: {  	v50 =	vor.u32 s14, v4;
	[sflag:s23] =	ssyncset.done $0x0  }
0x19b: {  	[sflag:s23] =	ssyncadd.s32 $0xFFFFF000  }
0x19c: {  	v32 =	vld.idx.msk [tilespmem:v47+s12+$0x0], $0xffff  }
0x19d: {  	v33 =	vld.idx.msk [tilespmem:v48+s12+$0x0], $0xffff  }
0x19e: {  	v34 =	vld.idx.msk [tilespmem:v49+s13+$0x0], $0xffff  }
0x19f: {  	v35 =	vld.idx.msk [tilespmem:v50+s13+$0x0], $0xffff;
	_ =	sdelay $0x4  }
0x1a0: {  	v32 =	vmul.f32 v34, v32;
	v33 =	vmul.f32 v35, v33;
	_ =	sdelay $0x1  }
0x1a1: {  	v32 =	vadd.f32 v33, v32;
	_ =	sdelay $0x1  }
0x1a2: {  	[tilespmem:v25+s1+$0x0] =	vst.idx.msk $0xffff, v32  }
0x1a3: {  	v32 =	vld @!p0 [tilespmem:s4+$0x10];
	_ =	sdelay $0x3  }
0x1a4: {  	vm8 =	vcmask @!p0 $0x308;
	v33 =	vld @!p0 [tilespmem:s4+$0x210]  }
0x1a5: {  	v32 =	vsel @!p0 vm8, $0x0, v32  }
0x1a6: {  	(xrf0) =	vadd.scan.msk.s32 @!p0 $0xffff, v32;
	_ =	sdelay $0x2  }
0x1a7: {  	v32 =	vsel @!p0 vm8, $0x0, v33  }
0x1a8: {  	(xrf0) =	vadd.scan.msk.s32 @!p0 $0xffff, v32;
	_ =	sdelay $0x1  }
0x1a9: {  	v32, _, _ =	vpop @!p0 (xrf0)  }
0x1aa: {  	(v2sf) =	vpush @!p0 v32, $0xF;
	_ =	sdelay $0x2  }
0x1ab: {  	v32, _, _ =	vpop @!p0 (xrf0)  }
0x1ac: {  	(v2sf) =	vpush @!p0 v32, $0xF;
	_ =	sdelay $0xa  }
0x1ad: {  	s9 =	spop @!p0 (v2sf)  }
0x1ae: {  	s9 =	sand.u32 @!p0 $0xFFFFF80, s9  }
0x1af: {  	s14 =	simm.s32 @!p0 $0x1400;
	s9 =	sadd.s32 @!p0 s17, s9  }
0x1b0: {  	[tilespmem:s14], [sflag:$0x2] =	stream.strided.gather @!p0 [hbm4b:s9+s22], $0x1000, s21, s22, $0x38;
	[tilespmem:$0x10700] =	vst v63  }
0x1b1: {  	s9 =	spop @!p0 (v2sf)  }
0x1b2: {  	s9 =	sand.u32 @!p0 $0xFFFFF80, s9  }
0x1b3: {  	s14 =	simm.s32 @!p0 $0x9400;
	s9 =	sadd.s32 @!p0 s2, s9  }
0x1b4: {  	[tilespmem:s14], [sflag:$0xA] =	stream.strided.gather @!p0 [hbm4b:s9+s22], $0x1000, s21, s22, $0x38;
	[tilespmem:$0x10700] =	vst v63  }
0x1b5: {  	s14 =	simm.s32 $0x3  }
0x1b6: {  	s9 =	sand.u32 $0x7F, s26;
	s26 =	simm.s32 $0x3;
	_ =	swait.ge [sflag:s14], $0x1000  }
0x1b7: {  	v51 =	vor.u32 s9, v6;
	[sflag:s26] =	ssyncset.done $0x0  }
0x1b8: {  	s14 =	sand.u32 $0x7F, s25;
	s25 =	simm.s32 $0xB;
	v52 =	vor.u32 s9, v7;
	[sflag:s26] =	ssyncadd.s32 $0xFFFFF000  }
0x1b9: {  	v53 =	vor.u32 s14, v6;
	_ =	swait.ge [sflag:s25], $0x1000  }
0x1ba: {  	v54 =	vor.u32 s14, v7;
	[sflag:s25] =	ssyncset.done $0x0  }
0x1bb: {  	[sflag:s25] =	ssyncadd.s32 $0xFFFFF000  }
0x1bc: {  	v32 =	vld.idx.msk [tilespmem:v51+s12+$0x0], $0xffff  }
0x1bd: {  	v33 =	vld.idx.msk [tilespmem:v52+s12+$0x0], $0xffff  }
0x1be: {  	v34 =	vld.idx.msk [tilespmem:v53+s13+$0x0], $0xffff  }
0x1bf: {  	v35 =	vld.idx.msk [tilespmem:v54+s13+$0x0], $0xffff;
	_ =	sdelay $0x4  }
0x1c0: {  	v32 =	vmul.f32 v34, v32;
	v33 =	vmul.f32 v35, v33;
	_ =	sdelay $0x1  }
0x1c1: {  	v32 =	vadd.f32 v33, v32;
	_ =	sdelay $0x1  }
0x1c2: {  	[tilespmem:v26+s1+$0x0] =	vst.idx.msk $0xffff, v32  }
0x1c3: {  	v32 =	vld @!p0 [tilespmem:s4+$0x10];
	_ =	sdelay $0x3  }
0x1c4: {  	vm8 =	vcmask @!p0 $0x70C;
	v33 =	vld @!p0 [tilespmem:s4+$0x210]  }
0x1c5: {  	v32 =	vsel @!p0 vm8, $0x0, v32  }
0x1c6: {  	(xrf0) =	vadd.scan.msk.s32 @!p0 $0xffff, v32;
	_ =	sdelay $0x2  }
0x1c7: {  	v32 =	vsel @!p0 vm8, $0x0, v33  }
0x1c8: {  	(xrf0) =	vadd.scan.msk.s32 @!p0 $0xffff, v32;
	_ =	sdelay $0x1  }
0x1c9: {  	v32, _, _ =	vpop @!p0 (xrf0)  }
0x1ca: {  	(v2sf) =	vpush @!p0 v32, $0xF;
	_ =	sdelay $0x2  }
0x1cb: {  	v32, _, _ =	vpop @!p0 (xrf0)  }
0x1cc: {  	(v2sf) =	vpush @!p0 v32, $0xF;
	_ =	sdelay $0xa  }
0x1cd: {  	s9 =	spop @!p0 (v2sf)  }
0x1ce: {  	s9 =	sand.u32 @!p0 $0xFFFFF80, s9  }
0x1cf: {  	s14 =	simm.s32 @!p0 $0x2400;
	s9 =	sadd.s32 @!p0 s17, s9  }
0x1d0: {  	[tilespmem:s14], [sflag:$0x3] =	stream.strided.gather @!p0 [hbm4b:s9+s22], $0x1000, s21, s22, $0x38;
	[tilespmem:$0x10700] =	vst v63  }
0x1d1: {  	s9 =	spop @!p0 (v2sf)  }
0x1d2: {  	s9 =	sand.u32 @!p0 $0xFFFFF80, s9  }
0x1d3: {  	s16 =	simm.s32 $0x4;
	s14 =	simm.s32 @!p0 $0xA400;
	s9 =	sadd.s32 @!p0 s2, s9  }
0x1d4: {  	[tilespmem:s14], [sflag:$0xB] =	stream.strided.gather @!p0 [hbm4b:s9+s22], $0x1000, s21, s22, $0x38;
	[tilespmem:$0x10700] =	vst v63  }
0x1d5: {  	s9 =	sand.u32 $0x7F, s29;
	_ =	swait.ge [sflag:s16], $0x1000  }
0x1d6: {  	v55 =	vor.u32 s9, v9;
	[sflag:s16] =	ssyncset.done $0x0  }
0x1d7: {  	s14 =	sand.u32 $0x7F, s28;
	v56 =	vor.u32 s9, v10;
	[sflag:s16] =	ssyncadd.s32 $0xFFFFF000;
	s16 =	simm.s32 $0xC  }
0x1d8: {  	v57 =	vor.u32 s14, v9;
	_ =	swait.ge [sflag:s16], $0x1000  }
0x1d9: {  	v58 =	vor.u32 s14, v10;
	[sflag:s16] =	ssyncset.done $0x0  }
0x1da: {  	[sflag:s16] =	ssyncadd.s32 $0xFFFFF000  }
0x1db: {  	v32 =	vld.idx.msk [tilespmem:v55+s12+$0x0], $0xffff  }
0x1dc: {  	v33 =	vld.idx.msk [tilespmem:v56+s12+$0x0], $0xffff  }
0x1dd: {  	v34 =	vld.idx.msk [tilespmem:v57+s13+$0x0], $0xffff  }
0x1de: {  	v35 =	vld.idx.msk [tilespmem:v58+s13+$0x0], $0xffff;
	_ =	sdelay $0x4  }
0x1df: {  	v32 =	vmul.f32 v34, v32;
	v33 =	vmul.f32 v35, v33;
	_ =	sdelay $0x1  }
0x1e0: {  	v32 =	vadd.f32 v33, v32;
	_ =	sdelay $0x1  }
0x1e1: {  	[tilespmem:v27+s1+$0x0] =	vst.idx.msk $0xffff, v32  }
0x1e2: {  	v32 =	vld @!p0 [tilespmem:s4+$0x10];
	_ =	sdelay $0x3  }
0x1e3: {  	vm8 =	vcmask @!p0 $0xB10;
	v33 =	vld @!p0 [tilespmem:s4+$0x210]  }
0x1e4: {  	v32 =	vsel @!p0 vm8, $0x0, v32  }
0x1e5: {  	(xrf0) =	vadd.scan.msk.s32 @!p0 $0xffff, v32;
	_ =	sdelay $0x2  }
0x1e6: {  	v32 =	vsel @!p0 vm8, $0x0, v33  }
0x1e7: {  	(xrf0) =	vadd.scan.msk.s32 @!p0 $0xffff, v32;
	_ =	sdelay $0x1  }
0x1e8: {  	v32, _, _ =	vpop @!p0 (xrf0)  }
0x1e9: {  	(v2sf) =	vpush @!p0 v32, $0xF;
	_ =	sdelay $0x2  }
0x1ea: {  	v32, _, _ =	vpop @!p0 (xrf0)  }
0x1eb: {  	(v2sf) =	vpush @!p0 v32, $0xF;
	_ =	sdelay $0xa  }
0x1ec: {  	s9 =	spop @!p0 (v2sf)  }
0x1ed: {  	s9 =	sand.u32 @!p0 $0xFFFFF80, s9  }
0x1ee: {  	s14 =	simm.s32 @!p0 $0x3400;
	s9 =	sadd.s32 @!p0 s17, s9  }
0x1ef: {  	[tilespmem:s14], [sflag:$0x4] =	stream.strided.gather @!p0 [hbm4b:s9+s22], $0x1000, s21, s22, $0x38;
	[tilespmem:$0x10700] =	vst v63  }
0x1f0: {  	s9 =	spop @!p0 (v2sf)  }
0x1f1: {  	s9 =	sand.u32 @!p0 $0xFFFFF80, s9  }
0x1f2: {  	s14 =	simm.s32 @!p0 $0xB400;
	s9 =	sadd.s32 @!p0 s2, s9  }
0x1f3: {  	[tilespmem:s14], [sflag:$0xC] =	stream.strided.gather @!p0 [hbm4b:s9+s22], $0x1000, s21, s22, $0x38;
	[tilespmem:$0x10700] =	vst v63  }
0x1f4: {  	s0 =	sand.u32 $0x7F, s0;
	_ =	swait.ge [sflag:s11], $0x1000  }
0x1f5: {  	v59 =	vor.u32 s0, v12;
	[sflag:s11] =	ssyncset.done $0x0  }
0x1f6: {  	v60 =	vor.u32 s0, v13;
	s0 =	simm.s32 $0xD;
	s9 =	sand.u32 $0x7F, s30;
	[sflag:s11] =	ssyncadd.s32 $0xFFFFF000  }
0x1f7: {  	v61 =	vor.u32 s9, v12;
	_ =	swait.ge [sflag:s0], $0x1000  }
0x1f8: {  	v62 =	vor.u32 s9, v13;
	[sflag:s0] =	ssyncset.done $0x0;
	s0 =	simm.s32 $0xD  }
0x1f9: {  	[sflag:s0] =	ssyncadd.s32 $0xFFFFF000  }
0x1fa: {  	v32 =	vld.idx.msk [tilespmem:v59+s12+$0x0], $0xffff  }
0x1fb: {  	v33 =	vld.idx.msk [tilespmem:v60+s12+$0x0], $0xffff  }
0x1fc: {  	v34 =	vld.idx.msk [tilespmem:v61+s13+$0x0], $0xffff  }
0x1fd: {  	v35 =	vld.idx.msk [tilespmem:v62+s13+$0x0], $0xffff;
	_ =	sdelay $0x4  }
0x1fe: {  	v32 =	vmul.f32 v34, v32;
	v33 =	vmul.f32 v35, v33;
	_ =	sdelay $0x1  }
0x1ff: {  	v32 =	vadd.f32 v33, v32;
	_ =	sdelay $0x1  }
0x200: {  	[tilespmem:v28+s1+$0x0] =	vst.idx.msk $0xffff, v32  }
0x201: {  	v32 =	vld @!p0 [tilespmem:s4+$0x10];
	_ =	sdelay $0x3  }
0x202: {  	vm8 =	vcmask @!p0 $0xF14;
	v33 =	vld @!p0 [tilespmem:s4+$0x210]  }
0x203: {  	v32 =	vsel @!p0 vm8, $0x0, v32  }
0x204: {  	(xrf0) =	vadd.scan.msk.s32 @!p0 $0xffff, v32;
	_ =	sdelay $0x2  }
0x205: {  	v32 =	vsel @!p0 vm8, $0x0, v33  }
0x206: {  	(xrf0) =	vadd.scan.msk.s32 @!p0 $0xffff, v32;
	_ =	sdelay $0x1  }
0x207: {  	v32, _, _ =	vpop @!p0 (xrf0)  }
0x208: {  	(v2sf) =	vpush @!p0 v32, $0xF;
	_ =	sdelay $0x2  }
0x209: {  	v32, _, _ =	vpop @!p0 (xrf0)  }
0x20a: {  	(v2sf) =	vpush @!p0 v32, $0xF;
	_ =	sdelay $0xa  }
0x20b: {  	s0 =	spop @!p0 (v2sf)  }
0x20c: {  	s0 =	sand.u32 @!p0 $0xFFFFF80, s0  }
0x20d: {  	s9 =	simm.s32 @!p0 $0x4400;
	s0 =	sadd.s32 @!p0 s17, s0  }
0x20e: {  	[tilespmem:s9], [sflag:$0x5] =	stream.strided.gather @!p0 [hbm4b:s0+s22], $0x1000, s21, s22, $0x38;
	[tilespmem:$0x10700] =	vst v63  }
0x20f: {  	s0 =	spop @!p0 (v2sf)  }
0x210: {  	s0 =	sand.u32 @!p0 $0xFFFFF80, s0  }
0x211: {  	s9 =	simm.s32 @!p0 $0xC400;
	s0 =	sadd.s32 @!p0 s2, s0  }
0x212: {  	[tilespmem:s9], [sflag:$0xD] =	stream.strided.gather @!p0 [hbm4b:s0+s22], $0x1000, s21, s22, $0x38;
	[tilespmem:$0x10700] =	vst v63  }
0x213: {  	_ =	swait.ge [sflag:s10], $0x1000  }
0x214: {  	s9 =	sand.u32 $0x7F, s3;
	[sflag:s10] =	ssyncset.done $0x0  }
0x215: {  	v63 =	vor.u32 s9, v15;
	[sflag:s10] =	ssyncadd.s32 $0xFFFFF000;
	s10 =	rddreg [dreg:$0xd]  }
0x216: {  	v36 =	vor.u32 s9, v16;
	s1 =	sand.u32 $0x7F, s10  }
0x217: {  	_ =	swait.ge [sflag:s20], $0x1000;
	v37 =	vor.u32 s1, v15  }
0x218: {  	[sflag:s20] =	ssyncset.done $0x0;
	v38 =	vor.u32 s1, v16  }
0x219: {  	[sflag:s20] =	ssyncadd.s32 $0xFFFFF000  }
0x21a: {  	v32 =	vld.idx.msk [tilespmem:v63+s12+$0x0], $0xffff  }
0x21b: {  	v33 =	vld.idx.msk [tilespmem:v36+s12+$0x0], $0xffff  }
0x21c: {  	v34 =	vld.idx.msk [tilespmem:v37+s13+$0x0], $0xffff  }
0x21d: {  	v35 =	vld.idx.msk [tilespmem:v38+s13+$0x0], $0xffff;
	_ =	sdelay $0x4  }
0x21e: {  	v32 =	vmul.f32 v34, v32;
	v33 =	vmul.f32 v35, v33;
	_ =	sdelay $0x1  }
0x21f: {  	v32 =	vadd.f32 v33, v32  }
0x220: {  	s20 =	simm.s32 $0x10600  }
0x221: {  	[tilespmem:v29+s20+$0x0] =	vst.idx.msk $0xffff, v32  }
0x222: {  	v32 =	vld @!p0 [tilespmem:s4+$0x10];
	_ =	sdelay $0x3  }
0x223: {  	vm8 =	vcmask @!p0 $0x1318;
	v33 =	vld @!p0 [tilespmem:s4+$0x210]  }
0x224: {  	v32 =	vsel @!p0 vm8, $0x0, v32  }
0x225: {  	(xrf0) =	vadd.scan.msk.s32 @!p0 $0xffff, v32;
	_ =	sdelay $0x2  }
0x226: {  	v32 =	vsel @!p0 vm8, $0x0, v33  }
0x227: {  	(xrf0) =	vadd.scan.msk.s32 @!p0 $0xffff, v32;
	_ =	sdelay $0x1  }
0x228: {  	v32, _, _ =	vpop @!p0 (xrf0)  }
0x229: {  	(v2sf) =	vpush @!p0 v32, $0xF;
	_ =	sdelay $0x2  }
0x22a: {  	v32, _, _ =	vpop @!p0 (xrf0)  }
0x22b: {  	(v2sf) =	vpush @!p0 v32, $0xF;
	_ =	sdelay $0xa  }
0x22c: {  	s0 =	spop @!p0 (v2sf)  }
0x22d: {  	s0 =	sand.u32 @!p0 $0xFFFFF80, s0  }
0x22e: {  	s3 =	simm.s32 @!p0 $0x5400;
	s0 =	sadd.s32 @!p0 s17, s0  }
0x22f: {  	[tilespmem:s3], [sflag:$0x6] =	stream.strided.gather @!p0 [hbm4b:s0+s22], $0x1000, s21, s22, $0x38;
	[tilespmem:$0x10700] =	vst v63  }
0x230: {  	s0 =	spop @!p0 (v2sf)  }
0x231: {  	s0 =	sand.u32 @!p0 $0xFFFFF80, s0  }
0x232: {  	s3 =	simm.s32 @!p0 $0xD400;
	s0 =	sadd.s32 @!p0 s2, s0  }
0x233: {  	[tilespmem:s3], [sflag:$0xE] =	stream.strided.gather @!p0 [hbm4b:s0+s22], $0x1000, s21, s22, $0x38;
	[tilespmem:$0x10700] =	vst v63  }
0x234: {  	_ =	swait.ge [sflag:s6], $0x1000  }
0x235: {  	s3 =	rddreg [dreg:$0xe]  }
0x236: {  	s0 =	sand.u32 $0x7F, s3  }
0x237: {  	[sflag:s6] =	ssyncset.done $0x0;
	s9 =	rddreg [dreg:$0xf];
	v39 =	vor.u32 s0, v18  }
0x238: {  	[sflag:s6] =	ssyncadd.s32 $0xFFFFF000;
	s1 =	sand.u32 $0x7F, s9;
	v40 =	vor.u32 s0, v19  }
0x239: {  	_ =	swait.ge [sflag:s8], $0x1000;
	v41 =	vor.u32 s1, v18  }
0x23a: {  	v42 =	vor.u32 s1, v19;
	[sflag:s8] =	ssyncset.done $0x0  }
0x23b: {  	[sflag:s8] =	ssyncadd.s32 $0xFFFFF000  }
0x23c: {  	v32 =	vld.idx.msk [tilespmem:v39+s12+$0x0], $0xffff  }
0x23d: {  	v33 =	vld.idx.msk [tilespmem:v40+s12+$0x0], $0xffff  }
0x23e: {  	v34 =	vld.idx.msk [tilespmem:v41+s13+$0x0], $0xffff  }
0x23f: {  	v35 =	vld.idx.msk [tilespmem:v42+s13+$0x0], $0xffff;
	_ =	sdelay $0x4  }
0x240: {  	v32 =	vmul.f32 v34, v32;
	v33 =	vmul.f32 v35, v33;
	_ =	sdelay $0x1  }
0x241: {  	v32 =	vadd.f32 v33, v32;
	_ =	sdelay $0x1  }
0x242: {  	[tilespmem:v30+s20+$0x0] =	vst.idx.msk $0xffff, v32  }
0x243: {  	v32 =	vld @!p0 [tilespmem:s4+$0x10];
	_ =	sdelay $0x3  }
0x244: {  	vm8 =	vcmask @!p0 $0x171C;
	v33 =	vld @!p0 [tilespmem:s4+$0x210]  }
0x245: {  	v32 =	vsel @!p0 vm8, $0x0, v32  }
0x246: {  	(xrf0) =	vadd.scan.msk.s32 @!p0 $0xffff, v32;
	_ =	sdelay $0x2  }
0x247: {  	v32 =	vsel @!p0 vm8, $0x0, v33  }
0x248: {  	(xrf0) =	vadd.scan.msk.s32 @!p0 $0xffff, v32;
	_ =	sdelay $0x1  }
0x249: {  	v32, _, _ =	vpop @!p0 (xrf0)  }
0x24a: {  	(v2sf) =	vpush @!p0 v32, $0xF;
	_ =	sdelay $0x2  }
0x24b: {  	v32, _, _ =	vpop @!p0 (xrf0)  }
0x24c: {  	(v2sf) =	vpush @!p0 v32, $0xF;
	_ =	sdelay $0xa  }
0x24d: {  	s0 =	spop @!p0 (v2sf)  }
0x24e: {  	s0 =	sand.u32 @!p0 $0xFFFFF80, s0  }
0x24f: {  	s3 =	simm.s32 @!p0 $0x6400;
	s0 =	sadd.s32 @!p0 s17, s0  }
0x250: {  	[tilespmem:s3], [sflag:$0x7] =	stream.strided.gather @!p0 [hbm4b:s0+s22], $0x1000, s21, s22, $0x38;
	[tilespmem:$0x10700] =	vst v63  }
0x251: {  	s0 =	spop @!p0 (v2sf)  }
0x252: {  	s0 =	sand.u32 @!p0 $0xFFFFF80, s0  }
0x253: {  	s3 =	simm.s32 @!p0 $0xE400;
	s0 =	sadd.s32 @!p0 s2, s0  }
0x254: {  	[tilespmem:s3], [sflag:$0xF] =	stream.strided.gather @!p0 [hbm4b:s0+s22], $0x1000, s21, s22, $0x38;
	[tilespmem:$0x10700] =	vst v63  }
0x255: {  	s9 =	sand.u32 $0x7F, s7;
	_ =	swait.ge [sflag:s24], $0x1000  }
0x256: {  	v43 =	vor.u32 s9, v21;
	[sflag:s24] =	ssyncset.done $0x0  }
0x257: {  	s18 =	sand.u32 $0x7F, s18;
	v44 =	vor.u32 s9, v22;
	[sflag:s24] =	ssyncadd.s32 $0xFFFFF000  }
0x258: {  	v45 =	vor.u32 s18, v21;
	_ =	swait.ge [sflag:s5], $0x1000  }
0x259: {  	v46 =	vor.u32 s18, v22;
	[sflag:s5] =	ssyncset.done $0x0  }
0x25a: {  	[sflag:s5] =	ssyncadd.s32 $0xFFFFF000  }
0x25b: {  	v32 =	vld.idx.msk [tilespmem:v43+s12+$0x0], $0xffff  }
0x25c: {  	v33 =	vld.idx.msk [tilespmem:v44+s12+$0x0], $0xffff  }
0x25d: {  	v34 =	vld.idx.msk [tilespmem:v45+s13+$0x0], $0xffff  }
0x25e: {  	v35 =	vld.idx.msk [tilespmem:v46+s13+$0x0], $0xffff;
	_ =	sdelay $0x4  }
0x25f: {  	v32 =	vmul.f32 v34, v32;
	v33 =	vmul.f32 v35, v33;
	_ =	sdelay $0x1  }
0x260: {  	v32 =	vadd.f32 v33, v32;
	_ =	sdelay $0x1  }
0x261: {  	[tilespmem:v31+s20+$0x0] =	vst.idx.msk $0xffff, v32  }
0x262: {  	v32 =	vld @!p0 [tilespmem:s4+$0x10];
	_ =	sdelay $0x3  }
0x263: {  	vm8 =	vcmask @!p0 $0x1B20;
	v33 =	vld @!p0 [tilespmem:s4+$0x210]  }
0x264: {  	v32 =	vsel @!p0 vm8, $0x0, v32  }
0x265: {  	(xrf0) =	vadd.scan.msk.s32 @!p0 $0xffff, v32;
	_ =	sdelay $0x2  }
0x266: {  	v32 =	vsel @!p0 vm8, $0x0, v33  }
0x267: {  	(xrf0) =	vadd.scan.msk.s32 @!p0 $0xffff, v32;
	_ =	sdelay $0x1  }
0x268: {  	v32, _, _ =	vpop @!p0 (xrf0)  }
0x269: {  	(v2sf) =	vpush @!p0 v32, $0xF;
	_ =	sdelay $0x2  }
0x26a: {  	v32, _, _ =	vpop @!p0 (xrf0)  }
0x26b: {  	(v2sf) =	vpush @!p0 v32, $0xF;
	_ =	sdelay $0xa  }
0x26c: {  	s0 =	spop @!p0 (v2sf)  }
0x26d: {  	s0 =	sand.u32 @!p0 $0xFFFFF80, s0  }
0x26e: {  	s3 =	simm.s32 @!p0 $0x7400;
	s0 =	sadd.s32 @!p0 s17, s0  }
0x26f: {  	[tilespmem:s3], [sflag:$0x8] =	stream.strided.gather @!p0 [hbm4b:s0+s22], $0x1000, s21, s22, $0x38;
	[tilespmem:$0x10700] =	vst v63  }
0x270: {  	s0 =	spop @!p0 (v2sf)  }
0x271: {  	s0 =	sand.u32 @!p0 $0xFFFFF80, s0  }
0x272: {  	s3 =	simm.s32 @!p0 $0xF400;
	s0 =	sadd.s32 @!p0 s2, s0  }
0x273: {  	[tilespmem:s3], [sflag:$0x10] =	stream.strided.gather @!p0 [hbm4b:s0+s22], $0x1000, s21, s22, $0x38;
	[tilespmem:$0x10700] =	vst v63  }
0x274: {  	v48 =	vld [tilespmem:$0x10600]  }
0x275: {  	v49 =	vld [tilespmem:$0x10610];
	_ =	sdelay $0x1  }
0x276: {  	v50 =	vld [tilespmem:$0x10620];
	_ =	sdelay $0x1  }
0x277: {  	v51 =	vld [tilespmem:$0x10630]  }
0x278: {  	v32 =	vadd.f32 v49, v48  }
0x279: {  	v52 =	vld [tilespmem:$0x10640]  }
0x27a: {  	v32 =	vadd.f32 v50, v32  }
0x27b: {  	v53 =	vld [tilespmem:$0x10650]  }
0x27c: {  	v32 =	vadd.f32 v51, v32  }
0x27d: {  	v54 =	vld [tilespmem:$0x10660]  }
0x27e: {  	v32 =	vadd.f32 v52, v32  }
0x27f: {  	v55 =	vld [tilespmem:$0x10670]  }
0x280: {  	v32 =	vadd.f32 v53, v32  }
0x281: {  	v56 =	vld [tilespmem:$0x10680]  }
0x282: {  	v32 =	vadd.f32 v54, v32  }
0x283: {  	v57 =	vld [tilespmem:$0x10690]  }
0x284: {  	v32 =	vadd.f32 v55, v32  }
0x285: {  	v58 =	vld [tilespmem:$0x106A0]  }
0x286: {  	v32 =	vadd.f32 v56, v32  }
0x287: {  	v59 =	vld [tilespmem:$0x106B0]  }
0x288: {  	v32 =	vadd.f32 v57, v32  }
0x289: {  	v60 =	vld [tilespmem:$0x106C0]  }
0x28a: {  	v32 =	vadd.f32 v58, v32  }
0x28b: {  	v61 =	vld [tilespmem:$0x106D0]  }
0x28c: {  	v32 =	vadd.f32 v59, v32  }
0x28d: {  	v62 =	vld [tilespmem:$0x106E0]  }
0x28e: {  	v32 =	vadd.f32 v60, v32  }
0x28f: {  	v63 =	vld [tilespmem:$0x106F0]  }
0x290: {  	s19 =	sadd.s32 $0x40, s19;
	v32 =	vadd.f32 v61, v32  }
0x291: {  	v47 =	vld [tilespmem:$0x1FFF0];
	vm8 =	vmmov vm9;
	vm9 =	vmmov vm1;
	vm1 =	vmmov vm2;
	p0 =	sne.s32 s19, $0x800  }
.Ltmp0:
0x292: {  	vm2 =	vmmov vm3;
	vm3 =	vmmov vm10;
	v32 =	vadd.f32 v62, v32;
	(pc) =	sbr.rel @p0 .LBB2_2-.Ltmp0, $4  }
0x293: {  	s31 =	simm.s32 $0x3400;
	s29 =	simm.s32 $0x9;
	vm10 =	vmmov vm4;
	vm4 =	vmmov vm5;
	vm5 =	vmmov vm6  }
0x294: {  	s28 =	simm.s32 $0x1;
	s14 =	simm.s32 $0xB400;
	s30 =	simm.s32 $0x4;
	vm6 =	vmmov vm11;
	vm11 =	vmmov vm7;
	v32 =	vadd.f32 v63, v32  }
0x295: {  	s11 =	simm.s32 $0x7A1400;
	s10 =	simm.s32 $0x9400;
	vm7 =	vmmov vm12;
	vm12 =	vmmov vm13;
	vm13 =	vmmov vm14;
	s22 =	rddreg [dreg:$0xb]  }
0x296: {  	s6 =	simm.s32 $0x1400;
	s7 =	simm.s32 $0x2400;
	s8 =	simm.s32 $0xA400;
	vm14 =	vmmov vm0;
	vm0 =	vmmov vm15;
	vm15 =	vnez.u8 v47;
	[tilespmem:s22+$0x10400] =	vst v32  }
0x297: {  	s9 =	simm.s32 $0x0;
	s0 =	rddreg [dreg:$0x8];
	s3 =	simm.s32 $0x10400  }
0x298: {  	[hbm4b:s0+s9] =	stream.linear.scatter [tilespmem:s3], [sflag:$0x11], $0x200, $0x38;
	[tilespmem:$0x10700] =	vst v63  }
0x299: {  	s3 =	simm.s32 $0x11  }
0x29a: {  	_ =	swait.ge [sflag:s3], $0x200  }
0x29b: {  	s4 =	rddreg [dreg:$0xa]  }
0x29c: {  	s26 =	rddreg [dreg:$0x9];
	s4 =	sadd.s32 $0x1, s4  }
0x29d: {  	p0 =	sne.s32 s4, s26  }
.Ltmp1:
0x29e: {  	_ = 	snop;
	(pc) =	sbr.rel @p0 .LBB2_1-.Ltmp1, $4  }
0x29f: {  	s19 =	simm.s32 $0x4400  }
0x2a0: {  	s1 =	simm.s32 $0xC400;
	s21 =	simm.s32 $0x5400;
	s22 =	simm.s32 $0xD400  }
0x2a1: {  	s23 =	simm.s32 $0x6400;
	s5 =	simm.s32 $0xE400;
	[sflag:s3] =	ssyncset.done $0x0  }
0x2a2: {  	s25 =	simm.s32 $0x7400;
	[sflag:s3] =	ssyncadd.s32 $0xFFFFFE00;
	s26 =	simm.s32 $0xF400  }
0x2a3: {  	_ =	sfence.sel $0x180000  }
0x2a4: {  	[bflag:$0x0] =	sbarrier.arrive $0xFFFF  }
0x2a5: {  	_ =	strace $0x90000047  }
0x2a6: {  	s0 =	stileid.u32;
	[bflag:$0x2] =	sbarrier.arrive $0xFFFF  }
0x2a7: {  	p0 =	sne.s32 s0, $0x0;
	s0 =	rddreg [dreg:$0x5]  }
0x2a8: {  	s0 =	sadd.s32 @!p0 $0x100000, s0  }
0x2a9: {  	[sflag:s0] =	ssyncadd.tile.s32 @!p0 $0x1;
	_ =	shalt  }
.Lfunc_end2:
_tile_overlayer_lowered:
.L_overlay_start_2:
0x2aa: {  	(tag) =	ssettag $0x2  }
0x2ab: {  	s0 =	rddreg [dreg:$0x0];
	s2 =	stileid.u32  }
0x2ac: {  	s1 =	rddreg [dreg:$0x1];
	p0 =	sne.s32 s2, $0x0  }
0x2ad: {  	s3 =	rddreg [dreg:$0x2];
	[bflag:$0x3] =	sbarrier.arrive $0xFFFF;
	s2 =	simm.s32 @!p0 $0x1C11  }
0x2ae: {  	[timem:s3], [sflag:s2] =	dma.local @!p0 [hbm:s0], s1  }
0x2af: {  	s0 =	simm.s32 @!p0 $0x11  }
0x2b0: {  	_ =	swait.ge @!p0 [sflag:s0], s1  }
0x2b1: {  	s1 =	ssub.s32 @!p0 $0x0, s1;
	[sflag:s0] =	ssyncset.done @!p0 $0x0  }
0x2b2: {  	[sflag:s0] =	ssyncadd.s32 @!p0 s1  }
0x2b3: {  	[bflag:$0x3] =	sbarrier.arrive $0xFFFF  }
0x2b4: {  	_ =	shalt  }

</sc_bundles>
